<compile_context>
chip_gen: v7x
topology: tpu7x:2x2x1
jax: 0.10.2.dev20260603
libtpu: 0.0.44.dev20260713+nightly
codegen_flags: <defaults>
</compile_context>

<pallas_src>
import functools

import jax
import jax.numpy as jnp
from jax import lax
from jax.experimental import pallas as pl
from jax.experimental.pallas import tpu as pltpu
from jax.experimental.pallas import tpu_sc as plsc

N_OBJ = 10000
N_REL = 160000
HID = 128

NC = 2
NS = 16
NW = NC * NS
EPW = N_REL // NW
CH = 125
NCH = EPW // CH
RPT = N_OBJ // NS
DEGW = 16

_sc_mesh = plsc.VectorSubcoreMesh(core_axis_name="c", subcore_axis_name="s")
_SC_PARAMS = pltpu.CompilerParams(use_tc_tiling_on_sc=False)


def _ew_add_relu(dst_ref, a_ref, b_ref):
    @functools.partial(plsc.parallel_loop, 0, CH, unroll=8)
    def _(r):
        for c in range(HID // 16):
            sl = pl.ds(c * 16, 16)
            dst_ref[r, sl] = jnp.maximum(a_ref[r, sl] + b_ref[r, sl], 0.0)


@functools.partial(
    pl.kernel,
    out_type=jax.ShapeDtypeStruct((N_REL, HID), jnp.float32),
    mesh=_sc_mesh,
    scratch_types=[
        pltpu.VMEM((NCH, CH), jnp.int32),
        pltpu.VMEM((NCH, CH), jnp.int32),
        pltpu.VMEM((CH, HID), jnp.float32),
        pltpu.VMEM((CH, HID), jnp.float32),
        pltpu.VMEM((CH, HID), jnp.float32),
        pltpu.VMEM((CH, HID), jnp.float32),
        pltpu.VMEM((CH, HID), jnp.float32),
        pltpu.VMEM((CH, HID), jnp.float32),
        pltpu.SemaphoreType.DMA,
        pltpu.SemaphoreType.DMA,
        pltpu.SemaphoreType.DMA,
        pltpu.SemaphoreType.DMA,
        pltpu.SemaphoreType.DMA,
        pltpu.SemaphoreType.DMA,
    ],
    compiler_params=_SC_PARAMS,
)
def _sc_gather(p_hbm, src_hbm, dst_hbm, g_hbm, idxs_v, idxd_v,
               ga0, gb0, out0, ga1, gb1, out1,
               gsa0, gsb0, gsa1, gsb1, wsem0, wsem1):
    wid = lax.axis_index("s") * NC + lax.axis_index("c")
    pltpu.sync_copy(src_hbm.at[pl.ds(wid * NCH, NCH)], idxs_v)
    pltpu.sync_copy(dst_hbm.at[pl.ds(wid * NCH, NCH)], idxd_v)

    def gathers(j, ga, gb, gsa, gsb):
        pltpu.async_copy(p_hbm.at[idxs_v.at[j]], ga, gsa)
        pltpu.async_copy(p_hbm.at[idxd_v.at[j]], gb, gsb)

    def waitg(ga, gb, gsa, gsb):
        pltpu.make_async_copy(p_hbm.at[pl.ds(0, CH)], ga, gsa).wait()
        pltpu.make_async_copy(p_hbm.at[pl.ds(0, CH)], gb, gsb).wait()

    gathers(0, ga0, gb0, gsa0, gsb0)

    def chunk2(jj, carry):
        j0 = 2 * jj
        gathers(j0 + 1, ga1, gb1, gsa1, gsb1)
        waitg(ga0, gb0, gsa0, gsb0)

        @pl.when(jj >= 1)
        def _():
            pltpu.make_async_copy(out0, g_hbm.at[pl.ds(0, CH)], wsem0).wait()

        _ew_add_relu(out0, ga0, gb0)
        pltpu.async_copy(out0, g_hbm.at[pl.ds(wid * EPW + j0 * CH, CH)],
                         wsem0)

        @pl.when(jj + 1 < NCH // 2)
        def _():
            gathers(j0 + 2, ga0, gb0, gsa0, gsb0)

        waitg(ga1, gb1, gsa1, gsb1)

        @pl.when(jj >= 1)
        def _():
            pltpu.make_async_copy(out1, g_hbm.at[pl.ds(0, CH)], wsem1).wait()

        _ew_add_relu(out1, ga1, gb1)
        pltpu.async_copy(out1, g_hbm.at[pl.ds(wid * EPW + (j0 + 1) * CH, CH)],
                         wsem1)
        return carry

    lax.fori_loop(0, NCH // 2, chunk2, 0)
    pltpu.make_async_copy(out0, g_hbm.at[pl.ds(0, CH)], wsem0).wait()
    pltpu.make_async_copy(out1, g_hbm.at[pl.ds(0, CH)], wsem1).wait()


def _make_sc_scatter(with_deg):
    out_type = [jax.ShapeDtypeStruct((NC, N_OBJ, HID), jnp.float32)]
    scratch = [
        pltpu.VMEM((2, CH), jnp.int32),
        pltpu.VMEM((2, CH), jnp.int32),
        pltpu.VMEM((CH, HID), jnp.float32),
        pltpu.VMEM((CH, HID), jnp.float32),
        pltpu.VMEM((CH, DEGW), jnp.float32),
        pltpu.VMEM_SHARED((N_OBJ, HID), jnp.float32),
        pltpu.VMEM_SHARED((N_OBJ, DEGW), jnp.float32),
        pltpu.SemaphoreType.DMA,
        pltpu.SemaphoreType.DMA,
        pltpu.SemaphoreType.DMA,
        pltpu.SemaphoreType.DMA,
    ]
    if with_deg:
        out_type.append(jax.ShapeDtypeStruct((NC, N_OBJ, DEGW), jnp.float32))

    @functools.partial(pl.kernel, out_type=tuple(out_type), mesh=_sc_mesh,
                       scratch_types=scratch, compiler_params=_SC_PARAMS)
    def scatter(msg_hbm, src_hbm, dst_hbm, z128_hbm, z16_hbm, ones16_hbm,
                pout_hbm, *rest):
        if with_deg:
            dout_hbm = rest[0]
            rest = rest[1:]
        (idx0_v, idx1_v, row0_v, row1_v, s16_v, acc_sh, deg_sh,
         lsem0, lsem1, ssem0, ssem1) = rest
        cid = lax.axis_index("c")
        sid = lax.axis_index("s")
        wid = sid * NC + cid

        pltpu.sync_copy(z128_hbm, row0_v)
        if with_deg:
            pltpu.sync_copy(z16_hbm, s16_v)
        for q in range(RPT // CH):
            r0 = sid * RPT + q * CH
            pltpu.sync_copy(row0_v, acc_sh.at[pl.ds(r0, CH)])
            if with_deg:
                pltpu.sync_copy(s16_v, deg_sh.at[pl.ds(r0, CH)])
        plsc.subcore_barrier()

        if with_deg:
            pltpu.sync_copy(ones16_hbm, s16_v)

        def load(j, rbuf, ibuf, sem):
            pltpu.async_copy(msg_hbm.at[pl.ds(wid * EPW + j * CH, CH)],
                             rbuf, sem)
            pltpu.async_copy(src_hbm.at[pl.ds(wid * NCH + j, 1)],
                             ibuf.at[0:1], sem)
            pltpu.async_copy(dst_hbm.at[pl.ds(wid * NCH + j, 1)],
                             ibuf.at[1:2], sem)

        def wait(rbuf, ibuf, sem):
            pltpu.make_async_copy(msg_hbm.at[pl.ds(0, CH)], rbuf, sem).wait()
            pltpu.make_async_copy(src_hbm.at[pl.ds(0, 1)], ibuf.at[0:1],
                                  sem).wait()
            pltpu.make_async_copy(src_hbm.at[pl.ds(0, 1)], ibuf.at[1:2],
                                  sem).wait()

        def scat(rbuf, ibuf, sem):
            pltpu.async_copy(rbuf, acc_sh.at[ibuf.at[0]], sem, add=True)
            pltpu.async_copy(rbuf, acc_sh.at[ibuf.at[1]], sem, add=True)
            if with_deg:
                pltpu.async_copy(s16_v, deg_sh.at[ibuf.at[0]], sem,
                                 add=True)
                pltpu.async_copy(s16_v, deg_sh.at[ibuf.at[1]], sem,
                                 add=True)

        def wait_scat(rbuf, sem):
            pltpu.make_async_copy(rbuf, acc_sh.at[pl.ds(0, CH)], sem).wait()
            pltpu.make_async_copy(rbuf, acc_sh.at[pl.ds(0, CH)], sem).wait()
            if with_deg:
                pltpu.make_async_copy(s16_v, deg_sh.at[pl.ds(0, CH)],
                                      sem).wait()
                pltpu.make_async_copy(s16_v, deg_sh.at[pl.ds(0, CH)],
                                      sem).wait()

        load(0, row0_v, idx0_v, lsem0)

        def chunk2(jj, carry):
            j = 2 * jj

            @pl.when(jj >= 1)
            def _():
                wait_scat(row1_v, ssem1)

            load(j + 1, row1_v, idx1_v, lsem1)
            wait(row0_v, idx0_v, lsem0)
            scat(row0_v, idx0_v, ssem0)

            wait(row1_v, idx1_v, lsem1)
            wait_scat(row0_v, ssem0)

            @pl.when(j + 2 < NCH)
            def _():
                load(j + 2, row0_v, idx0_v, lsem0)

            scat(row1_v, idx1_v, ssem1)
            return carry

        lax.fori_loop(0, NCH // 2, chunk2, 0)
        wait_scat(row1_v, ssem1)
        plsc.subcore_barrier()

        for q in range(RPT // CH):
            r0 = sid * RPT + q * CH
            pltpu.sync_copy(acc_sh.at[pl.ds(r0, CH)], row0_v)
            pltpu.sync_copy(row0_v, pout_hbm.at[cid].at[pl.ds(r0, CH)])
            if with_deg:
                pltpu.sync_copy(deg_sh.at[pl.ds(r0, CH)], s16_v)
                pltpu.sync_copy(s16_v, dout_hbm.at[cid].at[pl.ds(r0, CH)])

    return scatter


_sc_scatter_deg = _make_sc_scatter(True)
_sc_scatter_nodeg = _make_sc_scatter(False)


_OBJ_BLK = 1000
_REL_BLK = 3200


def _mm(a, b):
    return jax.lax.dot_general(a, b, (((1,), (0,)), ((), ())),
                               preferred_element_type=jnp.float32)


def _prologue_body(roi_ref, wod_ref, wn2e_ref, objh_ref, p_ref):
    h = jnp.maximum(_mm(roi_ref[...], wod_ref[...]), 0.0)
    objh_ref[...] = h
    p_ref[...] = _mm(h, wn2e_ref[...])


def _edge0_body(u_ref, wrd_ref, g_ref, we2n_ref, relh_ref, msg_ref):
    t = jnp.maximum(_mm(u_ref[...], wrd_ref[...]), 0.0) + g_ref[...]
    relh_ref[...] = t
    msg_ref[...] = jnp.maximum(_mm(t, we2n_ref[...]), 0.0)


def _edge1_body(relh_ref, g_ref, we2n_ref, wcls_ref, b_ref,
                msg_ref, logit_ref):
    t = relh_ref[...] + g_ref[...]
    msg_ref[...] = jnp.maximum(_mm(t, we2n_ref[...]), 0.0)
    logit_ref[...] = _mm(t, wcls_ref[...]) + b_ref[...]


def _node_update(obj_ref, p_ref, dg_ref):
    agg = p_ref[0] + p_ref[1]
    deg = jnp.maximum(dg_ref[0][:, 0:1] + dg_ref[1][:, 0:1], 1.0)
    return obj_ref[...] + agg / deg


def _node0_body(obj_ref, p_ref, dg_ref, wn2e_ref, objo_ref, po_ref):
    o = _node_update(obj_ref, p_ref, dg_ref)
    objo_ref[...] = o
    po_ref[...] = _mm(o, wn2e_ref[...])


def _node1_body(obj_ref, p_ref, dg_ref, wcls_ref, b_ref, logit_ref):
    o = _node_update(obj_ref, p_ref, dg_ref)
    logit_ref[...] = _mm(o, wcls_ref[...]) + b_ref[...]


def _row_spec(blk, width):
    return pl.BlockSpec((blk, width), lambda i: (i, 0))


def _full_spec(shape):
    ndim = len(shape)
    return pl.BlockSpec(shape, lambda i: (0,) * ndim)


def _part_spec(blk, width):
    return pl.BlockSpec((NC, blk, width), lambda i: (0, i, 0))


_TC_PARAMS = pltpu.CompilerParams(dimension_semantics=("parallel",))


def _tc_prologue(roi, wod, wn2e):
    return pl.pallas_call(
        _prologue_body,
        grid=(N_OBJ // _OBJ_BLK,),
        in_specs=[_row_spec(_OBJ_BLK, HID), _full_spec(wod.shape),
                  _full_spec(wn2e.shape)],
        out_specs=(_row_spec(_OBJ_BLK, HID), _row_spec(_OBJ_BLK, HID)),
        out_shape=(jax.ShapeDtypeStruct((N_OBJ, HID), jnp.float32),
                   jax.ShapeDtypeStruct((N_OBJ, HID), jnp.float32)),
        compiler_params=_TC_PARAMS,
    )(roi, wod, wn2e)


def _tc_edge0(union, wrd, g, we2n):
    return pl.pallas_call(
        _edge0_body,
        grid=(N_REL // _REL_BLK,),
        in_specs=[_row_spec(_REL_BLK, HID), _full_spec(wrd.shape),
                  _row_spec(_REL_BLK, HID), _full_spec(we2n.shape)],
        out_specs=(_row_spec(_REL_BLK, HID), _row_spec(_REL_BLK, HID)),
        out_shape=(jax.ShapeDtypeStruct((N_REL, HID), jnp.float32),
                   jax.ShapeDtypeStruct((N_REL, HID), jnp.float32)),
        compiler_params=_TC_PARAMS,
    )(union, wrd, g, we2n)


def _tc_edge1(relh, g, we2n, wcls, b):
    ncls = wcls.shape[1]
    return pl.pallas_call(
        _edge1_body,
        grid=(N_REL // _REL_BLK,),
        in_specs=[_row_spec(_REL_BLK, HID), _row_spec(_REL_BLK, HID),
                  _full_spec(we2n.shape), _full_spec(wcls.shape),
                  _full_spec(b.shape)],
        out_specs=(_row_spec(_REL_BLK, HID), _row_spec(_REL_BLK, ncls)),
        out_shape=(jax.ShapeDtypeStruct((N_REL, HID), jnp.float32),
                   jax.ShapeDtypeStruct((N_REL, ncls), jnp.float32)),
        compiler_params=_TC_PARAMS,
    )(relh, g, we2n, wcls, b)


def _tc_node0(obj_h, parts, degp, wn2e):
    return pl.pallas_call(
        _node0_body,
        grid=(N_OBJ // _OBJ_BLK,),
        in_specs=[_row_spec(_OBJ_BLK, HID), _part_spec(_OBJ_BLK, HID),
                  _part_spec(_OBJ_BLK, DEGW), _full_spec(wn2e.shape)],
        out_specs=(_row_spec(_OBJ_BLK, HID), _row_spec(_OBJ_BLK, HID)),
        out_shape=(jax.ShapeDtypeStruct((N_OBJ, HID), jnp.float32),
                   jax.ShapeDtypeStruct((N_OBJ, HID), jnp.float32)),
        compiler_params=_TC_PARAMS,
    )(obj_h, parts, degp, wn2e)


def _tc_node1(obj_h, parts, degp, wcls, b):
    ncls = wcls.shape[1]
    return pl.pallas_call(
        _node1_body,
        grid=(N_OBJ // _OBJ_BLK,),
        in_specs=[_row_spec(_OBJ_BLK, HID), _part_spec(_OBJ_BLK, HID),
                  _part_spec(_OBJ_BLK, DEGW), _full_spec(wcls.shape),
                  _full_spec(b.shape)],
        out_specs=_row_spec(_OBJ_BLK, ncls),
        out_shape=jax.ShapeDtypeStruct((N_OBJ, ncls), jnp.float32),
        compiler_params=_TC_PARAMS,
    )(obj_h, parts, degp, wcls, b)


def kernel(roi_features, union_features, rel_pair_idxs, W_obj_down,
           W_rel_down, W_n2e, W_e2n, W_obj_cls, b_obj_cls, W_rel_cls,
           b_rel_cls):
    src = rel_pair_idxs[:, 0].astype(jnp.int32).reshape(NW * NCH, CH)
    dst = rel_pair_idxs[:, 1].astype(jnp.int32).reshape(NW * NCH, CH)
    z128 = jnp.zeros((CH, HID), jnp.float32)
    z16 = jnp.zeros((CH, DEGW), jnp.float32)
    ones16 = jnp.ones((CH, DEGW), jnp.float32)
    b_obj = b_obj_cls.reshape(1, -1)
    b_rel = b_rel_cls.reshape(1, -1)

    obj_h, p = _tc_prologue(roi_features, W_obj_down, W_n2e)

    g = _sc_gather(p, src, dst)
    rel_h, msg = _tc_edge0(union_features, W_rel_down, g, W_e2n)
    parts, degp = _sc_scatter_deg(msg, src, dst, z128, z16, ones16)
    obj_h, p = _tc_node0(obj_h, parts, degp, W_n2e)

    g = _sc_gather(p, src, dst)
    msg, rel_logits = _tc_edge1(rel_h, g, W_e2n, W_rel_cls, b_rel)
    (parts,) = _sc_scatter_nodeg(msg, src, dst, z128, z16, ones16)
    obj_logits = _tc_node1(obj_h, parts, degp, W_obj_cls, b_obj)

    return (obj_logits, rel_logits)

# --- scband reference (transcript-rebuilt; emitter-appended) ---
"""Pipeline reference for scband-bgnnpredictor-68040871903602 (READ-ONLY COPY).

The authoritative reference and input builder live on the scoring server;
editing this copy changes nothing except your own understanding.
"""

import jax, jax.numpy as jnp
import numpy as np

N_OBJ = 10000
N_REL = 160000
IN_CH = 128
HID = 128
NUM_OBJ_CLS = 151
NUM_REL_CLS = 51
NUM_ITER = 2


def setup_inputs(seed: int = 0) -> dict:
    key = jax.random.key(seed)
    ks = jax.random.split(key, 12)
    s = 0.02
    inp = {
        "roi_features": jax.random.normal(ks[0], (N_OBJ, IN_CH), dtype=jnp.float32),
        "union_features": jax.random.normal(ks[1], (N_REL, IN_CH), dtype=jnp.float32),
        "rel_pair_idxs": jax.random.randint(ks[2], (N_REL, 2), 0, N_OBJ, dtype=jnp.int64 if jax.config.jax_enable_x64 else jnp.int32),
        "W_obj_down": jax.random.normal(ks[3], (IN_CH, HID), dtype=jnp.float32) * s,
        "W_rel_down": jax.random.normal(ks[4], (IN_CH, HID), dtype=jnp.float32) * s,
        "W_n2e": jax.random.normal(ks[5], (HID, HID), dtype=jnp.float32) * s,
        "W_e2n": jax.random.normal(ks[6], (HID, HID), dtype=jnp.float32) * s,
        "W_obj_cls": jax.random.normal(ks[7], (HID, NUM_OBJ_CLS), dtype=jnp.float32) * s,
        "b_obj_cls": jnp.zeros((NUM_OBJ_CLS,), dtype=jnp.float32),
        "W_rel_cls": jax.random.normal(ks[8], (HID, NUM_REL_CLS), dtype=jnp.float32) * s,
        "b_rel_cls": jnp.zeros((NUM_REL_CLS,), dtype=jnp.float32),
    }
    return inp


def reference(roi_features, union_features, rel_pair_idxs, W_obj_down, W_rel_down, W_n2e, W_e2n, W_obj_cls, b_obj_cls, W_rel_cls, b_rel_cls):
    # BGNNContext: down-project instance (node) and union (edge) features
    obj_h = jax.nn.relu(roi_features @ W_obj_down)
    rel_h = jax.nn.relu(union_features @ W_rel_down)
    src = rel_pair_idxs[:, 0]
    dst = rel_pair_idxs[:, 1]
    deg = jnp.zeros((N_OBJ,), dtype=jnp.float32).at[src].add(1.0).at[dst].add(1.0)
    deg = jnp.maximum(deg, 1.0)
    # bipartite GNN iterations: node->edge gather-message, edge->node scatter-add
    for _ in range(NUM_ITER):
        sub = jnp.take(obj_h, src, axis=0)
        ob = jnp.take(obj_h, dst, axis=0)
        msg_e = jax.nn.relu((sub + ob) @ W_n2e)
        rel_h = rel_h + msg_e
        msg_n = jax.nn.relu(rel_h @ W_e2n)
        agg = jnp.zeros((N_OBJ, HID), dtype=jnp.float32).at[src].add(msg_n).at[dst].add(msg_n)
        obj_h = obj_h + agg / deg[:, None]
    # classifiers (obj_classifier / rel_classifier)
    obj_pred_logits = obj_h @ W_obj_cls + b_obj_cls
    rel_cls_logits = rel_h @ W_rel_cls + b_rel_cls
    return (obj_pred_logits, rel_cls_logits)

if __name__ == "__main__":
    import jax
    _d = setup_inputs()
    print(jax.jit(kernel)(*tuple(_d.values())))

</pallas_src>

<mosaic_0001>
#map = affine_map<(d0, d1) -> (0, 0)>
#map1 = affine_map<(d0, d1) -> (0, 0, 0)>
module attributes {stable_mosaic.version = 14 : i64} {
  func.func @scatter(%arg0: i32, %arg1: i32, %arg2: memref<160000x128xf32, #tpu.memory_space<hbm>>, %arg3: memref<1280x125xi32, #tpu.memory_space<hbm>>, %arg4: memref<1280x125xi32, #tpu.memory_space<hbm>>, %arg5: memref<125x128xf32, #tpu.memory_space<hbm>>, %arg6: memref<125x16xf32, #tpu.memory_space<hbm>>, %arg7: memref<125x16xf32, #tpu.memory_space<hbm>>, %arg8: memref<2x10000x128xf32, #tpu.memory_space<hbm>>, %arg9: memref<2x10000x16xf32, #tpu.memory_space<hbm>>, %arg10: memref<2x125xi32, #tpu.memory_space<vmem>>, %arg11: memref<2x125xi32, #tpu.memory_space<vmem>>, %arg12: memref<125x128xf32, #tpu.memory_space<vmem>>, %arg13: memref<125x128xf32, #tpu.memory_space<vmem>>, %arg14: memref<125x16xf32, #tpu.memory_space<vmem>>, %arg15: memref<10000x128xf32, #tpu.memory_space<vmem_shared>>, %arg16: memref<10000x16xf32, #tpu.memory_space<vmem_shared>>, %arg17: memref<!tpu.dma_semaphore, #tpu.memory_space<semaphore_mem>>, %arg18: memref<!tpu.dma_semaphore, #tpu.memory_space<semaphore_mem>>, %arg19: memref<!tpu.dma_semaphore, #tpu.memory_space<semaphore_mem>>, %arg20: memref<!tpu.dma_semaphore, #tpu.memory_space<semaphore_mem>>) attributes {dimension_semantics = [#tpu.dimension_semantics<core_parallel>, #tpu.dimension_semantics<subcore_parallel>], iteration_bounds = array<i64: 2, 16>, scalar_prefetch = 0 : i64, scratch_operands = 11 : i64, tpu.core_type = #tpu.core_type<sc_vector_subcore>, window_params = [{transform_indices = #map}, {transform_indices = #map}, {transform_indices = #map}, {transform_indices = #map}, {transform_indices = #map}, {transform_indices = #map}, {transform_indices = #map1}, {transform_indices = #map1}]} {
    %mul3A = arith.constant 2 : i32
    %mul3A_0 = arith.muli %arg1, %mul3A : i32
    %add3A = arith.addi %mul3A_0, %arg0 : i32
    "tpu.region"() ({
      %run_scoped3A = tpu.sem_alloc : memref<!tpu.dma_semaphore, #tpu.memory_space<semaphore_mem>>
      tpu.enqueue_dma source(%arg5 : memref<125x128xf32, #tpu.memory_space<hbm>>) target(%arg12 : memref<125x128xf32, #tpu.memory_space<vmem>>) target_semaphore(%run_scoped3A : memref<!tpu.dma_semaphore, #tpu.memory_space<semaphore_mem>>)
      tpu.wait_dma2 semaphore(%run_scoped3A : memref<!tpu.dma_semaphore, #tpu.memory_space<semaphore_mem>>) src(%arg5 : memref<125x128xf32, #tpu.memory_space<hbm>>) dst(%arg12 : memref<125x128xf32, #tpu.memory_space<vmem>>)
      tpu.yield
    }) : () -> ()
    "tpu.region"() ({
      %run_scoped3A = tpu.sem_alloc : memref<!tpu.dma_semaphore, #tpu.memory_space<semaphore_mem>>
      tpu.enqueue_dma source(%arg6 : memref<125x16xf32, #tpu.memory_space<hbm>>) target(%arg14 : memref<125x16xf32, #tpu.memory_space<vmem>>) target_semaphore(%run_scoped3A : memref<!tpu.dma_semaphore, #tpu.memory_space<semaphore_mem>>)
      tpu.wait_dma2 semaphore(%run_scoped3A : memref<!tpu.dma_semaphore, #tpu.memory_space<semaphore_mem>>) src(%arg6 : memref<125x16xf32, #tpu.memory_space<hbm>>) dst(%arg14 : memref<125x16xf32, #tpu.memory_space<vmem>>)
      tpu.yield
    }) : () -> ()
    %mul3A_1 = arith.constant 625 : i32
    %mul3A_2 = arith.muli %arg1, %mul3A_1 : i32
    %add3A_3 = arith.constant 0 : i32
    %add3A_4 = arith.addi %mul3A_2, %add3A_3 : i32
    "tpu.region"() ({
      %run_scoped3A = tpu.sem_alloc : memref<!tpu.dma_semaphore, #tpu.memory_space<semaphore_mem>>
      %dma_start3A_105 = arith.constant 0 : i32
      %dma_start3A_106 = tpu.memref_slice %arg15[%add3A_4, %dma_start3A_105] : memref<10000x128xf32, #tpu.memory_space<vmem_shared>> -> memref<125x128xf32, #tpu.memory_space<vmem_shared>>
      %dma_start3A_107 = arith.constant 0 : i32
      %dma_start3A_108 = tpu.memref_slice %arg15[%add3A_4, %dma_start3A_107] : memref<10000x128xf32, #tpu.memory_space<vmem_shared>> -> memref<125x128xf32, #tpu.memory_space<vmem_shared>>
      tpu.enqueue_dma source(%arg12 : memref<125x128xf32, #tpu.memory_space<vmem>>) target(%dma_start3A_108 : memref<125x128xf32, #tpu.memory_space<vmem_shared>>) target_semaphore(%run_scoped3A : memref<!tpu.dma_semaphore, #tpu.memory_space<semaphore_mem>>)
      %dma_wait3A_109 = arith.constant 0 : i32
      %dma_wait3A_110 = tpu.memref_slice %arg15[%add3A_4, %dma_wait3A_109] : memref<10000x128xf32, #tpu.memory_space<vmem_shared>> -> memref<125x128xf32, #tpu.memory_space<vmem_shared>>
      %dma_wait3A_111 = arith.constant 0 : i32
      %dma_wait3A_112 = tpu.memref_slice %arg15[%add3A_4, %dma_wait3A_111] : memref<10000x128xf32, #tpu.memory_space<vmem_shared>> -> memref<125x128xf32, #tpu.memory_space<vmem_shared>>
      tpu.wait_dma2 semaphore(%run_scoped3A : memref<!tpu.dma_semaphore, #tpu.memory_space<semaphore_mem>>) src(%arg12 : memref<125x128xf32, #tpu.memory_space<vmem>>) dst(%dma_wait3A_112 : memref<125x128xf32, #tpu.memory_space<vmem_shared>>)
      tpu.yield
    }) : () -> ()
    "tpu.region"() ({
      %run_scoped3A = tpu.sem_alloc : memref<!tpu.dma_semaphore, #tpu.memory_space<semaphore_mem>>
      %dma_start3A_105 = arith.constant 0 : i32
      %dma_start3A_106 = tpu.memref_slice %arg16[%add3A_4, %dma_start3A_105] : memref<10000x16xf32, #tpu.memory_space<vmem_shared>> -> memref<125x16xf32, #tpu.memory_space<vmem_shared>>
      %dma_start3A_107 = arith.constant 0 : i32
      %dma_start3A_108 = tpu.memref_slice %arg16[%add3A_4, %dma_start3A_107] : memref<10000x16xf32, #tpu.memory_space<vmem_shared>> -> memref<125x16xf32, #tpu.memory_space<vmem_shared>>
      tpu.enqueue_dma source(%arg14 : memref<125x16xf32, #tpu.memory_space<vmem>>) target(%dma_start3A_108 : memref<125x16xf32, #tpu.memory_space<vmem_shared>>) target_semaphore(%run_scoped3A : memref<!tpu.dma_semaphore, #tpu.memory_space<semaphore_mem>>)
      %dma_wait3A_109 = arith.constant 0 : i32
      %dma_wait3A_110 = tpu.memref_slice %arg16[%add3A_4, %dma_wait3A_109] : memref<10000x16xf32, #tpu.memory_space<vmem_shared>> -> memref<125x16xf32, #tpu.memory_space<vmem_shared>>
      %dma_wait3A_111 = arith.constant 0 : i32
      %dma_wait3A_112 = tpu.memref_slice %arg16[%add3A_4, %dma_wait3A_111] : memref<10000x16xf32, #tpu.memory_space<vmem_shared>> -> memref<125x16xf32, #tpu.memory_space<vmem_shared>>
      tpu.wait_dma2 semaphore(%run_scoped3A : memref<!tpu.dma_semaphore, #tpu.memory_space<semaphore_mem>>) src(%arg14 : memref<125x16xf32, #tpu.memory_space<vmem>>) dst(%dma_wait3A_112 : memref<125x16xf32, #tpu.memory_space<vmem_shared>>)
      tpu.yield
    }) : () -> ()
    %mul3A_5 = arith.constant 625 : i32
    %mul3A_6 = arith.muli %arg1, %mul3A_5 : i32
    %add3A_7 = arith.constant 125 : i32
    %add3A_8 = arith.addi %mul3A_6, %add3A_7 : i32
    "tpu.region"() ({
      %run_scoped3A = tpu.sem_alloc : memref<!tpu.dma_semaphore, #tpu.memory_space<semaphore_mem>>
      %dma_start3A_105 = arith.constant 0 : i32
      %dma_start3A_106 = tpu.memref_slice %arg15[%add3A_8, %dma_start3A_105] : memref<10000x128xf32, #tpu.memory_space<vmem_shared>> -> memref<125x128xf32, #tpu.memory_space<vmem_shared>>
      %dma_start3A_107 = arith.constant 0 : i32
      %dma_start3A_108 = tpu.memref_slice %arg15[%add3A_8, %dma_start3A_107] : memref<10000x128xf32, #tpu.memory_space<vmem_shared>> -> memref<125x128xf32, #tpu.memory_space<vmem_shared>>
      tpu.enqueue_dma source(%arg12 : memref<125x128xf32, #tpu.memory_space<vmem>>) target(%dma_start3A_108 : memref<125x128xf32, #tpu.memory_space<vmem_shared>>) target_semaphore(%run_scoped3A : memref<!tpu.dma_semaphore, #tpu.memory_space<semaphore_mem>>)
      %dma_wait3A_109 = arith.constant 0 : i32
      %dma_wait3A_110 = tpu.memref_slice %arg15[%add3A_8, %dma_wait3A_109] : memref<10000x128xf32, #tpu.memory_space<vmem_shared>> -> memref<125x128xf32, #tpu.memory_space<vmem_shared>>
      %dma_wait3A_111 = arith.constant 0 : i32
      %dma_wait3A_112 = tpu.memref_slice %arg15[%add3A_8, %dma_wait3A_111] : memref<10000x128xf32, #tpu.memory_space<vmem_shared>> -> memref<125x128xf32, #tpu.memory_space<vmem_shared>>
      tpu.wait_dma2 semaphore(%run_scoped3A : memref<!tpu.dma_semaphore, #tpu.memory_space<semaphore_mem>>) src(%arg12 : memref<125x128xf32, #tpu.memory_space<vmem>>) dst(%dma_wait3A_112 : memref<125x128xf32, #tpu.memory_space<vmem_shared>>)
      tpu.yield
    }) : () -> ()
    "tpu.region"() ({
      %run_scoped3A = tpu.sem_alloc : memref<!tpu.dma_semaphore, #tpu.memory_space<semaphore_mem>>
      %dma_start3A_105 = arith.constant 0 : i32
      %dma_start3A_106 = tpu.memref_slice %arg16[%add3A_8, %dma_start3A_105] : memref<10000x16xf32, #tpu.memory_space<vmem_shared>> -> memref<125x16xf32, #tpu.memory_space<vmem_shared>>
      %dma_start3A_107 = arith.constant 0 : i32
      %dma_start3A_108 = tpu.memref_slice %arg16[%add3A_8, %dma_start3A_107] : memref<10000x16xf32, #tpu.memory_space<vmem_shared>> -> memref<125x16xf32, #tpu.memory_space<vmem_shared>>
      tpu.enqueue_dma source(%arg14 : memref<125x16xf32, #tpu.memory_space<vmem>>) target(%dma_start3A_108 : memref<125x16xf32, #tpu.memory_space<vmem_shared>>) target_semaphore(%run_scoped3A : memref<!tpu.dma_semaphore, #tpu.memory_space<semaphore_mem>>)
      %dma_wait3A_109 = arith.constant 0 : i32
      %dma_wait3A_110 = tpu.memref_slice %arg16[%add3A_8, %dma_wait3A_109] : memref<10000x16xf32, #tpu.memory_space<vmem_shared>> -> memref<125x16xf32, #tpu.memory_space<vmem_shared>>
      %dma_wait3A_111 = arith.constant 0 : i32
      %dma_wait3A_112 = tpu.memref_slice %arg16[%add3A_8, %dma_wait3A_111] : memref<10000x16xf32, #tpu.memory_space<vmem_shared>> -> memref<125x16xf32, #tpu.memory_space<vmem_shared>>
      tpu.wait_dma2 semaphore(%run_scoped3A : memref<!tpu.dma_semaphore, #tpu.memory_space<semaphore_mem>>) src(%arg14 : memref<125x16xf32, #tpu.memory_space<vmem>>) dst(%dma_wait3A_112 : memref<125x16xf32, #tpu.memory_space<vmem_shared>>)
      tpu.yield
    }) : () -> ()
    %mul3A_9 = arith.constant 625 : i32
    %mul3A_10 = arith.muli %arg1, %mul3A_9 : i32
    %add3A_11 = arith.constant 250 : i32
    %add3A_12 = arith.addi %mul3A_10, %add3A_11 : i32
    "tpu.region"() ({
      %run_scoped3A = tpu.sem_alloc : memref<!tpu.dma_semaphore, #tpu.memory_space<semaphore_mem>>
      %dma_start3A_105 = arith.constant 0 : i32
      %dma_start3A_106 = tpu.memref_slice %arg15[%add3A_12, %dma_start3A_105] : memref<10000x128xf32, #tpu.memory_space<vmem_shared>> -> memref<125x128xf32, #tpu.memory_space<vmem_shared>>
      %dma_start3A_107 = arith.constant 0 : i32
      %dma_start3A_108 = tpu.memref_slice %arg15[%add3A_12, %dma_start3A_107] : memref<10000x128xf32, #tpu.memory_space<vmem_shared>> -> memref<125x128xf32, #tpu.memory_space<vmem_shared>>
      tpu.enqueue_dma source(%arg12 : memref<125x128xf32, #tpu.memory_space<vmem>>) target(%dma_start3A_108 : memref<125x128xf32, #tpu.memory_space<vmem_shared>>) target_semaphore(%run_scoped3A : memref<!tpu.dma_semaphore, #tpu.memory_space<semaphore_mem>>)
      %dma_wait3A_109 = arith.constant 0 : i32
      %dma_wait3A_110 = tpu.memref_slice %arg15[%add3A_12, %dma_wait3A_109] : memref<10000x128xf32, #tpu.memory_space<vmem_shared>> -> memref<125x128xf32, #tpu.memory_space<vmem_shared>>
      %dma_wait3A_111 = arith.constant 0 : i32
      %dma_wait3A_112 = tpu.memref_slice %arg15[%add3A_12, %dma_wait3A_111] : memref<10000x128xf32, #tpu.memory_space<vmem_shared>> -> memref<125x128xf32, #tpu.memory_space<vmem_shared>>
      tpu.wait_dma2 semaphore(%run_scoped3A : memref<!tpu.dma_semaphore, #tpu.memory_space<semaphore_mem>>) src(%arg12 : memref<125x128xf32, #tpu.memory_space<vmem>>) dst(%dma_wait3A_112 : memref<125x128xf32, #tpu.memory_space<vmem_shared>>)
      tpu.yield
    }) : () -> ()
    "tpu.region"() ({
      %run_scoped3A = tpu.sem_alloc : memref<!tpu.dma_semaphore, #tpu.memory_space<semaphore_mem>>
      %dma_start3A_105 = arith.constant 0 : i32
      %dma_start3A_106 = tpu.memref_slice %arg16[%add3A_12, %dma_start3A_105] : memref<10000x16xf32, #tpu.memory_space<vmem_shared>> -> memref<125x16xf32, #tpu.memory_space<vmem_shared>>
      %dma_start3A_107 = arith.constant 0 : i32
      %dma_start3A_108 = tpu.memref_slice %arg16[%add3A_12, %dma_start3A_107] : memref<10000x16xf32, #tpu.memory_space<vmem_shared>> -> memref<125x16xf32, #tpu.memory_space<vmem_shared>>
      tpu.enqueue_dma source(%arg14 : memref<125x16xf32, #tpu.memory_space<vmem>>) target(%dma_start3A_108 : memref<125x16xf32, #tpu.memory_space<vmem_shared>>) target_semaphore(%run_scoped3A : memref<!tpu.dma_semaphore, #tpu.memory_space<semaphore_mem>>)
      %dma_wait3A_109 = arith.constant 0 : i32
      %dma_wait3A_110 = tpu.memref_slice %arg16[%add3A_12, %dma_wait3A_109] : memref<10000x16xf32, #tpu.memory_space<vmem_shared>> -> memref<125x16xf32, #tpu.memory_space<vmem_shared>>
      %dma_wait3A_111 = arith.constant 0 : i32
      %dma_wait3A_112 = tpu.memref_slice %arg16[%add3A_12, %dma_wait3A_111] : memref<10000x16xf32, #tpu.memory_space<vmem_shared>> -> memref<125x16xf32, #tpu.memory_space<vmem_shared>>
      tpu.wait_dma2 semaphore(%run_scoped3A : memref<!tpu.dma_semaphore, #tpu.memory_space<semaphore_mem>>) src(%arg14 : memref<125x16xf32, #tpu.memory_space<vmem>>) dst(%dma_wait3A_112 : memref<125x16xf32, #tpu.memory_space<vmem_shared>>)
      tpu.yield
    }) : () -> ()
    %mul3A_13 = arith.constant 625 : i32
    %mul3A_14 = arith.muli %arg1, %mul3A_13 : i32
    %add3A_15 = arith.constant 375 : i32
    %add3A_16 = arith.addi %mul3A_14, %add3A_15 : i32
    "tpu.region"() ({
      %run_scoped3A = tpu.sem_alloc : memref<!tpu.dma_semaphore, #tpu.memory_space<semaphore_mem>>
      %dma_start3A_105 = arith.constant 0 : i32
      %dma_start3A_106 = tpu.memref_slice %arg15[%add3A_16, %dma_start3A_105] : memref<10000x128xf32, #tpu.memory_space<vmem_shared>> -> memref<125x128xf32, #tpu.memory_space<vmem_shared>>
      %dma_start3A_107 = arith.constant 0 : i32
      %dma_start3A_108 = tpu.memref_slice %arg15[%add3A_16, %dma_start3A_107] : memref<10000x128xf32, #tpu.memory_space<vmem_shared>> -> memref<125x128xf32, #tpu.memory_space<vmem_shared>>
      tpu.enqueue_dma source(%arg12 : memref<125x128xf32, #tpu.memory_space<vmem>>) target(%dma_start3A_108 : memref<125x128xf32, #tpu.memory_space<vmem_shared>>) target_semaphore(%run_scoped3A : memref<!tpu.dma_semaphore, #tpu.memory_space<semaphore_mem>>)
      %dma_wait3A_109 = arith.constant 0 : i32
      %dma_wait3A_110 = tpu.memref_slice %arg15[%add3A_16, %dma_wait3A_109] : memref<10000x128xf32, #tpu.memory_space<vmem_shared>> -> memref<125x128xf32, #tpu.memory_space<vmem_shared>>
      %dma_wait3A_111 = arith.constant 0 : i32
      %dma_wait3A_112 = tpu.memref_slice %arg15[%add3A_16, %dma_wait3A_111] : memref<10000x128xf32, #tpu.memory_space<vmem_shared>> -> memref<125x128xf32, #tpu.memory_space<vmem_shared>>
      tpu.wait_dma2 semaphore(%run_scoped3A : memref<!tpu.dma_semaphore, #tpu.memory_space<semaphore_mem>>) src(%arg12 : memref<125x128xf32, #tpu.memory_space<vmem>>) dst(%dma_wait3A_112 : memref<125x128xf32, #tpu.memory_space<vmem_shared>>)
      tpu.yield
    }) : () -> ()
    "tpu.region"() ({
      %run_scoped3A = tpu.sem_alloc : memref<!tpu.dma_semaphore, #tpu.memory_space<semaphore_mem>>
      %dma_start3A_105 = arith.constant 0 : i32
      %dma_start3A_106 = tpu.memref_slice %arg16[%add3A_16, %dma_start3A_105] : memref<10000x16xf32, #tpu.memory_space<vmem_shared>> -> memref<125x16xf32, #tpu.memory_space<vmem_shared>>
      %dma_start3A_107 = arith.constant 0 : i32
      %dma_start3A_108 = tpu.memref_slice %arg16[%add3A_16, %dma_start3A_107] : memref<10000x16xf32, #tpu.memory_space<vmem_shared>> -> memref<125x16xf32, #tpu.memory_space<vmem_shared>>
      tpu.enqueue_dma source(%arg14 : memref<125x16xf32, #tpu.memory_space<vmem>>) target(%dma_start3A_108 : memref<125x16xf32, #tpu.memory_space<vmem_shared>>) target_semaphore(%run_scoped3A : memref<!tpu.dma_semaphore, #tpu.memory_space<semaphore_mem>>)
      %dma_wait3A_109 = arith.constant 0 : i32
      %dma_wait3A_110 = tpu.memref_slice %arg16[%add3A_16, %dma_wait3A_109] : memref<10000x16xf32, #tpu.memory_space<vmem_shared>> -> memref<125x16xf32, #tpu.memory_space<vmem_shared>>
      %dma_wait3A_111 = arith.constant 0 : i32
      %dma_wait3A_112 = tpu.memref_slice %arg16[%add3A_16, %dma_wait3A_111] : memref<10000x16xf32, #tpu.memory_space<vmem_shared>> -> memref<125x16xf32, #tpu.memory_space<vmem_shared>>
      tpu.wait_dma2 semaphore(%run_scoped3A : memref<!tpu.dma_semaphore, #tpu.memory_space<semaphore_mem>>) src(%arg14 : memref<125x16xf32, #tpu.memory_space<vmem>>) dst(%dma_wait3A_112 : memref<125x16xf32, #tpu.memory_space<vmem_shared>>)
      tpu.yield
    }) : () -> ()
    %mul3A_17 = arith.constant 625 : i32
    %mul3A_18 = arith.muli %arg1, %mul3A_17 : i32
    %add3A_19 = arith.constant 500 : i32
    %add3A_20 = arith.addi %mul3A_18, %add3A_19 : i32
    "tpu.region"() ({
      %run_scoped3A = tpu.sem_alloc : memref<!tpu.dma_semaphore, #tpu.memory_space<semaphore_mem>>
      %dma_start3A_105 = arith.constant 0 : i32
      %dma_start3A_106 = tpu.memref_slice %arg15[%add3A_20, %dma_start3A_105] : memref<10000x128xf32, #tpu.memory_space<vmem_shared>> -> memref<125x128xf32, #tpu.memory_space<vmem_shared>>
      %dma_start3A_107 = arith.constant 0 : i32
      %dma_start3A_108 = tpu.memref_slice %arg15[%add3A_20, %dma_start3A_107] : memref<10000x128xf32, #tpu.memory_space<vmem_shared>> -> memref<125x128xf32, #tpu.memory_space<vmem_shared>>
      tpu.enqueue_dma source(%arg12 : memref<125x128xf32, #tpu.memory_space<vmem>>) target(%dma_start3A_108 : memref<125x128xf32, #tpu.memory_space<vmem_shared>>) target_semaphore(%run_scoped3A : memref<!tpu.dma_semaphore, #tpu.memory_space<semaphore_mem>>)
      %dma_wait3A_109 = arith.constant 0 : i32
      %dma_wait3A_110 = tpu.memref_slice %arg15[%add3A_20, %dma_wait3A_109] : memref<10000x128xf32, #tpu.memory_space<vmem_shared>> -> memref<125x128xf32, #tpu.memory_space<vmem_shared>>
      %dma_wait3A_111 = arith.constant 0 : i32
      %dma_wait3A_112 = tpu.memref_slice %arg15[%add3A_20, %dma_wait3A_111] : memref<10000x128xf32, #tpu.memory_space<vmem_shared>> -> memref<125x128xf32, #tpu.memory_space<vmem_shared>>
      tpu.wait_dma2 semaphore(%run_scoped3A : memref<!tpu.dma_semaphore, #tpu.memory_space<semaphore_mem>>) src(%arg12 : memref<125x128xf32, #tpu.memory_space<vmem>>) dst(%dma_wait3A_112 : memref<125x128xf32, #tpu.memory_space<vmem_shared>>)
      tpu.yield
    }) : () -> ()
    "tpu.region"() ({
      %run_scoped3A = tpu.sem_alloc : memref<!tpu.dma_semaphore, #tpu.memory_space<semaphore_mem>>
      %dma_start3A_105 = arith.constant 0 : i32
      %dma_start3A_106 = tpu.memref_slice %arg16[%add3A_20, %dma_start3A_105] : memref<10000x16xf32, #tpu.memory_space<vmem_shared>> -> memref<125x16xf32, #tpu.memory_space<vmem_shared>>
      %dma_start3A_107 = arith.constant 0 : i32
      %dma_start3A_108 = tpu.memref_slice %arg16[%add3A_20, %dma_start3A_107] : memref<10000x16xf32, #tpu.memory_space<vmem_shared>> -> memref<125x16xf32, #tpu.memory_space<vmem_shared>>
      tpu.enqueue_dma source(%arg14 : memref<125x16xf32, #tpu.memory_space<vmem>>) target(%dma_start3A_108 : memref<125x16xf32, #tpu.memory_space<vmem_shared>>) target_semaphore(%run_scoped3A : memref<!tpu.dma_semaphore, #tpu.memory_space<semaphore_mem>>)
      %dma_wait3A_109 = arith.constant 0 : i32
      %dma_wait3A_110 = tpu.memref_slice %arg16[%add3A_20, %dma_wait3A_109] : memref<10000x16xf32, #tpu.memory_space<vmem_shared>> -> memref<125x16xf32, #tpu.memory_space<vmem_shared>>
      %dma_wait3A_111 = arith.constant 0 : i32
      %dma_wait3A_112 = tpu.memref_slice %arg16[%add3A_20, %dma_wait3A_111] : memref<10000x16xf32, #tpu.memory_space<vmem_shared>> -> memref<125x16xf32, #tpu.memory_space<vmem_shared>>
      tpu.wait_dma2 semaphore(%run_scoped3A : memref<!tpu.dma_semaphore, #tpu.memory_space<semaphore_mem>>) src(%arg14 : memref<125x16xf32, #tpu.memory_space<vmem>>) dst(%dma_wait3A_112 : memref<125x16xf32, #tpu.memory_space<vmem_shared>>)
      tpu.yield
    }) : () -> ()
    %barrier3A = arith.constant 0 : index
    tpu.barrier barrier_id(%barrier3A)
    "tpu.region"() ({
      %run_scoped3A = tpu.sem_alloc : memref<!tpu.dma_semaphore, #tpu.memory_space<semaphore_mem>>
      tpu.enqueue_dma source(%arg7 : memref<125x16xf32, #tpu.memory_space<hbm>>) target(%arg14 : memref<125x16xf32, #tpu.memory_space<vmem>>) target_semaphore(%run_scoped3A : memref<!tpu.dma_semaphore, #tpu.memory_space<semaphore_mem>>)
      tpu.wait_dma2 semaphore(%run_scoped3A : memref<!tpu.dma_semaphore, #tpu.memory_space<semaphore_mem>>) src(%arg7 : memref<125x16xf32, #tpu.memory_space<hbm>>) dst(%arg14 : memref<125x16xf32, #tpu.memory_space<vmem>>)
      tpu.yield
    }) : () -> ()
    %mul3A_21 = arith.constant 5000 : i32
    %mul3A_22 = arith.muli %add3A, %mul3A_21 : i32
    %add3A_23 = arith.constant 0 : i32
    %add3A_24 = arith.addi %mul3A_22, %add3A_23 : i32
    %dma_start3A = arith.constant 0 : i32
    %dma_start3A_25 = tpu.memref_slice %arg2[%add3A_24, %dma_start3A] : memref<160000x128xf32, #tpu.memory_space<hbm>> -> memref<125x128xf32, #tpu.memory_space<hbm>>
    %dma_start3A_26 = arith.constant 0 : i32
    %dma_start3A_27 = tpu.memref_slice %arg2[%add3A_24, %dma_start3A_26] : memref<160000x128xf32, #tpu.memory_space<hbm>> -> memref<125x128xf32, #tpu.memory_space<hbm>>
    tpu.enqueue_dma source(%dma_start3A_27 : memref<125x128xf32, #tpu.memory_space<hbm>>) target(%arg12 : memref<125x128xf32, #tpu.memory_space<vmem>>) target_semaphore(%arg17 : memref<!tpu.dma_semaphore, #tpu.memory_space<semaphore_mem>>)
    %mul3A_28 = arith.constant 40 : i32
    %mul3A_29 = arith.muli %add3A, %mul3A_28 : i32
    %add3A_30 = arith.constant 0 : i32
    %add3A_31 = arith.addi %mul3A_29, %add3A_30 : i32
    %dma_start3A_32 = arith.constant 0 : i32
    %dma_start3A_33 = arith.constant 0 : i32
    %dma_start3A_34 = tpu.memref_slice %arg10[%dma_start3A_32, %dma_start3A_33] : memref<2x125xi32, #tpu.memory_space<vmem>> -> memref<1x125xi32, #tpu.memory_space<vmem>>
    %dma_start3A_35 = arith.constant 0 : i32
    %dma_start3A_36 = tpu.memref_slice %arg3[%add3A_31, %dma_start3A_35] : memref<1280x125xi32, #tpu.memory_space<hbm>> -> memref<1x125xi32, #tpu.memory_space<hbm>>
    %dma_start3A_37 = arith.constant 0 : i32
    %dma_start3A_38 = arith.constant 0 : i32
    %dma_start3A_39 = tpu.memref_slice %arg10[%dma_start3A_37, %dma_start3A_38] : memref<2x125xi32, #tpu.memory_space<vmem>> -> memref<1x125xi32, #tpu.memory_space<vmem>>
    %dma_start3A_40 = arith.constant 0 : i32
    %dma_start3A_41 = tpu.memref_slice %arg3[%add3A_31, %dma_start3A_40] : memref<1280x125xi32, #tpu.memory_space<hbm>> -> memref<1x125xi32, #tpu.memory_space<hbm>>
    tpu.enqueue_dma source(%dma_start3A_41 : memref<1x125xi32, #tpu.memory_space<hbm>>) target(%dma_start3A_39 : memref<1x125xi32, #tpu.memory_space<vmem>>) target_semaphore(%arg17 : memref<!tpu.dma_semaphore, #tpu.memory_space<semaphore_mem>>)
    %mul3A_42 = arith.constant 40 : i32
    %mul3A_43 = arith.muli %add3A, %mul3A_42 : i32
    %add3A_44 = arith.constant 0 : i32
    %add3A_45 = arith.addi %mul3A_43, %add3A_44 : i32
    %dma_start3A_46 = arith.constant 1 : i32
    %dma_start3A_47 = arith.constant 0 : i32
    %dma_start3A_48 = tpu.memref_slice %arg10[%dma_start3A_46, %dma_start3A_47] : memref<2x125xi32, #tpu.memory_space<vmem>> -> memref<1x125xi32, #tpu.memory_space<vmem>>
    %dma_start3A_49 = arith.constant 0 : i32
    %dma_start3A_50 = tpu.memref_slice %arg4[%add3A_45, %dma_start3A_49] : memref<1280x125xi32, #tpu.memory_space<hbm>> -> memref<1x125xi32, #tpu.memory_space<hbm>>
    %dma_start3A_51 = arith.constant 1 : i32
    %dma_start3A_52 = arith.constant 0 : i32
    %dma_start3A_53 = tpu.memref_slice %arg10[%dma_start3A_51, %dma_start3A_52] : memref<2x125xi32, #tpu.memory_space<vmem>> -> memref<1x125xi32, #tpu.memory_space<vmem>>
    %dma_start3A_54 = arith.constant 0 : i32
    %dma_start3A_55 = tpu.memref_slice %arg4[%add3A_45, %dma_start3A_54] : memref<1280x125xi32, #tpu.memory_space<hbm>> -> memref<1x125xi32, #tpu.memory_space<hbm>>
    tpu.enqueue_dma source(%dma_start3A_55 : memref<1x125xi32, #tpu.memory_space<hbm>>) target(%dma_start3A_53 : memref<1x125xi32, #tpu.memory_space<vmem>>) target_semaphore(%arg17 : memref<!tpu.dma_semaphore, #tpu.memory_space<semaphore_mem>>)
    %scan3A = arith.constant 0 : i32
    %scan3A_56 = arith.constant 0 : i32
    %scan3A_57 = arith.constant 20 : i32
    %scan3A_58 = arith.addi %scan3A_56, %scan3A_57 : i32
    %scan3A_59 = arith.constant 1 : i32
    scf.for %scan3A_105 = %scan3A_56 to %scan3A_58 step %scan3A_59  : i32 {
      %mul3A_106 = arith.constant 2 : i32
      %mul3A_107 = arith.muli %mul3A_106, %scan3A_105 : i32
      %ge3A = arith.constant 1 : i32
      %ge3A_108 = arith.cmpi sge, %scan3A_105, %ge3A : i32
      %convert_element_type3A = arith.extui %ge3A_108 : i1 to i32
      %cond3A = arith.constant 0 : i32
      %cond3A_109 = arith.cmpi ne, %convert_element_type3A, %cond3A : i32
      scf.if %cond3A_109 {
        %dma_wait3A_293 = arith.constant 0 : i32
        %dma_wait3A_294 = arith.constant 0 : i32
        %dma_wait3A_295 = tpu.memref_slice %arg15[%dma_wait3A_293, %dma_wait3A_294] : memref<10000x128xf32, #tpu.memory_space<vmem_shared>> -> memref<125x128xf32, #tpu.memory_space<vmem_shared>>
        %dma_wait3A_296 = arith.constant 0 : i32
        %dma_wait3A_297 = arith.constant 0 : i32
        %dma_wait3A_298 = tpu.memref_slice %arg15[%dma_wait3A_296, %dma_wait3A_297] : memref<10000x128xf32, #tpu.memory_space<vmem_shared>> -> memref<125x128xf32, #tpu.memory_space<vmem_shared>>
        tpu.wait_dma2 semaphore(%arg20 : memref<!tpu.dma_semaphore, #tpu.memory_space<semaphore_mem>>) src(%arg13 : memref<125x128xf32, #tpu.memory_space<vmem>>) dst(%dma_wait3A_298 : memref<125x128xf32, #tpu.memory_space<vmem_shared>>)
        %dma_wait3A_299 = arith.constant 0 : i32
        %dma_wait3A_300 = arith.constant 0 : i32
        %dma_wait3A_301 = tpu.memref_slice %arg15[%dma_wait3A_299, %dma_wait3A_300] : memref<10000x128xf32, #tpu.memory_space<vmem_shared>> -> memref<125x128xf32, #tpu.memory_space<vmem_shared>>
        %dma_wait3A_302 = arith.constant 0 : i32
        %dma_wait3A_303 = arith.constant 0 : i32
        %dma_wait3A_304 = tpu.memref_slice %arg15[%dma_wait3A_302, %dma_wait3A_303] : memref<10000x128xf32, #tpu.memory_space<vmem_shared>> -> memref<125x128xf32, #tpu.memory_space<vmem_shared>>
        tpu.wait_dma2 semaphore(%arg20 : memref<!tpu.dma_semaphore, #tpu.memory_space<semaphore_mem>>) src(%arg13 : memref<125x128xf32, #tpu.memory_space<vmem>>) dst(%dma_wait3A_304 : memref<125x128xf32, #tpu.memory_space<vmem_shared>>)
        %dma_wait3A_305 = arith.constant 0 : i32
        %dma_wait3A_306 = arith.constant 0 : i32
        %dma_wait3A_307 = tpu.memref_slice %arg16[%dma_wait3A_305, %dma_wait3A_306] : memref<10000x16xf32, #tpu.memory_space<vmem_shared>> -> memref<125x16xf32, #tpu.memory_space<vmem_shared>>
        %dma_wait3A_308 = arith.constant 0 : i32
        %dma_wait3A_309 = arith.constant 0 : i32
        %dma_wait3A_310 = tpu.memref_slice %arg16[%dma_wait3A_308, %dma_wait3A_309] : memref<10000x16xf32, #tpu.memory_space<vmem_shared>> -> memref<125x16xf32, #tpu.memory_space<vmem_shared>>
        tpu.wait_dma2 semaphore(%arg20 : memref<!tpu.dma_semaphore, #tpu.memory_space<semaphore_mem>>) src(%arg14 : memref<125x16xf32, #tpu.memory_space<vmem>>) dst(%dma_wait3A_310 : memref<125x16xf32, #tpu.memory_space<vmem_shared>>)
        %dma_wait3A_311 = arith.constant 0 : i32
        %dma_wait3A_312 = arith.constant 0 : i32
        %dma_wait3A_313 = tpu.memref_slice %arg16[%dma_wait3A_311, %dma_wait3A_312] : memref<10000x16xf32, #tpu.memory_space<vmem_shared>> -> memref<125x16xf32, #tpu.memory_space<vmem_shared>>
        %dma_wait3A_314 = arith.constant 0 : i32
        %dma_wait3A_315 = arith.constant 0 : i32
        %dma_wait3A_316 = tpu.memref_slice %arg16[%dma_wait3A_314, %dma_wait3A_315] : memref<10000x16xf32, #tpu.memory_space<vmem_shared>> -> memref<125x16xf32, #tpu.memory_space<vmem_shared>>
        tpu.wait_dma2 semaphore(%arg20 : memref<!tpu.dma_semaphore, #tpu.memory_space<semaphore_mem>>) src(%arg14 : memref<125x16xf32, #tpu.memory_space<vmem>>) dst(%dma_wait3A_316 : memref<125x16xf32, #tpu.memory_space<vmem_shared>>)
      } else {
      }
      %add3A_110 = arith.constant 1 : i32
      %add3A_111 = arith.addi %mul3A_107, %add3A_110 : i32
      %mul3A_112 = arith.constant 5000 : i32
      %mul3A_113 = arith.muli %add3A, %mul3A_112 : i32
      %mul3A_114 = arith.constant 125 : i32
      %mul3A_115 = arith.muli %add3A_111, %mul3A_114 : i32
      %add3A_116 = arith.addi %mul3A_113, %mul3A_115 : i32
      %dma_start3A_117 = arith.constant 0 : i32
      %dma_start3A_118 = tpu.memref_slice %arg2[%add3A_116, %dma_start3A_117] : memref<160000x128xf32, #tpu.memory_space<hbm>> -> memref<125x128xf32, #tpu.memory_space<hbm>>
      %dma_start3A_119 = arith.constant 0 : i32
      %dma_start3A_120 = tpu.memref_slice %arg2[%add3A_116, %dma_start3A_119] : memref<160000x128xf32, #tpu.memory_space<hbm>> -> memref<125x128xf32, #tpu.memory_space<hbm>>
      tpu.enqueue_dma source(%dma_start3A_120 : memref<125x128xf32, #tpu.memory_space<hbm>>) target(%arg13 : memref<125x128xf32, #tpu.memory_space<vmem>>) target_semaphore(%arg18 : memref<!tpu.dma_semaphore, #tpu.memory_space<semaphore_mem>>)
      %mul3A_121 = arith.constant 40 : i32
      %mul3A_122 = arith.muli %add3A, %mul3A_121 : i32
      %add3A_123 = arith.addi %mul3A_122, %add3A_111 : i32
      %dma_start3A_124 = arith.constant 0 : i32
      %dma_start3A_125 = arith.constant 0 : i32
      %dma_start3A_126 = tpu.memref_slice %arg11[%dma_start3A_124, %dma_start3A_125] : memref<2x125xi32, #tpu.memory_space<vmem>> -> memref<1x125xi32, #tpu.memory_space<vmem>>
      %dma_start3A_127 = arith.constant 0 : i32
      %dma_start3A_128 = tpu.memref_slice %arg3[%add3A_123, %dma_start3A_127] : memref<1280x125xi32, #tpu.memory_space<hbm>> -> memref<1x125xi32, #tpu.memory_space<hbm>>
      %dma_start3A_129 = arith.constant 0 : i32
      %dma_start3A_130 = arith.constant 0 : i32
      %dma_start3A_131 = tpu.memref_slice %arg11[%dma_start3A_129, %dma_start3A_130] : memref<2x125xi32, #tpu.memory_space<vmem>> -> memref<1x125xi32, #tpu.memory_space<vmem>>
      %dma_start3A_132 = arith.constant 0 : i32
      %dma_start3A_133 = tpu.memref_slice %arg3[%add3A_123, %dma_start3A_132] : memref<1280x125xi32, #tpu.memory_space<hbm>> -> memref<1x125xi32, #tpu.memory_space<hbm>>
      tpu.enqueue_dma source(%dma_start3A_133 : memref<1x125xi32, #tpu.memory_space<hbm>>) target(%dma_start3A_131 : memref<1x125xi32, #tpu.memory_space<vmem>>) target_semaphore(%arg18 : memref<!tpu.dma_semaphore, #tpu.memory_space<semaphore_mem>>)
      %mul3A_134 = arith.constant 40 : i32
      %mul3A_135 = arith.muli %add3A, %mul3A_134 : i32
      %add3A_136 = arith.addi %mul3A_135, %add3A_111 : i32
      %dma_start3A_137 = arith.constant 1 : i32
      %dma_start3A_138 = arith.constant 0 : i32
      %dma_start3A_139 = tpu.memref_slice %arg11[%dma_start3A_137, %dma_start3A_138] : memref<2x125xi32, #tpu.memory_space<vmem>> -> memref<1x125xi32, #tpu.memory_space<vmem>>
      %dma_start3A_140 = arith.constant 0 : i32
      %dma_start3A_141 = tpu.memref_slice %arg4[%add3A_136, %dma_start3A_140] : memref<1280x125xi32, #tpu.memory_space<hbm>> -> memref<1x125xi32, #tpu.memory_space<hbm>>
      %dma_start3A_142 = arith.constant 1 : i32
      %dma_start3A_143 = arith.constant 0 : i32
      %dma_start3A_144 = tpu.memref_slice %arg11[%dma_start3A_142, %dma_start3A_143] : memref<2x125xi32, #tpu.memory_space<vmem>> -> memref<1x125xi32, #tpu.memory_space<vmem>>
      %dma_start3A_145 = arith.constant 0 : i32
      %dma_start3A_146 = tpu.memref_slice %arg4[%add3A_136, %dma_start3A_145] : memref<1280x125xi32, #tpu.memory_space<hbm>> -> memref<1x125xi32, #tpu.memory_space<hbm>>
      tpu.enqueue_dma source(%dma_start3A_146 : memref<1x125xi32, #tpu.memory_space<hbm>>) target(%dma_start3A_144 : memref<1x125xi32, #tpu.memory_space<vmem>>) target_semaphore(%arg18 : memref<!tpu.dma_semaphore, #tpu.memory_space<semaphore_mem>>)
      %dma_wait3A_147 = arith.constant 0 : i32
      %dma_wait3A_148 = arith.constant 0 : i32
      %dma_wait3A_149 = tpu.memref_slice %arg2[%dma_wait3A_147, %dma_wait3A_148] : memref<160000x128xf32, #tpu.memory_space<hbm>> -> memref<125x128xf32, #tpu.memory_space<hbm>>
      %dma_wait3A_150 = arith.constant 0 : i32
      %dma_wait3A_151 = arith.constant 0 : i32
      %dma_wait3A_152 = tpu.memref_slice %arg2[%dma_wait3A_150, %dma_wait3A_151] : memref<160000x128xf32, #tpu.memory_space<hbm>> -> memref<125x128xf32, #tpu.memory_space<hbm>>
      tpu.wait_dma2 semaphore(%arg17 : memref<!tpu.dma_semaphore, #tpu.memory_space<semaphore_mem>>) src(%dma_wait3A_152 : memref<125x128xf32, #tpu.memory_space<hbm>>) dst(%arg12 : memref<125x128xf32, #tpu.memory_space<vmem>>)
      %dma_wait3A_153 = arith.constant 0 : i32
      %dma_wait3A_154 = arith.constant 0 : i32
      %dma_wait3A_155 = tpu.memref_slice %arg10[%dma_wait3A_153, %dma_wait3A_154] : memref<2x125xi32, #tpu.memory_space<vmem>> -> memref<1x125xi32, #tpu.memory_space<vmem>>
      %dma_wait3A_156 = arith.constant 0 : i32
      %dma_wait3A_157 = arith.constant 0 : i32
      %dma_wait3A_158 = tpu.memref_slice %arg3[%dma_wait3A_156, %dma_wait3A_157] : memref<1280x125xi32, #tpu.memory_space<hbm>> -> memref<1x125xi32, #tpu.memory_space<hbm>>
      %dma_wait3A_159 = arith.constant 0 : i32
      %dma_wait3A_160 = arith.constant 0 : i32
      %dma_wait3A_161 = tpu.memref_slice %arg10[%dma_wait3A_159, %dma_wait3A_160] : memref<2x125xi32, #tpu.memory_space<vmem>> -> memref<1x125xi32, #tpu.memory_space<vmem>>
      %dma_wait3A_162 = arith.constant 0 : i32
      %dma_wait3A_163 = arith.constant 0 : i32
      %dma_wait3A_164 = tpu.memref_slice %arg3[%dma_wait3A_162, %dma_wait3A_163] : memref<1280x125xi32, #tpu.memory_space<hbm>> -> memref<1x125xi32, #tpu.memory_space<hbm>>
      tpu.wait_dma2 semaphore(%arg17 : memref<!tpu.dma_semaphore, #tpu.memory_space<semaphore_mem>>) src(%dma_wait3A_164 : memref<1x125xi32, #tpu.memory_space<hbm>>) dst(%dma_wait3A_161 : memref<1x125xi32, #tpu.memory_space<vmem>>)
      %dma_wait3A_165 = arith.constant 1 : i32
      %dma_wait3A_166 = arith.constant 0 : i32
      %dma_wait3A_167 = tpu.memref_slice %arg10[%dma_wait3A_165, %dma_wait3A_166] : memref<2x125xi32, #tpu.memory_space<vmem>> -> memref<1x125xi32, #tpu.memory_space<vmem>>
      %dma_wait3A_168 = arith.constant 0 : i32
      %dma_wait3A_169 = arith.constant 0 : i32
      %dma_wait3A_170 = tpu.memref_slice %arg3[%dma_wait3A_168, %dma_wait3A_169] : memref<1280x125xi32, #tpu.memory_space<hbm>> -> memref<1x125xi32, #tpu.memory_space<hbm>>
      %dma_wait3A_171 = arith.constant 1 : i32
      %dma_wait3A_172 = arith.constant 0 : i32
      %dma_wait3A_173 = tpu.memref_slice %arg10[%dma_wait3A_171, %dma_wait3A_172] : memref<2x125xi32, #tpu.memory_space<vmem>> -> memref<1x125xi32, #tpu.memory_space<vmem>>
      %dma_wait3A_174 = arith.constant 0 : i32
      %dma_wait3A_175 = arith.constant 0 : i32
      %dma_wait3A_176 = tpu.memref_slice %arg3[%dma_wait3A_174, %dma_wait3A_175] : memref<1280x125xi32, #tpu.memory_space<hbm>> -> memref<1x125xi32, #tpu.memory_space<hbm>>
      tpu.wait_dma2 semaphore(%arg17 : memref<!tpu.dma_semaphore, #tpu.memory_space<semaphore_mem>>) src(%dma_wait3A_176 : memref<1x125xi32, #tpu.memory_space<hbm>>) dst(%dma_wait3A_173 : memref<1x125xi32, #tpu.memory_space<vmem>>)
      %dma_start3A_177 = arith.constant 0 : i32
      %dma_start3A_178 = arith.constant 0 : i32
      %dma_start3A_179 = tpu.memref_slice %arg10[%dma_start3A_177, %dma_start3A_178] : memref<2x125xi32, #tpu.memory_space<vmem>> -> memref<1x125xi32, #tpu.memory_space<vmem>>
      %dma_start3A_180 = tpu.memref_squeeze %dma_start3A_179 : memref<1x125xi32, #tpu.memory_space<vmem>> -> memref<125xi32, #tpu.memory_space<vmem>>
      %dma_start3A_181 = arith.constant 0 : i32
      %dma_start3A_182 = arith.constant 0 : i32
      %dma_start3A_183 = tpu.memref_slice %arg15[%dma_start3A_181, %dma_start3A_182] : memref<10000x128xf32, #tpu.memory_space<vmem_shared>> -> memref<10000x128xf32, #tpu.memory_space<vmem_shared>>
      tpu.enqueue_indirect_dma source(%arg12 : memref<125x128xf32, #tpu.memory_space<vmem>>) target(%dma_start3A_183 : memref<10000x128xf32, #tpu.memory_space<vmem_shared>>) offsets(%dma_start3A_180 : memref<125xi32, #tpu.memory_space<vmem>>) semaphore(%arg19 : memref<!tpu.dma_semaphore, #tpu.memory_space<semaphore_mem>>) {add = true}
      %dma_start3A_184 = arith.constant 1 : i32
      %dma_start3A_185 = arith.constant 0 : i32
      %dma_start3A_186 = tpu.memref_slice %arg10[%dma_start3A_184, %dma_start3A_185] : memref<2x125xi32, #tpu.memory_space<vmem>> -> memref<1x125xi32, #tpu.memory_space<vmem>>
      %dma_start3A_187 = tpu.memref_squeeze %dma_start3A_186 : memref<1x125xi32, #tpu.memory_space<vmem>> -> memref<125xi32, #tpu.memory_space<vmem>>
      %dma_start3A_188 = arith.constant 0 : i32
      %dma_start3A_189 = arith.constant 0 : i32
      %dma_start3A_190 = tpu.memref_slice %arg15[%dma_start3A_188, %dma_start3A_189] : memref<10000x128xf32, #tpu.memory_space<vmem_shared>> -> memref<10000x128xf32, #tpu.memory_space<vmem_shared>>
      tpu.enqueue_indirect_dma source(%arg12 : memref<125x128xf32, #tpu.memory_space<vmem>>) target(%dma_start3A_190 : memref<10000x128xf32, #tpu.memory_space<vmem_shared>>) offsets(%dma_start3A_187 : memref<125xi32, #tpu.memory_space<vmem>>) semaphore(%arg19 : memref<!tpu.dma_semaphore, #tpu.memory_space<semaphore_mem>>) {add = true}
      %dma_start3A_191 = arith.constant 0 : i32
      %dma_start3A_192 = arith.constant 0 : i32
      %dma_start3A_193 = tpu.memref_slice %arg10[%dma_start3A_191, %dma_start3A_192] : memref<2x125xi32, #tpu.memory_space<vmem>> -> memref<1x125xi32, #tpu.memory_space<vmem>>
      %dma_start3A_194 = tpu.memref_squeeze %dma_start3A_193 : memref<1x125xi32, #tpu.memory_space<vmem>> -> memref<125xi32, #tpu.memory_space<vmem>>
      %dma_start3A_195 = arith.constant 0 : i32
      %dma_start3A_196 = arith.constant 0 : i32
      %dma_start3A_197 = tpu.memref_slice %arg16[%dma_start3A_195, %dma_start3A_196] : memref<10000x16xf32, #tpu.memory_space<vmem_shared>> -> memref<10000x16xf32, #tpu.memory_space<vmem_shared>>
      tpu.enqueue_indirect_dma source(%arg14 : memref<125x16xf32, #tpu.memory_space<vmem>>) target(%dma_start3A_197 : memref<10000x16xf32, #tpu.memory_space<vmem_shared>>) offsets(%dma_start3A_194 : memref<125xi32, #tpu.memory_space<vmem>>) semaphore(%arg19 : memref<!tpu.dma_semaphore, #tpu.memory_space<semaphore_mem>>) {add = true}
      %dma_start3A_198 = arith.constant 1 : i32
      %dma_start3A_199 = arith.constant 0 : i32
      %dma_start3A_200 = tpu.memref_slice %arg10[%dma_start3A_198, %dma_start3A_199] : memref<2x125xi32, #tpu.memory_space<vmem>> -> memref<1x125xi32, #tpu.memory_space<vmem>>
      %dma_start3A_201 = tpu.memref_squeeze %dma_start3A_200 : memref<1x125xi32, #tpu.memory_space<vmem>> -> memref<125xi32, #tpu.memory_space<vmem>>
      %dma_start3A_202 = arith.constant 0 : i32
      %dma_start3A_203 = arith.constant 0 : i32
      %dma_start3A_204 = tpu.memref_slice %arg16[%dma_start3A_202, %dma_start3A_203] : memref<10000x16xf32, #tpu.memory_space<vmem_shared>> -> memref<10000x16xf32, #tpu.memory_space<vmem_shared>>
      tpu.enqueue_indirect_dma source(%arg14 : memref<125x16xf32, #tpu.memory_space<vmem>>) target(%dma_start3A_204 : memref<10000x16xf32, #tpu.memory_space<vmem_shared>>) offsets(%dma_start3A_201 : memref<125xi32, #tpu.memory_space<vmem>>) semaphore(%arg19 : memref<!tpu.dma_semaphore, #tpu.memory_space<semaphore_mem>>) {add = true}
      %dma_wait3A_205 = arith.constant 0 : i32
      %dma_wait3A_206 = arith.constant 0 : i32
      %dma_wait3A_207 = tpu.memref_slice %arg2[%dma_wait3A_205, %dma_wait3A_206] : memref<160000x128xf32, #tpu.memory_space<hbm>> -> memref<125x128xf32, #tpu.memory_space<hbm>>
      %dma_wait3A_208 = arith.constant 0 : i32
      %dma_wait3A_209 = arith.constant 0 : i32
      %dma_wait3A_210 = tpu.memref_slice %arg2[%dma_wait3A_208, %dma_wait3A_209] : memref<160000x128xf32, #tpu.memory_space<hbm>> -> memref<125x128xf32, #tpu.memory_space<hbm>>
      tpu.wait_dma2 semaphore(%arg18 : memref<!tpu.dma_semaphore, #tpu.memory_space<semaphore_mem>>) src(%dma_wait3A_210 : memref<125x128xf32, #tpu.memory_space<hbm>>) dst(%arg13 : memref<125x128xf32, #tpu.memory_space<vmem>>)
      %dma_wait3A_211 = arith.constant 0 : i32
      %dma_wait3A_212 = arith.constant 0 : i32
      %dma_wait3A_213 = tpu.memref_slice %arg11[%dma_wait3A_211, %dma_wait3A_212] : memref<2x125xi32, #tpu.memory_space<vmem>> -> memref<1x125xi32, #tpu.memory_space<vmem>>
      %dma_wait3A_214 = arith.constant 0 : i32
      %dma_wait3A_215 = arith.constant 0 : i32
      %dma_wait3A_216 = tpu.memref_slice %arg3[%dma_wait3A_214, %dma_wait3A_215] : memref<1280x125xi32, #tpu.memory_space<hbm>> -> memref<1x125xi32, #tpu.memory_space<hbm>>
      %dma_wait3A_217 = arith.constant 0 : i32
      %dma_wait3A_218 = arith.constant 0 : i32
      %dma_wait3A_219 = tpu.memref_slice %arg11[%dma_wait3A_217, %dma_wait3A_218] : memref<2x125xi32, #tpu.memory_space<vmem>> -> memref<1x125xi32, #tpu.memory_space<vmem>>
      %dma_wait3A_220 = arith.constant 0 : i32
      %dma_wait3A_221 = arith.constant 0 : i32
      %dma_wait3A_222 = tpu.memref_slice %arg3[%dma_wait3A_220, %dma_wait3A_221] : memref<1280x125xi32, #tpu.memory_space<hbm>> -> memref<1x125xi32, #tpu.memory_space<hbm>>
      tpu.wait_dma2 semaphore(%arg18 : memref<!tpu.dma_semaphore, #tpu.memory_space<semaphore_mem>>) src(%dma_wait3A_222 : memref<1x125xi32, #tpu.memory_space<hbm>>) dst(%dma_wait3A_219 : memref<1x125xi32, #tpu.memory_space<vmem>>)
      %dma_wait3A_223 = arith.constant 1 : i32
      %dma_wait3A_224 = arith.constant 0 : i32
      %dma_wait3A_225 = tpu.memref_slice %arg11[%dma_wait3A_223, %dma_wait3A_224] : memref<2x125xi32, #tpu.memory_space<vmem>> -> memref<1x125xi32, #tpu.memory_space<vmem>>
      %dma_wait3A_226 = arith.constant 0 : i32
      %dma_wait3A_227 = arith.constant 0 : i32
      %dma_wait3A_228 = tpu.memref_slice %arg3[%dma_wait3A_226, %dma_wait3A_227] : memref<1280x125xi32, #tpu.memory_space<hbm>> -> memref<1x125xi32, #tpu.memory_space<hbm>>
      %dma_wait3A_229 = arith.constant 1 : i32
      %dma_wait3A_230 = arith.constant 0 : i32
      %dma_wait3A_231 = tpu.memref_slice %arg11[%dma_wait3A_229, %dma_wait3A_230] : memref<2x125xi32, #tpu.memory_space<vmem>> -> memref<1x125xi32, #tpu.memory_space<vmem>>
      %dma_wait3A_232 = arith.constant 0 : i32
      %dma_wait3A_233 = arith.constant 0 : i32
      %dma_wait3A_234 = tpu.memref_slice %arg3[%dma_wait3A_232, %dma_wait3A_233] : memref<1280x125xi32, #tpu.memory_space<hbm>> -> memref<1x125xi32, #tpu.memory_space<hbm>>
      tpu.wait_dma2 semaphore(%arg18 : memref<!tpu.dma_semaphore, #tpu.memory_space<semaphore_mem>>) src(%dma_wait3A_234 : memref<1x125xi32, #tpu.memory_space<hbm>>) dst(%dma_wait3A_231 : memref<1x125xi32, #tpu.memory_space<vmem>>)
      %dma_wait3A_235 = arith.constant 0 : i32
      %dma_wait3A_236 = arith.constant 0 : i32
      %dma_wait3A_237 = tpu.memref_slice %arg15[%dma_wait3A_235, %dma_wait3A_236] : memref<10000x128xf32, #tpu.memory_space<vmem_shared>> -> memref<125x128xf32, #tpu.memory_space<vmem_shared>>
      %dma_wait3A_238 = arith.constant 0 : i32
      %dma_wait3A_239 = arith.constant 0 : i32
      %dma_wait3A_240 = tpu.memref_slice %arg15[%dma_wait3A_238, %dma_wait3A_239] : memref<10000x128xf32, #tpu.memory_space<vmem_shared>> -> memref<125x128xf32, #tpu.memory_space<vmem_shared>>
      tpu.wait_dma2 semaphore(%arg19 : memref<!tpu.dma_semaphore, #tpu.memory_space<semaphore_mem>>) src(%arg12 : memref<125x128xf32, #tpu.memory_space<vmem>>) dst(%dma_wait3A_240 : memref<125x128xf32, #tpu.memory_space<vmem_shared>>)
      %dma_wait3A_241 = arith.constant 0 : i32
      %dma_wait3A_242 = arith.constant 0 : i32
      %dma_wait3A_243 = tpu.memref_slice %arg15[%dma_wait3A_241, %dma_wait3A_242] : memref<10000x128xf32, #tpu.memory_space<vmem_shared>> -> memref<125x128xf32, #tpu.memory_space<vmem_shared>>
      %dma_wait3A_244 = arith.constant 0 : i32
      %dma_wait3A_245 = arith.constant 0 : i32
      %dma_wait3A_246 = tpu.memref_slice %arg15[%dma_wait3A_244, %dma_wait3A_245] : memref<10000x128xf32, #tpu.memory_space<vmem_shared>> -> memref<125x128xf32, #tpu.memory_space<vmem_shared>>
      tpu.wait_dma2 semaphore(%arg19 : memref<!tpu.dma_semaphore, #tpu.memory_space<semaphore_mem>>) src(%arg12 : memref<125x128xf32, #tpu.memory_space<vmem>>) dst(%dma_wait3A_246 : memref<125x128xf32, #tpu.memory_space<vmem_shared>>)
      %dma_wait3A_247 = arith.constant 0 : i32
      %dma_wait3A_248 = arith.constant 0 : i32
      %dma_wait3A_249 = tpu.memref_slice %arg16[%dma_wait3A_247, %dma_wait3A_248] : memref<10000x16xf32, #tpu.memory_space<vmem_shared>> -> memref<125x16xf32, #tpu.memory_space<vmem_shared>>
      %dma_wait3A_250 = arith.constant 0 : i32
      %dma_wait3A_251 = arith.constant 0 : i32
      %dma_wait3A_252 = tpu.memref_slice %arg16[%dma_wait3A_250, %dma_wait3A_251] : memref<10000x16xf32, #tpu.memory_space<vmem_shared>> -> memref<125x16xf32, #tpu.memory_space<vmem_shared>>
      tpu.wait_dma2 semaphore(%arg19 : memref<!tpu.dma_semaphore, #tpu.memory_space<semaphore_mem>>) src(%arg14 : memref<125x16xf32, #tpu.memory_space<vmem>>) dst(%dma_wait3A_252 : memref<125x16xf32, #tpu.memory_space<vmem_shared>>)
      %dma_wait3A_253 = arith.constant 0 : i32
      %dma_wait3A_254 = arith.constant 0 : i32
      %dma_wait3A_255 = tpu.memref_slice %arg16[%dma_wait3A_253, %dma_wait3A_254] : memref<10000x16xf32, #tpu.memory_space<vmem_shared>> -> memref<125x16xf32, #tpu.memory_space<vmem_shared>>
      %dma_wait3A_256 = arith.constant 0 : i32
      %dma_wait3A_257 = arith.constant 0 : i32
      %dma_wait3A_258 = tpu.memref_slice %arg16[%dma_wait3A_256, %dma_wait3A_257] : memref<10000x16xf32, #tpu.memory_space<vmem_shared>> -> memref<125x16xf32, #tpu.memory_space<vmem_shared>>
      tpu.wait_dma2 semaphore(%arg19 : memref<!tpu.dma_semaphore, #tpu.memory_space<semaphore_mem>>) src(%arg14 : memref<125x16xf32, #tpu.memory_space<vmem>>) dst(%dma_wait3A_258 : memref<125x16xf32, #tpu.memory_space<vmem_shared>>)
      %add3A_259 = arith.constant 2 : i32
      %add3A_260 = arith.addi %mul3A_107, %add3A_259 : i32
      %lt3A = arith.constant 40 : i32
      %lt3A_261 = arith.cmpi slt, %add3A_260, %lt3A : i32
      %convert_element_type3A_262 = arith.extui %lt3A_261 : i1 to i32
      %cond3A_263 = arith.constant 0 : i32
      %cond3A_264 = arith.cmpi ne, %convert_element_type3A_262, %cond3A_263 : i32
      scf.if %cond3A_264 {
        %add3A_293 = arith.constant 2 : i32
        %add3A_294 = arith.addi %mul3A_107, %add3A_293 : i32
        %mul3A_295 = arith.constant 5000 : i32
        %mul3A_296 = arith.muli %add3A, %mul3A_295 : i32
        %mul3A_297 = arith.constant 125 : i32
        %mul3A_298 = arith.muli %add3A_294, %mul3A_297 : i32
        %add3A_299 = arith.addi %mul3A_296, %mul3A_298 : i32
        %dma_start3A_300 = arith.constant 0 : i32
        %dma_start3A_301 = tpu.memref_slice %arg2[%add3A_299, %dma_start3A_300] : memref<160000x128xf32, #tpu.memory_space<hbm>> -> memref<125x128xf32, #tpu.memory_space<hbm>>
        %dma_start3A_302 = arith.constant 0 : i32
        %dma_start3A_303 = tpu.memref_slice %arg2[%add3A_299, %dma_start3A_302] : memref<160000x128xf32, #tpu.memory_space<hbm>> -> memref<125x128xf32, #tpu.memory_space<hbm>>
        tpu.enqueue_dma source(%dma_start3A_303 : memref<125x128xf32, #tpu.memory_space<hbm>>) target(%arg12 : memref<125x128xf32, #tpu.memory_space<vmem>>) target_semaphore(%arg17 : memref<!tpu.dma_semaphore, #tpu.memory_space<semaphore_mem>>)
        %mul3A_304 = arith.constant 40 : i32
        %mul3A_305 = arith.muli %add3A, %mul3A_304 : i32
        %add3A_306 = arith.addi %mul3A_305, %add3A_294 : i32
        %dma_start3A_307 = arith.constant 0 : i32
        %dma_start3A_308 = arith.constant 0 : i32
        %dma_start3A_309 = tpu.memref_slice %arg10[%dma_start3A_307, %dma_start3A_308] : memref<2x125xi32, #tpu.memory_space<vmem>> -> memref<1x125xi32, #tpu.memory_space<vmem>>
        %dma_start3A_310 = arith.constant 0 : i32
        %dma_start3A_311 = tpu.memref_slice %arg3[%add3A_306, %dma_start3A_310] : memref<1280x125xi32, #tpu.memory_space<hbm>> -> memref<1x125xi32, #tpu.memory_space<hbm>>
        %dma_start3A_312 = arith.constant 0 : i32
        %dma_start3A_313 = arith.constant 0 : i32
        %dma_start3A_314 = tpu.memref_slice %arg10[%dma_start3A_312, %dma_start3A_313] : memref<2x125xi32, #tpu.memory_space<vmem>> -> memref<1x125xi32, #tpu.memory_space<vmem>>
        %dma_start3A_315 = arith.constant 0 : i32
        %dma_start3A_316 = tpu.memref_slice %arg3[%add3A_306, %dma_start3A_315] : memref<1280x125xi32, #tpu.memory_space<hbm>> -> memref<1x125xi32, #tpu.memory_space<hbm>>
        tpu.enqueue_dma source(%dma_start3A_316 : memref<1x125xi32, #tpu.memory_space<hbm>>) target(%dma_start3A_314 : memref<1x125xi32, #tpu.memory_space<vmem>>) target_semaphore(%arg17 : memref<!tpu.dma_semaphore, #tpu.memory_space<semaphore_mem>>)
        %mul3A_317 = arith.constant 40 : i32
        %mul3A_318 = arith.muli %add3A, %mul3A_317 : i32
        %add3A_319 = arith.addi %mul3A_318, %add3A_294 : i32
        %dma_start3A_320 = arith.constant 1 : i32
        %dma_start3A_321 = arith.constant 0 : i32
        %dma_start3A_322 = tpu.memref_slice %arg10[%dma_start3A_320, %dma_start3A_321] : memref<2x125xi32, #tpu.memory_space<vmem>> -> memref<1x125xi32, #tpu.memory_space<vmem>>
        %dma_start3A_323 = arith.constant 0 : i32
        %dma_start3A_324 = tpu.memref_slice %arg4[%add3A_319, %dma_start3A_323] : memref<1280x125xi32, #tpu.memory_space<hbm>> -> memref<1x125xi32, #tpu.memory_space<hbm>>
        %dma_start3A_325 = arith.constant 1 : i32
        %dma_start3A_326 = arith.constant 0 : i32
        %dma_start3A_327 = tpu.memref_slice %arg10[%dma_start3A_325, %dma_start3A_326] : memref<2x125xi32, #tpu.memory_space<vmem>> -> memref<1x125xi32, #tpu.memory_space<vmem>>
        %dma_start3A_328 = arith.constant 0 : i32
        %dma_start3A_329 = tpu.memref_slice %arg4[%add3A_319, %dma_start3A_328] : memref<1280x125xi32, #tpu.memory_space<hbm>> -> memref<1x125xi32, #tpu.memory_space<hbm>>
        tpu.enqueue_dma source(%dma_start3A_329 : memref<1x125xi32, #tpu.memory_space<hbm>>) target(%dma_start3A_327 : memref<1x125xi32, #tpu.memory_space<vmem>>) target_semaphore(%arg17 : memref<!tpu.dma_semaphore, #tpu.memory_space<semaphore_mem>>)
      } else {
      }
      %dma_start3A_265 = arith.constant 0 : i32
      %dma_start3A_266 = arith.constant 0 : i32
      %dma_start3A_267 = tpu.memref_slice %arg11[%dma_start3A_265, %dma_start3A_266] : memref<2x125xi32, #tpu.memory_space<vmem>> -> memref<1x125xi32, #tpu.memory_space<vmem>>
      %dma_start3A_268 = tpu.memref_squeeze %dma_start3A_267 : memref<1x125xi32, #tpu.memory_space<vmem>> -> memref<125xi32, #tpu.memory_space<vmem>>
      %dma_start3A_269 = arith.constant 0 : i32
      %dma_start3A_270 = arith.constant 0 : i32
      %dma_start3A_271 = tpu.memref_slice %arg15[%dma_start3A_269, %dma_start3A_270] : memref<10000x128xf32, #tpu.memory_space<vmem_shared>> -> memref<10000x128xf32, #tpu.memory_space<vmem_shared>>
      tpu.enqueue_indirect_dma source(%arg13 : memref<125x128xf32, #tpu.memory_space<vmem>>) target(%dma_start3A_271 : memref<10000x128xf32, #tpu.memory_space<vmem_shared>>) offsets(%dma_start3A_268 : memref<125xi32, #tpu.memory_space<vmem>>) semaphore(%arg20 : memref<!tpu.dma_semaphore, #tpu.memory_space<semaphore_mem>>) {add = true}
      %dma_start3A_272 = arith.constant 1 : i32
      %dma_start3A_273 = arith.constant 0 : i32
      %dma_start3A_274 = tpu.memref_slice %arg11[%dma_start3A_272, %dma_start3A_273] : memref<2x125xi32, #tpu.memory_space<vmem>> -> memref<1x125xi32, #tpu.memory_space<vmem>>
      %dma_start3A_275 = tpu.memref_squeeze %dma_start3A_274 : memref<1x125xi32, #tpu.memory_space<vmem>> -> memref<125xi32, #tpu.memory_space<vmem>>
      %dma_start3A_276 = arith.constant 0 : i32
      %dma_start3A_277 = arith.constant 0 : i32
      %dma_start3A_278 = tpu.memref_slice %arg15[%dma_start3A_276, %dma_start3A_277] : memref<10000x128xf32, #tpu.memory_space<vmem_shared>> -> memref<10000x128xf32, #tpu.memory_space<vmem_shared>>
      tpu.enqueue_indirect_dma source(%arg13 : memref<125x128xf32, #tpu.memory_space<vmem>>) target(%dma_start3A_278 : memref<10000x128xf32, #tpu.memory_space<vmem_shared>>) offsets(%dma_start3A_275 : memref<125xi32, #tpu.memory_space<vmem>>) semaphore(%arg20 : memref<!tpu.dma_semaphore, #tpu.memory_space<semaphore_mem>>) {add = true}
      %dma_start3A_279 = arith.constant 0 : i32
      %dma_start3A_280 = arith.constant 0 : i32
      %dma_start3A_281 = tpu.memref_slice %arg11[%dma_start3A_279, %dma_start3A_280] : memref<2x125xi32, #tpu.memory_space<vmem>> -> memref<1x125xi32, #tpu.memory_space<vmem>>
      %dma_start3A_282 = tpu.memref_squeeze %dma_start3A_281 : memref<1x125xi32, #tpu.memory_space<vmem>> -> memref<125xi32, #tpu.memory_space<vmem>>
      %dma_start3A_283 = arith.constant 0 : i32
      %dma_start3A_284 = arith.constant 0 : i32
      %dma_start3A_285 = tpu.memref_slice %arg16[%dma_start3A_283, %dma_start3A_284] : memref<10000x16xf32, #tpu.memory_space<vmem_shared>> -> memref<10000x16xf32, #tpu.memory_space<vmem_shared>>
      tpu.enqueue_indirect_dma source(%arg14 : memref<125x16xf32, #tpu.memory_space<vmem>>) target(%dma_start3A_285 : memref<10000x16xf32, #tpu.memory_space<vmem_shared>>) offsets(%dma_start3A_282 : memref<125xi32, #tpu.memory_space<vmem>>) semaphore(%arg20 : memref<!tpu.dma_semaphore, #tpu.memory_space<semaphore_mem>>) {add = true}
      %dma_start3A_286 = arith.constant 1 : i32
      %dma_start3A_287 = arith.constant 0 : i32
      %dma_start3A_288 = tpu.memref_slice %arg11[%dma_start3A_286, %dma_start3A_287] : memref<2x125xi32, #tpu.memory_space<vmem>> -> memref<1x125xi32, #tpu.memory_space<vmem>>
      %dma_start3A_289 = tpu.memref_squeeze %dma_start3A_288 : memref<1x125xi32, #tpu.memory_space<vmem>> -> memref<125xi32, #tpu.memory_space<vmem>>
      %dma_start3A_290 = arith.constant 0 : i32
      %dma_start3A_291 = arith.constant 0 : i32
      %dma_start3A_292 = tpu.memref_slice %arg16[%dma_start3A_290, %dma_start3A_291] : memref<10000x16xf32, #tpu.memory_space<vmem_shared>> -> memref<10000x16xf32, #tpu.memory_space<vmem_shared>>
      tpu.enqueue_indirect_dma source(%arg14 : memref<125x16xf32, #tpu.memory_space<vmem>>) target(%dma_start3A_292 : memref<10000x16xf32, #tpu.memory_space<vmem_shared>>) offsets(%dma_start3A_289 : memref<125xi32, #tpu.memory_space<vmem>>) semaphore(%arg20 : memref<!tpu.dma_semaphore, #tpu.memory_space<semaphore_mem>>) {add = true}
    }
    %scan3A_60 = arith.constant 20 : i32
    %dma_wait3A = arith.constant 0 : i32
    %dma_wait3A_61 = arith.constant 0 : i32
    %dma_wait3A_62 = tpu.memref_slice %arg15[%dma_wait3A, %dma_wait3A_61] : memref<10000x128xf32, #tpu.memory_space<vmem_shared>> -> memref<125x128xf32, #tpu.memory_space<vmem_shared>>
    %dma_wait3A_63 = arith.constant 0 : i32
    %dma_wait3A_64 = arith.constant 0 : i32
    %dma_wait3A_65 = tpu.memref_slice %arg15[%dma_wait3A_63, %dma_wait3A_64] : memref<10000x128xf32, #tpu.memory_space<vmem_shared>> -> memref<125x128xf32, #tpu.memory_space<vmem_shared>>
    tpu.wait_dma2 semaphore(%arg20 : memref<!tpu.dma_semaphore, #tpu.memory_space<semaphore_mem>>) src(%arg13 : memref<125x128xf32, #tpu.memory_space<vmem>>) dst(%dma_wait3A_65 : memref<125x128xf32, #tpu.memory_space<vmem_shared>>)
    %dma_wait3A_66 = arith.constant 0 : i32
    %dma_wait3A_67 = arith.constant 0 : i32
    %dma_wait3A_68 = tpu.memref_slice %arg15[%dma_wait3A_66, %dma_wait3A_67] : memref<10000x128xf32, #tpu.memory_space<vmem_shared>> -> memref<125x128xf32, #tpu.memory_space<vmem_shared>>
    %dma_wait3A_69 = arith.constant 0 : i32
    %dma_wait3A_70 = arith.constant 0 : i32
    %dma_wait3A_71 = tpu.memref_slice %arg15[%dma_wait3A_69, %dma_wait3A_70] : memref<10000x128xf32, #tpu.memory_space<vmem_shared>> -> memref<125x128xf32, #tpu.memory_space<vmem_shared>>
    tpu.wait_dma2 semaphore(%arg20 : memref<!tpu.dma_semaphore, #tpu.memory_space<semaphore_mem>>) src(%arg13 : memref<125x128xf32, #tpu.memory_space<vmem>>) dst(%dma_wait3A_71 : memref<125x128xf32, #tpu.memory_space<vmem_shared>>)
    %dma_wait3A_72 = arith.constant 0 : i32
    %dma_wait3A_73 = arith.constant 0 : i32
    %dma_wait3A_74 = tpu.memref_slice %arg16[%dma_wait3A_72, %dma_wait3A_73] : memref<10000x16xf32, #tpu.memory_space<vmem_shared>> -> memref<125x16xf32, #tpu.memory_space<vmem_shared>>
    %dma_wait3A_75 = arith.constant 0 : i32
    %dma_wait3A_76 = arith.constant 0 : i32
    %dma_wait3A_77 = tpu.memref_slice %arg16[%dma_wait3A_75, %dma_wait3A_76] : memref<10000x16xf32, #tpu.memory_space<vmem_shared>> -> memref<125x16xf32, #tpu.memory_space<vmem_shared>>
    tpu.wait_dma2 semaphore(%arg20 : memref<!tpu.dma_semaphore, #tpu.memory_space<semaphore_mem>>) src(%arg14 : memref<125x16xf32, #tpu.memory_space<vmem>>) dst(%dma_wait3A_77 : memref<125x16xf32, #tpu.memory_space<vmem_shared>>)
    %dma_wait3A_78 = arith.constant 0 : i32
    %dma_wait3A_79 = arith.constant 0 : i32
    %dma_wait3A_80 = tpu.memref_slice %arg16[%dma_wait3A_78, %dma_wait3A_79] : memref<10000x16xf32, #tpu.memory_space<vmem_shared>> -> memref<125x16xf32, #tpu.memory_space<vmem_shared>>
    %dma_wait3A_81 = arith.constant 0 : i32
    %dma_wait3A_82 = arith.constant 0 : i32
    %dma_wait3A_83 = tpu.memref_slice %arg16[%dma_wait3A_81, %dma_wait3A_82] : memref<10000x16xf32, #tpu.memory_space<vmem_shared>> -> memref<125x16xf32, #tpu.memory_space<vmem_shared>>
    tpu.wait_dma2 semaphore(%arg20 : memref<!tpu.dma_semaphore, #tpu.memory_space<semaphore_mem>>) src(%arg14 : memref<125x16xf32, #tpu.memory_space<vmem>>) dst(%dma_wait3A_83 : memref<125x16xf32, #tpu.memory_space<vmem_shared>>)
    %barrier3A_84 = arith.constant 0 : index
    tpu.barrier barrier_id(%barrier3A_84)
    %mul3A_85 = arith.constant 625 : i32
    %mul3A_86 = arith.muli %arg1, %mul3A_85 : i32
    %add3A_87 = arith.constant 0 : i32
    %add3A_88 = arith.addi %mul3A_86, %add3A_87 : i32
    "tpu.region"() ({
      %run_scoped3A = tpu.sem_alloc : memref<!tpu.dma_semaphore, #tpu.memory_space<semaphore_mem>>
      %dma_start3A_105 = arith.constant 0 : i32
      %dma_start3A_106 = tpu.memref_slice %arg15[%add3A_88, %dma_start3A_105] : memref<10000x128xf32, #tpu.memory_space<vmem_shared>> -> memref<125x128xf32, #tpu.memory_space<vmem_shared>>
      %dma_start3A_107 = arith.constant 0 : i32
      %dma_start3A_108 = tpu.memref_slice %arg15[%add3A_88, %dma_start3A_107] : memref<10000x128xf32, #tpu.memory_space<vmem_shared>> -> memref<125x128xf32, #tpu.memory_space<vmem_shared>>
      tpu.enqueue_dma source(%dma_start3A_108 : memref<125x128xf32, #tpu.memory_space<vmem_shared>>) target(%arg12 : memref<125x128xf32, #tpu.memory_space<vmem>>) target_semaphore(%run_scoped3A : memref<!tpu.dma_semaphore, #tpu.memory_space<semaphore_mem>>)
      %dma_wait3A_109 = arith.constant 0 : i32
      %dma_wait3A_110 = tpu.memref_slice %arg15[%add3A_88, %dma_wait3A_109] : memref<10000x128xf32, #tpu.memory_space<vmem_shared>> -> memref<125x128xf32, #tpu.memory_space<vmem_shared>>
      %dma_wait3A_111 = arith.constant 0 : i32
      %dma_wait3A_112 = tpu.memref_slice %arg15[%add3A_88, %dma_wait3A_111] : memref<10000x128xf32, #tpu.memory_space<vmem_shared>> -> memref<125x128xf32, #tpu.memory_space<vmem_shared>>
      tpu.wait_dma2 semaphore(%run_scoped3A : memref<!tpu.dma_semaphore, #tpu.memory_space<semaphore_mem>>) src(%dma_wait3A_112 : memref<125x128xf32, #tpu.memory_space<vmem_shared>>) dst(%arg12 : memref<125x128xf32, #tpu.memory_space<vmem>>)
      tpu.yield
    }) : () -> ()
    "tpu.region"() ({
      %run_scoped3A = tpu.sem_alloc : memref<!tpu.dma_semaphore, #tpu.memory_space<semaphore_mem>>
      %dma_start3A_105 = arith.constant 0 : i32
      %dma_start3A_106 = arith.constant 0 : i32
      %dma_start3A_107 = tpu.memref_slice %arg8[%arg0, %dma_start3A_105, %dma_start3A_106] : memref<2x10000x128xf32, #tpu.memory_space<hbm>> -> memref<1x10000x128xf32, #tpu.memory_space<hbm>>
      %dma_start3A_108 = tpu.memref_squeeze %dma_start3A_107 : memref<1x10000x128xf32, #tpu.memory_space<hbm>> -> memref<10000x128xf32, #tpu.memory_space<hbm>>
      %dma_start3A_109 = arith.constant 0 : i32
      %dma_start3A_110 = tpu.memref_slice %dma_start3A_108[%add3A_88, %dma_start3A_109] : memref<10000x128xf32, #tpu.memory_space<hbm>> -> memref<125x128xf32, #tpu.memory_space<hbm>>
      %dma_start3A_111 = arith.constant 0 : i32
      %dma_start3A_112 = arith.constant 0 : i32
      %dma_start3A_113 = tpu.memref_slice %arg8[%arg0, %dma_start3A_111, %dma_start3A_112] : memref<2x10000x128xf32, #tpu.memory_space<hbm>> -> memref<1x10000x128xf32, #tpu.memory_space<hbm>>
      %dma_start3A_114 = tpu.memref_squeeze %dma_start3A_113 : memref<1x10000x128xf32, #tpu.memory_space<hbm>> -> memref<10000x128xf32, #tpu.memory_space<hbm>>
      %dma_start3A_115 = arith.constant 0 : i32
      %dma_start3A_116 = tpu.memref_slice %dma_start3A_114[%add3A_88, %dma_start3A_115] : memref<10000x128xf32, #tpu.memory_space<hbm>> -> memref<125x128xf32, #tpu.memory_space<hbm>>
      tpu.enqueue_dma source(%arg12 : memref<125x128xf32, #tpu.memory_space<vmem>>) target(%dma_start3A_116 : memref<125x128xf32, #tpu.memory_space<hbm>>) target_semaphore(%run_scoped3A : memref<!tpu.dma_semaphore, #tpu.memory_space<semaphore_mem>>)
      %dma_wait3A_117 = arith.constant 0 : i32
      %dma_wait3A_118 = arith.constant 0 : i32
      %dma_wait3A_119 = tpu.memref_slice %arg8[%arg0, %dma_wait3A_117, %dma_wait3A_118] : memref<2x10000x128xf32, #tpu.memory_space<hbm>> -> memref<1x10000x128xf32, #tpu.memory_space<hbm>>
      %dma_wait3A_120 = tpu.memref_squeeze %dma_wait3A_119 : memref<1x10000x128xf32, #tpu.memory_space<hbm>> -> memref<10000x128xf32, #tpu.memory_space<hbm>>
      %dma_wait3A_121 = arith.constant 0 : i32
      %dma_wait3A_122 = tpu.memref_slice %dma_wait3A_120[%add3A_88, %dma_wait3A_121] : memref<10000x128xf32, #tpu.memory_space<hbm>> -> memref<125x128xf32, #tpu.memory_space<hbm>>
      %dma_wait3A_123 = arith.constant 0 : i32
      %dma_wait3A_124 = arith.constant 0 : i32
      %dma_wait3A_125 = tpu.memref_slice %arg8[%arg0, %dma_wait3A_123, %dma_wait3A_124] : memref<2x10000x128xf32, #tpu.memory_space<hbm>> -> memref<1x10000x128xf32, #tpu.memory_space<hbm>>
      %dma_wait3A_126 = tpu.memref_squeeze %dma_wait3A_125 : memref<1x10000x128xf32, #tpu.memory_space<hbm>> -> memref<10000x128xf32, #tpu.memory_space<hbm>>
      %dma_wait3A_127 = arith.constant 0 : i32
      %dma_wait3A_128 = tpu.memref_slice %dma_wait3A_126[%add3A_88, %dma_wait3A_127] : memref<10000x128xf32, #tpu.memory_space<hbm>> -> memref<125x128xf32, #tpu.memory_space<hbm>>
      tpu.wait_dma2 semaphore(%run_scoped3A : memref<!tpu.dma_semaphore, #tpu.memory_space<semaphore_mem>>) src(%arg12 : memref<125x128xf32, #tpu.memory_space<vmem>>) dst(%dma_wait3A_128 : memref<125x128xf32, #tpu.memory_space<hbm>>)
      tpu.yield
    }) : () -> ()
    "tpu.region"() ({
      %run_scoped3A = tpu.sem_alloc : memref<!tpu.dma_semaphore, #tpu.memory_space<semaphore_mem>>
      %dma_start3A_105 = arith.constant 0 : i32
      %dma_start3A_106 = tpu.memref_slice %arg16[%add3A_88, %dma_start3A_105] : memref<10000x16xf32, #tpu.memory_space<vmem_shared>> -> memref<125x16xf32, #tpu.memory_space<vmem_shared>>
      %dma_start3A_107 = arith.constant 0 : i32
      %dma_start3A_108 = tpu.memref_slice %arg16[%add3A_88, %dma_start3A_107] : memref<10000x16xf32, #tpu.memory_space<vmem_shared>> -> memref<125x16xf32, #tpu.memory_space<vmem_shared>>
      tpu.enqueue_dma source(%dma_start3A_108 : memref<125x16xf32, #tpu.memory_space<vmem_shared>>) target(%arg14 : memref<125x16xf32, #tpu.memory_space<vmem>>) target_semaphore(%run_scoped3A : memref<!tpu.dma_semaphore, #tpu.memory_space<semaphore_mem>>)
      %dma_wait3A_109 = arith.constant 0 : i32
      %dma_wait3A_110 = tpu.memref_slice %arg16[%add3A_88, %dma_wait3A_109] : memref<10000x16xf32, #tpu.memory_space<vmem_shared>> -> memref<125x16xf32, #tpu.memory_space<vmem_shared>>
      %dma_wait3A_111 = arith.constant 0 : i32
      %dma_wait3A_112 = tpu.memref_slice %arg16[%add3A_88, %dma_wait3A_111] : memref<10000x16xf32, #tpu.memory_space<vmem_shared>> -> memref<125x16xf32, #tpu.memory_space<vmem_shared>>
      tpu.wait_dma2 semaphore(%run_scoped3A : memref<!tpu.dma_semaphore, #tpu.memory_space<semaphore_mem>>) src(%dma_wait3A_112 : memref<125x16xf32, #tpu.memory_space<vmem_shared>>) dst(%arg14 : memref<125x16xf32, #tpu.memory_space<vmem>>)
      tpu.yield
    }) : () -> ()
    "tpu.region"() ({
      %run_scoped3A = tpu.sem_alloc : memref<!tpu.dma_semaphore, #tpu.memory_space<semaphore_mem>>
      %dma_start3A_105 = arith.constant 0 : i32
      %dma_start3A_106 = arith.constant 0 : i32
      %dma_start3A_107 = tpu.memref_slice %arg9[%arg0, %dma_start3A_105, %dma_start3A_106] : memref<2x10000x16xf32, #tpu.memory_space<hbm>> -> memref<1x10000x16xf32, #tpu.memory_space<hbm>>
      %dma_start3A_108 = tpu.memref_squeeze %dma_start3A_107 : memref<1x10000x16xf32, #tpu.memory_space<hbm>> -> memref<10000x16xf32, #tpu.memory_space<hbm>>
      %dma_start3A_109 = arith.constant 0 : i32
      %dma_start3A_110 = tpu.memref_slice %dma_start3A_108[%add3A_88, %dma_start3A_109] : memref<10000x16xf32, #tpu.memory_space<hbm>> -> memref<125x16xf32, #tpu.memory_space<hbm>>
      %dma_start3A_111 = arith.constant 0 : i32
      %dma_start3A_112 = arith.constant 0 : i32
      %dma_start3A_113 = tpu.memref_slice %arg9[%arg0, %dma_start3A_111, %dma_start3A_112] : memref<2x10000x16xf32, #tpu.memory_space<hbm>> -> memref<1x10000x16xf32, #tpu.memory_space<hbm>>
      %dma_start3A_114 = tpu.memref_squeeze %dma_start3A_113 : memref<1x10000x16xf32, #tpu.memory_space<hbm>> -> memref<10000x16xf32, #tpu.memory_space<hbm>>
      %dma_start3A_115 = arith.constant 0 : i32
      %dma_start3A_116 = tpu.memref_slice %dma_start3A_114[%add3A_88, %dma_start3A_115] : memref<10000x16xf32, #tpu.memory_space<hbm>> -> memref<125x16xf32, #tpu.memory_space<hbm>>
      tpu.enqueue_dma source(%arg14 : memref<125x16xf32, #tpu.memory_space<vmem>>) target(%dma_start3A_116 : memref<125x16xf32, #tpu.memory_space<hbm>>) target_semaphore(%run_scoped3A : memref<!tpu.dma_semaphore, #tpu.memory_space<semaphore_mem>>)
      %dma_wait3A_117 = arith.constant 0 : i32
      %dma_wait3A_118 = arith.constant 0 : i32
      %dma_wait3A_119 = tpu.memref_slice %arg9[%arg0, %dma_wait3A_117, %dma_wait3A_118] : memref<2x10000x16xf32, #tpu.memory_space<hbm>> -> memref<1x10000x16xf32, #tpu.memory_space<hbm>>
      %dma_wait3A_120 = tpu.memref_squeeze %dma_wait3A_119 : memref<1x10000x16xf32, #tpu.memory_space<hbm>> -> memref<10000x16xf32, #tpu.memory_space<hbm>>
      %dma_wait3A_121 = arith.constant 0 : i32
      %dma_wait3A_122 = tpu.memref_slice %dma_wait3A_120[%add3A_88, %dma_wait3A_121] : memref<10000x16xf32, #tpu.memory_space<hbm>> -> memref<125x16xf32, #tpu.memory_space<hbm>>
      %dma_wait3A_123 = arith.constant 0 : i32
      %dma_wait3A_124 = arith.constant 0 : i32
      %dma_wait3A_125 = tpu.memref_slice %arg9[%arg0, %dma_wait3A_123, %dma_wait3A_124] : memref<2x10000x16xf32, #tpu.memory_space<hbm>> -> memref<1x10000x16xf32, #tpu.memory_space<hbm>>
      %dma_wait3A_126 = tpu.memref_squeeze %dma_wait3A_125 : memref<1x10000x16xf32, #tpu.memory_space<hbm>> -> memref<10000x16xf32, #tpu.memory_space<hbm>>
      %dma_wait3A_127 = arith.constant 0 : i32
      %dma_wait3A_128 = tpu.memref_slice %dma_wait3A_126[%add3A_88, %dma_wait3A_127] : memref<10000x16xf32, #tpu.memory_space<hbm>> -> memref<125x16xf32, #tpu.memory_space<hbm>>
      tpu.wait_dma2 semaphore(%run_scoped3A : memref<!tpu.dma_semaphore, #tpu.memory_space<semaphore_mem>>) src(%arg14 : memref<125x16xf32, #tpu.memory_space<vmem>>) dst(%dma_wait3A_128 : memref<125x16xf32, #tpu.memory_space<hbm>>)
      tpu.yield
    }) : () -> ()
    %mul3A_89 = arith.constant 625 : i32
    %mul3A_90 = arith.muli %arg1, %mul3A_89 : i32
    %add3A_91 = arith.constant 125 : i32
    %add3A_92 = arith.addi %mul3A_90, %add3A_91 : i32
    "tpu.region"() ({
      %run_scoped3A = tpu.sem_alloc : memref<!tpu.dma_semaphore, #tpu.memory_space<semaphore_mem>>
      %dma_start3A_105 = arith.constant 0 : i32
      %dma_start3A_106 = tpu.memref_slice %arg15[%add3A_92, %dma_start3A_105] : memref<10000x128xf32, #tpu.memory_space<vmem_shared>> -> memref<125x128xf32, #tpu.memory_space<vmem_shared>>
      %dma_start3A_107 = arith.constant 0 : i32
      %dma_start3A_108 = tpu.memref_slice %arg15[%add3A_92, %dma_start3A_107] : memref<10000x128xf32, #tpu.memory_space<vmem_shared>> -> memref<125x128xf32, #tpu.memory_space<vmem_shared>>
      tpu.enqueue_dma source(%dma_start3A_108 : memref<125x128xf32, #tpu.memory_space<vmem_shared>>) target(%arg12 : memref<125x128xf32, #tpu.memory_space<vmem>>) target_semaphore(%run_scoped3A : memref<!tpu.dma_semaphore, #tpu.memory_space<semaphore_mem>>)
      %dma_wait3A_109 = arith.constant 0 : i32
      %dma_wait3A_110 = tpu.memref_slice %arg15[%add3A_92, %dma_wait3A_109] : memref<10000x128xf32, #tpu.memory_space<vmem_shared>> -> memref<125x128xf32, #tpu.memory_space<vmem_shared>>
      %dma_wait3A_111 = arith.constant 0 : i32
      %dma_wait3A_112 = tpu.memref_slice %arg15[%add3A_92, %dma_wait3A_111] : memref<10000x128xf32, #tpu.memory_space<vmem_shared>> -> memref<125x128xf32, #tpu.memory_space<vmem_shared>>
      tpu.wait_dma2 semaphore(%run_scoped3A : memref<!tpu.dma_semaphore, #tpu.memory_space<semaphore_mem>>) src(%dma_wait3A_112 : memref<125x128xf32, #tpu.memory_space<vmem_shared>>) dst(%arg12 : memref<125x128xf32, #tpu.memory_space<vmem>>)
      tpu.yield
    }) : () -> ()
    "tpu.region"() ({
      %run_scoped3A = tpu.sem_alloc : memref<!tpu.dma_semaphore, #tpu.memory_space<semaphore_mem>>
      %dma_start3A_105 = arith.constant 0 : i32
      %dma_start3A_106 = arith.constant 0 : i32
      %dma_start3A_107 = tpu.memref_slice %arg8[%arg0, %dma_start3A_105, %dma_start3A_106] : memref<2x10000x128xf32, #tpu.memory_space<hbm>> -> memref<1x10000x128xf32, #tpu.memory_space<hbm>>
      %dma_start3A_108 = tpu.memref_squeeze %dma_start3A_107 : memref<1x10000x128xf32, #tpu.memory_space<hbm>> -> memref<10000x128xf32, #tpu.memory_space<hbm>>
      %dma_start3A_109 = arith.constant 0 : i32
      %dma_start3A_110 = tpu.memref_slice %dma_start3A_108[%add3A_92, %dma_start3A_109] : memref<10000x128xf32, #tpu.memory_space<hbm>> -> memref<125x128xf32, #tpu.memory_space<hbm>>
      %dma_start3A_111 = arith.constant 0 : i32
      %dma_start3A_112 = arith.constant 0 : i32
      %dma_start3A_113 = tpu.memref_slice %arg8[%arg0, %dma_start3A_111, %dma_start3A_112] : memref<2x10000x128xf32, #tpu.memory_space<hbm>> -> memref<1x10000x128xf32, #tpu.memory_space<hbm>>
      %dma_start3A_114 = tpu.memref_squeeze %dma_start3A_113 : memref<1x10000x128xf32, #tpu.memory_space<hbm>> -> memref<10000x128xf32, #tpu.memory_space<hbm>>
      %dma_start3A_115 = arith.constant 0 : i32
      %dma_start3A_116 = tpu.memref_slice %dma_start3A_114[%add3A_92, %dma_start3A_115] : memref<10000x128xf32, #tpu.memory_space<hbm>> -> memref<125x128xf32, #tpu.memory_space<hbm>>
      tpu.enqueue_dma source(%arg12 : memref<125x128xf32, #tpu.memory_space<vmem>>) target(%dma_start3A_116 : memref<125x128xf32, #tpu.memory_space<hbm>>) target_semaphore(%run_scoped3A : memref<!tpu.dma_semaphore, #tpu.memory_space<semaphore_mem>>)
      %dma_wait3A_117 = arith.constant 0 : i32
      %dma_wait3A_118 = arith.constant 0 : i32
      %dma_wait3A_119 = tpu.memref_slice %arg8[%arg0, %dma_wait3A_117, %dma_wait3A_118] : memref<2x10000x128xf32, #tpu.memory_space<hbm>> -> memref<1x10000x128xf32, #tpu.memory_space<hbm>>
      %dma_wait3A_120 = tpu.memref_squeeze %dma_wait3A_119 : memref<1x10000x128xf32, #tpu.memory_space<hbm>> -> memref<10000x128xf32, #tpu.memory_space<hbm>>
      %dma_wait3A_121 = arith.constant 0 : i32
      %dma_wait3A_122 = tpu.memref_slice %dma_wait3A_120[%add3A_92, %dma_wait3A_121] : memref<10000x128xf32, #tpu.memory_space<hbm>> -> memref<125x128xf32, #tpu.memory_space<hbm>>
      %dma_wait3A_123 = arith.constant 0 : i32
      %dma_wait3A_124 = arith.constant 0 : i32
      %dma_wait3A_125 = tpu.memref_slice %arg8[%arg0, %dma_wait3A_123, %dma_wait3A_124] : memref<2x10000x128xf32, #tpu.memory_space<hbm>> -> memref<1x10000x128xf32, #tpu.memory_space<hbm>>
      %dma_wait3A_126 = tpu.memref_squeeze %dma_wait3A_125 : memref<1x10000x128xf32, #tpu.memory_space<hbm>> -> memref<10000x128xf32, #tpu.memory_space<hbm>>
      %dma_wait3A_127 = arith.constant 0 : i32
      %dma_wait3A_128 = tpu.memref_slice %dma_wait3A_126[%add3A_92, %dma_wait3A_127] : memref<10000x128xf32, #tpu.memory_space<hbm>> -> memref<125x128xf32, #tpu.memory_space<hbm>>
      tpu.wait_dma2 semaphore(%run_scoped3A : memref<!tpu.dma_semaphore, #tpu.memory_space<semaphore_mem>>) src(%arg12 : memref<125x128xf32, #tpu.memory_space<vmem>>) dst(%dma_wait3A_128 : memref<125x128xf32, #tpu.memory_space<hbm>>)
      tpu.yield
    }) : () -> ()
    "tpu.region"() ({
      %run_scoped3A = tpu.sem_alloc : memref<!tpu.dma_semaphore, #tpu.memory_space<semaphore_mem>>
      %dma_start3A_105 = arith.constant 0 : i32
      %dma_start3A_106 = tpu.memref_slice %arg16[%add3A_92, %dma_start3A_105] : memref<10000x16xf32, #tpu.memory_space<vmem_shared>> -> memref<125x16xf32, #tpu.memory_space<vmem_shared>>
      %dma_start3A_107 = arith.constant 0 : i32
      %dma_start3A_108 = tpu.memref_slice %arg16[%add3A_92, %dma_start3A_107] : memref<10000x16xf32, #tpu.memory_space<vmem_shared>> -> memref<125x16xf32, #tpu.memory_space<vmem_shared>>
      tpu.enqueue_dma source(%dma_start3A_108 : memref<125x16xf32, #tpu.memory_space<vmem_shared>>) target(%arg14 : memref<125x16xf32, #tpu.memory_space<vmem>>) target_semaphore(%run_scoped3A : memref<!tpu.dma_semaphore, #tpu.memory_space<semaphore_mem>>)
      %dma_wait3A_109 = arith.constant 0 : i32
      %dma_wait3A_110 = tpu.memref_slice %arg16[%add3A_92, %dma_wait3A_109] : memref<10000x16xf32, #tpu.memory_space<vmem_shared>> -> memref<125x16xf32, #tpu.memory_space<vmem_shared>>
      %dma_wait3A_111 = arith.constant 0 : i32
      %dma_wait3A_112 = tpu.memref_slice %arg16[%add3A_92, %dma_wait3A_111] : memref<10000x16xf32, #tpu.memory_space<vmem_shared>> -> memref<125x16xf32, #tpu.memory_space<vmem_shared>>
      tpu.wait_dma2 semaphore(%run_scoped3A : memref<!tpu.dma_semaphore, #tpu.memory_space<semaphore_mem>>) src(%dma_wait3A_112 : memref<125x16xf32, #tpu.memory_space<vmem_shared>>) dst(%arg14 : memref<125x16xf32, #tpu.memory_space<vmem>>)
      tpu.yield
    }) : () -> ()
    "tpu.region"() ({
      %run_scoped3A = tpu.sem_alloc : memref<!tpu.dma_semaphore, #tpu.memory_space<semaphore_mem>>
      %dma_start3A_105 = arith.constant 0 : i32
      %dma_start3A_106 = arith.constant 0 : i32
      %dma_start3A_107 = tpu.memref_slice %arg9[%arg0, %dma_start3A_105, %dma_start3A_106] : memref<2x10000x16xf32, #tpu.memory_space<hbm>> -> memref<1x10000x16xf32, #tpu.memory_space<hbm>>
      %dma_start3A_108 = tpu.memref_squeeze %dma_start3A_107 : memref<1x10000x16xf32, #tpu.memory_space<hbm>> -> memref<10000x16xf32, #tpu.memory_space<hbm>>
      %dma_start3A_109 = arith.constant 0 : i32
      %dma_start3A_110 = tpu.memref_slice %dma_start3A_108[%add3A_92, %dma_start3A_109] : memref<10000x16xf32, #tpu.memory_space<hbm>> -> memref<125x16xf32, #tpu.memory_space<hbm>>
      %dma_start3A_111 = arith.constant 0 : i32
      %dma_start3A_112 = arith.constant 0 : i32
      %dma_start3A_113 = tpu.memref_slice %arg9[%arg0, %dma_start3A_111, %dma_start3A_112] : memref<2x10000x16xf32, #tpu.memory_space<hbm>> -> memref<1x10000x16xf32, #tpu.memory_space<hbm>>
      %dma_start3A_114 = tpu.memref_squeeze %dma_start3A_113 : memref<1x10000x16xf32, #tpu.memory_space<hbm>> -> memref<10000x16xf32, #tpu.memory_space<hbm>>
      %dma_start3A_115 = arith.constant 0 : i32
      %dma_start3A_116 = tpu.memref_slice %dma_start3A_114[%add3A_92, %dma_start3A_115] : memref<10000x16xf32, #tpu.memory_space<hbm>> -> memref<125x16xf32, #tpu.memory_space<hbm>>
      tpu.enqueue_dma source(%arg14 : memref<125x16xf32, #tpu.memory_space<vmem>>) target(%dma_start3A_116 : memref<125x16xf32, #tpu.memory_space<hbm>>) target_semaphore(%run_scoped3A : memref<!tpu.dma_semaphore, #tpu.memory_space<semaphore_mem>>)
      %dma_wait3A_117 = arith.constant 0 : i32
      %dma_wait3A_118 = arith.constant 0 : i32
      %dma_wait3A_119 = tpu.memref_slice %arg9[%arg0, %dma_wait3A_117, %dma_wait3A_118] : memref<2x10000x16xf32, #tpu.memory_space<hbm>> -> memref<1x10000x16xf32, #tpu.memory_space<hbm>>
      %dma_wait3A_120 = tpu.memref_squeeze %dma_wait3A_119 : memref<1x10000x16xf32, #tpu.memory_space<hbm>> -> memref<10000x16xf32, #tpu.memory_space<hbm>>
      %dma_wait3A_121 = arith.constant 0 : i32
      %dma_wait3A_122 = tpu.memref_slice %dma_wait3A_120[%add3A_92, %dma_wait3A_121] : memref<10000x16xf32, #tpu.memory_space<hbm>> -> memref<125x16xf32, #tpu.memory_space<hbm>>
      %dma_wait3A_123 = arith.constant 0 : i32
      %dma_wait3A_124 = arith.constant 0 : i32
      %dma_wait3A_125 = tpu.memref_slice %arg9[%arg0, %dma_wait3A_123, %dma_wait3A_124] : memref<2x10000x16xf32, #tpu.memory_space<hbm>> -> memref<1x10000x16xf32, #tpu.memory_space<hbm>>
      %dma_wait3A_126 = tpu.memref_squeeze %dma_wait3A_125 : memref<1x10000x16xf32, #tpu.memory_space<hbm>> -> memref<10000x16xf32, #tpu.memory_space<hbm>>
      %dma_wait3A_127 = arith.constant 0 : i32
      %dma_wait3A_128 = tpu.memref_slice %dma_wait3A_126[%add3A_92, %dma_wait3A_127] : memref<10000x16xf32, #tpu.memory_space<hbm>> -> memref<125x16xf32, #tpu.memory_space<hbm>>
      tpu.wait_dma2 semaphore(%run_scoped3A : memref<!tpu.dma_semaphore, #tpu.memory_space<semaphore_mem>>) src(%arg14 : memref<125x16xf32, #tpu.memory_space<vmem>>) dst(%dma_wait3A_128 : memref<125x16xf32, #tpu.memory_space<hbm>>)
      tpu.yield
    }) : () -> ()
    %mul3A_93 = arith.constant 625 : i32
    %mul3A_94 = arith.muli %arg1, %mul3A_93 : i32
    %add3A_95 = arith.constant 250 : i32
    %add3A_96 = arith.addi %mul3A_94, %add3A_95 : i32
    "tpu.region"() ({
      %run_scoped3A = tpu.sem_alloc : memref<!tpu.dma_semaphore, #tpu.memory_space<semaphore_mem>>
      %dma_start3A_105 = arith.constant 0 : i32
      %dma_start3A_106 = tpu.memref_slice %arg15[%add3A_96, %dma_start3A_105] : memref<10000x128xf32, #tpu.memory_space<vmem_shared>> -> memref<125x128xf32, #tpu.memory_space<vmem_shared>>
      %dma_start3A_107 = arith.constant 0 : i32
      %dma_start3A_108 = tpu.memref_slice %arg15[%add3A_96, %dma_start3A_107] : memref<10000x128xf32, #tpu.memory_space<vmem_shared>> -> memref<125x128xf32, #tpu.memory_space<vmem_shared>>
      tpu.enqueue_dma source(%dma_start3A_108 : memref<125x128xf32, #tpu.memory_space<vmem_shared>>) target(%arg12 : memref<125x128xf32, #tpu.memory_space<vmem>>) target_semaphore(%run_scoped3A : memref<!tpu.dma_semaphore, #tpu.memory_space<semaphore_mem>>)
      %dma_wait3A_109 = arith.constant 0 : i32
      %dma_wait3A_110 = tpu.memref_slice %arg15[%add3A_96, %dma_wait3A_109] : memref<10000x128xf32, #tpu.memory_space<vmem_shared>> -> memref<125x128xf32, #tpu.memory_space<vmem_shared>>
      %dma_wait3A_111 = arith.constant 0 : i32
      %dma_wait3A_112 = tpu.memref_slice %arg15[%add3A_96, %dma_wait3A_111] : memref<10000x128xf32, #tpu.memory_space<vmem_shared>> -> memref<125x128xf32, #tpu.memory_space<vmem_shared>>
      tpu.wait_dma2 semaphore(%run_scoped3A : memref<!tpu.dma_semaphore, #tpu.memory_space<semaphore_mem>>) src(%dma_wait3A_112 : memref<125x128xf32, #tpu.memory_space<vmem_shared>>) dst(%arg12 : memref<125x128xf32, #tpu.memory_space<vmem>>)
      tpu.yield
    }) : () -> ()
    "tpu.region"() ({
      %run_scoped3A = tpu.sem_alloc : memref<!tpu.dma_semaphore, #tpu.memory_space<semaphore_mem>>
      %dma_start3A_105 = arith.constant 0 : i32
      %dma_start3A_106 = arith.constant 0 : i32
      %dma_start3A_107 = tpu.memref_slice %arg8[%arg0, %dma_start3A_105, %dma_start3A_106] : memref<2x10000x128xf32, #tpu.memory_space<hbm>> -> memref<1x10000x128xf32, #tpu.memory_space<hbm>>
      %dma_start3A_108 = tpu.memref_squeeze %dma_start3A_107 : memref<1x10000x128xf32, #tpu.memory_space<hbm>> -> memref<10000x128xf32, #tpu.memory_space<hbm>>
      %dma_start3A_109 = arith.constant 0 : i32
      %dma_start3A_110 = tpu.memref_slice %dma_start3A_108[%add3A_96, %dma_start3A_109] : memref<10000x128xf32, #tpu.memory_space<hbm>> -> memref<125x128xf32, #tpu.memory_space<hbm>>
      %dma_start3A_111 = arith.constant 0 : i32
      %dma_start3A_112 = arith.constant 0 : i32
      %dma_start3A_113 = tpu.memref_slice %arg8[%arg0, %dma_start3A_111, %dma_start3A_112] : memref<2x10000x128xf32, #tpu.memory_space<hbm>> -> memref<1x10000x128xf32, #tpu.memory_space<hbm>>
      %dma_start3A_114 = tpu.memref_squeeze %dma_start3A_113 : memref<1x10000x128xf32, #tpu.memory_space<hbm>> -> memref<10000x128xf32, #tpu.memory_space<hbm>>
      %dma_start3A_115 = arith.constant 0 : i32
      %dma_start3A_116 = tpu.memref_slice %dma_start3A_114[%add3A_96, %dma_start3A_115] : memref<10000x128xf32, #tpu.memory_space<hbm>> -> memref<125x128xf32, #tpu.memory_space<hbm>>
      tpu.enqueue_dma source(%arg12 : memref<125x128xf32, #tpu.memory_space<vmem>>) target(%dma_start3A_116 : memref<125x128xf32, #tpu.memory_space<hbm>>) target_semaphore(%run_scoped3A : memref<!tpu.dma_semaphore, #tpu.memory_space<semaphore_mem>>)
      %dma_wait3A_117 = arith.constant 0 : i32
      %dma_wait3A_118 = arith.constant 0 : i32
      %dma_wait3A_119 = tpu.memref_slice %arg8[%arg0, %dma_wait3A_117, %dma_wait3A_118] : memref<2x10000x128xf32, #tpu.memory_space<hbm>> -> memref<1x10000x128xf32, #tpu.memory_space<hbm>>
      %dma_wait3A_120 = tpu.memref_squeeze %dma_wait3A_119 : memref<1x10000x128xf32, #tpu.memory_space<hbm>> -> memref<10000x128xf32, #tpu.memory_space<hbm>>
      %dma_wait3A_121 = arith.constant 0 : i32
      %dma_wait3A_122 = tpu.memref_slice %dma_wait3A_120[%add3A_96, %dma_wait3A_121] : memref<10000x128xf32, #tpu.memory_space<hbm>> -> memref<125x128xf32, #tpu.memory_space<hbm>>
      %dma_wait3A_123 = arith.constant 0 : i32
      %dma_wait3A_124 = arith.constant 0 : i32
      %dma_wait3A_125 = tpu.memref_slice %arg8[%arg0, %dma_wait3A_123, %dma_wait3A_124] : memref<2x10000x128xf32, #tpu.memory_space<hbm>> -> memref<1x10000x128xf32, #tpu.memory_space<hbm>>
      %dma_wait3A_126 = tpu.memref_squeeze %dma_wait3A_125 : memref<1x10000x128xf32, #tpu.memory_space<hbm>> -> memref<10000x128xf32, #tpu.memory_space<hbm>>
      %dma_wait3A_127 = arith.constant 0 : i32
      %dma_wait3A_128 = tpu.memref_slice %dma_wait3A_126[%add3A_96, %dma_wait3A_127] : memref<10000x128xf32, #tpu.memory_space<hbm>> -> memref<125x128xf32, #tpu.memory_space<hbm>>
      tpu.wait_dma2 semaphore(%run_scoped3A : memref<!tpu.dma_semaphore, #tpu.memory_space<semaphore_mem>>) src(%arg12 : memref<125x128xf32, #tpu.memory_space<vmem>>) dst(%dma_wait3A_128 : memref<125x128xf32, #tpu.memory_space<hbm>>)
      tpu.yield
    }) : () -> ()
    "tpu.region"() ({
      %run_scoped3A = tpu.sem_alloc : memref<!tpu.dma_semaphore, #tpu.memory_space<semaphore_mem>>
      %dma_start3A_105 = arith.constant 0 : i32
      %dma_start3A_106 = tpu.memref_slice %arg16[%add3A_96, %dma_start3A_105] : memref<10000x16xf32, #tpu.memory_space<vmem_shared>> -> memref<125x16xf32, #tpu.memory_space<vmem_shared>>
      %dma_start3A_107 = arith.constant 0 : i32
      %dma_start3A_108 = tpu.memref_slice %arg16[%add3A_96, %dma_start3A_107] : memref<10000x16xf32, #tpu.memory_space<vmem_shared>> -> memref<125x16xf32, #tpu.memory_space<vmem_shared>>
      tpu.enqueue_dma source(%dma_start3A_108 : memref<125x16xf32, #tpu.memory_space<vmem_shared>>) target(%arg14 : memref<125x16xf32, #tpu.memory_space<vmem>>) target_semaphore(%run_scoped3A : memref<!tpu.dma_semaphore, #tpu.memory_space<semaphore_mem>>)
      %dma_wait3A_109 = arith.constant 0 : i32
      %dma_wait3A_110 = tpu.memref_slice %arg16[%add3A_96, %dma_wait3A_109] : memref<10000x16xf32, #tpu.memory_space<vmem_shared>> -> memref<125x16xf32, #tpu.memory_space<vmem_shared>>
      %dma_wait3A_111 = arith.constant 0 : i32
      %dma_wait3A_112 = tpu.memref_slice %arg16[%add3A_96, %dma_wait3A_111] : memref<10000x16xf32, #tpu.memory_space<vmem_shared>> -> memref<125x16xf32, #tpu.memory_space<vmem_shared>>
      tpu.wait_dma2 semaphore(%run_scoped3A : memref<!tpu.dma_semaphore, #tpu.memory_space<semaphore_mem>>) src(%dma_wait3A_112 : memref<125x16xf32, #tpu.memory_space<vmem_shared>>) dst(%arg14 : memref<125x16xf32, #tpu.memory_space<vmem>>)
      tpu.yield
    }) : () -> ()
    "tpu.region"() ({
      %run_scoped3A = tpu.sem_alloc : memref<!tpu.dma_semaphore, #tpu.memory_space<semaphore_mem>>
      %dma_start3A_105 = arith.constant 0 : i32
      %dma_start3A_106 = arith.constant 0 : i32
      %dma_start3A_107 = tpu.memref_slice %arg9[%arg0, %dma_start3A_105, %dma_start3A_106] : memref<2x10000x16xf32, #tpu.memory_space<hbm>> -> memref<1x10000x16xf32, #tpu.memory_space<hbm>>
      %dma_start3A_108 = tpu.memref_squeeze %dma_start3A_107 : memref<1x10000x16xf32, #tpu.memory_space<hbm>> -> memref<10000x16xf32, #tpu.memory_space<hbm>>
      %dma_start3A_109 = arith.constant 0 : i32
      %dma_start3A_110 = tpu.memref_slice %dma_start3A_108[%add3A_96, %dma_start3A_109] : memref<10000x16xf32, #tpu.memory_space<hbm>> -> memref<125x16xf32, #tpu.memory_space<hbm>>
      %dma_start3A_111 = arith.constant 0 : i32
      %dma_start3A_112 = arith.constant 0 : i32
      %dma_start3A_113 = tpu.memref_slice %arg9[%arg0, %dma_start3A_111, %dma_start3A_112] : memref<2x10000x16xf32, #tpu.memory_space<hbm>> -> memref<1x10000x16xf32, #tpu.memory_space<hbm>>
      %dma_start3A_114 = tpu.memref_squeeze %dma_start3A_113 : memref<1x10000x16xf32, #tpu.memory_space<hbm>> -> memref<10000x16xf32, #tpu.memory_space<hbm>>
      %dma_start3A_115 = arith.constant 0 : i32
      %dma_start3A_116 = tpu.memref_slice %dma_start3A_114[%add3A_96, %dma_start3A_115] : memref<10000x16xf32, #tpu.memory_space<hbm>> -> memref<125x16xf32, #tpu.memory_space<hbm>>
      tpu.enqueue_dma source(%arg14 : memref<125x16xf32, #tpu.memory_space<vmem>>) target(%dma_start3A_116 : memref<125x16xf32, #tpu.memory_space<hbm>>) target_semaphore(%run_scoped3A : memref<!tpu.dma_semaphore, #tpu.memory_space<semaphore_mem>>)
      %dma_wait3A_117 = arith.constant 0 : i32
      %dma_wait3A_118 = arith.constant 0 : i32
      %dma_wait3A_119 = tpu.memref_slice %arg9[%arg0, %dma_wait3A_117, %dma_wait3A_118] : memref<2x10000x16xf32, #tpu.memory_space<hbm>> -> memref<1x10000x16xf32, #tpu.memory_space<hbm>>
      %dma_wait3A_120 = tpu.memref_squeeze %dma_wait3A_119 : memref<1x10000x16xf32, #tpu.memory_space<hbm>> -> memref<10000x16xf32, #tpu.memory_space<hbm>>
      %dma_wait3A_121 = arith.constant 0 : i32
      %dma_wait3A_122 = tpu.memref_slice %dma_wait3A_120[%add3A_96, %dma_wait3A_121] : memref<10000x16xf32, #tpu.memory_space<hbm>> -> memref<125x16xf32, #tpu.memory_space<hbm>>
      %dma_wait3A_123 = arith.constant 0 : i32
      %dma_wait3A_124 = arith.constant 0 : i32
      %dma_wait3A_125 = tpu.memref_slice %arg9[%arg0, %dma_wait3A_123, %dma_wait3A_124] : memref<2x10000x16xf32, #tpu.memory_space<hbm>> -> memref<1x10000x16xf32, #tpu.memory_space<hbm>>
      %dma_wait3A_126 = tpu.memref_squeeze %dma_wait3A_125 : memref<1x10000x16xf32, #tpu.memory_space<hbm>> -> memref<10000x16xf32, #tpu.memory_space<hbm>>
      %dma_wait3A_127 = arith.constant 0 : i32
      %dma_wait3A_128 = tpu.memref_slice %dma_wait3A_126[%add3A_96, %dma_wait3A_127] : memref<10000x16xf32, #tpu.memory_space<hbm>> -> memref<125x16xf32, #tpu.memory_space<hbm>>
      tpu.wait_dma2 semaphore(%run_scoped3A : memref<!tpu.dma_semaphore, #tpu.memory_space<semaphore_mem>>) src(%arg14 : memref<125x16xf32, #tpu.memory_space<vmem>>) dst(%dma_wait3A_128 : memref<125x16xf32, #tpu.memory_space<hbm>>)
      tpu.yield
    }) : () -> ()
    %mul3A_97 = arith.constant 625 : i32
    %mul3A_98 = arith.muli %arg1, %mul3A_97 : i32
    %add3A_99 = arith.constant 375 : i32
    %add3A_100 = arith.addi %mul3A_98, %add3A_99 : i32
    "tpu.region"() ({
      %run_scoped3A = tpu.sem_alloc : memref<!tpu.dma_semaphore, #tpu.memory_space<semaphore_mem>>
      %dma_start3A_105 = arith.constant 0 : i32
      %dma_start3A_106 = tpu.memref_slice %arg15[%add3A_100, %dma_start3A_105] : memref<10000x128xf32, #tpu.memory_space<vmem_shared>> -> memref<125x128xf32, #tpu.memory_space<vmem_shared>>
      %dma_start3A_107 = arith.constant 0 : i32
      %dma_start3A_108 = tpu.memref_slice %arg15[%add3A_100, %dma_start3A_107] : memref<10000x128xf32, #tpu.memory_space<vmem_shared>> -> memref<125x128xf32, #tpu.memory_space<vmem_shared>>
      tpu.enqueue_dma source(%dma_start3A_108 : memref<125x128xf32, #tpu.memory_space<vmem_shared>>) target(%arg12 : memref<125x128xf32, #tpu.memory_space<vmem>>) target_semaphore(%run_scoped3A : memref<!tpu.dma_semaphore, #tpu.memory_space<semaphore_mem>>)
      %dma_wait3A_109 = arith.constant 0 : i32
      %dma_wait3A_110 = tpu.memref_slice %arg15[%add3A_100, %dma_wait3A_109] : memref<10000x128xf32, #tpu.memory_space<vmem_shared>> -> memref<125x128xf32, #tpu.memory_space<vmem_shared>>
      %dma_wait3A_111 = arith.constant 0 : i32
      %dma_wait3A_112 = tpu.memref_slice %arg15[%add3A_100, %dma_wait3A_111] : memref<10000x128xf32, #tpu.memory_space<vmem_shared>> -> memref<125x128xf32, #tpu.memory_space<vmem_shared>>
      tpu.wait_dma2 semaphore(%run_scoped3A : memref<!tpu.dma_semaphore, #tpu.memory_space<semaphore_mem>>) src(%dma_wait3A_112 : memref<125x128xf32, #tpu.memory_space<vmem_shared>>) dst(%arg12 : memref<125x128xf32, #tpu.memory_space<vmem>>)
      tpu.yield
    }) : () -> ()
    "tpu.region"() ({
      %run_scoped3A = tpu.sem_alloc : memref<!tpu.dma_semaphore, #tpu.memory_space<semaphore_mem>>
      %dma_start3A_105 = arith.constant 0 : i32
      %dma_start3A_106 = arith.constant 0 : i32
      %dma_start3A_107 = tpu.memref_slice %arg8[%arg0, %dma_start3A_105, %dma_start3A_106] : memref<2x10000x128xf32, #tpu.memory_space<hbm>> -> memref<1x10000x128xf32, #tpu.memory_space<hbm>>
      %dma_start3A_108 = tpu.memref_squeeze %dma_start3A_107 : memref<1x10000x128xf32, #tpu.memory_space<hbm>> -> memref<10000x128xf32, #tpu.memory_space<hbm>>
      %dma_start3A_109 = arith.constant 0 : i32
      %dma_start3A_110 = tpu.memref_slice %dma_start3A_108[%add3A_100, %dma_start3A_109] : memref<10000x128xf32, #tpu.memory_space<hbm>> -> memref<125x128xf32, #tpu.memory_space<hbm>>
      %dma_start3A_111 = arith.constant 0 : i32
      %dma_start3A_112 = arith.constant 0 : i32
      %dma_start3A_113 = tpu.memref_slice %arg8[%arg0, %dma_start3A_111, %dma_start3A_112] : memref<2x10000x128xf32, #tpu.memory_space<hbm>> -> memref<1x10000x128xf32, #tpu.memory_space<hbm>>
      %dma_start3A_114 = tpu.memref_squeeze %dma_start3A_113 : memref<1x10000x128xf32, #tpu.memory_space<hbm>> -> memref<10000x128xf32, #tpu.memory_space<hbm>>
      %dma_start3A_115 = arith.constant 0 : i32
      %dma_start3A_116 = tpu.memref_slice %dma_start3A_114[%add3A_100, %dma_start3A_115] : memref<10000x128xf32, #tpu.memory_space<hbm>> -> memref<125x128xf32, #tpu.memory_space<hbm>>
      tpu.enqueue_dma source(%arg12 : memref<125x128xf32, #tpu.memory_space<vmem>>) target(%dma_start3A_116 : memref<125x128xf32, #tpu.memory_space<hbm>>) target_semaphore(%run_scoped3A : memref<!tpu.dma_semaphore, #tpu.memory_space<semaphore_mem>>)
      %dma_wait3A_117 = arith.constant 0 : i32
      %dma_wait3A_118 = arith.constant 0 : i32
      %dma_wait3A_119 = tpu.memref_slice %arg8[%arg0, %dma_wait3A_117, %dma_wait3A_118] : memref<2x10000x128xf32, #tpu.memory_space<hbm>> -> memref<1x10000x128xf32, #tpu.memory_space<hbm>>
      %dma_wait3A_120 = tpu.memref_squeeze %dma_wait3A_119 : memref<1x10000x128xf32, #tpu.memory_space<hbm>> -> memref<10000x128xf32, #tpu.memory_space<hbm>>
      %dma_wait3A_121 = arith.constant 0 : i32
      %dma_wait3A_122 = tpu.memref_slice %dma_wait3A_120[%add3A_100, %dma_wait3A_121] : memref<10000x128xf32, #tpu.memory_space<hbm>> -> memref<125x128xf32, #tpu.memory_space<hbm>>
      %dma_wait3A_123 = arith.constant 0 : i32
      %dma_wait3A_124 = arith.constant 0 : i32
      %dma_wait3A_125 = tpu.memref_slice %arg8[%arg0, %dma_wait3A_123, %dma_wait3A_124] : memref<2x10000x128xf32, #tpu.memory_space<hbm>> -> memref<1x10000x128xf32, #tpu.memory_space<hbm>>
      %dma_wait3A_126 = tpu.memref_squeeze %dma_wait3A_125 : memref<1x10000x128xf32, #tpu.memory_space<hbm>> -> memref<10000x128xf32, #tpu.memory_space<hbm>>
      %dma_wait3A_127 = arith.constant 0 : i32
      %dma_wait3A_128 = tpu.memref_slice %dma_wait3A_126[%add3A_100, %dma_wait3A_127] : memref<10000x128xf32, #tpu.memory_space<hbm>> -> memref<125x128xf32, #tpu.memory_space<hbm>>
      tpu.wait_dma2 semaphore(%run_scoped3A : memref<!tpu.dma_semaphore, #tpu.memory_space<semaphore_mem>>) src(%arg12 : memref<125x128xf32, #tpu.memory_space<vmem>>) dst(%dma_wait3A_128 : memref<125x128xf32, #tpu.memory_space<hbm>>)
      tpu.yield
    }) : () -> ()
    "tpu.region"() ({
      %run_scoped3A = tpu.sem_alloc : memref<!tpu.dma_semaphore, #tpu.memory_space<semaphore_mem>>
      %dma_start3A_105 = arith.constant 0 : i32
      %dma_start3A_106 = tpu.memref_slice %arg16[%add3A_100, %dma_start3A_105] : memref<10000x16xf32, #tpu.memory_space<vmem_shared>> -> memref<125x16xf32, #tpu.memory_space<vmem_shared>>
      %dma_start3A_107 = arith.constant 0 : i32
      %dma_start3A_108 = tpu.memref_slice %arg16[%add3A_100, %dma_start3A_107] : memref<10000x16xf32, #tpu.memory_space<vmem_shared>> -> memref<125x16xf32, #tpu.memory_space<vmem_shared>>
      tpu.enqueue_dma source(%dma_start3A_108 : memref<125x16xf32, #tpu.memory_space<vmem_shared>>) target(%arg14 : memref<125x16xf32, #tpu.memory_space<vmem>>) target_semaphore(%run_scoped3A : memref<!tpu.dma_semaphore, #tpu.memory_space<semaphore_mem>>)
      %dma_wait3A_109 = arith.constant 0 : i32
      %dma_wait3A_110 = tpu.memref_slice %arg16[%add3A_100, %dma_wait3A_109] : memref<10000x16xf32, #tpu.memory_space<vmem_shared>> -> memref<125x16xf32, #tpu.memory_space<vmem_shared>>
      %dma_wait3A_111 = arith.constant 0 : i32
      %dma_wait3A_112 = tpu.memref_slice %arg16[%add3A_100, %dma_wait3A_111] : memref<10000x16xf32, #tpu.memory_space<vmem_shared>> -> memref<125x16xf32, #tpu.memory_space<vmem_shared>>
      tpu.wait_dma2 semaphore(%run_scoped3A : memref<!tpu.dma_semaphore, #tpu.memory_space<semaphore_mem>>) src(%dma_wait3A_112 : memref<125x16xf32, #tpu.memory_space<vmem_shared>>) dst(%arg14 : memref<125x16xf32, #tpu.memory_space<vmem>>)
      tpu.yield
    }) : () -> ()
    "tpu.region"() ({
      %run_scoped3A = tpu.sem_alloc : memref<!tpu.dma_semaphore, #tpu.memory_space<semaphore_mem>>
      %dma_start3A_105 = arith.constant 0 : i32
      %dma_start3A_106 = arith.constant 0 : i32
      %dma_start3A_107 = tpu.memref_slice %arg9[%arg0, %dma_start3A_105, %dma_start3A_106] : memref<2x10000x16xf32, #tpu.memory_space<hbm>> -> memref<1x10000x16xf32, #tpu.memory_space<hbm>>
      %dma_start3A_108 = tpu.memref_squeeze %dma_start3A_107 : memref<1x10000x16xf32, #tpu.memory_space<hbm>> -> memref<10000x16xf32, #tpu.memory_space<hbm>>
      %dma_start3A_109 = arith.constant 0 : i32
      %dma_start3A_110 = tpu.memref_slice %dma_start3A_108[%add3A_100, %dma_start3A_109] : memref<10000x16xf32, #tpu.memory_space<hbm>> -> memref<125x16xf32, #tpu.memory_space<hbm>>
      %dma_start3A_111 = arith.constant 0 : i32
      %dma_start3A_112 = arith.constant 0 : i32
      %dma_start3A_113 = tpu.memref_slice %arg9[%arg0, %dma_start3A_111, %dma_start3A_112] : memref<2x10000x16xf32, #tpu.memory_space<hbm>> -> memref<1x10000x16xf32, #tpu.memory_space<hbm>>
      %dma_start3A_114 = tpu.memref_squeeze %dma_start3A_113 : memref<1x10000x16xf32, #tpu.memory_space<hbm>> -> memref<10000x16xf32, #tpu.memory_space<hbm>>
      %dma_start3A_115 = arith.constant 0 : i32
      %dma_start3A_116 = tpu.memref_slice %dma_start3A_114[%add3A_100, %dma_start3A_115] : memref<10000x16xf32, #tpu.memory_space<hbm>> -> memref<125x16xf32, #tpu.memory_space<hbm>>
      tpu.enqueue_dma source(%arg14 : memref<125x16xf32, #tpu.memory_space<vmem>>) target(%dma_start3A_116 : memref<125x16xf32, #tpu.memory_space<hbm>>) target_semaphore(%run_scoped3A : memref<!tpu.dma_semaphore, #tpu.memory_space<semaphore_mem>>)
      %dma_wait3A_117 = arith.constant 0 : i32
      %dma_wait3A_118 = arith.constant 0 : i32
      %dma_wait3A_119 = tpu.memref_slice %arg9[%arg0, %dma_wait3A_117, %dma_wait3A_118] : memref<2x10000x16xf32, #tpu.memory_space<hbm>> -> memref<1x10000x16xf32, #tpu.memory_space<hbm>>
      %dma_wait3A_120 = tpu.memref_squeeze %dma_wait3A_119 : memref<1x10000x16xf32, #tpu.memory_space<hbm>> -> memref<10000x16xf32, #tpu.memory_space<hbm>>
      %dma_wait3A_121 = arith.constant 0 : i32
      %dma_wait3A_122 = tpu.memref_slice %dma_wait3A_120[%add3A_100, %dma_wait3A_121] : memref<10000x16xf32, #tpu.memory_space<hbm>> -> memref<125x16xf32, #tpu.memory_space<hbm>>
      %dma_wait3A_123 = arith.constant 0 : i32
      %dma_wait3A_124 = arith.constant 0 : i32
      %dma_wait3A_125 = tpu.memref_slice %arg9[%arg0, %dma_wait3A_123, %dma_wait3A_124] : memref<2x10000x16xf32, #tpu.memory_space<hbm>> -> memref<1x10000x16xf32, #tpu.memory_space<hbm>>
      %dma_wait3A_126 = tpu.memref_squeeze %dma_wait3A_125 : memref<1x10000x16xf32, #tpu.memory_space<hbm>> -> memref<10000x16xf32, #tpu.memory_space<hbm>>
      %dma_wait3A_127 = arith.constant 0 : i32
      %dma_wait3A_128 = tpu.memref_slice %dma_wait3A_126[%add3A_100, %dma_wait3A_127] : memref<10000x16xf32, #tpu.memory_space<hbm>> -> memref<125x16xf32, #tpu.memory_space<hbm>>
      tpu.wait_dma2 semaphore(%run_scoped3A : memref<!tpu.dma_semaphore, #tpu.memory_space<semaphore_mem>>) src(%arg14 : memref<125x16xf32, #tpu.memory_space<vmem>>) dst(%dma_wait3A_128 : memref<125x16xf32, #tpu.memory_space<hbm>>)
      tpu.yield
    }) : () -> ()
    %mul3A_101 = arith.constant 625 : i32
    %mul3A_102 = arith.muli %arg1, %mul3A_101 : i32
    %add3A_103 = arith.constant 500 : i32
    %add3A_104 = arith.addi %mul3A_102, %add3A_103 : i32
    "tpu.region"() ({
      %run_scoped3A = tpu.sem_alloc : memref<!tpu.dma_semaphore, #tpu.memory_space<semaphore_mem>>
      %dma_start3A_105 = arith.constant 0 : i32
      %dma_start3A_106 = tpu.memref_slice %arg15[%add3A_104, %dma_start3A_105] : memref<10000x128xf32, #tpu.memory_space<vmem_shared>> -> memref<125x128xf32, #tpu.memory_space<vmem_shared>>
      %dma_start3A_107 = arith.constant 0 : i32
      %dma_start3A_108 = tpu.memref_slice %arg15[%add3A_104, %dma_start3A_107] : memref<10000x128xf32, #tpu.memory_space<vmem_shared>> -> memref<125x128xf32, #tpu.memory_space<vmem_shared>>
      tpu.enqueue_dma source(%dma_start3A_108 : memref<125x128xf32, #tpu.memory_space<vmem_shared>>) target(%arg12 : memref<125x128xf32, #tpu.memory_space<vmem>>) target_semaphore(%run_scoped3A : memref<!tpu.dma_semaphore, #tpu.memory_space<semaphore_mem>>)
      %dma_wait3A_109 = arith.constant 0 : i32
      %dma_wait3A_110 = tpu.memref_slice %arg15[%add3A_104, %dma_wait3A_109] : memref<10000x128xf32, #tpu.memory_space<vmem_shared>> -> memref<125x128xf32, #tpu.memory_space<vmem_shared>>
      %dma_wait3A_111 = arith.constant 0 : i32
      %dma_wait3A_112 = tpu.memref_slice %arg15[%add3A_104, %dma_wait3A_111] : memref<10000x128xf32, #tpu.memory_space<vmem_shared>> -> memref<125x128xf32, #tpu.memory_space<vmem_shared>>
      tpu.wait_dma2 semaphore(%run_scoped3A : memref<!tpu.dma_semaphore, #tpu.memory_space<semaphore_mem>>) src(%dma_wait3A_112 : memref<125x128xf32, #tpu.memory_space<vmem_shared>>) dst(%arg12 : memref<125x128xf32, #tpu.memory_space<vmem>>)
      tpu.yield
    }) : () -> ()
    "tpu.region"() ({
      %run_scoped3A = tpu.sem_alloc : memref<!tpu.dma_semaphore, #tpu.memory_space<semaphore_mem>>
      %dma_start3A_105 = arith.constant 0 : i32
      %dma_start3A_106 = arith.constant 0 : i32
      %dma_start3A_107 = tpu.memref_slice %arg8[%arg0, %dma_start3A_105, %dma_start3A_106] : memref<2x10000x128xf32, #tpu.memory_space<hbm>> -> memref<1x10000x128xf32, #tpu.memory_space<hbm>>
      %dma_start3A_108 = tpu.memref_squeeze %dma_start3A_107 : memref<1x10000x128xf32, #tpu.memory_space<hbm>> -> memref<10000x128xf32, #tpu.memory_space<hbm>>
      %dma_start3A_109 = arith.constant 0 : i32
      %dma_start3A_110 = tpu.memref_slice %dma_start3A_108[%add3A_104, %dma_start3A_109] : memref<10000x128xf32, #tpu.memory_space<hbm>> -> memref<125x128xf32, #tpu.memory_space<hbm>>
      %dma_start3A_111 = arith.constant 0 : i32
      %dma_start3A_112 = arith.constant 0 : i32
      %dma_start3A_113 = tpu.memref_slice %arg8[%arg0, %dma_start3A_111, %dma_start3A_112] : memref<2x10000x128xf32, #tpu.memory_space<hbm>> -> memref<1x10000x128xf32, #tpu.memory_space<hbm>>
      %dma_start3A_114 = tpu.memref_squeeze %dma_start3A_113 : memref<1x10000x128xf32, #tpu.memory_space<hbm>> -> memref<10000x128xf32, #tpu.memory_space<hbm>>
      %dma_start3A_115 = arith.constant 0 : i32
      %dma_start3A_116 = tpu.memref_slice %dma_start3A_114[%add3A_104, %dma_start3A_115] : memref<10000x128xf32, #tpu.memory_space<hbm>> -> memref<125x128xf32, #tpu.memory_space<hbm>>
      tpu.enqueue_dma source(%arg12 : memref<125x128xf32, #tpu.memory_space<vmem>>) target(%dma_start3A_116 : memref<125x128xf32, #tpu.memory_space<hbm>>) target_semaphore(%run_scoped3A : memref<!tpu.dma_semaphore, #tpu.memory_space<semaphore_mem>>)
      %dma_wait3A_117 = arith.constant 0 : i32
      %dma_wait3A_118 = arith.constant 0 : i32
      %dma_wait3A_119 = tpu.memref_slice %arg8[%arg0, %dma_wait3A_117, %dma_wait3A_118] : memref<2x10000x128xf32, #tpu.memory_space<hbm>> -> memref<1x10000x128xf32, #tpu.memory_space<hbm>>
      %dma_wait3A_120 = tpu.memref_squeeze %dma_wait3A_119 : memref<1x10000x128xf32, #tpu.memory_space<hbm>> -> memref<10000x128xf32, #tpu.memory_space<hbm>>
      %dma_wait3A_121 = arith.constant 0 : i32
      %dma_wait3A_122 = tpu.memref_slice %dma_wait3A_120[%add3A_104, %dma_wait3A_121] : memref<10000x128xf32, #tpu.memory_space<hbm>> -> memref<125x128xf32, #tpu.memory_space<hbm>>
      %dma_wait3A_123 = arith.constant 0 : i32
      %dma_wait3A_124 = arith.constant 0 : i32
      %dma_wait3A_125 = tpu.memref_slice %arg8[%arg0, %dma_wait3A_123, %dma_wait3A_124] : memref<2x10000x128xf32, #tpu.memory_space<hbm>> -> memref<1x10000x128xf32, #tpu.memory_space<hbm>>
      %dma_wait3A_126 = tpu.memref_squeeze %dma_wait3A_125 : memref<1x10000x128xf32, #tpu.memory_space<hbm>> -> memref<10000x128xf32, #tpu.memory_space<hbm>>
      %dma_wait3A_127 = arith.constant 0 : i32
      %dma_wait3A_128 = tpu.memref_slice %dma_wait3A_126[%add3A_104, %dma_wait3A_127] : memref<10000x128xf32, #tpu.memory_space<hbm>> -> memref<125x128xf32, #tpu.memory_space<hbm>>
      tpu.wait_dma2 semaphore(%run_scoped3A : memref<!tpu.dma_semaphore, #tpu.memory_space<semaphore_mem>>) src(%arg12 : memref<125x128xf32, #tpu.memory_space<vmem>>) dst(%dma_wait3A_128 : memref<125x128xf32, #tpu.memory_space<hbm>>)
      tpu.yield
    }) : () -> ()
    "tpu.region"() ({
      %run_scoped3A = tpu.sem_alloc : memref<!tpu.dma_semaphore, #tpu.memory_space<semaphore_mem>>
      %dma_start3A_105 = arith.constant 0 : i32
      %dma_start3A_106 = tpu.memref_slice %arg16[%add3A_104, %dma_start3A_105] : memref<10000x16xf32, #tpu.memory_space<vmem_shared>> -> memref<125x16xf32, #tpu.memory_space<vmem_shared>>
      %dma_start3A_107 = arith.constant 0 : i32
      %dma_start3A_108 = tpu.memref_slice %arg16[%add3A_104, %dma_start3A_107] : memref<10000x16xf32, #tpu.memory_space<vmem_shared>> -> memref<125x16xf32, #tpu.memory_space<vmem_shared>>
      tpu.enqueue_dma source(%dma_start3A_108 : memref<125x16xf32, #tpu.memory_space<vmem_shared>>) target(%arg14 : memref<125x16xf32, #tpu.memory_space<vmem>>) target_semaphore(%run_scoped3A : memref<!tpu.dma_semaphore, #tpu.memory_space<semaphore_mem>>)
      %dma_wait3A_109 = arith.constant 0 : i32
      %dma_wait3A_110 = tpu.memref_slice %arg16[%add3A_104, %dma_wait3A_109] : memref<10000x16xf32, #tpu.memory_space<vmem_shared>> -> memref<125x16xf32, #tpu.memory_space<vmem_shared>>
      %dma_wait3A_111 = arith.constant 0 : i32
      %dma_wait3A_112 = tpu.memref_slice %arg16[%add3A_104, %dma_wait3A_111] : memref<10000x16xf32, #tpu.memory_space<vmem_shared>> -> memref<125x16xf32, #tpu.memory_space<vmem_shared>>
      tpu.wait_dma2 semaphore(%run_scoped3A : memref<!tpu.dma_semaphore, #tpu.memory_space<semaphore_mem>>) src(%dma_wait3A_112 : memref<125x16xf32, #tpu.memory_space<vmem_shared>>) dst(%arg14 : memref<125x16xf32, #tpu.memory_space<vmem>>)
      tpu.yield
    }) : () -> ()
    "tpu.region"() ({
      %run_scoped3A = tpu.sem_alloc : memref<!tpu.dma_semaphore, #tpu.memory_space<semaphore_mem>>
      %dma_start3A_105 = arith.constant 0 : i32
      %dma_start3A_106 = arith.constant 0 : i32
      %dma_start3A_107 = tpu.memref_slice %arg9[%arg0, %dma_start3A_105, %dma_start3A_106] : memref<2x10000x16xf32, #tpu.memory_space<hbm>> -> memref<1x10000x16xf32, #tpu.memory_space<hbm>>
      %dma_start3A_108 = tpu.memref_squeeze %dma_start3A_107 : memref<1x10000x16xf32, #tpu.memory_space<hbm>> -> memref<10000x16xf32, #tpu.memory_space<hbm>>
      %dma_start3A_109 = arith.constant 0 : i32
      %dma_start3A_110 = tpu.memref_slice %dma_start3A_108[%add3A_104, %dma_start3A_109] : memref<10000x16xf32, #tpu.memory_space<hbm>> -> memref<125x16xf32, #tpu.memory_space<hbm>>
      %dma_start3A_111 = arith.constant 0 : i32
      %dma_start3A_112 = arith.constant 0 : i32
      %dma_start3A_113 = tpu.memref_slice %arg9[%arg0, %dma_start3A_111, %dma_start3A_112] : memref<2x10000x16xf32, #tpu.memory_space<hbm>> -> memref<1x10000x16xf32, #tpu.memory_space<hbm>>
      %dma_start3A_114 = tpu.memref_squeeze %dma_start3A_113 : memref<1x10000x16xf32, #tpu.memory_space<hbm>> -> memref<10000x16xf32, #tpu.memory_space<hbm>>
      %dma_start3A_115 = arith.constant 0 : i32
      %dma_start3A_116 = tpu.memref_slice %dma_start3A_114[%add3A_104, %dma_start3A_115] : memref<10000x16xf32, #tpu.memory_space<hbm>> -> memref<125x16xf32, #tpu.memory_space<hbm>>
      tpu.enqueue_dma source(%arg14 : memref<125x16xf32, #tpu.memory_space<vmem>>) target(%dma_start3A_116 : memref<125x16xf32, #tpu.memory_space<hbm>>) target_semaphore(%run_scoped3A : memref<!tpu.dma_semaphore, #tpu.memory_space<semaphore_mem>>)
      %dma_wait3A_117 = arith.constant 0 : i32
      %dma_wait3A_118 = arith.constant 0 : i32
      %dma_wait3A_119 = tpu.memref_slice %arg9[%arg0, %dma_wait3A_117, %dma_wait3A_118] : memref<2x10000x16xf32, #tpu.memory_space<hbm>> -> memref<1x10000x16xf32, #tpu.memory_space<hbm>>
      %dma_wait3A_120 = tpu.memref_squeeze %dma_wait3A_119 : memref<1x10000x16xf32, #tpu.memory_space<hbm>> -> memref<10000x16xf32, #tpu.memory_space<hbm>>
      %dma_wait3A_121 = arith.constant 0 : i32
      %dma_wait3A_122 = tpu.memref_slice %dma_wait3A_120[%add3A_104, %dma_wait3A_121] : memref<10000x16xf32, #tpu.memory_space<hbm>> -> memref<125x16xf32, #tpu.memory_space<hbm>>
      %dma_wait3A_123 = arith.constant 0 : i32
      %dma_wait3A_124 = arith.constant 0 : i32
      %dma_wait3A_125 = tpu.memref_slice %arg9[%arg0, %dma_wait3A_123, %dma_wait3A_124] : memref<2x10000x16xf32, #tpu.memory_space<hbm>> -> memref<1x10000x16xf32, #tpu.memory_space<hbm>>
      %dma_wait3A_126 = tpu.memref_squeeze %dma_wait3A_125 : memref<1x10000x16xf32, #tpu.memory_space<hbm>> -> memref<10000x16xf32, #tpu.memory_space<hbm>>
      %dma_wait3A_127 = arith.constant 0 : i32
      %dma_wait3A_128 = tpu.memref_slice %dma_wait3A_126[%add3A_104, %dma_wait3A_127] : memref<10000x16xf32, #tpu.memory_space<hbm>> -> memref<125x16xf32, #tpu.memory_space<hbm>>
      tpu.wait_dma2 semaphore(%run_scoped3A : memref<!tpu.dma_semaphore, #tpu.memory_space<semaphore_mem>>) src(%arg14 : memref<125x16xf32, #tpu.memory_space<vmem>>) dst(%dma_wait3A_128 : memref<125x16xf32, #tpu.memory_space<hbm>>)
      tpu.yield
    }) : () -> ()
    return
  }
}

#map = affine_map<(d0, d1) -> (0, 0)>
module attributes {stable_mosaic.version = 14 : i64} {
  func.func @_sc_gather(%arg0: i32, %arg1: i32, %arg2: memref<10000x128xf32, #tpu.memory_space<hbm>>, %arg3: memref<1280x125xi32, #tpu.memory_space<hbm>>, %arg4: memref<1280x125xi32, #tpu.memory_space<hbm>>, %arg5: memref<160000x128xf32, #tpu.memory_space<hbm>>, %arg6: memref<40x125xi32, #tpu.memory_space<vmem>>, %arg7: memref<40x125xi32, #tpu.memory_space<vmem>>, %arg8: memref<125x128xf32, #tpu.memory_space<vmem>>, %arg9: memref<125x128xf32, #tpu.memory_space<vmem>>, %arg10: memref<125x128xf32, #tpu.memory_space<vmem>>, %arg11: memref<125x128xf32, #tpu.memory_space<vmem>>, %arg12: memref<125x128xf32, #tpu.memory_space<vmem>>, %arg13: memref<125x128xf32, #tpu.memory_space<vmem>>, %arg14: memref<!tpu.dma_semaphore, #tpu.memory_space<semaphore_mem>>, %arg15: memref<!tpu.dma_semaphore, #tpu.memory_space<semaphore_mem>>, %arg16: memref<!tpu.dma_semaphore, #tpu.memory_space<semaphore_mem>>, %arg17: memref<!tpu.dma_semaphore, #tpu.memory_space<semaphore_mem>>, %arg18: memref<!tpu.dma_semaphore, #tpu.memory_space<semaphore_mem>>, %arg19: memref<!tpu.dma_semaphore, #tpu.memory_space<semaphore_mem>>) attributes {dimension_semantics = [#tpu.dimension_semantics<core_parallel>, #tpu.dimension_semantics<subcore_parallel>], iteration_bounds = array<i64: 2, 16>, scalar_prefetch = 0 : i64, scratch_operands = 14 : i64, tpu.core_type = #tpu.core_type<sc_vector_subcore>, window_params = [{transform_indices = #map}, {transform_indices = #map}, {transform_indices = #map}, {transform_indices = #map}]} {
    %mul3A = arith.constant 2 : i32
    %mul3A_0 = arith.muli %arg1, %mul3A : i32
    %add3A = arith.addi %mul3A_0, %arg0 : i32
    %mul3A_1 = arith.constant 40 : i32
    %mul3A_2 = arith.muli %add3A, %mul3A_1 : i32
    "tpu.region"() ({
      %run_scoped3A = tpu.sem_alloc : memref<!tpu.dma_semaphore, #tpu.memory_space<semaphore_mem>>
      %dma_start3A_34 = arith.constant 0 : i32
      %dma_start3A_35 = tpu.memref_slice %arg3[%mul3A_2, %dma_start3A_34] : memref<1280x125xi32, #tpu.memory_space<hbm>> -> memref<40x125xi32, #tpu.memory_space<hbm>>
      %dma_start3A_36 = arith.constant 0 : i32
      %dma_start3A_37 = tpu.memref_slice %arg3[%mul3A_2, %dma_start3A_36] : memref<1280x125xi32, #tpu.memory_space<hbm>> -> memref<40x125xi32, #tpu.memory_space<hbm>>
      tpu.enqueue_dma source(%dma_start3A_37 : memref<40x125xi32, #tpu.memory_space<hbm>>) target(%arg6 : memref<40x125xi32, #tpu.memory_space<vmem>>) target_semaphore(%run_scoped3A : memref<!tpu.dma_semaphore, #tpu.memory_space<semaphore_mem>>)
      %dma_wait3A_38 = arith.constant 0 : i32
      %dma_wait3A_39 = tpu.memref_slice %arg3[%mul3A_2, %dma_wait3A_38] : memref<1280x125xi32, #tpu.memory_space<hbm>> -> memref<40x125xi32, #tpu.memory_space<hbm>>
      %dma_wait3A_40 = arith.constant 0 : i32
      %dma_wait3A_41 = tpu.memref_slice %arg3[%mul3A_2, %dma_wait3A_40] : memref<1280x125xi32, #tpu.memory_space<hbm>> -> memref<40x125xi32, #tpu.memory_space<hbm>>
      tpu.wait_dma2 semaphore(%run_scoped3A : memref<!tpu.dma_semaphore, #tpu.memory_space<semaphore_mem>>) src(%dma_wait3A_41 : memref<40x125xi32, #tpu.memory_space<hbm>>) dst(%arg6 : memref<40x125xi32, #tpu.memory_space<vmem>>)
      tpu.yield
    }) : () -> ()
    %mul3A_3 = arith.constant 40 : i32
    %mul3A_4 = arith.muli %add3A, %mul3A_3 : i32
    "tpu.region"() ({
      %run_scoped3A = tpu.sem_alloc : memref<!tpu.dma_semaphore, #tpu.memory_space<semaphore_mem>>
      %dma_start3A_34 = arith.constant 0 : i32
      %dma_start3A_35 = tpu.memref_slice %arg4[%mul3A_4, %dma_start3A_34] : memref<1280x125xi32, #tpu.memory_space<hbm>> -> memref<40x125xi32, #tpu.memory_space<hbm>>
      %dma_start3A_36 = arith.constant 0 : i32
      %dma_start3A_37 = tpu.memref_slice %arg4[%mul3A_4, %dma_start3A_36] : memref<1280x125xi32, #tpu.memory_space<hbm>> -> memref<40x125xi32, #tpu.memory_space<hbm>>
      tpu.enqueue_dma source(%dma_start3A_37 : memref<40x125xi32, #tpu.memory_space<hbm>>) target(%arg7 : memref<40x125xi32, #tpu.memory_space<vmem>>) target_semaphore(%run_scoped3A : memref<!tpu.dma_semaphore, #tpu.memory_space<semaphore_mem>>)
      %dma_wait3A_38 = arith.constant 0 : i32
      %dma_wait3A_39 = tpu.memref_slice %arg4[%mul3A_4, %dma_wait3A_38] : memref<1280x125xi32, #tpu.memory_space<hbm>> -> memref<40x125xi32, #tpu.memory_space<hbm>>
      %dma_wait3A_40 = arith.constant 0 : i32
      %dma_wait3A_41 = tpu.memref_slice %arg4[%mul3A_4, %dma_wait3A_40] : memref<1280x125xi32, #tpu.memory_space<hbm>> -> memref<40x125xi32, #tpu.memory_space<hbm>>
      tpu.wait_dma2 semaphore(%run_scoped3A : memref<!tpu.dma_semaphore, #tpu.memory_space<semaphore_mem>>) src(%dma_wait3A_41 : memref<40x125xi32, #tpu.memory_space<hbm>>) dst(%arg7 : memref<40x125xi32, #tpu.memory_space<vmem>>)
      tpu.yield
    }) : () -> ()
    %dma_start3A = arith.constant 0 : i32
    %dma_start3A_5 = arith.constant 0 : i32
    %dma_start3A_6 = tpu.memref_slice %arg6[%dma_start3A, %dma_start3A_5] : memref<40x125xi32, #tpu.memory_space<vmem>> -> memref<1x125xi32, #tpu.memory_space<vmem>>
    %dma_start3A_7 = tpu.memref_squeeze %dma_start3A_6 : memref<1x125xi32, #tpu.memory_space<vmem>> -> memref<125xi32, #tpu.memory_space<vmem>>
    %dma_start3A_8 = arith.constant 0 : i32
    %dma_start3A_9 = arith.constant 0 : i32
    %dma_start3A_10 = tpu.memref_slice %arg2[%dma_start3A_8, %dma_start3A_9] : memref<10000x128xf32, #tpu.memory_space<hbm>> -> memref<10000x128xf32, #tpu.memory_space<hbm>>
    tpu.enqueue_indirect_dma source(%dma_start3A_10 : memref<10000x128xf32, #tpu.memory_space<hbm>>) target(%arg8 : memref<125x128xf32, #tpu.memory_space<vmem>>) offsets(%dma_start3A_7 : memref<125xi32, #tpu.memory_space<vmem>>) semaphore(%arg14 : memref<!tpu.dma_semaphore, #tpu.memory_space<semaphore_mem>>)
    %dma_start3A_11 = arith.constant 0 : i32
    %dma_start3A_12 = arith.constant 0 : i32
    %dma_start3A_13 = tpu.memref_slice %arg7[%dma_start3A_11, %dma_start3A_12] : memref<40x125xi32, #tpu.memory_space<vmem>> -> memref<1x125xi32, #tpu.memory_space<vmem>>
    %dma_start3A_14 = tpu.memref_squeeze %dma_start3A_13 : memref<1x125xi32, #tpu.memory_space<vmem>> -> memref<125xi32, #tpu.memory_space<vmem>>
    %dma_start3A_15 = arith.constant 0 : i32
    %dma_start3A_16 = arith.constant 0 : i32
    %dma_start3A_17 = tpu.memref_slice %arg2[%dma_start3A_15, %dma_start3A_16] : memref<10000x128xf32, #tpu.memory_space<hbm>> -> memref<10000x128xf32, #tpu.memory_space<hbm>>
    tpu.enqueue_indirect_dma source(%dma_start3A_17 : memref<10000x128xf32, #tpu.memory_space<hbm>>) target(%arg9 : memref<125x128xf32, #tpu.memory_space<vmem>>) offsets(%dma_start3A_14 : memref<125xi32, #tpu.memory_space<vmem>>) semaphore(%arg15 : memref<!tpu.dma_semaphore, #tpu.memory_space<semaphore_mem>>)
    %scan3A = arith.constant 0 : i32
    %scan3A_18 = arith.constant 0 : i32
    %scan3A_19 = arith.constant 20 : i32
    %scan3A_20 = arith.addi %scan3A_18, %scan3A_19 : i32
    %scan3A_21 = arith.constant 1 : i32
    scf.for %scan3A_34 = %scan3A_18 to %scan3A_20 step %scan3A_21  : i32 {
      %mul3A_35 = arith.constant 2 : i32
      %mul3A_36 = arith.muli %mul3A_35, %scan3A_34 : i32
      %add3A_37 = arith.constant 1 : i32
      %add3A_38 = arith.addi %mul3A_36, %add3A_37 : i32
      %dma_start3A_39 = arith.constant 0 : i32
      %dma_start3A_40 = tpu.memref_slice %arg6[%add3A_38, %dma_start3A_39] : memref<40x125xi32, #tpu.memory_space<vmem>> -> memref<1x125xi32, #tpu.memory_space<vmem>>
      %dma_start3A_41 = tpu.memref_squeeze %dma_start3A_40 : memref<1x125xi32, #tpu.memory_space<vmem>> -> memref<125xi32, #tpu.memory_space<vmem>>
      %dma_start3A_42 = arith.constant 0 : i32
      %dma_start3A_43 = arith.constant 0 : i32
      %dma_start3A_44 = tpu.memref_slice %arg2[%dma_start3A_42, %dma_start3A_43] : memref<10000x128xf32, #tpu.memory_space<hbm>> -> memref<10000x128xf32, #tpu.memory_space<hbm>>
      tpu.enqueue_indirect_dma source(%dma_start3A_44 : memref<10000x128xf32, #tpu.memory_space<hbm>>) target(%arg11 : memref<125x128xf32, #tpu.memory_space<vmem>>) offsets(%dma_start3A_41 : memref<125xi32, #tpu.memory_space<vmem>>) semaphore(%arg16 : memref<!tpu.dma_semaphore, #tpu.memory_space<semaphore_mem>>)
      %dma_start3A_45 = arith.constant 0 : i32
      %dma_start3A_46 = tpu.memref_slice %arg7[%add3A_38, %dma_start3A_45] : memref<40x125xi32, #tpu.memory_space<vmem>> -> memref<1x125xi32, #tpu.memory_space<vmem>>
      %dma_start3A_47 = tpu.memref_squeeze %dma_start3A_46 : memref<1x125xi32, #tpu.memory_space<vmem>> -> memref<125xi32, #tpu.memory_space<vmem>>
      %dma_start3A_48 = arith.constant 0 : i32
      %dma_start3A_49 = arith.constant 0 : i32
      %dma_start3A_50 = tpu.memref_slice %arg2[%dma_start3A_48, %dma_start3A_49] : memref<10000x128xf32, #tpu.memory_space<hbm>> -> memref<10000x128xf32, #tpu.memory_space<hbm>>
      tpu.enqueue_indirect_dma source(%dma_start3A_50 : memref<10000x128xf32, #tpu.memory_space<hbm>>) target(%arg12 : memref<125x128xf32, #tpu.memory_space<vmem>>) offsets(%dma_start3A_47 : memref<125xi32, #tpu.memory_space<vmem>>) semaphore(%arg17 : memref<!tpu.dma_semaphore, #tpu.memory_space<semaphore_mem>>)
      %dma_wait3A_51 = arith.constant 0 : i32
      %dma_wait3A_52 = arith.constant 0 : i32
      %dma_wait3A_53 = tpu.memref_slice %arg2[%dma_wait3A_51, %dma_wait3A_52] : memref<10000x128xf32, #tpu.memory_space<hbm>> -> memref<125x128xf32, #tpu.memory_space<hbm>>
      %dma_wait3A_54 = arith.constant 0 : i32
      %dma_wait3A_55 = arith.constant 0 : i32
      %dma_wait3A_56 = tpu.memref_slice %arg2[%dma_wait3A_54, %dma_wait3A_55] : memref<10000x128xf32, #tpu.memory_space<hbm>> -> memref<125x128xf32, #tpu.memory_space<hbm>>
      tpu.wait_dma2 semaphore(%arg14 : memref<!tpu.dma_semaphore, #tpu.memory_space<semaphore_mem>>) src(%dma_wait3A_56 : memref<125x128xf32, #tpu.memory_space<hbm>>) dst(%arg8 : memref<125x128xf32, #tpu.memory_space<vmem>>)
      %dma_wait3A_57 = arith.constant 0 : i32
      %dma_wait3A_58 = arith.constant 0 : i32
      %dma_wait3A_59 = tpu.memref_slice %arg2[%dma_wait3A_57, %dma_wait3A_58] : memref<10000x128xf32, #tpu.memory_space<hbm>> -> memref<125x128xf32, #tpu.memory_space<hbm>>
      %dma_wait3A_60 = arith.constant 0 : i32
      %dma_wait3A_61 = arith.constant 0 : i32
      %dma_wait3A_62 = tpu.memref_slice %arg2[%dma_wait3A_60, %dma_wait3A_61] : memref<10000x128xf32, #tpu.memory_space<hbm>> -> memref<125x128xf32, #tpu.memory_space<hbm>>
      tpu.wait_dma2 semaphore(%arg15 : memref<!tpu.dma_semaphore, #tpu.memory_space<semaphore_mem>>) src(%dma_wait3A_62 : memref<125x128xf32, #tpu.memory_space<hbm>>) dst(%arg9 : memref<125x128xf32, #tpu.memory_space<vmem>>)
      %ge3A = arith.constant 1 : i32
      %ge3A_63 = arith.cmpi sge, %scan3A_34, %ge3A : i32
      %convert_element_type3A = arith.extui %ge3A_63 : i1 to i32
      %cond3A = arith.constant 0 : i32
      %cond3A_64 = arith.cmpi ne, %convert_element_type3A, %cond3A : i32
      scf.if %cond3A_64 {
        %dma_wait3A_108 = arith.constant 0 : i32
        %dma_wait3A_109 = arith.constant 0 : i32
        %dma_wait3A_110 = tpu.memref_slice %arg5[%dma_wait3A_108, %dma_wait3A_109] : memref<160000x128xf32, #tpu.memory_space<hbm>> -> memref<125x128xf32, #tpu.memory_space<hbm>>
        %dma_wait3A_111 = arith.constant 0 : i32
        %dma_wait3A_112 = arith.constant 0 : i32
        %dma_wait3A_113 = tpu.memref_slice %arg5[%dma_wait3A_111, %dma_wait3A_112] : memref<160000x128xf32, #tpu.memory_space<hbm>> -> memref<125x128xf32, #tpu.memory_space<hbm>>
        tpu.wait_dma2 semaphore(%arg18 : memref<!tpu.dma_semaphore, #tpu.memory_space<semaphore_mem>>) src(%arg10 : memref<125x128xf32, #tpu.memory_space<vmem>>) dst(%dma_wait3A_113 : memref<125x128xf32, #tpu.memory_space<hbm>>)
      } else {
      }
      %mul3A_65 = arith.constant 5000 : i32
      %mul3A_66 = arith.muli %add3A, %mul3A_65 : i32
      %mul3A_67 = arith.constant 125 : i32
      %mul3A_68 = arith.muli %mul3A_36, %mul3A_67 : i32
      %add3A_69 = arith.addi %mul3A_66, %mul3A_68 : i32
      %dma_start3A_70 = arith.constant 0 : i32
      %dma_start3A_71 = tpu.memref_slice %arg5[%add3A_69, %dma_start3A_70] : memref<160000x128xf32, #tpu.memory_space<hbm>> -> memref<125x128xf32, #tpu.memory_space<hbm>>
      %dma_start3A_72 = arith.constant 0 : i32
      %dma_start3A_73 = tpu.memref_slice %arg5[%add3A_69, %dma_start3A_72] : memref<160000x128xf32, #tpu.memory_space<hbm>> -> memref<125x128xf32, #tpu.memory_space<hbm>>
      tpu.enqueue_dma source(%arg10 : memref<125x128xf32, #tpu.memory_space<vmem>>) target(%dma_start3A_73 : memref<125x128xf32, #tpu.memory_space<hbm>>) target_semaphore(%arg18 : memref<!tpu.dma_semaphore, #tpu.memory_space<semaphore_mem>>)
      %add3A_74 = arith.constant 1 : i32
      %add3A_75 = arith.addi %scan3A_34, %add3A_74 : i32
      %lt3A = arith.constant 20 : i32
      %lt3A_76 = arith.cmpi slt, %add3A_75, %lt3A : i32
      %convert_element_type3A_77 = arith.extui %lt3A_76 : i1 to i32
      %cond3A_78 = arith.constant 0 : i32
      %cond3A_79 = arith.cmpi ne, %convert_element_type3A_77, %cond3A_78 : i32
      scf.if %cond3A_79 {
        %add3A_108 = arith.constant 2 : i32
        %add3A_109 = arith.addi %mul3A_36, %add3A_108 : i32
        %dma_start3A_110 = arith.constant 0 : i32
        %dma_start3A_111 = tpu.memref_slice %arg6[%add3A_109, %dma_start3A_110] : memref<40x125xi32, #tpu.memory_space<vmem>> -> memref<1x125xi32, #tpu.memory_space<vmem>>
        %dma_start3A_112 = tpu.memref_squeeze %dma_start3A_111 : memref<1x125xi32, #tpu.memory_space<vmem>> -> memref<125xi32, #tpu.memory_space<vmem>>
        %dma_start3A_113 = arith.constant 0 : i32
        %dma_start3A_114 = arith.constant 0 : i32
        %dma_start3A_115 = tpu.memref_slice %arg2[%dma_start3A_113, %dma_start3A_114] : memref<10000x128xf32, #tpu.memory_space<hbm>> -> memref<10000x128xf32, #tpu.memory_space<hbm>>
        tpu.enqueue_indirect_dma source(%dma_start3A_115 : memref<10000x128xf32, #tpu.memory_space<hbm>>) target(%arg8 : memref<125x128xf32, #tpu.memory_space<vmem>>) offsets(%dma_start3A_112 : memref<125xi32, #tpu.memory_space<vmem>>) semaphore(%arg14 : memref<!tpu.dma_semaphore, #tpu.memory_space<semaphore_mem>>)
        %dma_start3A_116 = arith.constant 0 : i32
        %dma_start3A_117 = tpu.memref_slice %arg7[%add3A_109, %dma_start3A_116] : memref<40x125xi32, #tpu.memory_space<vmem>> -> memref<1x125xi32, #tpu.memory_space<vmem>>
        %dma_start3A_118 = tpu.memref_squeeze %dma_start3A_117 : memref<1x125xi32, #tpu.memory_space<vmem>> -> memref<125xi32, #tpu.memory_space<vmem>>
        %dma_start3A_119 = arith.constant 0 : i32
        %dma_start3A_120 = arith.constant 0 : i32
        %dma_start3A_121 = tpu.memref_slice %arg2[%dma_start3A_119, %dma_start3A_120] : memref<10000x128xf32, #tpu.memory_space<hbm>> -> memref<10000x128xf32, #tpu.memory_space<hbm>>
        tpu.enqueue_indirect_dma source(%dma_start3A_121 : memref<10000x128xf32, #tpu.memory_space<hbm>>) target(%arg9 : memref<125x128xf32, #tpu.memory_space<vmem>>) offsets(%dma_start3A_118 : memref<125xi32, #tpu.memory_space<vmem>>) semaphore(%arg15 : memref<!tpu.dma_semaphore, #tpu.memory_space<semaphore_mem>>)
      } else {
      }
      %dma_wait3A_80 = arith.constant 0 : i32
      %dma_wait3A_81 = arith.constant 0 : i32
      %dma_wait3A_82 = tpu.memref_slice %arg2[%dma_wait3A_80, %dma_wait3A_81] : memref<10000x128xf32, #tpu.memory_space<hbm>> -> memref<125x128xf32, #tpu.memory_space<hbm>>
      %dma_wait3A_83 = arith.constant 0 : i32
      %dma_wait3A_84 = arith.constant 0 : i32
      %dma_wait3A_85 = tpu.memref_slice %arg2[%dma_wait3A_83, %dma_wait3A_84] : memref<10000x128xf32, #tpu.memory_space<hbm>> -> memref<125x128xf32, #tpu.memory_space<hbm>>
      tpu.wait_dma2 semaphore(%arg16 : memref<!tpu.dma_semaphore, #tpu.memory_space<semaphore_mem>>) src(%dma_wait3A_85 : memref<125x128xf32, #tpu.memory_space<hbm>>) dst(%arg11 : memref<125x128xf32, #tpu.memory_space<vmem>>)
      %dma_wait3A_86 = arith.constant 0 : i32
      %dma_wait3A_87 = arith.constant 0 : i32
      %dma_wait3A_88 = tpu.memref_slice %arg2[%dma_wait3A_86, %dma_wait3A_87] : memref<10000x128xf32, #tpu.memory_space<hbm>> -> memref<125x128xf32, #tpu.memory_space<hbm>>
      %dma_wait3A_89 = arith.constant 0 : i32
      %dma_wait3A_90 = arith.constant 0 : i32
      %dma_wait3A_91 = tpu.memref_slice %arg2[%dma_wait3A_89, %dma_wait3A_90] : memref<10000x128xf32, #tpu.memory_space<hbm>> -> memref<125x128xf32, #tpu.memory_space<hbm>>
      tpu.wait_dma2 semaphore(%arg17 : memref<!tpu.dma_semaphore, #tpu.memory_space<semaphore_mem>>) src(%dma_wait3A_91 : memref<125x128xf32, #tpu.memory_space<hbm>>) dst(%arg12 : memref<125x128xf32, #tpu.memory_space<vmem>>)
      %ge3A_92 = arith.constant 1 : i32
      %ge3A_93 = arith.cmpi sge, %scan3A_34, %ge3A_92 : i32
      %convert_element_type3A_94 = arith.extui %ge3A_93 : i1 to i32
      %cond3A_95 = arith.constant 0 : i32
      %cond3A_96 = arith.cmpi ne, %convert_element_type3A_94, %cond3A_95 : i32
      scf.if %cond3A_96 {
        %dma_wait3A_108 = arith.constant 0 : i32
        %dma_wait3A_109 = arith.constant 0 : i32
        %dma_wait3A_110 = tpu.memref_slice %arg5[%dma_wait3A_108, %dma_wait3A_109] : memref<160000x128xf32, #tpu.memory_space<hbm>> -> memref<125x128xf32, #tpu.memory_space<hbm>>
        %dma_wait3A_111 = arith.constant 0 : i32
        %dma_wait3A_112 = arith.constant 0 : i32
        %dma_wait3A_113 = tpu.memref_slice %arg5[%dma_wait3A_111, %dma_wait3A_112] : memref<160000x128xf32, #tpu.memory_space<hbm>> -> memref<125x128xf32, #tpu.memory_space<hbm>>
        tpu.wait_dma2 semaphore(%arg19 : memref<!tpu.dma_semaphore, #tpu.memory_space<semaphore_mem>>) src(%arg13 : memref<125x128xf32, #tpu.memory_space<vmem>>) dst(%dma_wait3A_113 : memref<125x128xf32, #tpu.memory_space<hbm>>)
      } else {
      }
      %mul3A_97 = arith.constant 5000 : i32
      %mul3A_98 = arith.muli %add3A, %mul3A_97 : i32
      %add3A_99 = arith.constant 1 : i32
      %add3A_100 = arith.addi %mul3A_36, %add3A_99 : i32
      %mul3A_101 = arith.constant 125 : i32
      %mul3A_102 = arith.muli %add3A_100, %mul3A_101 : i32
      %add3A_103 = arith.addi %mul3A_98, %mul3A_102 : i32
      %dma_start3A_104 = arith.constant 0 : i32
      %dma_start3A_105 = tpu.memref_slice %arg5[%add3A_103, %dma_start3A_104] : memref<160000x128xf32, #tpu.memory_space<hbm>> -> memref<125x128xf32, #tpu.memory_space<hbm>>
      %dma_start3A_106 = arith.constant 0 : i32
      %dma_start3A_107 = tpu.memref_slice %arg5[%add3A_103, %dma_start3A_106] : memref<160000x128xf32, #tpu.memory_space<hbm>> -> memref<125x128xf32, #tpu.memory_space<hbm>>
      tpu.enqueue_dma source(%arg13 : memref<125x128xf32, #tpu.memory_space<vmem>>) target(%dma_start3A_107 : memref<125x128xf32, #tpu.memory_space<hbm>>) target_semaphore(%arg19 : memref<!tpu.dma_semaphore, #tpu.memory_space<semaphore_mem>>)
    }
    %scan3A_22 = arith.constant 20 : i32
    %dma_wait3A = arith.constant 0 : i32
    %dma_wait3A_23 = arith.constant 0 : i32
    %dma_wait3A_24 = tpu.memref_slice %arg5[%dma_wait3A, %dma_wait3A_23] : memref<160000x128xf32, #tpu.memory_space<hbm>> -> memref<125x128xf32, #tpu.memory_space<hbm>>
    %dma_wait3A_25 = arith.constant 0 : i32
    %dma_wait3A_26 = arith.constant 0 : i32
    %dma_wait3A_27 = tpu.memref_slice %arg5[%dma_wait3A_25, %dma_wait3A_26] : memref<160000x128xf32, #tpu.memory_space<hbm>> -> memref<125x128xf32, #tpu.memory_space<hbm>>
    tpu.wait_dma2 semaphore(%arg18 : memref<!tpu.dma_semaphore, #tpu.memory_space<semaphore_mem>>) src(%arg10 : memref<125x128xf32, #tpu.memory_space<vmem>>) dst(%dma_wait3A_27 : memref<125x128xf32, #tpu.memory_space<hbm>>)
    %dma_wait3A_28 = arith.constant 0 : i32
    %dma_wait3A_29 = arith.constant 0 : i32
    %dma_wait3A_30 = tpu.memref_slice %arg5[%dma_wait3A_28, %dma_wait3A_29] : memref<160000x128xf32, #tpu.memory_space<hbm>> -> memref<125x128xf32, #tpu.memory_space<hbm>>
    %dma_wait3A_31 = arith.constant 0 : i32
    %dma_wait3A_32 = arith.constant 0 : i32
    %dma_wait3A_33 = tpu.memref_slice %arg5[%dma_wait3A_31, %dma_wait3A_32] : memref<160000x128xf32, #tpu.memory_space<hbm>> -> memref<125x128xf32, #tpu.memory_space<hbm>>
    tpu.wait_dma2 semaphore(%arg19 : memref<!tpu.dma_semaphore, #tpu.memory_space<semaphore_mem>>) src(%arg13 : memref<125x128xf32, #tpu.memory_space<vmem>>) dst(%dma_wait3A_33 : memref<125x128xf32, #tpu.memory_space<hbm>>)
    return
  }
}

#map = affine_map<(d0, d1) -> (0, 0)>
module attributes {stable_mosaic.version = 14 : i64} {
  func.func @_sc_gather(%arg0: i32, %arg1: i32, %arg2: memref<10000x128xf32, #tpu.memory_space<hbm>>, %arg3: memref<1280x125xi32, #tpu.memory_space<hbm>>, %arg4: memref<1280x125xi32, #tpu.memory_space<hbm>>, %arg5: memref<160000x128xf32, #tpu.memory_space<hbm>>, %arg6: memref<40x125xi32, #tpu.memory_space<vmem>>, %arg7: memref<40x125xi32, #tpu.memory_space<vmem>>, %arg8: memref<125x128xf32, #tpu.memory_space<vmem>>, %arg9: memref<125x128xf32, #tpu.memory_space<vmem>>, %arg10: memref<125x128xf32, #tpu.memory_space<vmem>>, %arg11: memref<125x128xf32, #tpu.memory_space<vmem>>, %arg12: memref<125x128xf32, #tpu.memory_space<vmem>>, %arg13: memref<125x128xf32, #tpu.memory_space<vmem>>, %arg14: memref<!tpu.dma_semaphore, #tpu.memory_space<semaphore_mem>>, %arg15: memref<!tpu.dma_semaphore, #tpu.memory_space<semaphore_mem>>, %arg16: memref<!tpu.dma_semaphore, #tpu.memory_space<semaphore_mem>>, %arg17: memref<!tpu.dma_semaphore, #tpu.memory_space<semaphore_mem>>, %arg18: memref<!tpu.dma_semaphore, #tpu.memory_space<semaphore_mem>>, %arg19: memref<!tpu.dma_semaphore, #tpu.memory_space<semaphore_mem>>) attributes {dimension_semantics = [#tpu.dimension_semantics<core_parallel>, #tpu.dimension_semantics<subcore_parallel>], iteration_bounds = array<i64: 2, 16>, scalar_prefetch = 0 : i64, scratch_operands = 14 : i64, tpu.core_type = #tpu.core_type<sc_vector_subcore>, window_params = [{transform_indices = #map}, {transform_indices = #map}, {transform_indices = #map}, {transform_indices = #map}]} {
    %mul3A = arith.constant 2 : i32
    %mul3A_0 = arith.muli %arg1, %mul3A : i32
    %add3A = arith.addi %mul3A_0, %arg0 : i32
    %mul3A_1 = arith.constant 40 : i32
    %mul3A_2 = arith.muli %add3A, %mul3A_1 : i32
    "tpu.region"() ({
      %run_scoped3A = tpu.sem_alloc : memref<!tpu.dma_semaphore, #tpu.memory_space<semaphore_mem>>
      %dma_start3A_34 = arith.constant 0 : i32
      %dma_start3A_35 = tpu.memref_slice %arg3[%mul3A_2, %dma_start3A_34] : memref<1280x125xi32, #tpu.memory_space<hbm>> -> memref<40x125xi32, #tpu.memory_space<hbm>>
      %dma_start3A_36 = arith.constant 0 : i32
      %dma_start3A_37 = tpu.memref_slice %arg3[%mul3A_2, %dma_start3A_36] : memref<1280x125xi32, #tpu.memory_space<hbm>> -> memref<40x125xi32, #tpu.memory_space<hbm>>
      tpu.enqueue_dma source(%dma_start3A_37 : memref<40x125xi32, #tpu.memory_space<hbm>>) target(%arg6 : memref<40x125xi32, #tpu.memory_space<vmem>>) target_semaphore(%run_scoped3A : memref<!tpu.dma_semaphore, #tpu.memory_space<semaphore_mem>>)
      %dma_wait3A_38 = arith.constant 0 : i32
      %dma_wait3A_39 = tpu.memref_slice %arg3[%mul3A_2, %dma_wait3A_38] : memref<1280x125xi32, #tpu.memory_space<hbm>> -> memref<40x125xi32, #tpu.memory_space<hbm>>
      %dma_wait3A_40 = arith.constant 0 : i32
      %dma_wait3A_41 = tpu.memref_slice %arg3[%mul3A_2, %dma_wait3A_40] : memref<1280x125xi32, #tpu.memory_space<hbm>> -> memref<40x125xi32, #tpu.memory_space<hbm>>
      tpu.wait_dma2 semaphore(%run_scoped3A : memref<!tpu.dma_semaphore, #tpu.memory_space<semaphore_mem>>) src(%dma_wait3A_41 : memref<40x125xi32, #tpu.memory_space<hbm>>) dst(%arg6 : memref<40x125xi32, #tpu.memory_space<vmem>>)
      tpu.yield
    }) : () -> ()
    %mul3A_3 = arith.constant 40 : i32
    %mul3A_4 = arith.muli %add3A, %mul3A_3 : i32
    "tpu.region"() ({
      %run_scoped3A = tpu.sem_alloc : memref<!tpu.dma_semaphore, #tpu.memory_space<semaphore_mem>>
      %dma_start3A_34 = arith.constant 0 : i32
      %dma_start3A_35 = tpu.memref_slice %arg4[%mul3A_4, %dma_start3A_34] : memref<1280x125xi32, #tpu.memory_space<hbm>> -> memref<40x125xi32, #tpu.memory_space<hbm>>
      %dma_start3A_36 = arith.constant 0 : i32
      %dma_start3A_37 = tpu.memref_slice %arg4[%mul3A_4, %dma_start3A_36] : memref<1280x125xi32, #tpu.memory_space<hbm>> -> memref<40x125xi32, #tpu.memory_space<hbm>>
      tpu.enqueue_dma source(%dma_start3A_37 : memref<40x125xi32, #tpu.memory_space<hbm>>) target(%arg7 : memref<40x125xi32, #tpu.memory_space<vmem>>) target_semaphore(%run_scoped3A : memref<!tpu.dma_semaphore, #tpu.memory_space<semaphore_mem>>)
      %dma_wait3A_38 = arith.constant 0 : i32
      %dma_wait3A_39 = tpu.memref_slice %arg4[%mul3A_4, %dma_wait3A_38] : memref<1280x125xi32, #tpu.memory_space<hbm>> -> memref<40x125xi32, #tpu.memory_space<hbm>>
      %dma_wait3A_40 = arith.constant 0 : i32
      %dma_wait3A_41 = tpu.memref_slice %arg4[%mul3A_4, %dma_wait3A_40] : memref<1280x125xi32, #tpu.memory_space<hbm>> -> memref<40x125xi32, #tpu.memory_space<hbm>>
      tpu.wait_dma2 semaphore(%run_scoped3A : memref<!tpu.dma_semaphore, #tpu.memory_space<semaphore_mem>>) src(%dma_wait3A_41 : memref<40x125xi32, #tpu.memory_space<hbm>>) dst(%arg7 : memref<40x125xi32, #tpu.memory_space<vmem>>)
      tpu.yield
    }) : () -> ()
    %dma_start3A = arith.constant 0 : i32
    %dma_start3A_5 = arith.constant 0 : i32
    %dma_start3A_6 = tpu.memref_slice %arg6[%dma_start3A, %dma_start3A_5] : memref<40x125xi32, #tpu.memory_space<vmem>> -> memref<1x125xi32, #tpu.memory_space<vmem>>
    %dma_start3A_7 = tpu.memref_squeeze %dma_start3A_6 : memref<1x125xi32, #tpu.memory_space<vmem>> -> memref<125xi32, #tpu.memory_space<vmem>>
    %dma_start3A_8 = arith.constant 0 : i32
    %dma_start3A_9 = arith.constant 0 : i32
    %dma_start3A_10 = tpu.memref_slice %arg2[%dma_start3A_8, %dma_start3A_9] : memref<10000x128xf32, #tpu.memory_space<hbm>> -> memref<10000x128xf32, #tpu.memory_space<hbm>>
    tpu.enqueue_indirect_dma source(%dma_start3A_10 : memref<10000x128xf32, #tpu.memory_space<hbm>>) target(%arg8 : memref<125x128xf32, #tpu.memory_space<vmem>>) offsets(%dma_start3A_7 : memref<125xi32, #tpu.memory_space<vmem>>) semaphore(%arg14 : memref<!tpu.dma_semaphore, #tpu.memory_space<semaphore_mem>>)
    %dma_start3A_11 = arith.constant 0 : i32
    %dma_start3A_12 = arith.constant 0 : i32
    %dma_start3A_13 = tpu.memref_slice %arg7[%dma_start3A_11, %dma_start3A_12] : memref<40x125xi32, #tpu.memory_space<vmem>> -> memref<1x125xi32, #tpu.memory_space<vmem>>
    %dma_start3A_14 = tpu.memref_squeeze %dma_start3A_13 : memref<1x125xi32, #tpu.memory_space<vmem>> -> memref<125xi32, #tpu.memory_space<vmem>>
    %dma_start3A_15 = arith.constant 0 : i32
    %dma_start3A_16 = arith.constant 0 : i32
    %dma_start3A_17 = tpu.memref_slice %arg2[%dma_start3A_15, %dma_start3A_16] : memref<10000x128xf32, #tpu.memory_space<hbm>> -> memref<10000x128xf32, #tpu.memory_space<hbm>>
    tpu.enqueue_indirect_dma source(%dma_start3A_17 : memref<10000x128xf32, #tpu.memory_space<hbm>>) target(%arg9 : memref<125x128xf32, #tpu.memory_space<vmem>>) offsets(%dma_start3A_14 : memref<125xi32, #tpu.memory_space<vmem>>) semaphore(%arg15 : memref<!tpu.dma_semaphore, #tpu.memory_space<semaphore_mem>>)
    %scan3A = arith.constant 0 : i32
    %scan3A_18 = arith.constant 0 : i32
    %scan3A_19 = arith.constant 20 : i32
    %scan3A_20 = arith.addi %scan3A_18, %scan3A_19 : i32
    %scan3A_21 = arith.constant 1 : i32
    scf.for %scan3A_34 = %scan3A_18 to %scan3A_20 step %scan3A_21  : i32 {
      %mul3A_35 = arith.constant 2 : i32
      %mul3A_36 = arith.muli %mul3A_35, %scan3A_34 : i32
      %add3A_37 = arith.constant 1 : i32
      %add3A_38 = arith.addi %mul3A_36, %add3A_37 : i32
      %dma_start3A_39 = arith.constant 0 : i32
      %dma_start3A_40 = tpu.memref_slice %arg6[%add3A_38, %dma_start3A_39] : memref<40x125xi32, #tpu.memory_space<vmem>> -> memref<1x125xi32, #tpu.memory_space<vmem>>
      %dma_start3A_41 = tpu.memref_squeeze %dma_start3A_40 : memref<1x125xi32, #tpu.memory_space<vmem>> -> memref<125xi32, #tpu.memory_space<vmem>>
      %dma_start3A_42 = arith.constant 0 : i32
      %dma_start3A_43 = arith.constant 0 : i32
      %dma_start3A_44 = tpu.memref_slice %arg2[%dma_start3A_42, %dma_start3A_43] : memref<10000x128xf32, #tpu.memory_space<hbm>> -> memref<10000x128xf32, #tpu.memory_space<hbm>>
      tpu.enqueue_indirect_dma source(%dma_start3A_44 : memref<10000x128xf32, #tpu.memory_space<hbm>>) target(%arg11 : memref<125x128xf32, #tpu.memory_space<vmem>>) offsets(%dma_start3A_41 : memref<125xi32, #tpu.memory_space<vmem>>) semaphore(%arg16 : memref<!tpu.dma_semaphore, #tpu.memory_space<semaphore_mem>>)
      %dma_start3A_45 = arith.constant 0 : i32
      %dma_start3A_46 = tpu.memref_slice %arg7[%add3A_38, %dma_start3A_45] : memref<40x125xi32, #tpu.memory_space<vmem>> -> memref<1x125xi32, #tpu.memory_space<vmem>>
      %dma_start3A_47 = tpu.memref_squeeze %dma_start3A_46 : memref<1x125xi32, #tpu.memory_space<vmem>> -> memref<125xi32, #tpu.memory_space<vmem>>
      %dma_start3A_48 = arith.constant 0 : i32
      %dma_start3A_49 = arith.constant 0 : i32
      %dma_start3A_50 = tpu.memref_slice %arg2[%dma_start3A_48, %dma_start3A_49] : memref<10000x128xf32, #tpu.memory_space<hbm>> -> memref<10000x128xf32, #tpu.memory_space<hbm>>
      tpu.enqueue_indirect_dma source(%dma_start3A_50 : memref<10000x128xf32, #tpu.memory_space<hbm>>) target(%arg12 : memref<125x128xf32, #tpu.memory_space<vmem>>) offsets(%dma_start3A_47 : memref<125xi32, #tpu.memory_space<vmem>>) semaphore(%arg17 : memref<!tpu.dma_semaphore, #tpu.memory_space<semaphore_mem>>)
      %dma_wait3A_51 = arith.constant 0 : i32
      %dma_wait3A_52 = arith.constant 0 : i32
      %dma_wait3A_53 = tpu.memref_slice %arg2[%dma_wait3A_51, %dma_wait3A_52] : memref<10000x128xf32, #tpu.memory_space<hbm>> -> memref<125x128xf32, #tpu.memory_space<hbm>>
      %dma_wait3A_54 = arith.constant 0 : i32
      %dma_wait3A_55 = arith.constant 0 : i32
      %dma_wait3A_56 = tpu.memref_slice %arg2[%dma_wait3A_54, %dma_wait3A_55] : memref<10000x128xf32, #tpu.memory_space<hbm>> -> memref<125x128xf32, #tpu.memory_space<hbm>>
      tpu.wait_dma2 semaphore(%arg14 : memref<!tpu.dma_semaphore, #tpu.memory_space<semaphore_mem>>) src(%dma_wait3A_56 : memref<125x128xf32, #tpu.memory_space<hbm>>) dst(%arg8 : memref<125x128xf32, #tpu.memory_space<vmem>>)
      %dma_wait3A_57 = arith.constant 0 : i32
      %dma_wait3A_58 = arith.constant 0 : i32
      %dma_wait3A_59 = tpu.memref_slice %arg2[%dma_wait3A_57, %dma_wait3A_58] : memref<10000x128xf32, #tpu.memory_space<hbm>> -> memref<125x128xf32, #tpu.memory_space<hbm>>
      %dma_wait3A_60 = arith.constant 0 : i32
      %dma_wait3A_61 = arith.constant 0 : i32
      %dma_wait3A_62 = tpu.memref_slice %arg2[%dma_wait3A_60, %dma_wait3A_61] : memref<10000x128xf32, #tpu.memory_space<hbm>> -> memref<125x128xf32, #tpu.memory_space<hbm>>
      tpu.wait_dma2 semaphore(%arg15 : memref<!tpu.dma_semaphore, #tpu.memory_space<semaphore_mem>>) src(%dma_wait3A_62 : memref<125x128xf32, #tpu.memory_space<hbm>>) dst(%arg9 : memref<125x128xf32, #tpu.memory_space<vmem>>)
      %ge3A = arith.constant 1 : i32
      %ge3A_63 = arith.cmpi sge, %scan3A_34, %ge3A : i32
      %convert_element_type3A = arith.extui %ge3A_63 : i1 to i32
      %cond3A = arith.constant 0 : i32
      %cond3A_64 = arith.cmpi ne, %convert_element_type3A, %cond3A : i32
      scf.if %cond3A_64 {
        %dma_wait3A_108 = arith.constant 0 : i32
        %dma_wait3A_109 = arith.constant 0 : i32
        %dma_wait3A_110 = tpu.memref_slice %arg5[%dma_wait3A_108, %dma_wait3A_109] : memref<160000x128xf32, #tpu.memory_space<hbm>> -> memref<125x128xf32, #tpu.memory_space<hbm>>
        %dma_wait3A_111 = arith.constant 0 : i32
        %dma_wait3A_112 = arith.constant 0 : i32
        %dma_wait3A_113 = tpu.memref_slice %arg5[%dma_wait3A_111, %dma_wait3A_112] : memref<160000x128xf32, #tpu.memory_space<hbm>> -> memref<125x128xf32, #tpu.memory_space<hbm>>
        tpu.wait_dma2 semaphore(%arg18 : memref<!tpu.dma_semaphore, #tpu.memory_space<semaphore_mem>>) src(%arg10 : memref<125x128xf32, #tpu.memory_space<vmem>>) dst(%dma_wait3A_113 : memref<125x128xf32, #tpu.memory_space<hbm>>)
      } else {
      }
      %mul3A_65 = arith.constant 5000 : i32
      %mul3A_66 = arith.muli %add3A, %mul3A_65 : i32
      %mul3A_67 = arith.constant 125 : i32
      %mul3A_68 = arith.muli %mul3A_36, %mul3A_67 : i32
      %add3A_69 = arith.addi %mul3A_66, %mul3A_68 : i32
      %dma_start3A_70 = arith.constant 0 : i32
      %dma_start3A_71 = tpu.memref_slice %arg5[%add3A_69, %dma_start3A_70] : memref<160000x128xf32, #tpu.memory_space<hbm>> -> memref<125x128xf32, #tpu.memory_space<hbm>>
      %dma_start3A_72 = arith.constant 0 : i32
      %dma_start3A_73 = tpu.memref_slice %arg5[%add3A_69, %dma_start3A_72] : memref<160000x128xf32, #tpu.memory_space<hbm>> -> memref<125x128xf32, #tpu.memory_space<hbm>>
      tpu.enqueue_dma source(%arg10 : memref<125x128xf32, #tpu.memory_space<vmem>>) target(%dma_start3A_73 : memref<125x128xf32, #tpu.memory_space<hbm>>) target_semaphore(%arg18 : memref<!tpu.dma_semaphore, #tpu.memory_space<semaphore_mem>>)
      %add3A_74 = arith.constant 1 : i32
      %add3A_75 = arith.addi %scan3A_34, %add3A_74 : i32
      %lt3A = arith.constant 20 : i32
      %lt3A_76 = arith.cmpi slt, %add3A_75, %lt3A : i32
      %convert_element_type3A_77 = arith.extui %lt3A_76 : i1 to i32
      %cond3A_78 = arith.constant 0 : i32
      %cond3A_79 = arith.cmpi ne, %convert_element_type3A_77, %cond3A_78 : i32
      scf.if %cond3A_79 {
        %add3A_108 = arith.constant 2 : i32
        %add3A_109 = arith.addi %mul3A_36, %add3A_108 : i32
        %dma_start3A_110 = arith.constant 0 : i32
        %dma_start3A_111 = tpu.memref_slice %arg6[%add3A_109, %dma_start3A_110] : memref<40x125xi32, #tpu.memory_space<vmem>> -> memref<1x125xi32, #tpu.memory_space<vmem>>
        %dma_start3A_112 = tpu.memref_squeeze %dma_start3A_111 : memref<1x125xi32, #tpu.memory_space<vmem>> -> memref<125xi32, #tpu.memory_space<vmem>>
        %dma_start3A_113 = arith.constant 0 : i32
        %dma_start3A_114 = arith.constant 0 : i32
        %dma_start3A_115 = tpu.memref_slice %arg2[%dma_start3A_113, %dma_start3A_114] : memref<10000x128xf32, #tpu.memory_space<hbm>> -> memref<10000x128xf32, #tpu.memory_space<hbm>>
        tpu.enqueue_indirect_dma source(%dma_start3A_115 : memref<10000x128xf32, #tpu.memory_space<hbm>>) target(%arg8 : memref<125x128xf32, #tpu.memory_space<vmem>>) offsets(%dma_start3A_112 : memref<125xi32, #tpu.memory_space<vmem>>) semaphore(%arg14 : memref<!tpu.dma_semaphore, #tpu.memory_space<semaphore_mem>>)
        %dma_start3A_116 = arith.constant 0 : i32
        %dma_start3A_117 = tpu.memref_slice %arg7[%add3A_109, %dma_start3A_116] : memref<40x125xi32, #tpu.memory_space<vmem>> -> memref<1x125xi32, #tpu.memory_space<vmem>>
        %dma_start3A_118 = tpu.memref_squeeze %dma_start3A_117 : memref<1x125xi32, #tpu.memory_space<vmem>> -> memref<125xi32, #tpu.memory_space<vmem>>
        %dma_start3A_119 = arith.constant 0 : i32
        %dma_start3A_120 = arith.constant 0 : i32
        %dma_start3A_121 = tpu.memref_slice %arg2[%dma_start3A_119, %dma_start3A_120] : memref<10000x128xf32, #tpu.memory_space<hbm>> -> memref<10000x128xf32, #tpu.memory_space<hbm>>
        tpu.enqueue_indirect_dma source(%dma_start3A_121 : memref<10000x128xf32, #tpu.memory_space<hbm>>) target(%arg9 : memref<125x128xf32, #tpu.memory_space<vmem>>) offsets(%dma_start3A_118 : memref<125xi32, #tpu.memory_space<vmem>>) semaphore(%arg15 : memref<!tpu.dma_semaphore, #tpu.memory_space<semaphore_mem>>)
      } else {
      }
      %dma_wait3A_80 = arith.constant 0 : i32
      %dma_wait3A_81 = arith.constant 0 : i32
      %dma_wait3A_82 = tpu.memref_slice %arg2[%dma_wait3A_80, %dma_wait3A_81] : memref<10000x128xf32, #tpu.memory_space<hbm>> -> memref<125x128xf32, #tpu.memory_space<hbm>>
      %dma_wait3A_83 = arith.constant 0 : i32
      %dma_wait3A_84 = arith.constant 0 : i32
      %dma_wait3A_85 = tpu.memref_slice %arg2[%dma_wait3A_83, %dma_wait3A_84] : memref<10000x128xf32, #tpu.memory_space<hbm>> -> memref<125x128xf32, #tpu.memory_space<hbm>>
      tpu.wait_dma2 semaphore(%arg16 : memref<!tpu.dma_semaphore, #tpu.memory_space<semaphore_mem>>) src(%dma_wait3A_85 : memref<125x128xf32, #tpu.memory_space<hbm>>) dst(%arg11 : memref<125x128xf32, #tpu.memory_space<vmem>>)
      %dma_wait3A_86 = arith.constant 0 : i32
      %dma_wait3A_87 = arith.constant 0 : i32
      %dma_wait3A_88 = tpu.memref_slice %arg2[%dma_wait3A_86, %dma_wait3A_87] : memref<10000x128xf32, #tpu.memory_space<hbm>> -> memref<125x128xf32, #tpu.memory_space<hbm>>
      %dma_wait3A_89 = arith.constant 0 : i32
      %dma_wait3A_90 = arith.constant 0 : i32
      %dma_wait3A_91 = tpu.memref_slice %arg2[%dma_wait3A_89, %dma_wait3A_90] : memref<10000x128xf32, #tpu.memory_space<hbm>> -> memref<125x128xf32, #tpu.memory_space<hbm>>
      tpu.wait_dma2 semaphore(%arg17 : memref<!tpu.dma_semaphore, #tpu.memory_space<semaphore_mem>>) src(%dma_wait3A_91 : memref<125x128xf32, #tpu.memory_space<hbm>>) dst(%arg12 : memref<125x128xf32, #tpu.memory_space<vmem>>)
      %ge3A_92 = arith.constant 1 : i32
      %ge3A_93 = arith.cmpi sge, %scan3A_34, %ge3A_92 : i32
      %convert_element_type3A_94 = arith.extui %ge3A_93 : i1 to i32
      %cond3A_95 = arith.constant 0 : i32
      %cond3A_96 = arith.cmpi ne, %convert_element_type3A_94, %cond3A_95 : i32
      scf.if %cond3A_96 {
        %dma_wait3A_108 = arith.constant 0 : i32
        %dma_wait3A_109 = arith.constant 0 : i32
        %dma_wait3A_110 = tpu.memref_slice %arg5[%dma_wait3A_108, %dma_wait3A_109] : memref<160000x128xf32, #tpu.memory_space<hbm>> -> memref<125x128xf32, #tpu.memory_space<hbm>>
        %dma_wait3A_111 = arith.constant 0 : i32
        %dma_wait3A_112 = arith.constant 0 : i32
        %dma_wait3A_113 = tpu.memref_slice %arg5[%dma_wait3A_111, %dma_wait3A_112] : memref<160000x128xf32, #tpu.memory_space<hbm>> -> memref<125x128xf32, #tpu.memory_space<hbm>>
        tpu.wait_dma2 semaphore(%arg19 : memref<!tpu.dma_semaphore, #tpu.memory_space<semaphore_mem>>) src(%arg13 : memref<125x128xf32, #tpu.memory_space<vmem>>) dst(%dma_wait3A_113 : memref<125x128xf32, #tpu.memory_space<hbm>>)
      } else {
      }
      %mul3A_97 = arith.constant 5000 : i32
      %mul3A_98 = arith.muli %add3A, %mul3A_97 : i32
      %add3A_99 = arith.constant 1 : i32
      %add3A_100 = arith.addi %mul3A_36, %add3A_99 : i32
      %mul3A_101 = arith.constant 125 : i32
      %mul3A_102 = arith.muli %add3A_100, %mul3A_101 : i32
      %add3A_103 = arith.addi %mul3A_98, %mul3A_102 : i32
      %dma_start3A_104 = arith.constant 0 : i32
      %dma_start3A_105 = tpu.memref_slice %arg5[%add3A_103, %dma_start3A_104] : memref<160000x128xf32, #tpu.memory_space<hbm>> -> memref<125x128xf32, #tpu.memory_space<hbm>>
      %dma_start3A_106 = arith.constant 0 : i32
      %dma_start3A_107 = tpu.memref_slice %arg5[%add3A_103, %dma_start3A_106] : memref<160000x128xf32, #tpu.memory_space<hbm>> -> memref<125x128xf32, #tpu.memory_space<hbm>>
      tpu.enqueue_dma source(%arg13 : memref<125x128xf32, #tpu.memory_space<vmem>>) target(%dma_start3A_107 : memref<125x128xf32, #tpu.memory_space<hbm>>) target_semaphore(%arg19 : memref<!tpu.dma_semaphore, #tpu.memory_space<semaphore_mem>>)
    }
    %scan3A_22 = arith.constant 20 : i32
    %dma_wait3A = arith.constant 0 : i32
    %dma_wait3A_23 = arith.constant 0 : i32
    %dma_wait3A_24 = tpu.memref_slice %arg5[%dma_wait3A, %dma_wait3A_23] : memref<160000x128xf32, #tpu.memory_space<hbm>> -> memref<125x128xf32, #tpu.memory_space<hbm>>
    %dma_wait3A_25 = arith.constant 0 : i32
    %dma_wait3A_26 = arith.constant 0 : i32
    %dma_wait3A_27 = tpu.memref_slice %arg5[%dma_wait3A_25, %dma_wait3A_26] : memref<160000x128xf32, #tpu.memory_space<hbm>> -> memref<125x128xf32, #tpu.memory_space<hbm>>
    tpu.wait_dma2 semaphore(%arg18 : memref<!tpu.dma_semaphore, #tpu.memory_space<semaphore_mem>>) src(%arg10 : memref<125x128xf32, #tpu.memory_space<vmem>>) dst(%dma_wait3A_27 : memref<125x128xf32, #tpu.memory_space<hbm>>)
    %dma_wait3A_28 = arith.constant 0 : i32
    %dma_wait3A_29 = arith.constant 0 : i32
    %dma_wait3A_30 = tpu.memref_slice %arg5[%dma_wait3A_28, %dma_wait3A_29] : memref<160000x128xf32, #tpu.memory_space<hbm>> -> memref<125x128xf32, #tpu.memory_space<hbm>>
    %dma_wait3A_31 = arith.constant 0 : i32
    %dma_wait3A_32 = arith.constant 0 : i32
    %dma_wait3A_33 = tpu.memref_slice %arg5[%dma_wait3A_31, %dma_wait3A_32] : memref<160000x128xf32, #tpu.memory_space<hbm>> -> memref<125x128xf32, #tpu.memory_space<hbm>>
    tpu.wait_dma2 semaphore(%arg19 : memref<!tpu.dma_semaphore, #tpu.memory_space<semaphore_mem>>) src(%arg13 : memref<125x128xf32, #tpu.memory_space<vmem>>) dst(%dma_wait3A_33 : memref<125x128xf32, #tpu.memory_space<hbm>>)
    return
  }
}

#map = affine_map<(d0, d1) -> (0, 0)>
#map1 = affine_map<(d0, d1) -> (0, 0, 0)>
module attributes {stable_mosaic.version = 14 : i64} {
  func.func @scatter(%arg0: i32, %arg1: i32, %arg2: memref<160000x128xf32, #tpu.memory_space<hbm>>, %arg3: memref<1280x125xi32, #tpu.memory_space<hbm>>, %arg4: memref<1280x125xi32, #tpu.memory_space<hbm>>, %arg5: memref<125x128xf32, #tpu.memory_space<hbm>>, %arg6: memref<125x16xf32, #tpu.memory_space<hbm>>, %arg7: memref<125x16xf32, #tpu.memory_space<hbm>>, %arg8: memref<2x10000x128xf32, #tpu.memory_space<hbm>>, %arg9: memref<2x125xi32, #tpu.memory_space<vmem>>, %arg10: memref<2x125xi32, #tpu.memory_space<vmem>>, %arg11: memref<125x128xf32, #tpu.memory_space<vmem>>, %arg12: memref<125x128xf32, #tpu.memory_space<vmem>>, %arg13: memref<125x16xf32, #tpu.memory_space<vmem>>, %arg14: memref<10000x128xf32, #tpu.memory_space<vmem_shared>>, %arg15: memref<10000x16xf32, #tpu.memory_space<vmem_shared>>, %arg16: memref<!tpu.dma_semaphore, #tpu.memory_space<semaphore_mem>>, %arg17: memref<!tpu.dma_semaphore, #tpu.memory_space<semaphore_mem>>, %arg18: memref<!tpu.dma_semaphore, #tpu.memory_space<semaphore_mem>>, %arg19: memref<!tpu.dma_semaphore, #tpu.memory_space<semaphore_mem>>) attributes {dimension_semantics = [#tpu.dimension_semantics<core_parallel>, #tpu.dimension_semantics<subcore_parallel>], iteration_bounds = array<i64: 2, 16>, scalar_prefetch = 0 : i64, scratch_operands = 11 : i64, tpu.core_type = #tpu.core_type<sc_vector_subcore>, window_params = [{transform_indices = #map}, {transform_indices = #map}, {transform_indices = #map}, {transform_indices = #map}, {transform_indices = #map}, {transform_indices = #map}, {transform_indices = #map1}]} {
    %mul3A = arith.constant 2 : i32
    %mul3A_0 = arith.muli %arg1, %mul3A : i32
    %add3A = arith.addi %mul3A_0, %arg0 : i32
    "tpu.region"() ({
      %run_scoped3A = tpu.sem_alloc : memref<!tpu.dma_semaphore, #tpu.memory_space<semaphore_mem>>
      tpu.enqueue_dma source(%arg5 : memref<125x128xf32, #tpu.memory_space<hbm>>) target(%arg11 : memref<125x128xf32, #tpu.memory_space<vmem>>) target_semaphore(%run_scoped3A : memref<!tpu.dma_semaphore, #tpu.memory_space<semaphore_mem>>)
      tpu.wait_dma2 semaphore(%run_scoped3A : memref<!tpu.dma_semaphore, #tpu.memory_space<semaphore_mem>>) src(%arg5 : memref<125x128xf32, #tpu.memory_space<hbm>>) dst(%arg11 : memref<125x128xf32, #tpu.memory_space<vmem>>)
      tpu.yield
    }) : () -> ()
    %mul3A_1 = arith.constant 625 : i32
    %mul3A_2 = arith.muli %arg1, %mul3A_1 : i32
    %add3A_3 = arith.constant 0 : i32
    %add3A_4 = arith.addi %mul3A_2, %add3A_3 : i32
    "tpu.region"() ({
      %run_scoped3A = tpu.sem_alloc : memref<!tpu.dma_semaphore, #tpu.memory_space<semaphore_mem>>
      %dma_start3A_93 = arith.constant 0 : i32
      %dma_start3A_94 = tpu.memref_slice %arg14[%add3A_4, %dma_start3A_93] : memref<10000x128xf32, #tpu.memory_space<vmem_shared>> -> memref<125x128xf32, #tpu.memory_space<vmem_shared>>
      %dma_start3A_95 = arith.constant 0 : i32
      %dma_start3A_96 = tpu.memref_slice %arg14[%add3A_4, %dma_start3A_95] : memref<10000x128xf32, #tpu.memory_space<vmem_shared>> -> memref<125x128xf32, #tpu.memory_space<vmem_shared>>
      tpu.enqueue_dma source(%arg11 : memref<125x128xf32, #tpu.memory_space<vmem>>) target(%dma_start3A_96 : memref<125x128xf32, #tpu.memory_space<vmem_shared>>) target_semaphore(%run_scoped3A : memref<!tpu.dma_semaphore, #tpu.memory_space<semaphore_mem>>)
      %dma_wait3A_97 = arith.constant 0 : i32
      %dma_wait3A_98 = tpu.memref_slice %arg14[%add3A_4, %dma_wait3A_97] : memref<10000x128xf32, #tpu.memory_space<vmem_shared>> -> memref<125x128xf32, #tpu.memory_space<vmem_shared>>
      %dma_wait3A_99 = arith.constant 0 : i32
      %dma_wait3A_100 = tpu.memref_slice %arg14[%add3A_4, %dma_wait3A_99] : memref<10000x128xf32, #tpu.memory_space<vmem_shared>> -> memref<125x128xf32, #tpu.memory_space<vmem_shared>>
      tpu.wait_dma2 semaphore(%run_scoped3A : memref<!tpu.dma_semaphore, #tpu.memory_space<semaphore_mem>>) src(%arg11 : memref<125x128xf32, #tpu.memory_space<vmem>>) dst(%dma_wait3A_100 : memref<125x128xf32, #tpu.memory_space<vmem_shared>>)
      tpu.yield
    }) : () -> ()
    %mul3A_5 = arith.constant 625 : i32
    %mul3A_6 = arith.muli %arg1, %mul3A_5 : i32
    %add3A_7 = arith.constant 125 : i32
    %add3A_8 = arith.addi %mul3A_6, %add3A_7 : i32
    "tpu.region"() ({
      %run_scoped3A = tpu.sem_alloc : memref<!tpu.dma_semaphore, #tpu.memory_space<semaphore_mem>>
      %dma_start3A_93 = arith.constant 0 : i32
      %dma_start3A_94 = tpu.memref_slice %arg14[%add3A_8, %dma_start3A_93] : memref<10000x128xf32, #tpu.memory_space<vmem_shared>> -> memref<125x128xf32, #tpu.memory_space<vmem_shared>>
      %dma_start3A_95 = arith.constant 0 : i32
      %dma_start3A_96 = tpu.memref_slice %arg14[%add3A_8, %dma_start3A_95] : memref<10000x128xf32, #tpu.memory_space<vmem_shared>> -> memref<125x128xf32, #tpu.memory_space<vmem_shared>>
      tpu.enqueue_dma source(%arg11 : memref<125x128xf32, #tpu.memory_space<vmem>>) target(%dma_start3A_96 : memref<125x128xf32, #tpu.memory_space<vmem_shared>>) target_semaphore(%run_scoped3A : memref<!tpu.dma_semaphore, #tpu.memory_space<semaphore_mem>>)
      %dma_wait3A_97 = arith.constant 0 : i32
      %dma_wait3A_98 = tpu.memref_slice %arg14[%add3A_8, %dma_wait3A_97] : memref<10000x128xf32, #tpu.memory_space<vmem_shared>> -> memref<125x128xf32, #tpu.memory_space<vmem_shared>>
      %dma_wait3A_99 = arith.constant 0 : i32
      %dma_wait3A_100 = tpu.memref_slice %arg14[%add3A_8, %dma_wait3A_99] : memref<10000x128xf32, #tpu.memory_space<vmem_shared>> -> memref<125x128xf32, #tpu.memory_space<vmem_shared>>
      tpu.wait_dma2 semaphore(%run_scoped3A : memref<!tpu.dma_semaphore, #tpu.memory_space<semaphore_mem>>) src(%arg11 : memref<125x128xf32, #tpu.memory_space<vmem>>) dst(%dma_wait3A_100 : memref<125x128xf32, #tpu.memory_space<vmem_shared>>)
      tpu.yield
    }) : () -> ()
    %mul3A_9 = arith.constant 625 : i32
    %mul3A_10 = arith.muli %arg1, %mul3A_9 : i32
    %add3A_11 = arith.constant 250 : i32
    %add3A_12 = arith.addi %mul3A_10, %add3A_11 : i32
    "tpu.region"() ({
      %run_scoped3A = tpu.sem_alloc : memref<!tpu.dma_semaphore, #tpu.memory_space<semaphore_mem>>
      %dma_start3A_93 = arith.constant 0 : i32
      %dma_start3A_94 = tpu.memref_slice %arg14[%add3A_12, %dma_start3A_93] : memref<10000x128xf32, #tpu.memory_space<vmem_shared>> -> memref<125x128xf32, #tpu.memory_space<vmem_shared>>
      %dma_start3A_95 = arith.constant 0 : i32
      %dma_start3A_96 = tpu.memref_slice %arg14[%add3A_12, %dma_start3A_95] : memref<10000x128xf32, #tpu.memory_space<vmem_shared>> -> memref<125x128xf32, #tpu.memory_space<vmem_shared>>
      tpu.enqueue_dma source(%arg11 : memref<125x128xf32, #tpu.memory_space<vmem>>) target(%dma_start3A_96 : memref<125x128xf32, #tpu.memory_space<vmem_shared>>) target_semaphore(%run_scoped3A : memref<!tpu.dma_semaphore, #tpu.memory_space<semaphore_mem>>)
      %dma_wait3A_97 = arith.constant 0 : i32
      %dma_wait3A_98 = tpu.memref_slice %arg14[%add3A_12, %dma_wait3A_97] : memref<10000x128xf32, #tpu.memory_space<vmem_shared>> -> memref<125x128xf32, #tpu.memory_space<vmem_shared>>
      %dma_wait3A_99 = arith.constant 0 : i32
      %dma_wait3A_100 = tpu.memref_slice %arg14[%add3A_12, %dma_wait3A_99] : memref<10000x128xf32, #tpu.memory_space<vmem_shared>> -> memref<125x128xf32, #tpu.memory_space<vmem_shared>>
      tpu.wait_dma2 semaphore(%run_scoped3A : memref<!tpu.dma_semaphore, #tpu.memory_space<semaphore_mem>>) src(%arg11 : memref<125x128xf32, #tpu.memory_space<vmem>>) dst(%dma_wait3A_100 : memref<125x128xf32, #tpu.memory_space<vmem_shared>>)
      tpu.yield
    }) : () -> ()
    %mul3A_13 = arith.constant 625 : i32
    %mul3A_14 = arith.muli %arg1, %mul3A_13 : i32
    %add3A_15 = arith.constant 375 : i32
    %add3A_16 = arith.addi %mul3A_14, %add3A_15 : i32
    "tpu.region"() ({
      %run_scoped3A = tpu.sem_alloc : memref<!tpu.dma_semaphore, #tpu.memory_space<semaphore_mem>>
      %dma_start3A_93 = arith.constant 0 : i32
      %dma_start3A_94 = tpu.memref_slice %arg14[%add3A_16, %dma_start3A_93] : memref<10000x128xf32, #tpu.memory_space<vmem_shared>> -> memref<125x128xf32, #tpu.memory_space<vmem_shared>>
      %dma_start3A_95 = arith.constant 0 : i32
      %dma_start3A_96 = tpu.memref_slice %arg14[%add3A_16, %dma_start3A_95] : memref<10000x128xf32, #tpu.memory_space<vmem_shared>> -> memref<125x128xf32, #tpu.memory_space<vmem_shared>>
      tpu.enqueue_dma source(%arg11 : memref<125x128xf32, #tpu.memory_space<vmem>>) target(%dma_start3A_96 : memref<125x128xf32, #tpu.memory_space<vmem_shared>>) target_semaphore(%run_scoped3A : memref<!tpu.dma_semaphore, #tpu.memory_space<semaphore_mem>>)
      %dma_wait3A_97 = arith.constant 0 : i32
      %dma_wait3A_98 = tpu.memref_slice %arg14[%add3A_16, %dma_wait3A_97] : memref<10000x128xf32, #tpu.memory_space<vmem_shared>> -> memref<125x128xf32, #tpu.memory_space<vmem_shared>>
      %dma_wait3A_99 = arith.constant 0 : i32
      %dma_wait3A_100 = tpu.memref_slice %arg14[%add3A_16, %dma_wait3A_99] : memref<10000x128xf32, #tpu.memory_space<vmem_shared>> -> memref<125x128xf32, #tpu.memory_space<vmem_shared>>
      tpu.wait_dma2 semaphore(%run_scoped3A : memref<!tpu.dma_semaphore, #tpu.memory_space<semaphore_mem>>) src(%arg11 : memref<125x128xf32, #tpu.memory_space<vmem>>) dst(%dma_wait3A_100 : memref<125x128xf32, #tpu.memory_space<vmem_shared>>)
      tpu.yield
    }) : () -> ()
    %mul3A_17 = arith.constant 625 : i32
    %mul3A_18 = arith.muli %arg1, %mul3A_17 : i32
    %add3A_19 = arith.constant 500 : i32
    %add3A_20 = arith.addi %mul3A_18, %add3A_19 : i32
    "tpu.region"() ({
      %run_scoped3A = tpu.sem_alloc : memref<!tpu.dma_semaphore, #tpu.memory_space<semaphore_mem>>
      %dma_start3A_93 = arith.constant 0 : i32
      %dma_start3A_94 = tpu.memref_slice %arg14[%add3A_20, %dma_start3A_93] : memref<10000x128xf32, #tpu.memory_space<vmem_shared>> -> memref<125x128xf32, #tpu.memory_space<vmem_shared>>
      %dma_start3A_95 = arith.constant 0 : i32
      %dma_start3A_96 = tpu.memref_slice %arg14[%add3A_20, %dma_start3A_95] : memref<10000x128xf32, #tpu.memory_space<vmem_shared>> -> memref<125x128xf32, #tpu.memory_space<vmem_shared>>
      tpu.enqueue_dma source(%arg11 : memref<125x128xf32, #tpu.memory_space<vmem>>) target(%dma_start3A_96 : memref<125x128xf32, #tpu.memory_space<vmem_shared>>) target_semaphore(%run_scoped3A : memref<!tpu.dma_semaphore, #tpu.memory_space<semaphore_mem>>)
      %dma_wait3A_97 = arith.constant 0 : i32
      %dma_wait3A_98 = tpu.memref_slice %arg14[%add3A_20, %dma_wait3A_97] : memref<10000x128xf32, #tpu.memory_space<vmem_shared>> -> memref<125x128xf32, #tpu.memory_space<vmem_shared>>
      %dma_wait3A_99 = arith.constant 0 : i32
      %dma_wait3A_100 = tpu.memref_slice %arg14[%add3A_20, %dma_wait3A_99] : memref<10000x128xf32, #tpu.memory_space<vmem_shared>> -> memref<125x128xf32, #tpu.memory_space<vmem_shared>>
      tpu.wait_dma2 semaphore(%run_scoped3A : memref<!tpu.dma_semaphore, #tpu.memory_space<semaphore_mem>>) src(%arg11 : memref<125x128xf32, #tpu.memory_space<vmem>>) dst(%dma_wait3A_100 : memref<125x128xf32, #tpu.memory_space<vmem_shared>>)
      tpu.yield
    }) : () -> ()
    %barrier3A = arith.constant 0 : index
    tpu.barrier barrier_id(%barrier3A)
    %mul3A_21 = arith.constant 5000 : i32
    %mul3A_22 = arith.muli %add3A, %mul3A_21 : i32
    %add3A_23 = arith.constant 0 : i32
    %add3A_24 = arith.addi %mul3A_22, %add3A_23 : i32
    %dma_start3A = arith.constant 0 : i32
    %dma_start3A_25 = tpu.memref_slice %arg2[%add3A_24, %dma_start3A] : memref<160000x128xf32, #tpu.memory_space<hbm>> -> memref<125x128xf32, #tpu.memory_space<hbm>>
    %dma_start3A_26 = arith.constant 0 : i32
    %dma_start3A_27 = tpu.memref_slice %arg2[%add3A_24, %dma_start3A_26] : memref<160000x128xf32, #tpu.memory_space<hbm>> -> memref<125x128xf32, #tpu.memory_space<hbm>>
    tpu.enqueue_dma source(%dma_start3A_27 : memref<125x128xf32, #tpu.memory_space<hbm>>) target(%arg11 : memref<125x128xf32, #tpu.memory_space<vmem>>) target_semaphore(%arg16 : memref<!tpu.dma_semaphore, #tpu.memory_space<semaphore_mem>>)
    %mul3A_28 = arith.constant 40 : i32
    %mul3A_29 = arith.muli %add3A, %mul3A_28 : i32
    %add3A_30 = arith.constant 0 : i32
    %add3A_31 = arith.addi %mul3A_29, %add3A_30 : i32
    %dma_start3A_32 = arith.constant 0 : i32
    %dma_start3A_33 = arith.constant 0 : i32
    %dma_start3A_34 = tpu.memref_slice %arg9[%dma_start3A_32, %dma_start3A_33] : memref<2x125xi32, #tpu.memory_space<vmem>> -> memref<1x125xi32, #tpu.memory_space<vmem>>
    %dma_start3A_35 = arith.constant 0 : i32
    %dma_start3A_36 = tpu.memref_slice %arg3[%add3A_31, %dma_start3A_35] : memref<1280x125xi32, #tpu.memory_space<hbm>> -> memref<1x125xi32, #tpu.memory_space<hbm>>
    %dma_start3A_37 = arith.constant 0 : i32
    %dma_start3A_38 = arith.constant 0 : i32
    %dma_start3A_39 = tpu.memref_slice %arg9[%dma_start3A_37, %dma_start3A_38] : memref<2x125xi32, #tpu.memory_space<vmem>> -> memref<1x125xi32, #tpu.memory_space<vmem>>
    %dma_start3A_40 = arith.constant 0 : i32
    %dma_start3A_41 = tpu.memref_slice %arg3[%add3A_31, %dma_start3A_40] : memref<1280x125xi32, #tpu.memory_space<hbm>> -> memref<1x125xi32, #tpu.memory_space<hbm>>
    tpu.enqueue_dma source(%dma_start3A_41 : memref<1x125xi32, #tpu.memory_space<hbm>>) target(%dma_start3A_39 : memref<1x125xi32, #tpu.memory_space<vmem>>) target_semaphore(%arg16 : memref<!tpu.dma_semaphore, #tpu.memory_space<semaphore_mem>>)
    %mul3A_42 = arith.constant 40 : i32
    %mul3A_43 = arith.muli %add3A, %mul3A_42 : i32
    %add3A_44 = arith.constant 0 : i32
    %add3A_45 = arith.addi %mul3A_43, %add3A_44 : i32
    %dma_start3A_46 = arith.constant 1 : i32
    %dma_start3A_47 = arith.constant 0 : i32
    %dma_start3A_48 = tpu.memref_slice %arg9[%dma_start3A_46, %dma_start3A_47] : memref<2x125xi32, #tpu.memory_space<vmem>> -> memref<1x125xi32, #tpu.memory_space<vmem>>
    %dma_start3A_49 = arith.constant 0 : i32
    %dma_start3A_50 = tpu.memref_slice %arg4[%add3A_45, %dma_start3A_49] : memref<1280x125xi32, #tpu.memory_space<hbm>> -> memref<1x125xi32, #tpu.memory_space<hbm>>
    %dma_start3A_51 = arith.constant 1 : i32
    %dma_start3A_52 = arith.constant 0 : i32
    %dma_start3A_53 = tpu.memref_slice %arg9[%dma_start3A_51, %dma_start3A_52] : memref<2x125xi32, #tpu.memory_space<vmem>> -> memref<1x125xi32, #tpu.memory_space<vmem>>
    %dma_start3A_54 = arith.constant 0 : i32
    %dma_start3A_55 = tpu.memref_slice %arg4[%add3A_45, %dma_start3A_54] : memref<1280x125xi32, #tpu.memory_space<hbm>> -> memref<1x125xi32, #tpu.memory_space<hbm>>
    tpu.enqueue_dma source(%dma_start3A_55 : memref<1x125xi32, #tpu.memory_space<hbm>>) target(%dma_start3A_53 : memref<1x125xi32, #tpu.memory_space<vmem>>) target_semaphore(%arg16 : memref<!tpu.dma_semaphore, #tpu.memory_space<semaphore_mem>>)
    %scan3A = arith.constant 0 : i32
    %scan3A_56 = arith.constant 0 : i32
    %scan3A_57 = arith.constant 20 : i32
    %scan3A_58 = arith.addi %scan3A_56, %scan3A_57 : i32
    %scan3A_59 = arith.constant 1 : i32
    scf.for %scan3A_93 = %scan3A_56 to %scan3A_58 step %scan3A_59  : i32 {
      %mul3A_94 = arith.constant 2 : i32
      %mul3A_95 = arith.muli %mul3A_94, %scan3A_93 : i32
      %ge3A = arith.constant 1 : i32
      %ge3A_96 = arith.cmpi sge, %scan3A_93, %ge3A : i32
      %convert_element_type3A = arith.extui %ge3A_96 : i1 to i32
      %cond3A = arith.constant 0 : i32
      %cond3A_97 = arith.cmpi ne, %convert_element_type3A, %cond3A : i32
      scf.if %cond3A_97 {
        %dma_wait3A_241 = arith.constant 0 : i32
        %dma_wait3A_242 = arith.constant 0 : i32
        %dma_wait3A_243 = tpu.memref_slice %arg14[%dma_wait3A_241, %dma_wait3A_242] : memref<10000x128xf32, #tpu.memory_space<vmem_shared>> -> memref<125x128xf32, #tpu.memory_space<vmem_shared>>
        %dma_wait3A_244 = arith.constant 0 : i32
        %dma_wait3A_245 = arith.constant 0 : i32
        %dma_wait3A_246 = tpu.memref_slice %arg14[%dma_wait3A_244, %dma_wait3A_245] : memref<10000x128xf32, #tpu.memory_space<vmem_shared>> -> memref<125x128xf32, #tpu.memory_space<vmem_shared>>
        tpu.wait_dma2 semaphore(%arg19 : memref<!tpu.dma_semaphore, #tpu.memory_space<semaphore_mem>>) src(%arg12 : memref<125x128xf32, #tpu.memory_space<vmem>>) dst(%dma_wait3A_246 : memref<125x128xf32, #tpu.memory_space<vmem_shared>>)
        %dma_wait3A_247 = arith.constant 0 : i32
        %dma_wait3A_248 = arith.constant 0 : i32
        %dma_wait3A_249 = tpu.memref_slice %arg14[%dma_wait3A_247, %dma_wait3A_248] : memref<10000x128xf32, #tpu.memory_space<vmem_shared>> -> memref<125x128xf32, #tpu.memory_space<vmem_shared>>
        %dma_wait3A_250 = arith.constant 0 : i32
        %dma_wait3A_251 = arith.constant 0 : i32
        %dma_wait3A_252 = tpu.memref_slice %arg14[%dma_wait3A_250, %dma_wait3A_251] : memref<10000x128xf32, #tpu.memory_space<vmem_shared>> -> memref<125x128xf32, #tpu.memory_space<vmem_shared>>
        tpu.wait_dma2 semaphore(%arg19 : memref<!tpu.dma_semaphore, #tpu.memory_space<semaphore_mem>>) src(%arg12 : memref<125x128xf32, #tpu.memory_space<vmem>>) dst(%dma_wait3A_252 : memref<125x128xf32, #tpu.memory_space<vmem_shared>>)
      } else {
      }
      %add3A_98 = arith.constant 1 : i32
      %add3A_99 = arith.addi %mul3A_95, %add3A_98 : i32
      %mul3A_100 = arith.constant 5000 : i32
      %mul3A_101 = arith.muli %add3A, %mul3A_100 : i32
      %mul3A_102 = arith.constant 125 : i32
      %mul3A_103 = arith.muli %add3A_99, %mul3A_102 : i32
      %add3A_104 = arith.addi %mul3A_101, %mul3A_103 : i32
      %dma_start3A_105 = arith.constant 0 : i32
      %dma_start3A_106 = tpu.memref_slice %arg2[%add3A_104, %dma_start3A_105] : memref<160000x128xf32, #tpu.memory_space<hbm>> -> memref<125x128xf32, #tpu.memory_space<hbm>>
      %dma_start3A_107 = arith.constant 0 : i32
      %dma_start3A_108 = tpu.memref_slice %arg2[%add3A_104, %dma_start3A_107] : memref<160000x128xf32, #tpu.memory_space<hbm>> -> memref<125x128xf32, #tpu.memory_space<hbm>>
      tpu.enqueue_dma source(%dma_start3A_108 : memref<125x128xf32, #tpu.memory_space<hbm>>) target(%arg12 : memref<125x128xf32, #tpu.memory_space<vmem>>) target_semaphore(%arg17 : memref<!tpu.dma_semaphore, #tpu.memory_space<semaphore_mem>>)
      %mul3A_109 = arith.constant 40 : i32
      %mul3A_110 = arith.muli %add3A, %mul3A_109 : i32
      %add3A_111 = arith.addi %mul3A_110, %add3A_99 : i32
      %dma_start3A_112 = arith.constant 0 : i32
      %dma_start3A_113 = arith.constant 0 : i32
      %dma_start3A_114 = tpu.memref_slice %arg10[%dma_start3A_112, %dma_start3A_113] : memref<2x125xi32, #tpu.memory_space<vmem>> -> memref<1x125xi32, #tpu.memory_space<vmem>>
      %dma_start3A_115 = arith.constant 0 : i32
      %dma_start3A_116 = tpu.memref_slice %arg3[%add3A_111, %dma_start3A_115] : memref<1280x125xi32, #tpu.memory_space<hbm>> -> memref<1x125xi32, #tpu.memory_space<hbm>>
      %dma_start3A_117 = arith.constant 0 : i32
      %dma_start3A_118 = arith.constant 0 : i32
      %dma_start3A_119 = tpu.memref_slice %arg10[%dma_start3A_117, %dma_start3A_118] : memref<2x125xi32, #tpu.memory_space<vmem>> -> memref<1x125xi32, #tpu.memory_space<vmem>>
      %dma_start3A_120 = arith.constant 0 : i32
      %dma_start3A_121 = tpu.memref_slice %arg3[%add3A_111, %dma_start3A_120] : memref<1280x125xi32, #tpu.memory_space<hbm>> -> memref<1x125xi32, #tpu.memory_space<hbm>>
      tpu.enqueue_dma source(%dma_start3A_121 : memref<1x125xi32, #tpu.memory_space<hbm>>) target(%dma_start3A_119 : memref<1x125xi32, #tpu.memory_space<vmem>>) target_semaphore(%arg17 : memref<!tpu.dma_semaphore, #tpu.memory_space<semaphore_mem>>)
      %mul3A_122 = arith.constant 40 : i32
      %mul3A_123 = arith.muli %add3A, %mul3A_122 : i32
      %add3A_124 = arith.addi %mul3A_123, %add3A_99 : i32
      %dma_start3A_125 = arith.constant 1 : i32
      %dma_start3A_126 = arith.constant 0 : i32
      %dma_start3A_127 = tpu.memref_slice %arg10[%dma_start3A_125, %dma_start3A_126] : memref<2x125xi32, #tpu.memory_space<vmem>> -> memref<1x125xi32, #tpu.memory_space<vmem>>
      %dma_start3A_128 = arith.constant 0 : i32
      %dma_start3A_129 = tpu.memref_slice %arg4[%add3A_124, %dma_start3A_128] : memref<1280x125xi32, #tpu.memory_space<hbm>> -> memref<1x125xi32, #tpu.memory_space<hbm>>
      %dma_start3A_130 = arith.constant 1 : i32
      %dma_start3A_131 = arith.constant 0 : i32
      %dma_start3A_132 = tpu.memref_slice %arg10[%dma_start3A_130, %dma_start3A_131] : memref<2x125xi32, #tpu.memory_space<vmem>> -> memref<1x125xi32, #tpu.memory_space<vmem>>
      %dma_start3A_133 = arith.constant 0 : i32
      %dma_start3A_134 = tpu.memref_slice %arg4[%add3A_124, %dma_start3A_133] : memref<1280x125xi32, #tpu.memory_space<hbm>> -> memref<1x125xi32, #tpu.memory_space<hbm>>
      tpu.enqueue_dma source(%dma_start3A_134 : memref<1x125xi32, #tpu.memory_space<hbm>>) target(%dma_start3A_132 : memref<1x125xi32, #tpu.memory_space<vmem>>) target_semaphore(%arg17 : memref<!tpu.dma_semaphore, #tpu.memory_space<semaphore_mem>>)
      %dma_wait3A_135 = arith.constant 0 : i32
      %dma_wait3A_136 = arith.constant 0 : i32
      %dma_wait3A_137 = tpu.memref_slice %arg2[%dma_wait3A_135, %dma_wait3A_136] : memref<160000x128xf32, #tpu.memory_space<hbm>> -> memref<125x128xf32, #tpu.memory_space<hbm>>
      %dma_wait3A_138 = arith.constant 0 : i32
      %dma_wait3A_139 = arith.constant 0 : i32
      %dma_wait3A_140 = tpu.memref_slice %arg2[%dma_wait3A_138, %dma_wait3A_139] : memref<160000x128xf32, #tpu.memory_space<hbm>> -> memref<125x128xf32, #tpu.memory_space<hbm>>
      tpu.wait_dma2 semaphore(%arg16 : memref<!tpu.dma_semaphore, #tpu.memory_space<semaphore_mem>>) src(%dma_wait3A_140 : memref<125x128xf32, #tpu.memory_space<hbm>>) dst(%arg11 : memref<125x128xf32, #tpu.memory_space<vmem>>)
      %dma_wait3A_141 = arith.constant 0 : i32
      %dma_wait3A_142 = arith.constant 0 : i32
      %dma_wait3A_143 = tpu.memref_slice %arg9[%dma_wait3A_141, %dma_wait3A_142] : memref<2x125xi32, #tpu.memory_space<vmem>> -> memref<1x125xi32, #tpu.memory_space<vmem>>
      %dma_wait3A_144 = arith.constant 0 : i32
      %dma_wait3A_145 = arith.constant 0 : i32
      %dma_wait3A_146 = tpu.memref_slice %arg3[%dma_wait3A_144, %dma_wait3A_145] : memref<1280x125xi32, #tpu.memory_space<hbm>> -> memref<1x125xi32, #tpu.memory_space<hbm>>
      %dma_wait3A_147 = arith.constant 0 : i32
      %dma_wait3A_148 = arith.constant 0 : i32
      %dma_wait3A_149 = tpu.memref_slice %arg9[%dma_wait3A_147, %dma_wait3A_148] : memref<2x125xi32, #tpu.memory_space<vmem>> -> memref<1x125xi32, #tpu.memory_space<vmem>>
      %dma_wait3A_150 = arith.constant 0 : i32
      %dma_wait3A_151 = arith.constant 0 : i32
      %dma_wait3A_152 = tpu.memref_slice %arg3[%dma_wait3A_150, %dma_wait3A_151] : memref<1280x125xi32, #tpu.memory_space<hbm>> -> memref<1x125xi32, #tpu.memory_space<hbm>>
      tpu.wait_dma2 semaphore(%arg16 : memref<!tpu.dma_semaphore, #tpu.memory_space<semaphore_mem>>) src(%dma_wait3A_152 : memref<1x125xi32, #tpu.memory_space<hbm>>) dst(%dma_wait3A_149 : memref<1x125xi32, #tpu.memory_space<vmem>>)
      %dma_wait3A_153 = arith.constant 1 : i32
      %dma_wait3A_154 = arith.constant 0 : i32
      %dma_wait3A_155 = tpu.memref_slice %arg9[%dma_wait3A_153, %dma_wait3A_154] : memref<2x125xi32, #tpu.memory_space<vmem>> -> memref<1x125xi32, #tpu.memory_space<vmem>>
      %dma_wait3A_156 = arith.constant 0 : i32
      %dma_wait3A_157 = arith.constant 0 : i32
      %dma_wait3A_158 = tpu.memref_slice %arg3[%dma_wait3A_156, %dma_wait3A_157] : memref<1280x125xi32, #tpu.memory_space<hbm>> -> memref<1x125xi32, #tpu.memory_space<hbm>>
      %dma_wait3A_159 = arith.constant 1 : i32
      %dma_wait3A_160 = arith.constant 0 : i32
      %dma_wait3A_161 = tpu.memref_slice %arg9[%dma_wait3A_159, %dma_wait3A_160] : memref<2x125xi32, #tpu.memory_space<vmem>> -> memref<1x125xi32, #tpu.memory_space<vmem>>
      %dma_wait3A_162 = arith.constant 0 : i32
      %dma_wait3A_163 = arith.constant 0 : i32
      %dma_wait3A_164 = tpu.memref_slice %arg3[%dma_wait3A_162, %dma_wait3A_163] : memref<1280x125xi32, #tpu.memory_space<hbm>> -> memref<1x125xi32, #tpu.memory_space<hbm>>
      tpu.wait_dma2 semaphore(%arg16 : memref<!tpu.dma_semaphore, #tpu.memory_space<semaphore_mem>>) src(%dma_wait3A_164 : memref<1x125xi32, #tpu.memory_space<hbm>>) dst(%dma_wait3A_161 : memref<1x125xi32, #tpu.memory_space<vmem>>)
      %dma_start3A_165 = arith.constant 0 : i32
      %dma_start3A_166 = arith.constant 0 : i32
      %dma_start3A_167 = tpu.memref_slice %arg9[%dma_start3A_165, %dma_start3A_166] : memref<2x125xi32, #tpu.memory_space<vmem>> -> memref<1x125xi32, #tpu.memory_space<vmem>>
      %dma_start3A_168 = tpu.memref_squeeze %dma_start3A_167 : memref<1x125xi32, #tpu.memory_space<vmem>> -> memref<125xi32, #tpu.memory_space<vmem>>
      %dma_start3A_169 = arith.constant 0 : i32
      %dma_start3A_170 = arith.constant 0 : i32
      %dma_start3A_171 = tpu.memref_slice %arg14[%dma_start3A_169, %dma_start3A_170] : memref<10000x128xf32, #tpu.memory_space<vmem_shared>> -> memref<10000x128xf32, #tpu.memory_space<vmem_shared>>
      tpu.enqueue_indirect_dma source(%arg11 : memref<125x128xf32, #tpu.memory_space<vmem>>) target(%dma_start3A_171 : memref<10000x128xf32, #tpu.memory_space<vmem_shared>>) offsets(%dma_start3A_168 : memref<125xi32, #tpu.memory_space<vmem>>) semaphore(%arg18 : memref<!tpu.dma_semaphore, #tpu.memory_space<semaphore_mem>>) {add = true}
      %dma_start3A_172 = arith.constant 1 : i32
      %dma_start3A_173 = arith.constant 0 : i32
      %dma_start3A_174 = tpu.memref_slice %arg9[%dma_start3A_172, %dma_start3A_173] : memref<2x125xi32, #tpu.memory_space<vmem>> -> memref<1x125xi32, #tpu.memory_space<vmem>>
      %dma_start3A_175 = tpu.memref_squeeze %dma_start3A_174 : memref<1x125xi32, #tpu.memory_space<vmem>> -> memref<125xi32, #tpu.memory_space<vmem>>
      %dma_start3A_176 = arith.constant 0 : i32
      %dma_start3A_177 = arith.constant 0 : i32
      %dma_start3A_178 = tpu.memref_slice %arg14[%dma_start3A_176, %dma_start3A_177] : memref<10000x128xf32, #tpu.memory_space<vmem_shared>> -> memref<10000x128xf32, #tpu.memory_space<vmem_shared>>
      tpu.enqueue_indirect_dma source(%arg11 : memref<125x128xf32, #tpu.memory_space<vmem>>) target(%dma_start3A_178 : memref<10000x128xf32, #tpu.memory_space<vmem_shared>>) offsets(%dma_start3A_175 : memref<125xi32, #tpu.memory_space<vmem>>) semaphore(%arg18 : memref<!tpu.dma_semaphore, #tpu.memory_space<semaphore_mem>>) {add = true}
      %dma_wait3A_179 = arith.constant 0 : i32
      %dma_wait3A_180 = arith.constant 0 : i32
      %dma_wait3A_181 = tpu.memref_slice %arg2[%dma_wait3A_179, %dma_wait3A_180] : memref<160000x128xf32, #tpu.memory_space<hbm>> -> memref<125x128xf32, #tpu.memory_space<hbm>>
      %dma_wait3A_182 = arith.constant 0 : i32
      %dma_wait3A_183 = arith.constant 0 : i32
      %dma_wait3A_184 = tpu.memref_slice %arg2[%dma_wait3A_182, %dma_wait3A_183] : memref<160000x128xf32, #tpu.memory_space<hbm>> -> memref<125x128xf32, #tpu.memory_space<hbm>>
      tpu.wait_dma2 semaphore(%arg17 : memref<!tpu.dma_semaphore, #tpu.memory_space<semaphore_mem>>) src(%dma_wait3A_184 : memref<125x128xf32, #tpu.memory_space<hbm>>) dst(%arg12 : memref<125x128xf32, #tpu.memory_space<vmem>>)
      %dma_wait3A_185 = arith.constant 0 : i32
      %dma_wait3A_186 = arith.constant 0 : i32
      %dma_wait3A_187 = tpu.memref_slice %arg10[%dma_wait3A_185, %dma_wait3A_186] : memref<2x125xi32, #tpu.memory_space<vmem>> -> memref<1x125xi32, #tpu.memory_space<vmem>>
      %dma_wait3A_188 = arith.constant 0 : i32
      %dma_wait3A_189 = arith.constant 0 : i32
      %dma_wait3A_190 = tpu.memref_slice %arg3[%dma_wait3A_188, %dma_wait3A_189] : memref<1280x125xi32, #tpu.memory_space<hbm>> -> memref<1x125xi32, #tpu.memory_space<hbm>>
      %dma_wait3A_191 = arith.constant 0 : i32
      %dma_wait3A_192 = arith.constant 0 : i32
      %dma_wait3A_193 = tpu.memref_slice %arg10[%dma_wait3A_191, %dma_wait3A_192] : memref<2x125xi32, #tpu.memory_space<vmem>> -> memref<1x125xi32, #tpu.memory_space<vmem>>
      %dma_wait3A_194 = arith.constant 0 : i32
      %dma_wait3A_195 = arith.constant 0 : i32
      %dma_wait3A_196 = tpu.memref_slice %arg3[%dma_wait3A_194, %dma_wait3A_195] : memref<1280x125xi32, #tpu.memory_space<hbm>> -> memref<1x125xi32, #tpu.memory_space<hbm>>
      tpu.wait_dma2 semaphore(%arg17 : memref<!tpu.dma_semaphore, #tpu.memory_space<semaphore_mem>>) src(%dma_wait3A_196 : memref<1x125xi32, #tpu.memory_space<hbm>>) dst(%dma_wait3A_193 : memref<1x125xi32, #tpu.memory_space<vmem>>)
      %dma_wait3A_197 = arith.constant 1 : i32
      %dma_wait3A_198 = arith.constant 0 : i32
      %dma_wait3A_199 = tpu.memref_slice %arg10[%dma_wait3A_197, %dma_wait3A_198] : memref<2x125xi32, #tpu.memory_space<vmem>> -> memref<1x125xi32, #tpu.memory_space<vmem>>
      %dma_wait3A_200 = arith.constant 0 : i32
      %dma_wait3A_201 = arith.constant 0 : i32
      %dma_wait3A_202 = tpu.memref_slice %arg3[%dma_wait3A_200, %dma_wait3A_201] : memref<1280x125xi32, #tpu.memory_space<hbm>> -> memref<1x125xi32, #tpu.memory_space<hbm>>
      %dma_wait3A_203 = arith.constant 1 : i32
      %dma_wait3A_204 = arith.constant 0 : i32
      %dma_wait3A_205 = tpu.memref_slice %arg10[%dma_wait3A_203, %dma_wait3A_204] : memref<2x125xi32, #tpu.memory_space<vmem>> -> memref<1x125xi32, #tpu.memory_space<vmem>>
      %dma_wait3A_206 = arith.constant 0 : i32
      %dma_wait3A_207 = arith.constant 0 : i32
      %dma_wait3A_208 = tpu.memref_slice %arg3[%dma_wait3A_206, %dma_wait3A_207] : memref<1280x125xi32, #tpu.memory_space<hbm>> -> memref<1x125xi32, #tpu.memory_space<hbm>>
      tpu.wait_dma2 semaphore(%arg17 : memref<!tpu.dma_semaphore, #tpu.memory_space<semaphore_mem>>) src(%dma_wait3A_208 : memref<1x125xi32, #tpu.memory_space<hbm>>) dst(%dma_wait3A_205 : memref<1x125xi32, #tpu.memory_space<vmem>>)
      %dma_wait3A_209 = arith.constant 0 : i32
      %dma_wait3A_210 = arith.constant 0 : i32
      %dma_wait3A_211 = tpu.memref_slice %arg14[%dma_wait3A_209, %dma_wait3A_210] : memref<10000x128xf32, #tpu.memory_space<vmem_shared>> -> memref<125x128xf32, #tpu.memory_space<vmem_shared>>
      %dma_wait3A_212 = arith.constant 0 : i32
      %dma_wait3A_213 = arith.constant 0 : i32
      %dma_wait3A_214 = tpu.memref_slice %arg14[%dma_wait3A_212, %dma_wait3A_213] : memref<10000x128xf32, #tpu.memory_space<vmem_shared>> -> memref<125x128xf32, #tpu.memory_space<vmem_shared>>
      tpu.wait_dma2 semaphore(%arg18 : memref<!tpu.dma_semaphore, #tpu.memory_space<semaphore_mem>>) src(%arg11 : memref<125x128xf32, #tpu.memory_space<vmem>>) dst(%dma_wait3A_214 : memref<125x128xf32, #tpu.memory_space<vmem_shared>>)
      %dma_wait3A_215 = arith.constant 0 : i32
      %dma_wait3A_216 = arith.constant 0 : i32
      %dma_wait3A_217 = tpu.memref_slice %arg14[%dma_wait3A_215, %dma_wait3A_216] : memref<10000x128xf32, #tpu.memory_space<vmem_shared>> -> memref<125x128xf32, #tpu.memory_space<vmem_shared>>
      %dma_wait3A_218 = arith.constant 0 : i32
      %dma_wait3A_219 = arith.constant 0 : i32
      %dma_wait3A_220 = tpu.memref_slice %arg14[%dma_wait3A_218, %dma_wait3A_219] : memref<10000x128xf32, #tpu.memory_space<vmem_shared>> -> memref<125x128xf32, #tpu.memory_space<vmem_shared>>
      tpu.wait_dma2 semaphore(%arg18 : memref<!tpu.dma_semaphore, #tpu.memory_space<semaphore_mem>>) src(%arg11 : memref<125x128xf32, #tpu.memory_space<vmem>>) dst(%dma_wait3A_220 : memref<125x128xf32, #tpu.memory_space<vmem_shared>>)
      %add3A_221 = arith.constant 2 : i32
      %add3A_222 = arith.addi %mul3A_95, %add3A_221 : i32
      %lt3A = arith.constant 40 : i32
      %lt3A_223 = arith.cmpi slt, %add3A_222, %lt3A : i32
      %convert_element_type3A_224 = arith.extui %lt3A_223 : i1 to i32
      %cond3A_225 = arith.constant 0 : i32
      %cond3A_226 = arith.cmpi ne, %convert_element_type3A_224, %cond3A_225 : i32
      scf.if %cond3A_226 {
        %add3A_241 = arith.constant 2 : i32
        %add3A_242 = arith.addi %mul3A_95, %add3A_241 : i32
        %mul3A_243 = arith.constant 5000 : i32
        %mul3A_244 = arith.muli %add3A, %mul3A_243 : i32
        %mul3A_245 = arith.constant 125 : i32
        %mul3A_246 = arith.muli %add3A_242, %mul3A_245 : i32
        %add3A_247 = arith.addi %mul3A_244, %mul3A_246 : i32
        %dma_start3A_248 = arith.constant 0 : i32
        %dma_start3A_249 = tpu.memref_slice %arg2[%add3A_247, %dma_start3A_248] : memref<160000x128xf32, #tpu.memory_space<hbm>> -> memref<125x128xf32, #tpu.memory_space<hbm>>
        %dma_start3A_250 = arith.constant 0 : i32
        %dma_start3A_251 = tpu.memref_slice %arg2[%add3A_247, %dma_start3A_250] : memref<160000x128xf32, #tpu.memory_space<hbm>> -> memref<125x128xf32, #tpu.memory_space<hbm>>
        tpu.enqueue_dma source(%dma_start3A_251 : memref<125x128xf32, #tpu.memory_space<hbm>>) target(%arg11 : memref<125x128xf32, #tpu.memory_space<vmem>>) target_semaphore(%arg16 : memref<!tpu.dma_semaphore, #tpu.memory_space<semaphore_mem>>)
        %mul3A_252 = arith.constant 40 : i32
        %mul3A_253 = arith.muli %add3A, %mul3A_252 : i32
        %add3A_254 = arith.addi %mul3A_253, %add3A_242 : i32
        %dma_start3A_255 = arith.constant 0 : i32
        %dma_start3A_256 = arith.constant 0 : i32
        %dma_start3A_257 = tpu.memref_slice %arg9[%dma_start3A_255, %dma_start3A_256] : memref<2x125xi32, #tpu.memory_space<vmem>> -> memref<1x125xi32, #tpu.memory_space<vmem>>
        %dma_start3A_258 = arith.constant 0 : i32
        %dma_start3A_259 = tpu.memref_slice %arg3[%add3A_254, %dma_start3A_258] : memref<1280x125xi32, #tpu.memory_space<hbm>> -> memref<1x125xi32, #tpu.memory_space<hbm>>
        %dma_start3A_260 = arith.constant 0 : i32
        %dma_start3A_261 = arith.constant 0 : i32
        %dma_start3A_262 = tpu.memref_slice %arg9[%dma_start3A_260, %dma_start3A_261] : memref<2x125xi32, #tpu.memory_space<vmem>> -> memref<1x125xi32, #tpu.memory_space<vmem>>
        %dma_start3A_263 = arith.constant 0 : i32
        %dma_start3A_264 = tpu.memref_slice %arg3[%add3A_254, %dma_start3A_263] : memref<1280x125xi32, #tpu.memory_space<hbm>> -> memref<1x125xi32, #tpu.memory_space<hbm>>
        tpu.enqueue_dma source(%dma_start3A_264 : memref<1x125xi32, #tpu.memory_space<hbm>>) target(%dma_start3A_262 : memref<1x125xi32, #tpu.memory_space<vmem>>) target_semaphore(%arg16 : memref<!tpu.dma_semaphore, #tpu.memory_space<semaphore_mem>>)
        %mul3A_265 = arith.constant 40 : i32
        %mul3A_266 = arith.muli %add3A, %mul3A_265 : i32
        %add3A_267 = arith.addi %mul3A_266, %add3A_242 : i32
        %dma_start3A_268 = arith.constant 1 : i32
        %dma_start3A_269 = arith.constant 0 : i32
        %dma_start3A_270 = tpu.memref_slice %arg9[%dma_start3A_268, %dma_start3A_269] : memref<2x125xi32, #tpu.memory_space<vmem>> -> memref<1x125xi32, #tpu.memory_space<vmem>>
        %dma_start3A_271 = arith.constant 0 : i32
        %dma_start3A_272 = tpu.memref_slice %arg4[%add3A_267, %dma_start3A_271] : memref<1280x125xi32, #tpu.memory_space<hbm>> -> memref<1x125xi32, #tpu.memory_space<hbm>>
        %dma_start3A_273 = arith.constant 1 : i32
        %dma_start3A_274 = arith.constant 0 : i32
        %dma_start3A_275 = tpu.memref_slice %arg9[%dma_start3A_273, %dma_start3A_274] : memref<2x125xi32, #tpu.memory_space<vmem>> -> memref<1x125xi32, #tpu.memory_space<vmem>>
        %dma_start3A_276 = arith.constant 0 : i32
        %dma_start3A_277 = tpu.memref_slice %arg4[%add3A_267, %dma_start3A_276] : memref<1280x125xi32, #tpu.memory_space<hbm>> -> memref<1x125xi32, #tpu.memory_space<hbm>>
        tpu.enqueue_dma source(%dma_start3A_277 : memref<1x125xi32, #tpu.memory_space<hbm>>) target(%dma_start3A_275 : memref<1x125xi32, #tpu.memory_space<vmem>>) target_semaphore(%arg16 : memref<!tpu.dma_semaphore, #tpu.memory_space<semaphore_mem>>)
      } else {
      }
      %dma_start3A_227 = arith.constant 0 : i32
      %dma_start3A_228 = arith.constant 0 : i32
      %dma_start3A_229 = tpu.memref_slice %arg10[%dma_start3A_227, %dma_start3A_228] : memref<2x125xi32, #tpu.memory_space<vmem>> -> memref<1x125xi32, #tpu.memory_space<vmem>>
      %dma_start3A_230 = tpu.memref_squeeze %dma_start3A_229 : memref<1x125xi32, #tpu.memory_space<vmem>> -> memref<125xi32, #tpu.memory_space<vmem>>
      %dma_start3A_231 = arith.constant 0 : i32
      %dma_start3A_232 = arith.constant 0 : i32
      %dma_start3A_233 = tpu.memref_slice %arg14[%dma_start3A_231, %dma_start3A_232] : memref<10000x128xf32, #tpu.memory_space<vmem_shared>> -> memref<10000x128xf32, #tpu.memory_space<vmem_shared>>
      tpu.enqueue_indirect_dma source(%arg12 : memref<125x128xf32, #tpu.memory_space<vmem>>) target(%dma_start3A_233 : memref<10000x128xf32, #tpu.memory_space<vmem_shared>>) offsets(%dma_start3A_230 : memref<125xi32, #tpu.memory_space<vmem>>) semaphore(%arg19 : memref<!tpu.dma_semaphore, #tpu.memory_space<semaphore_mem>>) {add = true}
      %dma_start3A_234 = arith.constant 1 : i32
      %dma_start3A_235 = arith.constant 0 : i32
      %dma_start3A_236 = tpu.memref_slice %arg10[%dma_start3A_234, %dma_start3A_235] : memref<2x125xi32, #tpu.memory_space<vmem>> -> memref<1x125xi32, #tpu.memory_space<vmem>>
      %dma_start3A_237 = tpu.memref_squeeze %dma_start3A_236 : memref<1x125xi32, #tpu.memory_space<vmem>> -> memref<125xi32, #tpu.memory_space<vmem>>
      %dma_start3A_238 = arith.constant 0 : i32
      %dma_start3A_239 = arith.constant 0 : i32
      %dma_start3A_240 = tpu.memref_slice %arg14[%dma_start3A_238, %dma_start3A_239] : memref<10000x128xf32, #tpu.memory_space<vmem_shared>> -> memref<10000x128xf32, #tpu.memory_space<vmem_shared>>
      tpu.enqueue_indirect_dma source(%arg12 : memref<125x128xf32, #tpu.memory_space<vmem>>) target(%dma_start3A_240 : memref<10000x128xf32, #tpu.memory_space<vmem_shared>>) offsets(%dma_start3A_237 : memref<125xi32, #tpu.memory_space<vmem>>) semaphore(%arg19 : memref<!tpu.dma_semaphore, #tpu.memory_space<semaphore_mem>>) {add = true}
    }
    %scan3A_60 = arith.constant 20 : i32
    %dma_wait3A = arith.constant 0 : i32
    %dma_wait3A_61 = arith.constant 0 : i32
    %dma_wait3A_62 = tpu.memref_slice %arg14[%dma_wait3A, %dma_wait3A_61] : memref<10000x128xf32, #tpu.memory_space<vmem_shared>> -> memref<125x128xf32, #tpu.memory_space<vmem_shared>>
    %dma_wait3A_63 = arith.constant 0 : i32
    %dma_wait3A_64 = arith.constant 0 : i32
    %dma_wait3A_65 = tpu.memref_slice %arg14[%dma_wait3A_63, %dma_wait3A_64] : memref<10000x128xf32, #tpu.memory_space<vmem_shared>> -> memref<125x128xf32, #tpu.memory_space<vmem_shared>>
    tpu.wait_dma2 semaphore(%arg19 : memref<!tpu.dma_semaphore, #tpu.memory_space<semaphore_mem>>) src(%arg12 : memref<125x128xf32, #tpu.memory_space<vmem>>) dst(%dma_wait3A_65 : memref<125x128xf32, #tpu.memory_space<vmem_shared>>)
    %dma_wait3A_66 = arith.constant 0 : i32
    %dma_wait3A_67 = arith.constant 0 : i32
    %dma_wait3A_68 = tpu.memref_slice %arg14[%dma_wait3A_66, %dma_wait3A_67] : memref<10000x128xf32, #tpu.memory_space<vmem_shared>> -> memref<125x128xf32, #tpu.memory_space<vmem_shared>>
    %dma_wait3A_69 = arith.constant 0 : i32
    %dma_wait3A_70 = arith.constant 0 : i32
    %dma_wait3A_71 = tpu.memref_slice %arg14[%dma_wait3A_69, %dma_wait3A_70] : memref<10000x128xf32, #tpu.memory_space<vmem_shared>> -> memref<125x128xf32, #tpu.memory_space<vmem_shared>>
    tpu.wait_dma2 semaphore(%arg19 : memref<!tpu.dma_semaphore, #tpu.memory_space<semaphore_mem>>) src(%arg12 : memref<125x128xf32, #tpu.memory_space<vmem>>) dst(%dma_wait3A_71 : memref<125x128xf32, #tpu.memory_space<vmem_shared>>)
    %barrier3A_72 = arith.constant 0 : index
    tpu.barrier barrier_id(%barrier3A_72)
    %mul3A_73 = arith.constant 625 : i32
    %mul3A_74 = arith.muli %arg1, %mul3A_73 : i32
    %add3A_75 = arith.constant 0 : i32
    %add3A_76 = arith.addi %mul3A_74, %add3A_75 : i32
    "tpu.region"() ({
      %run_scoped3A = tpu.sem_alloc : memref<!tpu.dma_semaphore, #tpu.memory_space<semaphore_mem>>
      %dma_start3A_93 = arith.constant 0 : i32
      %dma_start3A_94 = tpu.memref_slice %arg14[%add3A_76, %dma_start3A_93] : memref<10000x128xf32, #tpu.memory_space<vmem_shared>> -> memref<125x128xf32, #tpu.memory_space<vmem_shared>>
      %dma_start3A_95 = arith.constant 0 : i32
      %dma_start3A_96 = tpu.memref_slice %arg14[%add3A_76, %dma_start3A_95] : memref<10000x128xf32, #tpu.memory_space<vmem_shared>> -> memref<125x128xf32, #tpu.memory_space<vmem_shared>>
      tpu.enqueue_dma source(%dma_start3A_96 : memref<125x128xf32, #tpu.memory_space<vmem_shared>>) target(%arg11 : memref<125x128xf32, #tpu.memory_space<vmem>>) target_semaphore(%run_scoped3A : memref<!tpu.dma_semaphore, #tpu.memory_space<semaphore_mem>>)
      %dma_wait3A_97 = arith.constant 0 : i32
      %dma_wait3A_98 = tpu.memref_slice %arg14[%add3A_76, %dma_wait3A_97] : memref<10000x128xf32, #tpu.memory_space<vmem_shared>> -> memref<125x128xf32, #tpu.memory_space<vmem_shared>>
      %dma_wait3A_99 = arith.constant 0 : i32
      %dma_wait3A_100 = tpu.memref_slice %arg14[%add3A_76, %dma_wait3A_99] : memref<10000x128xf32, #tpu.memory_space<vmem_shared>> -> memref<125x128xf32, #tpu.memory_space<vmem_shared>>
      tpu.wait_dma2 semaphore(%run_scoped3A : memref<!tpu.dma_semaphore, #tpu.memory_space<semaphore_mem>>) src(%dma_wait3A_100 : memref<125x128xf32, #tpu.memory_space<vmem_shared>>) dst(%arg11 : memref<125x128xf32, #tpu.memory_space<vmem>>)
      tpu.yield
    }) : () -> ()
    "tpu.region"() ({
      %run_scoped3A = tpu.sem_alloc : memref<!tpu.dma_semaphore, #tpu.memory_space<semaphore_mem>>
      %dma_start3A_93 = arith.constant 0 : i32
      %dma_start3A_94 = arith.constant 0 : i32
      %dma_start3A_95 = tpu.memref_slice %arg8[%arg0, %dma_start3A_93, %dma_start3A_94] : memref<2x10000x128xf32, #tpu.memory_space<hbm>> -> memref<1x10000x128xf32, #tpu.memory_space<hbm>>
      %dma_start3A_96 = tpu.memref_squeeze %dma_start3A_95 : memref<1x10000x128xf32, #tpu.memory_space<hbm>> -> memref<10000x128xf32, #tpu.memory_space<hbm>>
      %dma_start3A_97 = arith.constant 0 : i32
      %dma_start3A_98 = tpu.memref_slice %dma_start3A_96[%add3A_76, %dma_start3A_97] : memref<10000x128xf32, #tpu.memory_space<hbm>> -> memref<125x128xf32, #tpu.memory_space<hbm>>
      %dma_start3A_99 = arith.constant 0 : i32
      %dma_start3A_100 = arith.constant 0 : i32
      %dma_start3A_101 = tpu.memref_slice %arg8[%arg0, %dma_start3A_99, %dma_start3A_100] : memref<2x10000x128xf32, #tpu.memory_space<hbm>> -> memref<1x10000x128xf32, #tpu.memory_space<hbm>>
      %dma_start3A_102 = tpu.memref_squeeze %dma_start3A_101 : memref<1x10000x128xf32, #tpu.memory_space<hbm>> -> memref<10000x128xf32, #tpu.memory_space<hbm>>
      %dma_start3A_103 = arith.constant 0 : i32
      %dma_start3A_104 = tpu.memref_slice %dma_start3A_102[%add3A_76, %dma_start3A_103] : memref<10000x128xf32, #tpu.memory_space<hbm>> -> memref<125x128xf32, #tpu.memory_space<hbm>>
      tpu.enqueue_dma source(%arg11 : memref<125x128xf32, #tpu.memory_space<vmem>>) target(%dma_start3A_104 : memref<125x128xf32, #tpu.memory_space<hbm>>) target_semaphore(%run_scoped3A : memref<!tpu.dma_semaphore, #tpu.memory_space<semaphore_mem>>)
      %dma_wait3A_105 = arith.constant 0 : i32
      %dma_wait3A_106 = arith.constant 0 : i32
      %dma_wait3A_107 = tpu.memref_slice %arg8[%arg0, %dma_wait3A_105, %dma_wait3A_106] : memref<2x10000x128xf32, #tpu.memory_space<hbm>> -> memref<1x10000x128xf32, #tpu.memory_space<hbm>>
      %dma_wait3A_108 = tpu.memref_squeeze %dma_wait3A_107 : memref<1x10000x128xf32, #tpu.memory_space<hbm>> -> memref<10000x128xf32, #tpu.memory_space<hbm>>
      %dma_wait3A_109 = arith.constant 0 : i32
      %dma_wait3A_110 = tpu.memref_slice %dma_wait3A_108[%add3A_76, %dma_wait3A_109] : memref<10000x128xf32, #tpu.memory_space<hbm>> -> memref<125x128xf32, #tpu.memory_space<hbm>>
      %dma_wait3A_111 = arith.constant 0 : i32
      %dma_wait3A_112 = arith.constant 0 : i32
      %dma_wait3A_113 = tpu.memref_slice %arg8[%arg0, %dma_wait3A_111, %dma_wait3A_112] : memref<2x10000x128xf32, #tpu.memory_space<hbm>> -> memref<1x10000x128xf32, #tpu.memory_space<hbm>>
      %dma_wait3A_114 = tpu.memref_squeeze %dma_wait3A_113 : memref<1x10000x128xf32, #tpu.memory_space<hbm>> -> memref<10000x128xf32, #tpu.memory_space<hbm>>
      %dma_wait3A_115 = arith.constant 0 : i32
      %dma_wait3A_116 = tpu.memref_slice %dma_wait3A_114[%add3A_76, %dma_wait3A_115] : memref<10000x128xf32, #tpu.memory_space<hbm>> -> memref<125x128xf32, #tpu.memory_space<hbm>>
      tpu.wait_dma2 semaphore(%run_scoped3A : memref<!tpu.dma_semaphore, #tpu.memory_space<semaphore_mem>>) src(%arg11 : memref<125x128xf32, #tpu.memory_space<vmem>>) dst(%dma_wait3A_116 : memref<125x128xf32, #tpu.memory_space<hbm>>)
      tpu.yield
    }) : () -> ()
    %mul3A_77 = arith.constant 625 : i32
    %mul3A_78 = arith.muli %arg1, %mul3A_77 : i32
    %add3A_79 = arith.constant 125 : i32
    %add3A_80 = arith.addi %mul3A_78, %add3A_79 : i32
    "tpu.region"() ({
      %run_scoped3A = tpu.sem_alloc : memref<!tpu.dma_semaphore, #tpu.memory_space<semaphore_mem>>
      %dma_start3A_93 = arith.constant 0 : i32
      %dma_start3A_94 = tpu.memref_slice %arg14[%add3A_80, %dma_start3A_93] : memref<10000x128xf32, #tpu.memory_space<vmem_shared>> -> memref<125x128xf32, #tpu.memory_space<vmem_shared>>
      %dma_start3A_95 = arith.constant 0 : i32
      %dma_start3A_96 = tpu.memref_slice %arg14[%add3A_80, %dma_start3A_95] : memref<10000x128xf32, #tpu.memory_space<vmem_shared>> -> memref<125x128xf32, #tpu.memory_space<vmem_shared>>
      tpu.enqueue_dma source(%dma_start3A_96 : memref<125x128xf32, #tpu.memory_space<vmem_shared>>) target(%arg11 : memref<125x128xf32, #tpu.memory_space<vmem>>) target_semaphore(%run_scoped3A : memref<!tpu.dma_semaphore, #tpu.memory_space<semaphore_mem>>)
      %dma_wait3A_97 = arith.constant 0 : i32
      %dma_wait3A_98 = tpu.memref_slice %arg14[%add3A_80, %dma_wait3A_97] : memref<10000x128xf32, #tpu.memory_space<vmem_shared>> -> memref<125x128xf32, #tpu.memory_space<vmem_shared>>
      %dma_wait3A_99 = arith.constant 0 : i32
      %dma_wait3A_100 = tpu.memref_slice %arg14[%add3A_80, %dma_wait3A_99] : memref<10000x128xf32, #tpu.memory_space<vmem_shared>> -> memref<125x128xf32, #tpu.memory_space<vmem_shared>>
      tpu.wait_dma2 semaphore(%run_scoped3A : memref<!tpu.dma_semaphore, #tpu.memory_space<semaphore_mem>>) src(%dma_wait3A_100 : memref<125x128xf32, #tpu.memory_space<vmem_shared>>) dst(%arg11 : memref<125x128xf32, #tpu.memory_space<vmem>>)
      tpu.yield
    }) : () -> ()
    "tpu.region"() ({
      %run_scoped3A = tpu.sem_alloc : memref<!tpu.dma_semaphore, #tpu.memory_space<semaphore_mem>>
      %dma_start3A_93 = arith.constant 0 : i32
      %dma_start3A_94 = arith.constant 0 : i32
      %dma_start3A_95 = tpu.memref_slice %arg8[%arg0, %dma_start3A_93, %dma_start3A_94] : memref<2x10000x128xf32, #tpu.memory_space<hbm>> -> memref<1x10000x128xf32, #tpu.memory_space<hbm>>
      %dma_start3A_96 = tpu.memref_squeeze %dma_start3A_95 : memref<1x10000x128xf32, #tpu.memory_space<hbm>> -> memref<10000x128xf32, #tpu.memory_space<hbm>>
      %dma_start3A_97 = arith.constant 0 : i32
      %dma_start3A_98 = tpu.memref_slice %dma_start3A_96[%add3A_80, %dma_start3A_97] : memref<10000x128xf32, #tpu.memory_space<hbm>> -> memref<125x128xf32, #tpu.memory_space<hbm>>
      %dma_start3A_99 = arith.constant 0 : i32
      %dma_start3A_100 = arith.constant 0 : i32
      %dma_start3A_101 = tpu.memref_slice %arg8[%arg0, %dma_start3A_99, %dma_start3A_100] : memref<2x10000x128xf32, #tpu.memory_space<hbm>> -> memref<1x10000x128xf32, #tpu.memory_space<hbm>>
      %dma_start3A_102 = tpu.memref_squeeze %dma_start3A_101 : memref<1x10000x128xf32, #tpu.memory_space<hbm>> -> memref<10000x128xf32, #tpu.memory_space<hbm>>
      %dma_start3A_103 = arith.constant 0 : i32
      %dma_start3A_104 = tpu.memref_slice %dma_start3A_102[%add3A_80, %dma_start3A_103] : memref<10000x128xf32, #tpu.memory_space<hbm>> -> memref<125x128xf32, #tpu.memory_space<hbm>>
      tpu.enqueue_dma source(%arg11 : memref<125x128xf32, #tpu.memory_space<vmem>>) target(%dma_start3A_104 : memref<125x128xf32, #tpu.memory_space<hbm>>) target_semaphore(%run_scoped3A : memref<!tpu.dma_semaphore, #tpu.memory_space<semaphore_mem>>)
      %dma_wait3A_105 = arith.constant 0 : i32
      %dma_wait3A_106 = arith.constant 0 : i32
      %dma_wait3A_107 = tpu.memref_slice %arg8[%arg0, %dma_wait3A_105, %dma_wait3A_106] : memref<2x10000x128xf32, #tpu.memory_space<hbm>> -> memref<1x10000x128xf32, #tpu.memory_space<hbm>>
      %dma_wait3A_108 = tpu.memref_squeeze %dma_wait3A_107 : memref<1x10000x128xf32, #tpu.memory_space<hbm>> -> memref<10000x128xf32, #tpu.memory_space<hbm>>
      %dma_wait3A_109 = arith.constant 0 : i32
      %dma_wait3A_110 = tpu.memref_slice %dma_wait3A_108[%add3A_80, %dma_wait3A_109] : memref<10000x128xf32, #tpu.memory_space<hbm>> -> memref<125x128xf32, #tpu.memory_space<hbm>>
      %dma_wait3A_111 = arith.constant 0 : i32
      %dma_wait3A_112 = arith.constant 0 : i32
      %dma_wait3A_113 = tpu.memref_slice %arg8[%arg0, %dma_wait3A_111, %dma_wait3A_112] : memref<2x10000x128xf32, #tpu.memory_space<hbm>> -> memref<1x10000x128xf32, #tpu.memory_space<hbm>>
      %dma_wait3A_114 = tpu.memref_squeeze %dma_wait3A_113 : memref<1x10000x128xf32, #tpu.memory_space<hbm>> -> memref<10000x128xf32, #tpu.memory_space<hbm>>
      %dma_wait3A_115 = arith.constant 0 : i32
      %dma_wait3A_116 = tpu.memref_slice %dma_wait3A_114[%add3A_80, %dma_wait3A_115] : memref<10000x128xf32, #tpu.memory_space<hbm>> -> memref<125x128xf32, #tpu.memory_space<hbm>>
      tpu.wait_dma2 semaphore(%run_scoped3A : memref<!tpu.dma_semaphore, #tpu.memory_space<semaphore_mem>>) src(%arg11 : memref<125x128xf32, #tpu.memory_space<vmem>>) dst(%dma_wait3A_116 : memref<125x128xf32, #tpu.memory_space<hbm>>)
      tpu.yield
    }) : () -> ()
    %mul3A_81 = arith.constant 625 : i32
    %mul3A_82 = arith.muli %arg1, %mul3A_81 : i32
    %add3A_83 = arith.constant 250 : i32
    %add3A_84 = arith.addi %mul3A_82, %add3A_83 : i32
    "tpu.region"() ({
      %run_scoped3A = tpu.sem_alloc : memref<!tpu.dma_semaphore, #tpu.memory_space<semaphore_mem>>
      %dma_start3A_93 = arith.constant 0 : i32
      %dma_start3A_94 = tpu.memref_slice %arg14[%add3A_84, %dma_start3A_93] : memref<10000x128xf32, #tpu.memory_space<vmem_shared>> -> memref<125x128xf32, #tpu.memory_space<vmem_shared>>
      %dma_start3A_95 = arith.constant 0 : i32
      %dma_start3A_96 = tpu.memref_slice %arg14[%add3A_84, %dma_start3A_95] : memref<10000x128xf32, #tpu.memory_space<vmem_shared>> -> memref<125x128xf32, #tpu.memory_space<vmem_shared>>
      tpu.enqueue_dma source(%dma_start3A_96 : memref<125x128xf32, #tpu.memory_space<vmem_shared>>) target(%arg11 : memref<125x128xf32, #tpu.memory_space<vmem>>) target_semaphore(%run_scoped3A : memref<!tpu.dma_semaphore, #tpu.memory_space<semaphore_mem>>)
      %dma_wait3A_97 = arith.constant 0 : i32
      %dma_wait3A_98 = tpu.memref_slice %arg14[%add3A_84, %dma_wait3A_97] : memref<10000x128xf32, #tpu.memory_space<vmem_shared>> -> memref<125x128xf32, #tpu.memory_space<vmem_shared>>
      %dma_wait3A_99 = arith.constant 0 : i32
      %dma_wait3A_100 = tpu.memref_slice %arg14[%add3A_84, %dma_wait3A_99] : memref<10000x128xf32, #tpu.memory_space<vmem_shared>> -> memref<125x128xf32, #tpu.memory_space<vmem_shared>>
      tpu.wait_dma2 semaphore(%run_scoped3A : memref<!tpu.dma_semaphore, #tpu.memory_space<semaphore_mem>>) src(%dma_wait3A_100 : memref<125x128xf32, #tpu.memory_space<vmem_shared>>) dst(%arg11 : memref<125x128xf32, #tpu.memory_space<vmem>>)
      tpu.yield
    }) : () -> ()
    "tpu.region"() ({
      %run_scoped3A = tpu.sem_alloc : memref<!tpu.dma_semaphore, #tpu.memory_space<semaphore_mem>>
      %dma_start3A_93 = arith.constant 0 : i32
      %dma_start3A_94 = arith.constant 0 : i32
      %dma_start3A_95 = tpu.memref_slice %arg8[%arg0, %dma_start3A_93, %dma_start3A_94] : memref<2x10000x128xf32, #tpu.memory_space<hbm>> -> memref<1x10000x128xf32, #tpu.memory_space<hbm>>
      %dma_start3A_96 = tpu.memref_squeeze %dma_start3A_95 : memref<1x10000x128xf32, #tpu.memory_space<hbm>> -> memref<10000x128xf32, #tpu.memory_space<hbm>>
      %dma_start3A_97 = arith.constant 0 : i32
      %dma_start3A_98 = tpu.memref_slice %dma_start3A_96[%add3A_84, %dma_start3A_97] : memref<10000x128xf32, #tpu.memory_space<hbm>> -> memref<125x128xf32, #tpu.memory_space<hbm>>
      %dma_start3A_99 = arith.constant 0 : i32
      %dma_start3A_100 = arith.constant 0 : i32
      %dma_start3A_101 = tpu.memref_slice %arg8[%arg0, %dma_start3A_99, %dma_start3A_100] : memref<2x10000x128xf32, #tpu.memory_space<hbm>> -> memref<1x10000x128xf32, #tpu.memory_space<hbm>>
      %dma_start3A_102 = tpu.memref_squeeze %dma_start3A_101 : memref<1x10000x128xf32, #tpu.memory_space<hbm>> -> memref<10000x128xf32, #tpu.memory_space<hbm>>
      %dma_start3A_103 = arith.constant 0 : i32
      %dma_start3A_104 = tpu.memref_slice %dma_start3A_102[%add3A_84, %dma_start3A_103] : memref<10000x128xf32, #tpu.memory_space<hbm>> -> memref<125x128xf32, #tpu.memory_space<hbm>>
      tpu.enqueue_dma source(%arg11 : memref<125x128xf32, #tpu.memory_space<vmem>>) target(%dma_start3A_104 : memref<125x128xf32, #tpu.memory_space<hbm>>) target_semaphore(%run_scoped3A : memref<!tpu.dma_semaphore, #tpu.memory_space<semaphore_mem>>)
      %dma_wait3A_105 = arith.constant 0 : i32
      %dma_wait3A_106 = arith.constant 0 : i32
      %dma_wait3A_107 = tpu.memref_slice %arg8[%arg0, %dma_wait3A_105, %dma_wait3A_106] : memref<2x10000x128xf32, #tpu.memory_space<hbm>> -> memref<1x10000x128xf32, #tpu.memory_space<hbm>>
      %dma_wait3A_108 = tpu.memref_squeeze %dma_wait3A_107 : memref<1x10000x128xf32, #tpu.memory_space<hbm>> -> memref<10000x128xf32, #tpu.memory_space<hbm>>
      %dma_wait3A_109 = arith.constant 0 : i32
      %dma_wait3A_110 = tpu.memref_slice %dma_wait3A_108[%add3A_84, %dma_wait3A_109] : memref<10000x128xf32, #tpu.memory_space<hbm>> -> memref<125x128xf32, #tpu.memory_space<hbm>>
      %dma_wait3A_111 = arith.constant 0 : i32
      %dma_wait3A_112 = arith.constant 0 : i32
      %dma_wait3A_113 = tpu.memref_slice %arg8[%arg0, %dma_wait3A_111, %dma_wait3A_112] : memref<2x10000x128xf32, #tpu.memory_space<hbm>> -> memref<1x10000x128xf32, #tpu.memory_space<hbm>>
      %dma_wait3A_114 = tpu.memref_squeeze %dma_wait3A_113 : memref<1x10000x128xf32, #tpu.memory_space<hbm>> -> memref<10000x128xf32, #tpu.memory_space<hbm>>
      %dma_wait3A_115 = arith.constant 0 : i32
      %dma_wait3A_116 = tpu.memref_slice %dma_wait3A_114[%add3A_84, %dma_wait3A_115] : memref<10000x128xf32, #tpu.memory_space<hbm>> -> memref<125x128xf32, #tpu.memory_space<hbm>>
      tpu.wait_dma2 semaphore(%run_scoped3A : memref<!tpu.dma_semaphore, #tpu.memory_space<semaphore_mem>>) src(%arg11 : memref<125x128xf32, #tpu.memory_space<vmem>>) dst(%dma_wait3A_116 : memref<125x128xf32, #tpu.memory_space<hbm>>)
      tpu.yield
    }) : () -> ()
    %mul3A_85 = arith.constant 625 : i32
    %mul3A_86 = arith.muli %arg1, %mul3A_85 : i32
    %add3A_87 = arith.constant 375 : i32
    %add3A_88 = arith.addi %mul3A_86, %add3A_87 : i32
    "tpu.region"() ({
      %run_scoped3A = tpu.sem_alloc : memref<!tpu.dma_semaphore, #tpu.memory_space<semaphore_mem>>
      %dma_start3A_93 = arith.constant 0 : i32
      %dma_start3A_94 = tpu.memref_slice %arg14[%add3A_88, %dma_start3A_93] : memref<10000x128xf32, #tpu.memory_space<vmem_shared>> -> memref<125x128xf32, #tpu.memory_space<vmem_shared>>
      %dma_start3A_95 = arith.constant 0 : i32
      %dma_start3A_96 = tpu.memref_slice %arg14[%add3A_88, %dma_start3A_95] : memref<10000x128xf32, #tpu.memory_space<vmem_shared>> -> memref<125x128xf32, #tpu.memory_space<vmem_shared>>
      tpu.enqueue_dma source(%dma_start3A_96 : memref<125x128xf32, #tpu.memory_space<vmem_shared>>) target(%arg11 : memref<125x128xf32, #tpu.memory_space<vmem>>) target_semaphore(%run_scoped3A : memref<!tpu.dma_semaphore, #tpu.memory_space<semaphore_mem>>)
      %dma_wait3A_97 = arith.constant 0 : i32
      %dma_wait3A_98 = tpu.memref_slice %arg14[%add3A_88, %dma_wait3A_97] : memref<10000x128xf32, #tpu.memory_space<vmem_shared>> -> memref<125x128xf32, #tpu.memory_space<vmem_shared>>
      %dma_wait3A_99 = arith.constant 0 : i32
      %dma_wait3A_100 = tpu.memref_slice %arg14[%add3A_88, %dma_wait3A_99] : memref<10000x128xf32, #tpu.memory_space<vmem_shared>> -> memref<125x128xf32, #tpu.memory_space<vmem_shared>>
      tpu.wait_dma2 semaphore(%run_scoped3A : memref<!tpu.dma_semaphore, #tpu.memory_space<semaphore_mem>>) src(%dma_wait3A_100 : memref<125x128xf32, #tpu.memory_space<vmem_shared>>) dst(%arg11 : memref<125x128xf32, #tpu.memory_space<vmem>>)
      tpu.yield
    }) : () -> ()
    "tpu.region"() ({
      %run_scoped3A = tpu.sem_alloc : memref<!tpu.dma_semaphore, #tpu.memory_space<semaphore_mem>>
      %dma_start3A_93 = arith.constant 0 : i32
      %dma_start3A_94 = arith.constant 0 : i32
      %dma_start3A_95 = tpu.memref_slice %arg8[%arg0, %dma_start3A_93, %dma_start3A_94] : memref<2x10000x128xf32, #tpu.memory_space<hbm>> -> memref<1x10000x128xf32, #tpu.memory_space<hbm>>
      %dma_start3A_96 = tpu.memref_squeeze %dma_start3A_95 : memref<1x10000x128xf32, #tpu.memory_space<hbm>> -> memref<10000x128xf32, #tpu.memory_space<hbm>>
      %dma_start3A_97 = arith.constant 0 : i32
      %dma_start3A_98 = tpu.memref_slice %dma_start3A_96[%add3A_88, %dma_start3A_97] : memref<10000x128xf32, #tpu.memory_space<hbm>> -> memref<125x128xf32, #tpu.memory_space<hbm>>
      %dma_start3A_99 = arith.constant 0 : i32
      %dma_start3A_100 = arith.constant 0 : i32
      %dma_start3A_101 = tpu.memref_slice %arg8[%arg0, %dma_start3A_99, %dma_start3A_100] : memref<2x10000x128xf32, #tpu.memory_space<hbm>> -> memref<1x10000x128xf32, #tpu.memory_space<hbm>>
      %dma_start3A_102 = tpu.memref_squeeze %dma_start3A_101 : memref<1x10000x128xf32, #tpu.memory_space<hbm>> -> memref<10000x128xf32, #tpu.memory_space<hbm>>
      %dma_start3A_103 = arith.constant 0 : i32
      %dma_start3A_104 = tpu.memref_slice %dma_start3A_102[%add3A_88, %dma_start3A_103] : memref<10000x128xf32, #tpu.memory_space<hbm>> -> memref<125x128xf32, #tpu.memory_space<hbm>>
      tpu.enqueue_dma source(%arg11 : memref<125x128xf32, #tpu.memory_space<vmem>>) target(%dma_start3A_104 : memref<125x128xf32, #tpu.memory_space<hbm>>) target_semaphore(%run_scoped3A : memref<!tpu.dma_semaphore, #tpu.memory_space<semaphore_mem>>)
      %dma_wait3A_105 = arith.constant 0 : i32
      %dma_wait3A_106 = arith.constant 0 : i32
      %dma_wait3A_107 = tpu.memref_slice %arg8[%arg0, %dma_wait3A_105, %dma_wait3A_106] : memref<2x10000x128xf32, #tpu.memory_space<hbm>> -> memref<1x10000x128xf32, #tpu.memory_space<hbm>>
      %dma_wait3A_108 = tpu.memref_squeeze %dma_wait3A_107 : memref<1x10000x128xf32, #tpu.memory_space<hbm>> -> memref<10000x128xf32, #tpu.memory_space<hbm>>
      %dma_wait3A_109 = arith.constant 0 : i32
      %dma_wait3A_110 = tpu.memref_slice %dma_wait3A_108[%add3A_88, %dma_wait3A_109] : memref<10000x128xf32, #tpu.memory_space<hbm>> -> memref<125x128xf32, #tpu.memory_space<hbm>>
      %dma_wait3A_111 = arith.constant 0 : i32
      %dma_wait3A_112 = arith.constant 0 : i32
      %dma_wait3A_113 = tpu.memref_slice %arg8[%arg0, %dma_wait3A_111, %dma_wait3A_112] : memref<2x10000x128xf32, #tpu.memory_space<hbm>> -> memref<1x10000x128xf32, #tpu.memory_space<hbm>>
      %dma_wait3A_114 = tpu.memref_squeeze %dma_wait3A_113 : memref<1x10000x128xf32, #tpu.memory_space<hbm>> -> memref<10000x128xf32, #tpu.memory_space<hbm>>
      %dma_wait3A_115 = arith.constant 0 : i32
      %dma_wait3A_116 = tpu.memref_slice %dma_wait3A_114[%add3A_88, %dma_wait3A_115] : memref<10000x128xf32, #tpu.memory_space<hbm>> -> memref<125x128xf32, #tpu.memory_space<hbm>>
      tpu.wait_dma2 semaphore(%run_scoped3A : memref<!tpu.dma_semaphore, #tpu.memory_space<semaphore_mem>>) src(%arg11 : memref<125x128xf32, #tpu.memory_space<vmem>>) dst(%dma_wait3A_116 : memref<125x128xf32, #tpu.memory_space<hbm>>)
      tpu.yield
    }) : () -> ()
    %mul3A_89 = arith.constant 625 : i32
    %mul3A_90 = arith.muli %arg1, %mul3A_89 : i32
    %add3A_91 = arith.constant 500 : i32
    %add3A_92 = arith.addi %mul3A_90, %add3A_91 : i32
    "tpu.region"() ({
      %run_scoped3A = tpu.sem_alloc : memref<!tpu.dma_semaphore, #tpu.memory_space<semaphore_mem>>
      %dma_start3A_93 = arith.constant 0 : i32
      %dma_start3A_94 = tpu.memref_slice %arg14[%add3A_92, %dma_start3A_93] : memref<10000x128xf32, #tpu.memory_space<vmem_shared>> -> memref<125x128xf32, #tpu.memory_space<vmem_shared>>
      %dma_start3A_95 = arith.constant 0 : i32
      %dma_start3A_96 = tpu.memref_slice %arg14[%add3A_92, %dma_start3A_95] : memref<10000x128xf32, #tpu.memory_space<vmem_shared>> -> memref<125x128xf32, #tpu.memory_space<vmem_shared>>
      tpu.enqueue_dma source(%dma_start3A_96 : memref<125x128xf32, #tpu.memory_space<vmem_shared>>) target(%arg11 : memref<125x128xf32, #tpu.memory_space<vmem>>) target_semaphore(%run_scoped3A : memref<!tpu.dma_semaphore, #tpu.memory_space<semaphore_mem>>)
      %dma_wait3A_97 = arith.constant 0 : i32
      %dma_wait3A_98 = tpu.memref_slice %arg14[%add3A_92, %dma_wait3A_97] : memref<10000x128xf32, #tpu.memory_space<vmem_shared>> -> memref<125x128xf32, #tpu.memory_space<vmem_shared>>
      %dma_wait3A_99 = arith.constant 0 : i32
      %dma_wait3A_100 = tpu.memref_slice %arg14[%add3A_92, %dma_wait3A_99] : memref<10000x128xf32, #tpu.memory_space<vmem_shared>> -> memref<125x128xf32, #tpu.memory_space<vmem_shared>>
      tpu.wait_dma2 semaphore(%run_scoped3A : memref<!tpu.dma_semaphore, #tpu.memory_space<semaphore_mem>>) src(%dma_wait3A_100 : memref<125x128xf32, #tpu.memory_space<vmem_shared>>) dst(%arg11 : memref<125x128xf32, #tpu.memory_space<vmem>>)
      tpu.yield
    }) : () -> ()
    "tpu.region"() ({
      %run_scoped3A = tpu.sem_alloc : memref<!tpu.dma_semaphore, #tpu.memory_space<semaphore_mem>>
      %dma_start3A_93 = arith.constant 0 : i32
      %dma_start3A_94 = arith.constant 0 : i32
      %dma_start3A_95 = tpu.memref_slice %arg8[%arg0, %dma_start3A_93, %dma_start3A_94] : memref<2x10000x128xf32, #tpu.memory_space<hbm>> -> memref<1x10000x128xf32, #tpu.memory_space<hbm>>
      %dma_start3A_96 = tpu.memref_squeeze %dma_start3A_95 : memref<1x10000x128xf32, #tpu.memory_space<hbm>> -> memref<10000x128xf32, #tpu.memory_space<hbm>>
      %dma_start3A_97 = arith.constant 0 : i32
      %dma_start3A_98 = tpu.memref_slice %dma_start3A_96[%add3A_92, %dma_start3A_97] : memref<10000x128xf32, #tpu.memory_space<hbm>> -> memref<125x128xf32, #tpu.memory_space<hbm>>
      %dma_start3A_99 = arith.constant 0 : i32
      %dma_start3A_100 = arith.constant 0 : i32
      %dma_start3A_101 = tpu.memref_slice %arg8[%arg0, %dma_start3A_99, %dma_start3A_100] : memref<2x10000x128xf32, #tpu.memory_space<hbm>> -> memref<1x10000x128xf32, #tpu.memory_space<hbm>>
      %dma_start3A_102 = tpu.memref_squeeze %dma_start3A_101 : memref<1x10000x128xf32, #tpu.memory_space<hbm>> -> memref<10000x128xf32, #tpu.memory_space<hbm>>
      %dma_start3A_103 = arith.constant 0 : i32
      %dma_start3A_104 = tpu.memref_slice %dma_start3A_102[%add3A_92, %dma_start3A_103] : memref<10000x128xf32, #tpu.memory_space<hbm>> -> memref<125x128xf32, #tpu.memory_space<hbm>>
      tpu.enqueue_dma source(%arg11 : memref<125x128xf32, #tpu.memory_space<vmem>>) target(%dma_start3A_104 : memref<125x128xf32, #tpu.memory_space<hbm>>) target_semaphore(%run_scoped3A : memref<!tpu.dma_semaphore, #tpu.memory_space<semaphore_mem>>)
      %dma_wait3A_105 = arith.constant 0 : i32
      %dma_wait3A_106 = arith.constant 0 : i32
      %dma_wait3A_107 = tpu.memref_slice %arg8[%arg0, %dma_wait3A_105, %dma_wait3A_106] : memref<2x10000x128xf32, #tpu.memory_space<hbm>> -> memref<1x10000x128xf32, #tpu.memory_space<hbm>>
      %dma_wait3A_108 = tpu.memref_squeeze %dma_wait3A_107 : memref<1x10000x128xf32, #tpu.memory_space<hbm>> -> memref<10000x128xf32, #tpu.memory_space<hbm>>
      %dma_wait3A_109 = arith.constant 0 : i32
      %dma_wait3A_110 = tpu.memref_slice %dma_wait3A_108[%add3A_92, %dma_wait3A_109] : memref<10000x128xf32, #tpu.memory_space<hbm>> -> memref<125x128xf32, #tpu.memory_space<hbm>>
      %dma_wait3A_111 = arith.constant 0 : i32
      %dma_wait3A_112 = arith.constant 0 : i32
      %dma_wait3A_113 = tpu.memref_slice %arg8[%arg0, %dma_wait3A_111, %dma_wait3A_112] : memref<2x10000x128xf32, #tpu.memory_space<hbm>> -> memref<1x10000x128xf32, #tpu.memory_space<hbm>>
      %dma_wait3A_114 = tpu.memref_squeeze %dma_wait3A_113 : memref<1x10000x128xf32, #tpu.memory_space<hbm>> -> memref<10000x128xf32, #tpu.memory_space<hbm>>
      %dma_wait3A_115 = arith.constant 0 : i32
      %dma_wait3A_116 = tpu.memref_slice %dma_wait3A_114[%add3A_92, %dma_wait3A_115] : memref<10000x128xf32, #tpu.memory_space<hbm>> -> memref<125x128xf32, #tpu.memory_space<hbm>>
      tpu.wait_dma2 semaphore(%run_scoped3A : memref<!tpu.dma_semaphore, #tpu.memory_space<semaphore_mem>>) src(%arg11 : memref<125x128xf32, #tpu.memory_space<vmem>>) dst(%dma_wait3A_116 : memref<125x128xf32, #tpu.memory_space<hbm>>)
      tpu.yield
    }) : () -> ()
    return
  }
}

module attributes {stable_mosaic.version = 14 : i64} {
  func.func @_prologue_body(%arg0: i32, %arg1: memref<1000x128xf32, #tpu.memory_space<vmem>>, %arg2: memref<128x128xf32, #tpu.memory_space<vmem>>, %arg3: memref<128x128xf32, #tpu.memory_space<vmem>>, %arg4: memref<1000x128xf32, #tpu.memory_space<vmem>>, %arg5: memref<1000x128xf32, #tpu.memory_space<vmem>>) attributes {dimension_semantics = [#tpu.dimension_semantics<parallel>], iteration_bounds = array<i64: 10>, scalar_prefetch = 0 : i64, scratch_operands = 0 : i64, tpu.core_type = #tpu.core_type<tc>, window_params = [{transform_indices = @transform_0, window_bounds = array<i64: 1000, 128>}, {pipeline_mode = #tpu.pipeline_mode<synchronous>, transform_indices = @transform_1, window_bounds = array<i64: 128, 128>}, {pipeline_mode = #tpu.pipeline_mode<synchronous>, transform_indices = @transform_2, window_bounds = array<i64: 128, 128>}, {transform_indices = @transform_3, window_bounds = array<i64: 1000, 128>}, {transform_indices = @transform_4, window_bounds = array<i64: 1000, 128>}]} {
    %get3A = arith.constant 0 : index
    %get3A_0 = arith.constant 0 : index
    %get3A_1 = vector.load %arg1[%get3A, %get3A_0] : memref<1000x128xf32, #tpu.memory_space<vmem>>, vector<1000x128xf32>
    %get3A_2 = arith.constant 0 : index
    %get3A_3 = arith.constant 0 : index
    %get3A_4 = vector.load %arg2[%get3A_2, %get3A_3] : memref<128x128xf32, #tpu.memory_space<vmem>>, vector<128x128xf32>
    %dot_general3A = arith.constant dense<0.000000e+00> : vector<1000x128xf32>
    %dot_general3A_5 = tpu.matmul %get3A_1, %get3A_4, %dot_general3A {dimension_numbers = #tpu.dot_dimension_numbers<[1], [0], [0], [1], [0, 0, 1, 1], [], []>, transpose_lhs_hint = false} : vector<1000x128xf32>, vector<128x128xf32>, vector<1000x128xf32> -> vector<1000x128xf32>
    %max3A = arith.constant 0.000000e+00 : f32
    %max3A_6 = vector.broadcast %max3A : f32 to vector<1000x128xf32>
    %max3A_7 = arith.maximumf %dot_general3A_5, %max3A_6 : vector<1000x128xf32>
    %swap3A = arith.constant 0 : index
    %swap3A_8 = arith.constant 0 : index
    %swap3A_9 = vector.load %arg4[%swap3A, %swap3A_8] : memref<1000x128xf32, #tpu.memory_space<vmem>>, vector<1000x128xf32>
    tpu.vector_store %arg4[%swap3A, %swap3A_8], %max3A_7 {strides = array<i32>} : memref<1000x128xf32, #tpu.memory_space<vmem>>, vector<1000x128xf32>,
    %get3A_10 = arith.constant 0 : index
    %get3A_11 = arith.constant 0 : index
    %get3A_12 = vector.load %arg3[%get3A_10, %get3A_11] : memref<128x128xf32, #tpu.memory_space<vmem>>, vector<128x128xf32>
    %dot_general3A_13 = arith.constant dense<0.000000e+00> : vector<1000x128xf32>
    %dot_general3A_14 = tpu.matmul %max3A_7, %get3A_12, %dot_general3A_13 {dimension_numbers = #tpu.dot_dimension_numbers<[1], [0], [0], [1], [0, 0, 1, 1], [], []>, transpose_lhs_hint = false} : vector<1000x128xf32>, vector<128x128xf32>, vector<1000x128xf32> -> vector<1000x128xf32>
    %swap3A_15 = arith.constant 0 : index
    %swap3A_16 = arith.constant 0 : index
    %swap3A_17 = vector.load %arg5[%swap3A_15, %swap3A_16] : memref<1000x128xf32, #tpu.memory_space<vmem>>, vector<1000x128xf32>
    tpu.vector_store %arg5[%swap3A_15, %swap3A_16], %dot_general3A_14 {strides = array<i32>} : memref<1000x128xf32, #tpu.memory_space<vmem>>, vector<1000x128xf32>,
    return
  }
  func.func @transform_0(%arg0: i32) -> (i32, i32) {
    %c0_i32 = arith.constant 0 : i32
    %c0_i32_0 = arith.constant 0 : i32
    return %arg0, %c0_i32 : i32, i32
  }
  func.func @transform_1(%arg0: i32) -> (i32, i32) {
    %c0_i32 = arith.constant 0 : i32
    %c0_i32_0 = arith.constant 0 : i32
    %c0_i32_1 = arith.constant 0 : i32
    return %c0_i32, %c0_i32_0 : i32, i32
  }
  func.func @transform_2(%arg0: i32) -> (i32, i32) {
    %c0_i32 = arith.constant 0 : i32
    %c0_i32_0 = arith.constant 0 : i32
    %c0_i32_1 = arith.constant 0 : i32
    return %c0_i32, %c0_i32_0 : i32, i32
  }
  func.func @transform_3(%arg0: i32) -> (i32, i32) {
    %c0_i32 = arith.constant 0 : i32
    %c0_i32_0 = arith.constant 0 : i32
    return %arg0, %c0_i32 : i32, i32
  }
  func.func @transform_4(%arg0: i32) -> (i32, i32) {
    %c0_i32 = arith.constant 0 : i32
    %c0_i32_0 = arith.constant 0 : i32
    return %arg0, %c0_i32 : i32, i32
  }
}

module attributes {stable_mosaic.version = 14 : i64} {
  func.func @_edge0_body(%arg0: i32, %arg1: memref<3200x128xf32, #tpu.memory_space<vmem>>, %arg2: memref<128x128xf32, #tpu.memory_space<vmem>>, %arg3: memref<3200x128xf32, #tpu.memory_space<vmem>>, %arg4: memref<128x128xf32, #tpu.memory_space<vmem>>, %arg5: memref<3200x128xf32, #tpu.memory_space<vmem>>, %arg6: memref<3200x128xf32, #tpu.memory_space<vmem>>) attributes {dimension_semantics = [#tpu.dimension_semantics<parallel>], iteration_bounds = array<i64: 50>, scalar_prefetch = 0 : i64, scratch_operands = 0 : i64, tpu.core_type = #tpu.core_type<tc>, window_params = [{transform_indices = @transform_0, window_bounds = array<i64: 3200, 128>}, {pipeline_mode = #tpu.pipeline_mode<synchronous>, transform_indices = @transform_1, window_bounds = array<i64: 128, 128>}, {transform_indices = @transform_2, window_bounds = array<i64: 3200, 128>}, {pipeline_mode = #tpu.pipeline_mode<synchronous>, transform_indices = @transform_3, window_bounds = array<i64: 128, 128>}, {transform_indices = @transform_4, window_bounds = array<i64: 3200, 128>}, {transform_indices = @transform_5, window_bounds = array<i64: 3200, 128>}]} {
    %get3A = arith.constant 0 : index
    %get3A_0 = arith.constant 0 : index
    %get3A_1 = vector.load %arg1[%get3A, %get3A_0] : memref<3200x128xf32, #tpu.memory_space<vmem>>, vector<3200x128xf32>
    %get3A_2 = arith.constant 0 : index
    %get3A_3 = arith.constant 0 : index
    %get3A_4 = vector.load %arg2[%get3A_2, %get3A_3] : memref<128x128xf32, #tpu.memory_space<vmem>>, vector<128x128xf32>
    %dot_general3A = arith.constant dense<0.000000e+00> : vector<3200x128xf32>
    %dot_general3A_5 = tpu.matmul %get3A_1, %get3A_4, %dot_general3A {dimension_numbers = #tpu.dot_dimension_numbers<[1], [0], [0], [1], [0, 0, 1, 1], [], []>, transpose_lhs_hint = false} : vector<3200x128xf32>, vector<128x128xf32>, vector<3200x128xf32> -> vector<3200x128xf32>
    %max3A = arith.constant 0.000000e+00 : f32
    %max3A_6 = vector.broadcast %max3A : f32 to vector<3200x128xf32>
    %max3A_7 = arith.maximumf %dot_general3A_5, %max3A_6 : vector<3200x128xf32>
    %get3A_8 = arith.constant 0 : index
    %get3A_9 = arith.constant 0 : index
    %get3A_10 = vector.load %arg3[%get3A_8, %get3A_9] : memref<3200x128xf32, #tpu.memory_space<vmem>>, vector<3200x128xf32>
    %add3A = arith.addf %max3A_7, %get3A_10 : vector<3200x128xf32>
    %swap3A = arith.constant 0 : index
    %swap3A_11 = arith.constant 0 : index
    %swap3A_12 = vector.load %arg5[%swap3A, %swap3A_11] : memref<3200x128xf32, #tpu.memory_space<vmem>>, vector<3200x128xf32>
    tpu.vector_store %arg5[%swap3A, %swap3A_11], %add3A {strides = array<i32>} : memref<3200x128xf32, #tpu.memory_space<vmem>>, vector<3200x128xf32>,
    %get3A_13 = arith.constant 0 : index
    %get3A_14 = arith.constant 0 : index
    %get3A_15 = vector.load %arg4[%get3A_13, %get3A_14] : memref<128x128xf32, #tpu.memory_space<vmem>>, vector<128x128xf32>
    %dot_general3A_16 = arith.constant dense<0.000000e+00> : vector<3200x128xf32>
    %dot_general3A_17 = tpu.matmul %add3A, %get3A_15, %dot_general3A_16 {dimension_numbers = #tpu.dot_dimension_numbers<[1], [0], [0], [1], [0, 0, 1, 1], [], []>, transpose_lhs_hint = false} : vector<3200x128xf32>, vector<128x128xf32>, vector<3200x128xf32> -> vector<3200x128xf32>
    %max3A_18 = arith.constant 0.000000e+00 : f32
    %max3A_19 = vector.broadcast %max3A_18 : f32 to vector<3200x128xf32>
    %max3A_20 = arith.maximumf %dot_general3A_17, %max3A_19 : vector<3200x128xf32>
    %swap3A_21 = arith.constant 0 : index
    %swap3A_22 = arith.constant 0 : index
    %swap3A_23 = vector.load %arg6[%swap3A_21, %swap3A_22] : memref<3200x128xf32, #tpu.memory_space<vmem>>, vector<3200x128xf32>
    tpu.vector_store %arg6[%swap3A_21, %swap3A_22], %max3A_20 {strides = array<i32>} : memref<3200x128xf32, #tpu.memory_space<vmem>>, vector<3200x128xf32>,
    return
  }
  func.func @transform_0(%arg0: i32) -> (i32, i32) {
    %c0_i32 = arith.constant 0 : i32
    %c0_i32_0 = arith.constant 0 : i32
    return %arg0, %c0_i32 : i32, i32
  }
  func.func @transform_1(%arg0: i32) -> (i32, i32) {
    %c0_i32 = arith.constant 0 : i32
    %c0_i32_0 = arith.constant 0 : i32
    %c0_i32_1 = arith.constant 0 : i32
    return %c0_i32, %c0_i32_0 : i32, i32
  }
  func.func @transform_2(%arg0: i32) -> (i32, i32) {
    %c0_i32 = arith.constant 0 : i32
    %c0_i32_0 = arith.constant 0 : i32
    return %arg0, %c0_i32 : i32, i32
  }
  func.func @transform_3(%arg0: i32) -> (i32, i32) {
    %c0_i32 = arith.constant 0 : i32
    %c0_i32_0 = arith.constant 0 : i32
    %c0_i32_1 = arith.constant 0 : i32
    return %c0_i32, %c0_i32_0 : i32, i32
  }
  func.func @transform_4(%arg0: i32) -> (i32, i32) {
    %c0_i32 = arith.constant 0 : i32
    %c0_i32_0 = arith.constant 0 : i32
    return %arg0, %c0_i32 : i32, i32
  }
  func.func @transform_5(%arg0: i32) -> (i32, i32) {
    %c0_i32 = arith.constant 0 : i32
    %c0_i32_0 = arith.constant 0 : i32
    return %arg0, %c0_i32 : i32, i32
  }
}

module attributes {stable_mosaic.version = 14 : i64} {
  func.func @_node0_body(%arg0: i32, %arg1: memref<1000x128xf32, #tpu.memory_space<vmem>>, %arg2: memref<2x1000x128xf32, #tpu.memory_space<vmem>>, %arg3: memref<2x1000x16xf32, #tpu.memory_space<vmem>>, %arg4: memref<128x128xf32, #tpu.memory_space<vmem>>, %arg5: memref<1000x128xf32, #tpu.memory_space<vmem>>, %arg6: memref<1000x128xf32, #tpu.memory_space<vmem>>) attributes {dimension_semantics = [#tpu.dimension_semantics<parallel>], iteration_bounds = array<i64: 10>, scalar_prefetch = 0 : i64, scratch_operands = 0 : i64, tpu.core_type = #tpu.core_type<tc>, window_params = [{transform_indices = @transform_0, window_bounds = array<i64: 1000, 128>}, {transform_indices = @transform_1, window_bounds = array<i64: 2, 1000, 128>}, {transform_indices = @transform_2, window_bounds = array<i64: 2, 1000, 16>}, {pipeline_mode = #tpu.pipeline_mode<synchronous>, transform_indices = @transform_3, window_bounds = array<i64: 128, 128>}, {transform_indices = @transform_4, window_bounds = array<i64: 1000, 128>}, {transform_indices = @transform_5, window_bounds = array<i64: 1000, 128>}]} {
    %get3A = arith.constant 0 : index
    %get3A_0 = arith.constant 0 : index
    %get3A_1 = arith.constant 0 : index
    %get3A_2 = vector.load %arg2[%get3A, %get3A_0, %get3A_1] : memref<2x1000x128xf32, #tpu.memory_space<vmem>>, vector<1x1000x128xf32>
    %get3A_3 = vector.shape_cast %get3A_2 : vector<1x1000x128xf32> to vector<1000x128xf32>
    %get3A_4 = arith.constant 1 : index
    %get3A_5 = arith.constant 0 : index
    %get3A_6 = arith.constant 0 : index
    %get3A_7 = vector.load %arg2[%get3A_4, %get3A_5, %get3A_6] : memref<2x1000x128xf32, #tpu.memory_space<vmem>>, vector<1x1000x128xf32>
    %get3A_8 = vector.shape_cast %get3A_7 : vector<1x1000x128xf32> to vector<1000x128xf32>
    %add3A = arith.addf %get3A_3, %get3A_8 : vector<1000x128xf32>
    %get3A_9 = arith.constant 0 : index
    %get3A_10 = arith.constant 0 : index
    %get3A_11 = arith.constant 0 : index
    %get3A_12 = vector.load %arg3[%get3A_9, %get3A_10, %get3A_11] : memref<2x1000x16xf32, #tpu.memory_space<vmem>>, vector<1x1000x16xf32>
    %get3A_13 = vector.shape_cast %get3A_12 : vector<1x1000x16xf32> to vector<1000x16xf32>
    %slice3A = vector.extract_strided_slice %get3A_13 {offsets = [0, 0], sizes = [1000, 1], strides = [1, 1]} : vector<1000x16xf32> to vector<1000x1xf32>
    %get3A_14 = arith.constant 1 : index
    %get3A_15 = arith.constant 0 : index
    %get3A_16 = arith.constant 0 : index
    %get3A_17 = vector.load %arg3[%get3A_14, %get3A_15, %get3A_16] : memref<2x1000x16xf32, #tpu.memory_space<vmem>>, vector<1x1000x16xf32>
    %get3A_18 = vector.shape_cast %get3A_17 : vector<1x1000x16xf32> to vector<1000x16xf32>
    %slice3A_19 = vector.extract_strided_slice %get3A_18 {offsets = [0, 0], sizes = [1000, 1], strides = [1, 1]} : vector<1000x16xf32> to vector<1000x1xf32>
    %add3A_20 = arith.addf %slice3A, %slice3A_19 : vector<1000x1xf32>
    %max3A = arith.constant 1.000000e+00 : f32
    %max3A_21 = vector.broadcast %max3A : f32 to vector<1000x1xf32>
    %max3A_22 = arith.maximumf %add3A_20, %max3A_21 : vector<1000x1xf32>
    %get3A_23 = arith.constant 0 : index
    %get3A_24 = arith.constant 0 : index
    %get3A_25 = vector.load %arg1[%get3A_23, %get3A_24] : memref<1000x128xf32, #tpu.memory_space<vmem>>, vector<1000x128xf32>
    %div3A = vector.broadcast %max3A_22 : vector<1000x1xf32> to vector<1000x128xf32>
    %div3A_26 = arith.divf %add3A, %div3A : vector<1000x128xf32>
    %add3A_27 = arith.addf %get3A_25, %div3A_26 : vector<1000x128xf32>
    %swap3A = arith.constant 0 : index
    %swap3A_28 = arith.constant 0 : index
    %swap3A_29 = vector.load %arg5[%swap3A, %swap3A_28] : memref<1000x128xf32, #tpu.memory_space<vmem>>, vector<1000x128xf32>
    tpu.vector_store %arg5[%swap3A, %swap3A_28], %add3A_27 {strides = array<i32>} : memref<1000x128xf32, #tpu.memory_space<vmem>>, vector<1000x128xf32>,
    %get3A_30 = arith.constant 0 : index
    %get3A_31 = arith.constant 0 : index
    %get3A_32 = vector.load %arg4[%get3A_30, %get3A_31] : memref<128x128xf32, #tpu.memory_space<vmem>>, vector<128x128xf32>
    %dot_general3A = arith.constant dense<0.000000e+00> : vector<1000x128xf32>
    %dot_general3A_33 = tpu.matmul %add3A_27, %get3A_32, %dot_general3A {dimension_numbers = #tpu.dot_dimension_numbers<[1], [0], [0], [1], [0, 0, 1, 1], [], []>, transpose_lhs_hint = false} : vector<1000x128xf32>, vector<128x128xf32>, vector<1000x128xf32> -> vector<1000x128xf32>
    %swap3A_34 = arith.constant 0 : index
    %swap3A_35 = arith.constant 0 : index
    %swap3A_36 = vector.load %arg6[%swap3A_34, %swap3A_35] : memref<1000x128xf32, #tpu.memory_space<vmem>>, vector<1000x128xf32>
    tpu.vector_store %arg6[%swap3A_34, %swap3A_35], %dot_general3A_33 {strides = array<i32>} : memref<1000x128xf32, #tpu.memory_space<vmem>>, vector<1000x128xf32>,
    return
  }
  func.func @transform_0(%arg0: i32) -> (i32, i32) {
    %c0_i32 = arith.constant 0 : i32
    %c0_i32_0 = arith.constant 0 : i32
    return %arg0, %c0_i32 : i32, i32
  }
  func.func @transform_1(%arg0: i32) -> (i32, i32, i32) {
    %c0_i32 = arith.constant 0 : i32
    %c0_i32_0 = arith.constant 0 : i32
    %c0_i32_1 = arith.constant 0 : i32
    return %c0_i32, %arg0, %c0_i32_0 : i32, i32, i32
  }
  func.func @transform_2(%arg0: i32) -> (i32, i32, i32) {
    %c0_i32 = arith.constant 0 : i32
    %c0_i32_0 = arith.constant 0 : i32
    %c0_i32_1 = arith.constant 0 : i32
    return %c0_i32, %arg0, %c0_i32_0 : i32, i32, i32
  }
  func.func @transform_3(%arg0: i32) -> (i32, i32) {
    %c0_i32 = arith.constant 0 : i32
    %c0_i32_0 = arith.constant 0 : i32
    %c0_i32_1 = arith.constant 0 : i32
    return %c0_i32, %c0_i32_0 : i32, i32
  }
  func.func @transform_4(%arg0: i32) -> (i32, i32) {
    %c0_i32 = arith.constant 0 : i32
    %c0_i32_0 = arith.constant 0 : i32
    return %arg0, %c0_i32 : i32, i32
  }
  func.func @transform_5(%arg0: i32) -> (i32, i32) {
    %c0_i32 = arith.constant 0 : i32
    %c0_i32_0 = arith.constant 0 : i32
    return %arg0, %c0_i32 : i32, i32
  }
}

module attributes {stable_mosaic.version = 14 : i64} {
  func.func @_edge1_body(%arg0: i32, %arg1: memref<3200x128xf32, #tpu.memory_space<vmem>>, %arg2: memref<3200x128xf32, #tpu.memory_space<vmem>>, %arg3: memref<128x128xf32, #tpu.memory_space<vmem>>, %arg4: memref<128x51xf32, #tpu.memory_space<vmem>>, %arg5: memref<1x51xf32, #tpu.memory_space<vmem>>, %arg6: memref<3200x128xf32, #tpu.memory_space<vmem>>, %arg7: memref<3200x51xf32, #tpu.memory_space<vmem>>) attributes {dimension_semantics = [#tpu.dimension_semantics<parallel>], iteration_bounds = array<i64: 50>, scalar_prefetch = 0 : i64, scratch_operands = 0 : i64, tpu.core_type = #tpu.core_type<tc>, window_params = [{transform_indices = @transform_0, window_bounds = array<i64: 3200, 128>}, {transform_indices = @transform_1, window_bounds = array<i64: 3200, 128>}, {pipeline_mode = #tpu.pipeline_mode<synchronous>, transform_indices = @transform_2, window_bounds = array<i64: 128, 128>}, {pipeline_mode = #tpu.pipeline_mode<synchronous>, transform_indices = @transform_3, window_bounds = array<i64: 128, 51>}, {pipeline_mode = #tpu.pipeline_mode<synchronous>, transform_indices = @transform_4, window_bounds = array<i64: 1, 51>}, {transform_indices = @transform_5, window_bounds = array<i64: 3200, 128>}, {transform_indices = @transform_6, window_bounds = array<i64: 3200, 51>}]} {
    %get3A = arith.constant 0 : index
    %get3A_0 = arith.constant 0 : index
    %get3A_1 = vector.load %arg1[%get3A, %get3A_0] : memref<3200x128xf32, #tpu.memory_space<vmem>>, vector<3200x128xf32>
    %get3A_2 = arith.constant 0 : index
    %get3A_3 = arith.constant 0 : index
    %get3A_4 = vector.load %arg2[%get3A_2, %get3A_3] : memref<3200x128xf32, #tpu.memory_space<vmem>>, vector<3200x128xf32>
    %add3A = arith.addf %get3A_1, %get3A_4 : vector<3200x128xf32>
    %get3A_5 = arith.constant 0 : index
    %get3A_6 = arith.constant 0 : index
    %get3A_7 = vector.load %arg3[%get3A_5, %get3A_6] : memref<128x128xf32, #tpu.memory_space<vmem>>, vector<128x128xf32>
    %dot_general3A = arith.constant dense<0.000000e+00> : vector<3200x128xf32>
    %dot_general3A_8 = tpu.matmul %add3A, %get3A_7, %dot_general3A {dimension_numbers = #tpu.dot_dimension_numbers<[1], [0], [0], [1], [0, 0, 1, 1], [], []>, transpose_lhs_hint = false} : vector<3200x128xf32>, vector<128x128xf32>, vector<3200x128xf32> -> vector<3200x128xf32>
    %max3A = arith.constant 0.000000e+00 : f32
    %max3A_9 = vector.broadcast %max3A : f32 to vector<3200x128xf32>
    %max3A_10 = arith.maximumf %dot_general3A_8, %max3A_9 : vector<3200x128xf32>
    %swap3A = arith.constant 0 : index
    %swap3A_11 = arith.constant 0 : index
    %swap3A_12 = vector.load %arg6[%swap3A, %swap3A_11] : memref<3200x128xf32, #tpu.memory_space<vmem>>, vector<3200x128xf32>
    tpu.vector_store %arg6[%swap3A, %swap3A_11], %max3A_10 {strides = array<i32>} : memref<3200x128xf32, #tpu.memory_space<vmem>>, vector<3200x128xf32>,
    %get3A_13 = arith.constant 0 : index
    %get3A_14 = arith.constant 0 : index
    %get3A_15 = vector.load %arg4[%get3A_13, %get3A_14] : memref<128x51xf32, #tpu.memory_space<vmem>>, vector<128x51xf32>
    %dot_general3A_16 = arith.constant dense<0.000000e+00> : vector<3200x51xf32>
    %dot_general3A_17 = tpu.matmul %add3A, %get3A_15, %dot_general3A_16 {dimension_numbers = #tpu.dot_dimension_numbers<[1], [0], [0], [1], [0, 0, 1, 1], [], []>, transpose_lhs_hint = false} : vector<3200x128xf32>, vector<128x51xf32>, vector<3200x51xf32> -> vector<3200x51xf32>
    %get3A_18 = arith.constant 0 : index
    %get3A_19 = arith.constant 0 : index
    %get3A_20 = vector.load %arg5[%get3A_18, %get3A_19] : memref<1x51xf32, #tpu.memory_space<vmem>>, vector<1x51xf32>
    %add3A_21 = vector.broadcast %get3A_20 : vector<1x51xf32> to vector<3200x51xf32>
    %add3A_22 = arith.addf %dot_general3A_17, %add3A_21 : vector<3200x51xf32>
    %swap3A_23 = arith.constant 0 : index
    %swap3A_24 = arith.constant 0 : index
    %swap3A_25 = vector.load %arg7[%swap3A_23, %swap3A_24] : memref<3200x51xf32, #tpu.memory_space<vmem>>, vector<3200x51xf32>
    tpu.vector_store %arg7[%swap3A_23, %swap3A_24], %add3A_22 {strides = array<i32>} : memref<3200x51xf32, #tpu.memory_space<vmem>>, vector<3200x51xf32>,
    return
  }
  func.func @transform_0(%arg0: i32) -> (i32, i32) {
    %c0_i32 = arith.constant 0 : i32
    %c0_i32_0 = arith.constant 0 : i32
    return %arg0, %c0_i32 : i32, i32
  }
  func.func @transform_1(%arg0: i32) -> (i32, i32) {
    %c0_i32 = arith.constant 0 : i32
    %c0_i32_0 = arith.constant 0 : i32
    return %arg0, %c0_i32 : i32, i32
  }
  func.func @transform_2(%arg0: i32) -> (i32, i32) {
    %c0_i32 = arith.constant 0 : i32
    %c0_i32_0 = arith.constant 0 : i32
    %c0_i32_1 = arith.constant 0 : i32
    return %c0_i32, %c0_i32_0 : i32, i32
  }
  func.func @transform_3(%arg0: i32) -> (i32, i32) {
    %c0_i32 = arith.constant 0 : i32
    %c0_i32_0 = arith.constant 0 : i32
    %c0_i32_1 = arith.constant 0 : i32
    return %c0_i32, %c0_i32_0 : i32, i32
  }
  func.func @transform_4(%arg0: i32) -> (i32, i32) {
    %c0_i32 = arith.constant 0 : i32
    %c0_i32_0 = arith.constant 0 : i32
    %c0_i32_1 = arith.constant 0 : i32
    return %c0_i32, %c0_i32_0 : i32, i32
  }
  func.func @transform_5(%arg0: i32) -> (i32, i32) {
    %c0_i32 = arith.constant 0 : i32
    %c0_i32_0 = arith.constant 0 : i32
    return %arg0, %c0_i32 : i32, i32
  }
  func.func @transform_6(%arg0: i32) -> (i32, i32) {
    %c0_i32 = arith.constant 0 : i32
    %c0_i32_0 = arith.constant 0 : i32
    return %arg0, %c0_i32 : i32, i32
  }
}

module attributes {stable_mosaic.version = 14 : i64} {
  func.func @_node1_body(%arg0: i32, %arg1: memref<1000x128xf32, #tpu.memory_space<vmem>>, %arg2: memref<2x1000x128xf32, #tpu.memory_space<vmem>>, %arg3: memref<2x1000x16xf32, #tpu.memory_space<vmem>>, %arg4: memref<128x151xf32, #tpu.memory_space<vmem>>, %arg5: memref<1x151xf32, #tpu.memory_space<vmem>>, %arg6: memref<1000x151xf32, #tpu.memory_space<vmem>>) attributes {dimension_semantics = [#tpu.dimension_semantics<parallel>], iteration_bounds = array<i64: 10>, scalar_prefetch = 0 : i64, scratch_operands = 0 : i64, tpu.core_type = #tpu.core_type<tc>, window_params = [{transform_indices = @transform_0, window_bounds = array<i64: 1000, 128>}, {transform_indices = @transform_1, window_bounds = array<i64: 2, 1000, 128>}, {transform_indices = @transform_2, window_bounds = array<i64: 2, 1000, 16>}, {pipeline_mode = #tpu.pipeline_mode<synchronous>, transform_indices = @transform_3, window_bounds = array<i64: 128, 151>}, {pipeline_mode = #tpu.pipeline_mode<synchronous>, transform_indices = @transform_4, window_bounds = array<i64: 1, 151>}, {transform_indices = @transform_5, window_bounds = array<i64: 1000, 151>}]} {
    %get3A = arith.constant 0 : index
    %get3A_0 = arith.constant 0 : index
    %get3A_1 = arith.constant 0 : index
    %get3A_2 = vector.load %arg2[%get3A, %get3A_0, %get3A_1] : memref<2x1000x128xf32, #tpu.memory_space<vmem>>, vector<1x1000x128xf32>
    %get3A_3 = vector.shape_cast %get3A_2 : vector<1x1000x128xf32> to vector<1000x128xf32>
    %get3A_4 = arith.constant 1 : index
    %get3A_5 = arith.constant 0 : index
    %get3A_6 = arith.constant 0 : index
    %get3A_7 = vector.load %arg2[%get3A_4, %get3A_5, %get3A_6] : memref<2x1000x128xf32, #tpu.memory_space<vmem>>, vector<1x1000x128xf32>
    %get3A_8 = vector.shape_cast %get3A_7 : vector<1x1000x128xf32> to vector<1000x128xf32>
    %add3A = arith.addf %get3A_3, %get3A_8 : vector<1000x128xf32>
    %get3A_9 = arith.constant 0 : index
    %get3A_10 = arith.constant 0 : index
    %get3A_11 = arith.constant 0 : index
    %get3A_12 = vector.load %arg3[%get3A_9, %get3A_10, %get3A_11] : memref<2x1000x16xf32, #tpu.memory_space<vmem>>, vector<1x1000x16xf32>
    %get3A_13 = vector.shape_cast %get3A_12 : vector<1x1000x16xf32> to vector<1000x16xf32>
    %slice3A = vector.extract_strided_slice %get3A_13 {offsets = [0, 0], sizes = [1000, 1], strides = [1, 1]} : vector<1000x16xf32> to vector<1000x1xf32>
    %get3A_14 = arith.constant 1 : index
    %get3A_15 = arith.constant 0 : index
    %get3A_16 = arith.constant 0 : index
    %get3A_17 = vector.load %arg3[%get3A_14, %get3A_15, %get3A_16] : memref<2x1000x16xf32, #tpu.memory_space<vmem>>, vector<1x1000x16xf32>
    %get3A_18 = vector.shape_cast %get3A_17 : vector<1x1000x16xf32> to vector<1000x16xf32>
    %slice3A_19 = vector.extract_strided_slice %get3A_18 {offsets = [0, 0], sizes = [1000, 1], strides = [1, 1]} : vector<1000x16xf32> to vector<1000x1xf32>
    %add3A_20 = arith.addf %slice3A, %slice3A_19 : vector<1000x1xf32>
    %max3A = arith.constant 1.000000e+00 : f32
    %max3A_21 = vector.broadcast %max3A : f32 to vector<1000x1xf32>
    %max3A_22 = arith.maximumf %add3A_20, %max3A_21 : vector<1000x1xf32>
    %get3A_23 = arith.constant 0 : index
    %get3A_24 = arith.constant 0 : index
    %get3A_25 = vector.load %arg1[%get3A_23, %get3A_24] : memref<1000x128xf32, #tpu.memory_space<vmem>>, vector<1000x128xf32>
    %div3A = vector.broadcast %max3A_22 : vector<1000x1xf32> to vector<1000x128xf32>
    %div3A_26 = arith.divf %add3A, %div3A : vector<1000x128xf32>
    %add3A_27 = arith.addf %get3A_25, %div3A_26 : vector<1000x128xf32>
    %get3A_28 = arith.constant 0 : index
    %get3A_29 = arith.constant 0 : index
    %get3A_30 = vector.load %arg4[%get3A_28, %get3A_29] : memref<128x151xf32, #tpu.memory_space<vmem>>, vector<128x151xf32>
    %dot_general3A = arith.constant dense<0.000000e+00> : vector<1000x151xf32>
    %dot_general3A_31 = tpu.matmul %add3A_27, %get3A_30, %dot_general3A {dimension_numbers = #tpu.dot_dimension_numbers<[1], [0], [0], [1], [0, 0, 1, 1], [], []>, transpose_lhs_hint = false} : vector<1000x128xf32>, vector<128x151xf32>, vector<1000x151xf32> -> vector<1000x151xf32>
    %get3A_32 = arith.constant 0 : index
    %get3A_33 = arith.constant 0 : index
    %get3A_34 = vector.load %arg5[%get3A_32, %get3A_33] : memref<1x151xf32, #tpu.memory_space<vmem>>, vector<1x151xf32>
    %add3A_35 = vector.broadcast %get3A_34 : vector<1x151xf32> to vector<1000x151xf32>
    %add3A_36 = arith.addf %dot_general3A_31, %add3A_35 : vector<1000x151xf32>
    %swap3A = arith.constant 0 : index
    %swap3A_37 = arith.constant 0 : index
    %swap3A_38 = vector.load %arg6[%swap3A, %swap3A_37] : memref<1000x151xf32, #tpu.memory_space<vmem>>, vector<1000x151xf32>
    tpu.vector_store %arg6[%swap3A, %swap3A_37], %add3A_36 {strides = array<i32>} : memref<1000x151xf32, #tpu.memory_space<vmem>>, vector<1000x151xf32>,
    return
  }
  func.func @transform_0(%arg0: i32) -> (i32, i32) {
    %c0_i32 = arith.constant 0 : i32
    %c0_i32_0 = arith.constant 0 : i32
    return %arg0, %c0_i32 : i32, i32
  }
  func.func @transform_1(%arg0: i32) -> (i32, i32, i32) {
    %c0_i32 = arith.constant 0 : i32
    %c0_i32_0 = arith.constant 0 : i32
    %c0_i32_1 = arith.constant 0 : i32
    return %c0_i32, %arg0, %c0_i32_0 : i32, i32, i32
  }
  func.func @transform_2(%arg0: i32) -> (i32, i32, i32) {
    %c0_i32 = arith.constant 0 : i32
    %c0_i32_0 = arith.constant 0 : i32
    %c0_i32_1 = arith.constant 0 : i32
    return %c0_i32, %arg0, %c0_i32_0 : i32, i32, i32
  }
  func.func @transform_3(%arg0: i32) -> (i32, i32) {
    %c0_i32 = arith.constant 0 : i32
    %c0_i32_0 = arith.constant 0 : i32
    %c0_i32_1 = arith.constant 0 : i32
    return %c0_i32, %c0_i32_0 : i32, i32
  }
  func.func @transform_4(%arg0: i32) -> (i32, i32) {
    %c0_i32 = arith.constant 0 : i32
    %c0_i32_0 = arith.constant 0 : i32
    %c0_i32_1 = arith.constant 0 : i32
    return %c0_i32, %c0_i32_0 : i32, i32
  }
  func.func @transform_5(%arg0: i32) -> (i32, i32) {
    %c0_i32 = arith.constant 0 : i32
    %c0_i32_0 = arith.constant 0 : i32
    return %arg0, %c0_i32 : i32, i32
  }
}

</mosaic_0001>

<sc_bundles>
// kernel: kernel.11.cloned.1.call-start
scs
__scs_entry_jumppad:
0x0: {  	(pc) =	sbr.rel $0x88, $3  }
0x1: {  	(tag) =	ssettag $0x0;
	lr =	simm.s32 $0x1  }
0x2: {  	[smem:$0x3F96] =	sst lr;
	_ =	strace $0xD0000000  }
0x3: {  	_ = 	snop  }
0x4: {  	_ = 	snop  }
0x5: {  	_ = 	snop  }
0x6: {  	_ = 	snop  }
0x7: {  	_ = 	snop  }
__scs_overlays_trampoline_lowered:
0x8: {  	[smem:$0x3FA5] =	sst s0  }
0x9: {  	[smem:$0x3FA6] =	sst s1  }
0xa: {  	[smem:$0x3FA7] =	sst s2  }
0xb: {  	[smem:$0x3FA8] =	sst s3  }
0xc: {  	[smem:$0x3FA9] =	sst s4  }
0xd: {  	[smem:$0x3FAA] =	sst s5  }
0xe: {  	[smem:$0x3FAB] =	sst s6  }
0xf: {  	[smem:$0x3FAC] =	sst s7  }
0x10: {  	[smem:$0x3FAD] =	sst s8  }
0x11: {  	[smem:$0x3FAE] =	sst s9;
	s0 =	simm.s32 @!p0 $0x0  }
0x12: {  	s1 =	sld [smem:$0x3F94];
	s0 =	simm.s32 @p0 $0x1  }
0x13: {  	[smem:$0x3FAF] =	sst s0;
	s0 =	simm.s32 @!p1 $0x0  }
0x14: {  	s2 =	sld [smem:$0x3F93];
	s0 =	simm.s32 @p1 $0x1  }
0x15: {  	[smem:$0x3FB0] =	sst s0;
	s0 =	simm.s32 @!p2 $0x0  }
0x16: {  	s3 =	sld [smem:$0x3FDB];
	s0 =	simm.s32 @p2 $0x1  }
0x17: {  	s4 =	simm.s32 $0x1BF5;
	[smem:$0x3FB2] =	sst s0  }
0x18: {  	s0 =	sld [smem:$0x3F95];
	_ =	swait.ge [sflag:s4], $0x0  }
0x19: {  	s7 =	sld [smem:$0x3F96]  }
0x1a: {  	s8 =	sadd.s32 $0xFFFFE003, lr  }
0x1b: {  	s9 =	sadd.s32 $0xFFFFFEF7, lr;
	s5 =	simm.s32 $0xFFFFFFFF;
	p2 =	slt.u32 s8, $0xFFFFF086  }
0x1c: {  	p1 =	slt.u32 s9, $0xF7A;
	s5 =	simm.s32 @!p2 $0x0  }
0x1d: {  	s5 =	simm.s32 @p1 $0x1;
	p0 =	seq.s32 s7, s2  }
0x1e: {  	s7 =	smul.u32 @!p0 $0xF7A, s2;
	p2 =	seq.s32 @!p0 s5, $0x0  }
0x1f: {  	s9 =	smul.u32 $0xF7A, s1;
	s8 =	simm.s32 @!p0 $0x1BF5;
	p2 =	por !p2, p0  }
0x20: {  	[sflag:s8] =	ssyncset.s32 @!p0 $0xFFFFF086;
	s6 =	sadd.s32 @!p0 s3, s7;
	s7 =	simm.s32 @!p0 $0x108  }
0x21: {  	s3 =	sadd.s32 s3, s9;
	s6 =	sadd.s32 @!p0 $0x88, s6;
	s7 =	simm.s32 @p2 $0x1082  }
0x22: {  	[simem:s7], [sflag:s8] =	dma.local @!p0 [hbm:s6], $0xF7A  }
0x23: {  	s9 =	sor.u32 $0xD0000000, s2;
	s6 =	simm.s32 $0x108;
	_ =	swait.ge @!p0 [sflag:s8], $0x0  }
0x24: {  	s3 =	sadd.s32 $0x88, s3;
	s6 =	simm.s32 @!p1 $0x1082;
	[sflag:s4] =	ssyncset.s32 $0xFFFFF086  }
0x25: {  	[simem:s6], [sflag:s4] =	dma.local [hbm:s3], $0xF7A  }
0x26: {  	[smem:$0x3F96] =	sst s1;
	(tag) =	ssettag s2;
	_ =	strace s9  }
0x27: {  	s1 =	sld [smem:$0x3FA6]  }
0x28: {  	s2 =	sld [smem:$0x3FA7]  }
0x29: {  	s4 =	sld [smem:$0x3FA9]  }
0x2a: {  	p0 =	seq.s32 s5, $0x0;
	s5 =	sld [smem:$0x3FAA]  }
0x2b: {  	s6 =	sld [smem:$0x3FAB]  }
0x2c: {  	s7 =	sld [smem:$0x3FAC]  }
0x2d: {  	s3 =	simm.s32 $0x108;
	s8 =	sld [smem:$0x3FAD]  }
0x2e: {  	s3 =	simm.s32 @!p0 $0x1082;
	s9 =	sld [smem:$0x3FAE]  }
0x2f: {  	lr =	sadd.s32 s0, s3;
	s0 =	sld [smem:$0x3FA5]  }
0x30: {  	s3 =	sld [smem:$0x3FA8]  }
0x31: {  	[smem:$0x3FB1] =	sst s10  }
0x32: {  	s10 =	sld [smem:$0x3FAF];
	_ =	sdelay $0x3  }
0x33: {  	p0 =	seq.s32 s10, $0x1;
	s10 =	sld [smem:$0x3FB1];
	_ =	sdelay $0x3  }
0x34: {  	[smem:$0x3FB1] =	sst s10  }
0x35: {  	s10 =	sld [smem:$0x3FB0];
	_ =	sdelay $0x3  }
0x36: {  	p1 =	seq.s32 s10, $0x1;
	s10 =	sld [smem:$0x3FB1];
	_ =	sdelay $0x3  }
0x37: {  	[smem:$0x3FB1] =	sst s10  }
0x38: {  	s10 =	sld [smem:$0x3FB2]  }
0x39: {  	_ = 	snop;
	(pc) =	sbr.ind lr, $3  }
0x3a: {  	_ = 	snop  }
0x3b: {  	_ = 	snop  }
0x3c: {  	p2 =	seq.s32 s10, $0x1;
	s10 =	sld [smem:$0x3FB1]  }
0x3d: {  	_ =	shalt  }
0x3e: {  	_ =	shalt  }
0x3f: {  	_ =	shalt  }
0x40: {  	_ =	shalt  }
0x41: {  	_ =	shalt  }
0x42: {  	_ =	shalt  }
0x43: {  	_ =	shalt  }
0x44: {  	_ =	shalt  }
0x45: {  	_ =	shalt  }
0x46: {  	_ =	shalt  }
0x47: {  	_ =	shalt  }
0x48: {  	_ =	shalt  }
0x49: {  	_ =	shalt  }
0x4a: {  	_ =	shalt  }
0x4b: {  	_ =	shalt  }
0x4c: {  	_ =	shalt  }
0x4d: {  	_ =	shalt  }
0x4e: {  	_ =	shalt  }
0x4f: {  	_ =	shalt  }
0x50: {  	_ =	shalt  }
0x51: {  	_ =	shalt  }
0x52: {  	_ =	shalt  }
0x53: {  	_ =	shalt  }
0x54: {  	_ =	shalt  }
0x55: {  	_ =	shalt  }
0x56: {  	_ =	shalt  }
0x57: {  	_ =	shalt  }
0x58: {  	_ =	shalt  }
0x59: {  	_ =	shalt  }
0x5a: {  	_ =	shalt  }
0x5b: {  	_ =	shalt  }
0x5c: {  	_ =	shalt  }
0x5d: {  	_ =	shalt  }
0x5e: {  	_ =	shalt  }
0x5f: {  	_ =	shalt  }
0x60: {  	_ =	shalt  }
0x61: {  	_ =	shalt  }
0x62: {  	_ =	shalt  }
0x63: {  	_ =	shalt  }
0x64: {  	_ =	shalt  }
0x65: {  	_ =	shalt  }
0x66: {  	_ =	shalt  }
0x67: {  	_ =	shalt  }
0x68: {  	_ =	shalt  }
0x69: {  	_ =	shalt  }
0x6a: {  	_ =	shalt  }
0x6b: {  	_ =	shalt  }
0x6c: {  	_ =	shalt  }
0x6d: {  	_ =	shalt  }
0x6e: {  	_ =	shalt  }
0x6f: {  	_ =	shalt  }
0x70: {  	_ =	shalt  }
0x71: {  	_ =	shalt  }
0x72: {  	_ =	shalt  }
0x73: {  	_ =	shalt  }
0x74: {  	_ =	shalt  }
0x75: {  	_ =	shalt  }
0x76: {  	_ =	shalt  }
0x77: {  	_ =	shalt  }
0x78: {  	_ =	shalt  }
0x79: {  	_ =	shalt  }
0x7a: {  	_ =	shalt  }
0x7b: {  	_ =	shalt  }
0x7c: {  	_ =	shalt  }
0x7d: {  	_ =	shalt  }
0x7e: {  	_ =	shalt  }
0x7f: {  	_ =	shalt  }
0x80: {  	_ =	shalt  }
0x81: {  	_ =	shalt  }
0x82: {  	_ =	shalt  }
0x83: {  	_ =	shalt  }
0x84: {  	_ =	shalt  }
0x85: {  	_ =	shalt  }
0x86: {  	_ =	shalt  }
0x87: {  	_ =	shalt  }
.Lfunc_end0:
.L_simem_size_0:
called_computation_lowered:
.L_overlay_start_0:
0x88: {  	s2 =	sld [smem:$0x3FD9]  }
0x89: {  	s3 =	sld [smem:$0x3FFE];
	_ =	sdelay $0x1  }
0x8a: {  	s1 =	srdreg.scid  }
0x8b: {  	s0 =	sand.u32 $0x1, s1  }
0x8c: {  	s14 =	sshll.u32 s0, $0xA;
	s2 =	sadd.s32 s3, s2  }
0x8d: {  	s2 =	sadd.s32 s2, s14  }
0x8e: {  	[smem:$0x3FBD] =	sst s2  }
0x8f: {  	_ = 	snop  }
0x90: {  	s2 =	sld [smem:$0x3FD0];
	_ =	sdelay $0x2  }
0x91: {  	s15 =	simm.s32 $0xA;
	s4 =	simm.s32 $0x10  }
0x92: {  	[smem:s4], [sflag:s15] =	dma.local [hbm:s2], $0x1  }
0x93: {  	_ =	swait.eq [sflag:s15], $0x1  }
0x94: {  	[sflag:s15] =	ssyncset.done $0x0  }
0x95: {  	[sflag:s15] =	ssyncadd.s32 $0xFFFFFFFF  }
0x96: {  	s16 =	sld [smem:$0x11];
	(tm) =	ssettm $0x1  }
0x97: {  	s17 =	sld [smem:$0x3FFB];
	_ =	sdelay $0x3  }
0x98: {  	_ =	strace s17  }
0x99: {  	s3 =	sld [smem:$0x3FFC];
	_ =	sdelay $0x3  }
0x9a: {  	_ =	strace s3  }
0x9b: {  	s3 =	sld [smem:$0x3FFD];
	_ =	sdelay $0x3  }
0x9c: {  	_ =	strace s3  }
0x9d: {  	_ =	strace $0x8FFFFFFF  }
0x9e: {  	s18 =	sld [smem:$0x3FDB];
	_ =	sdelay $0x1  }
0x9f: {  	s19 =	simm.s32 $_scs_section_size  }
0xa0: {  	s5 =	simm.s32 $_size__tile_overlayer_lowered;
	s6 =	simm.s32 $_tile_overlayer_lowered  }
0xa1: {  	s22 =	simm.s32 $0x1BFF;
	s21 =	sshll.u32 s6, $0x1;
	s3 =	sadd.s32 s19, s18  }
0xa2: {  	s7 =	simm.s32 $0x0;
	s20 =	sshll.u32 s5, $0x1;
	s5 =	sadd.s32 s21, s3  }
0xa3: {  	[timem:s7], [sflag:s22] =	dma.local [hbm:s5], s20  }
0xa4: {  	_ =	swait.ge [sflag:s22], s20  }
0xa5: {  	s4 =	ssub.s32 $0x0, s20;
	[sflag:s22] =	ssyncset.done $0x0  }
0xa6: {  	[sflag:s22] =	ssyncadd.s32 s4;
	_ =	sdelay $0x1  }
0xa7: {  	s23 =	simm.s32 $0x1B8B  }
0xa8: {  	_ =	swait.ge [sflag:s23], $0x1  }
0xa9: {  	[sflag:s23] =	ssyncset.done $0x0  }
0xaa: {  	s25 =	simm.s32 $0x1B8E;
	s24 =	sld [smem:$0x3FFE];
	[sflag:s23] =	ssyncadd.s32 $0xFFFFFFFF  }
0xab: {  	s26 =	simm.s32 $execute0_lowered;
	[smem:$0x3FD2] =	sst s25  }
0xac: {  	s5 =	sshll.u32 s26, $0x1;
	_ =	strace $0x80000046;
	[dreg:$0x1] =	wrdreg $0xFFFFFFFF  }
0xad: {  	s28 =	simm.s32 $_size_execute0_lowered;
	s3 =	sadd.s32 s3, s5;
	[dreg:$0x0] =	wrdreg $0x0  }
0xae: {  	s5 =	sshll.u32 s28, $0x1;
	[dreg:$0x2] =	wrdreg s3  }
0xaf: {  	[dreg:$0x3] =	wrdreg s5  }
0xb0: {  	[dreg:$0x4] =	wrdreg $0xC0  }
0xb1: {  	_ =	task [dreg:s7], $0x5FFFF  }
0xb2: {  	[dreg:$0x1] =	wrdreg $0xFFFFFFFF  }
0xb3: {  	[dreg:$0x0] =	wrdreg $0x60  }
0xb4: {  	[dreg:$0x2] =	wrdreg s16  }
0xb5: {  	[dreg:$0x3] =	wrdreg s24  }
0xb6: {  	[dreg:$0x4] =	wrdreg $0x9  }
0xb7: {  	_ =	task.clear_ibuf [dreg:s7], $0x5FFFF;
	_ =	strace $0x90000046  }
0xb8: {  	s29 =	simm.s32 $0x9;
	_ =	strace $0x80000048  }
0xb9: {  	_ =	swait.ge [sflag:s29], $0x1  }
0xba: {  	[sflag:s29] =	ssyncadd.s32 $0xFFFFFFFF  }
0xbb: {  	_ =	strace $0x90000048  }
0xbc: {  	_ =	sfence  }
0xbd: {  	s30 =	sld [smem:$0x0];
	_ =	sdelay $0x2  }
0xbe: {  	s31 =	sshll.u32 s1, $0xD;
	s1 =	sshrl.u32 s1, $0x2  }
0xbf: {  	s3 =	sand.u32 $0x4000, s31;
	s1 =	sadd.s32 s1, s30  }
0xc0: {  	s0 =	sor.u32 s3, s0;
	s1 =	sshll.u32 s1, $0x11  }
0xc1: {  	s0 =	sor.u32 s1, s0  }
0xc2: {  	s0 =	sadd.s32 $0x8F2B, s0  }
0xc3: {  	[sflag:s0] =	ssyncadd.remote.s32 $0x1  }
0xc4: {  	_ =	sfence.sel $0xFFFF  }
0xc5: {  	[dreg:$0x0] =	wrdreg $0xFFFFFFFF;
	(pc) =	sbr.abs _section_cstart, $3  }
0xc6: {  	[dreg:$0x1] =	wrdreg $0xFFFFFFFF  }
0xc7: {  	_ =	task.clear_ibuf [dreg:s7], $0x2FFFF;
	_ =	strace $0x9FFFFFFF  }
0xc8: {  	(tm) =	ssettm $0x7FFFFFFF  }
0xc9: {  	_ =	shalt  }
tec
execute0_lowered:
.L_overlay_start_1:
0x0: {  	(tag) =	ssettag $0x1  }
0x1: {  	s2 =	rddreg [dreg:$0x0];
	s0 =	srdreg.scid  }
0x2: {  	s8 =	stileid.u32;
	s1 =	rddreg [dreg:$0x1]  }
0x3: {  	s3 =	simm.s32 $0x0;
	s13 =	simm.s32 $0x7;
	s14 =	simm.s32 $0x1400  }
0x4: {  	s15 =	simm.s32 $0x7D;
	s16 =	simm.s32 $0x2800;
	s17 =	simm.s32 $0x6680  }
0x5: {  	s19 =	simm.s32 $0xE380;
	s21 =	simm.s32 $0x12200;
	s22 =	simm.s32 $0x1  }
0x6: {  	s28 =	simm.s32 $0x3;
	s29 =	simm.s32 $0x4;
	s9 =	smul.u32 $0x2710, s8  }
0x7: {  	s30 =	simm.s32 $0x16080;
	s0 =	sand.u32 $0x1, s0;
	s25 =	smul.u32 $0x27100, s8  }
0x8: {  	s31 =	simm.s32 $0x5;
	s4 =	sshll.u32 s8, $0x1;
	s10 =	smul.u32 $0x1388, s0  }
0x9: {  	s4 =	sor.u32 s0, s4;
	s6 =	ssub.s32 $0x2, s0;
	s0 =	smul.u32 $0x13880, s0  }
0xa: {  	s20 =	simm.s32 $0x0;
	[smem:$0x7FF] =	sst s3;
	s5 =	smul.u32 $0x280, s4  }
0xb: {  	_ =	strace $0x80000047;
	s7 =	sshrl.u32 s6, $0x1;
	s4 =	smul.u32 $0x13880, s4  }
0xc: {  	s6 =	ssub.s32 s6, s7;
	s10 =	sadd.s32 s10, s9;
	s5 =	sadd.s32 s5, s1  }
0xd: {  	s1 =	sadd.s32 $0xDC00, s1;
	s24 =	smax.u32 s6, $0x1;
	s11 =	sshll.u32 s10, $0x4  }
0xe: {  	s23 =	sadd.s32 $0x3C00, s5;
	s5 =	sadd.s32 $0x8C00, s5;
	[dreg:$0x5] =	wrdreg s24  }
0xf: {  	s7 =	sadd.s32 s1, s4;
	s4 =	sadd.s32 s25, s1;
	[dreg:$0x3] =	wrdreg s23  }
0x10: {  	s1 =	sadd.s32 s1, s11;
	s24 =	simm.s32 $0xA500;
	[dreg:$0x4] =	wrdreg s5  }
0x11: {  	s26 =	sadd.s32 $0x7D0, s7;
	s9 =	sadd.s32 $0x128E0, s7;
	s10 =	sadd.s32 $0x130B0, s7  }
0x12: {  	s0 =	sadd.s32 s0, s4;
	s18 =	sadd.s32 $0x1770, s1;
	s23 =	simm.s32 $0x2  }
0x13: {  	s1 =	simm.s32 $0x6;
	[dreg:$0x6] =	wrdreg s26;
	s11 =	sadd.s32 $0xFA0, s0  }
.LBB2_1:
0x14: {  	s0 =	rddreg [dreg:$0x3]  }
0x15: {  	[tilespmem:s3], [sflag:$0x7] =	stream.linear.gather [hbm4b:s0+s3], $0x1400, $0x38;
	[tilespmem:$0x19F00] =	vst v63  }
0x16: {  	_ =	swait.ge [sflag:s13], $0x1400  }
0x17: {  	[sflag:s13] =	ssyncset.done $0x0  }
0x18: {  	s12 =	rddreg [dreg:$0x4];
	[sflag:s13] =	ssyncadd.s32 $0xFFFFEC00  }
0x19: {  	[tilespmem:s14], [sflag:$0x7] =	stream.linear.gather [hbm4b:s12+s3], $0x1400, $0x38;
	[tilespmem:$0x19F00] =	vst v63  }
0x1a: {  	_ =	swait.ge [sflag:s13], $0x1400  }
0x1b: {  	[sflag:s13] =	ssyncset.done $0x0  }
0x1c: {  	[sflag:s13] =	ssyncadd.s32 $0xFFFFEC00  }
0x1d: {  	[tilespmem:s16], [sflag:$0x1] =	stream.indirect.gather [hbm4b:s2+s15], $0x80, s3, s15, $0xb8;
	[tilespmem:$0x19F00] =	vst v63  }
0x1e: {  	_ = 	snop  }
0x1f: {  	[tilespmem:s17], [sflag:$0x2] =	stream.indirect.gather [hbm4b:s2+s15], $0x80, s14, s15, $0xb8;
	[tilespmem:$0x19F00] =	vst v63  }
0x20: {  	s25 =	simm.s32 $0x80  }
0x21: {  	[tilespmem:s19], [sflag:$0x3] =	stream.indirect.gather [hbm4b:s2+s15], $0x80, s25, s15, $0xb8;
	[tilespmem:$0x19F00] =	vst v63  }
0x22: {  	s26 =	simm.s32 $0x1480  }
0x23: {  	[tilespmem:s21], [sflag:$0x4] =	stream.indirect.gather [hbm4b:s2+s15], $0x80, s26, s15, $0xb8;
	[tilespmem:$0x19F00] =	vst v63  }
0x24: {  	_ =	swait.ge [sflag:s22], $0x3E80  }
0x25: {  	[sflag:s22] =	ssyncset.done $0x0  }
0x26: {  	[sflag:s22] =	ssyncadd.s32 $0xFFFFC180  }
0x27: {  	_ =	swait.ge [sflag:s23], $0x3E80  }
0x28: {  	[sflag:s23] =	ssyncset.done $0x0  }
0x29: {  	[sflag:s23] =	ssyncadd.s32 $0xFFFFC180  }
0x2a: {  	[hbm4b:s7+s3] =	stream.linear.scatter [tilespmem:s24], [sflag:$0x5], $0x3E80, $0x38;
	[tilespmem:$0x19F00] =	vst v63  }
0x2b: {  	s4 =	simm.s32 $0x100  }
0x2c: {  	[tilespmem:s16], [sflag:$0x1] =	stream.indirect.gather [hbm4b:s2+s15], $0x80, s4, s15, $0xb8;
	[tilespmem:$0x19F00] =	vst v63  }
0x2d: {  	s5 =	simm.s32 $0x1500  }
0x2e: {  	[tilespmem:s17], [sflag:$0x2] =	stream.indirect.gather [hbm4b:s2+s15], $0x80, s5, s15, $0xb8;
	[tilespmem:$0x19F00] =	vst v63  }
0x2f: {  	_ =	swait.ge [sflag:s28], $0x3E80  }
0x30: {  	[sflag:s28] =	ssyncset.done $0x0  }
0x31: {  	[sflag:s28] =	ssyncadd.s32 $0xFFFFC180  }
0x32: {  	_ =	swait.ge [sflag:s29], $0x3E80  }
0x33: {  	[sflag:s29] =	ssyncset.done $0x0  }
0x34: {  	s6 =	rddreg [dreg:$0x6];
	[sflag:s29] =	ssyncadd.s32 $0xFFFFC180  }
0x35: {  	[hbm4b:s6+s3] =	stream.linear.scatter [tilespmem:s30], [sflag:$0x6], $0x3E80, $0x38;
	[tilespmem:$0x19F00] =	vst v63  }
0x36: {  	s8 =	simm.s32 $0x180  }
0x37: {  	[tilespmem:s19], [sflag:$0x3] =	stream.indirect.gather [hbm4b:s2+s15], $0x80, s8, s15, $0xb8;
	[tilespmem:$0x19F00] =	vst v63  }
0x38: {  	s12 =	simm.s32 $0x1580  }
0x39: {  	[tilespmem:s21], [sflag:$0x4] =	stream.indirect.gather [hbm4b:s2+s15], $0x80, s12, s15, $0xb8;
	[tilespmem:$0x19F00] =	vst v63  }
0x3a: {  	_ =	swait.ge [sflag:s22], $0x3E80  }
0x3b: {  	[sflag:s22] =	ssyncset.done $0x0  }
0x3c: {  	[sflag:s22] =	ssyncadd.s32 $0xFFFFC180  }
0x3d: {  	_ =	swait.ge [sflag:s23], $0x3E80  }
0x3e: {  	[sflag:s23] =	ssyncset.done $0x0  }
0x3f: {  	[sflag:s23] =	ssyncadd.s32 $0xFFFFC180  }
0x40: {  	_ =	swait.ge [sflag:s31], $0x3E80  }
0x41: {  	[sflag:s31] =	ssyncset.done $0x0  }
0x42: {  	[sflag:s31] =	ssyncadd.s32 $0xFFFFC180  }
0x43: {  	[hbm4b:s11+s3] =	stream.linear.scatter [tilespmem:s24], [sflag:$0x5], $0x3E80, $0x38;
	[tilespmem:$0x19F00] =	vst v63  }
0x44: {  	s25 =	simm.s32 $0x200  }
0x45: {  	[tilespmem:s16], [sflag:$0x1] =	stream.indirect.gather [hbm4b:s2+s15], $0x80, s25, s15, $0xb8;
	[tilespmem:$0x19F00] =	vst v63  }
0x46: {  	s26 =	simm.s32 $0x1600  }
0x47: {  	[tilespmem:s17], [sflag:$0x2] =	stream.indirect.gather [hbm4b:s2+s15], $0x80, s26, s15, $0xb8;
	[tilespmem:$0x19F00] =	vst v63  }
0x48: {  	_ =	swait.ge [sflag:s28], $0x3E80  }
0x49: {  	[sflag:s28] =	ssyncset.done $0x0  }
0x4a: {  	[sflag:s28] =	ssyncadd.s32 $0xFFFFC180  }
0x4b: {  	_ =	swait.ge [sflag:s29], $0x3E80  }
0x4c: {  	[sflag:s29] =	ssyncset.done $0x0  }
0x4d: {  	[sflag:s29] =	ssyncadd.s32 $0xFFFFC180  }
0x4e: {  	s0 =	sadd.s32 $0xFA0, s11;
	_ =	swait.ge [sflag:s1], $0x3E80  }
0x4f: {  	s4 =	simm.s32 $0x800;
	s12 =	smov.u32 s18;
	[sflag:s1] =	ssyncset.done $0x0  }
0x50: {  	s25 =	sadd.s32 $0xFA0, s18;
	s26 =	simm.s32 $0x100;
	[sflag:s1] =	ssyncadd.s32 $0xFFFFC180  }
.LBB2_2:
0x51: {  	[hbm4b:s12+s3] =	stream.linear.scatter [tilespmem:s30], [sflag:$0x6], $0x3E80, $0x38;
	[tilespmem:$0x19F00] =	vst v63  }
0x52: {  	s5 =	smov.u32 s4;
	s12 =	smov.u32 s25  }
0x53: {  	s6 =	sadd.s32 $0x400, s4;
	s8 =	sadd.s32 $0x180, s26;
	s5 =	sshra.s32 s5, $0x2  }
0x54: {  	[tilespmem:s19], [sflag:$0x3] =	stream.indirect.gather [hbm4b:s2+s15], $0x80, s8, s15, $0xb8;
	[tilespmem:$0x19F00] =	vst v63  }
0x55: {  	p0 =	sne.s32 s4, $0x4400;
	s4 =	sadd.s32 $0x1580, s26  }
0x56: {  	[tilespmem:s21], [sflag:$0x4] =	stream.indirect.gather [hbm4b:s2+s15], $0x80, s4, s15, $0xb8;
	[tilespmem:$0x19F00] =	vst v63  }
0x57: {  	_ =	swait.ge [sflag:s22], $0x3E80  }
0x58: {  	[sflag:s22] =	ssyncset.done $0x0  }
0x59: {  	[sflag:s22] =	ssyncadd.s32 $0xFFFFC180  }
0x5a: {  	_ =	swait.ge [sflag:s23], $0x3E80  }
0x5b: {  	[sflag:s23] =	ssyncset.done $0x0  }
0x5c: {  	[sflag:s23] =	ssyncadd.s32 $0xFFFFC180  }
0x5d: {  	_ =	swait.ge [sflag:s31], $0x3E80  }
0x5e: {  	[sflag:s31] =	ssyncset.done $0x0  }
0x5f: {  	[sflag:s31] =	ssyncadd.s32 $0xFFFFC180  }
0x60: {  	[hbm4b:s0+s3] =	stream.linear.scatter [tilespmem:s24], [sflag:$0x5], $0x3E80, $0x38;
	[tilespmem:$0x19F00] =	vst v63  }
0x61: {  	s4 =	sadd.s32 $0x200, s26  }
0x62: {  	[tilespmem:s16], [sflag:$0x1] =	stream.indirect.gather [hbm4b:s2+s15], $0x80, s4, s15, $0xb8;
	[tilespmem:$0x19F00] =	vst v63  }
0x63: {  	s4 =	sadd.s32 $0x1600, s26;
	s26 =	smov.u32 s5  }
0x64: {  	[tilespmem:s17], [sflag:$0x2] =	stream.indirect.gather [hbm4b:s2+s15], $0x80, s4, s15, $0xb8;
	[tilespmem:$0x19F00] =	vst v63  }
0x65: {  	_ =	swait.ge [sflag:s28], $0x3E80  }
0x66: {  	[sflag:s28] =	ssyncset.done $0x0  }
0x67: {  	[sflag:s28] =	ssyncadd.s32 $0xFFFFC180  }
0x68: {  	_ =	swait.ge [sflag:s29], $0x3E80  }
.Ltmp0:
0x69: {  	[sflag:s29] =	ssyncset.done $0x0;
	(pc) =	sbr.rel @p0 .LBB2_2-.Ltmp0, $4  }
0x6a: {  	[sflag:s29] =	ssyncadd.s32 $0xFFFFC180  }
0x6b: {  	_ =	swait.ge [sflag:s1], $0x3E80  }
0x6c: {  	s25 =	sadd.s32 $0xFA0, s25;
	[sflag:s1] =	ssyncset.done $0x0  }
0x6d: {  	s0 =	sadd.s32 $0xFA0, s0;
	s4 =	smov.u32 s6;
	[sflag:s1] =	ssyncadd.s32 $0xFFFFC180  }
0x6e: {  	[hbm4b:s12+s3] =	stream.linear.scatter [tilespmem:s30], [sflag:$0x6], $0x3E80, $0x38;
	[tilespmem:$0x19F00] =	vst v63  }
0x6f: {  	s4 =	sadd.s32 $0x180, s26  }
0x70: {  	[tilespmem:s19], [sflag:$0x3] =	stream.indirect.gather [hbm4b:s2+s15], $0x80, s4, s15, $0xb8;
	[tilespmem:$0x19F00] =	vst v63  }
0x71: {  	s5 =	sadd.s32 $0x1580, s26  }
0x72: {  	[tilespmem:s21], [sflag:$0x4] =	stream.indirect.gather [hbm4b:s2+s15], $0x80, s5, s15, $0xb8;
	[tilespmem:$0x19F00] =	vst v63  }
0x73: {  	_ =	swait.ge [sflag:s22], $0x3E80  }
0x74: {  	[sflag:s22] =	ssyncset.done $0x0  }
0x75: {  	[sflag:s22] =	ssyncadd.s32 $0xFFFFC180  }
0x76: {  	_ =	swait.ge [sflag:s23], $0x3E80  }
0x77: {  	[sflag:s23] =	ssyncset.done $0x0  }
0x78: {  	[sflag:s23] =	ssyncadd.s32 $0xFFFFC180  }
0x79: {  	_ =	swait.ge [sflag:s31], $0x3E80  }
0x7a: {  	[sflag:s31] =	ssyncset.done $0x0  }
0x7b: {  	[sflag:s31] =	ssyncadd.s32 $0xFFFFC180  }
0x7c: {  	[hbm4b:s0+s3] =	stream.linear.scatter [tilespmem:s24], [sflag:$0x5], $0x3E80, $0x38;
	[tilespmem:$0x19F00] =	vst v63  }
0x7d: {  	s6 =	sadd.s32 $0x200, s26  }
0x7e: {  	[tilespmem:s16], [sflag:$0x1] =	stream.indirect.gather [hbm4b:s2+s15], $0x80, s6, s15, $0xb8;
	[tilespmem:$0x19F00] =	vst v63  }
0x7f: {  	s8 =	sadd.s32 $0x1600, s26  }
0x80: {  	[tilespmem:s17], [sflag:$0x2] =	stream.indirect.gather [hbm4b:s2+s15], $0x80, s8, s15, $0xb8;
	[tilespmem:$0x19F00] =	vst v63  }
0x81: {  	_ =	swait.ge [sflag:s28], $0x3E80  }
0x82: {  	[sflag:s28] =	ssyncset.done $0x0  }
0x83: {  	[sflag:s28] =	ssyncadd.s32 $0xFFFFC180  }
0x84: {  	_ =	swait.ge [sflag:s29], $0x3E80  }
0x85: {  	[sflag:s29] =	ssyncset.done $0x0  }
0x86: {  	[sflag:s29] =	ssyncadd.s32 $0xFFFFC180  }
0x87: {  	_ =	swait.ge [sflag:s1], $0x3E80  }
0x88: {  	[sflag:s1] =	ssyncset.done $0x0  }
0x89: {  	[sflag:s1] =	ssyncadd.s32 $0xFFFFC180  }
0x8a: {  	[hbm4b:s25+s3] =	stream.linear.scatter [tilespmem:s30], [sflag:$0x6], $0x3E80, $0x38;
	[tilespmem:$0x19F00] =	vst v63  }
0x8b: {  	s12 =	simm.s32 $0x1380  }
0x8c: {  	[tilespmem:s19], [sflag:$0x3] =	stream.indirect.gather [hbm4b:s2+s15], $0x80, s12, s15, $0xb8;
	[tilespmem:$0x19F00] =	vst v63  }
0x8d: {  	s25 =	simm.s32 $0x2780  }
0x8e: {  	[tilespmem:s21], [sflag:$0x4] =	stream.indirect.gather [hbm4b:s2+s15], $0x80, s25, s15, $0xb8;
	[tilespmem:$0x19F00] =	vst v63  }
0x8f: {  	_ =	swait.ge [sflag:s22], $0x3E80  }
0x90: {  	[sflag:s22] =	ssyncset.done $0x0  }
0x91: {  	[sflag:s22] =	ssyncadd.s32 $0xFFFFC180  }
0x92: {  	_ =	swait.ge [sflag:s23], $0x3E80  }
0x93: {  	[sflag:s23] =	ssyncset.done $0x0  }
0x94: {  	[sflag:s23] =	ssyncadd.s32 $0xFFFFC180  }
0x95: {  	_ =	swait.ge [sflag:s31], $0x3E80  }
0x96: {  	[sflag:s31] =	ssyncset.done $0x0  }
0x97: {  	[sflag:s31] =	ssyncadd.s32 $0xFFFFC180  }
0x98: {  	[hbm4b:s9+s3] =	stream.linear.scatter [tilespmem:s24], [sflag:$0x5], $0x3E80, $0x38;
	[tilespmem:$0x19F00] =	vst v63  }
0x99: {  	_ =	swait.ge [sflag:s28], $0x3E80  }
0x9a: {  	[sflag:s28] =	ssyncset.done $0x0  }
0x9b: {  	[sflag:s28] =	ssyncadd.s32 $0xFFFFC180  }
0x9c: {  	_ =	swait.ge [sflag:s29], $0x3E80  }
0x9d: {  	[sflag:s29] =	ssyncset.done $0x0  }
0x9e: {  	[sflag:s29] =	ssyncadd.s32 $0xFFFFC180  }
0x9f: {  	_ =	swait.ge [sflag:s1], $0x3E80  }
0xa0: {  	[sflag:s1] =	ssyncset.done $0x0  }
0xa1: {  	[sflag:s1] =	ssyncadd.s32 $0xFFFFC180  }
0xa2: {  	[hbm4b:s10+s3] =	stream.linear.scatter [tilespmem:s30], [sflag:$0x6], $0x3E80, $0x38;
	[tilespmem:$0x19F00] =	vst v63  }
0xa3: {  	_ =	swait.ge [sflag:s31], $0x3E80  }
0xa4: {  	[sflag:s31] =	ssyncset.done $0x0  }
0xa5: {  	[sflag:s31] =	ssyncadd.s32 $0xFFFFC180  }
0xa6: {  	_ =	swait.ge [sflag:s1], $0x3E80  }
0xa7: {  	s20 =	sadd.s32 $0x1, s20;
	s26 =	rddreg [dreg:$0x5]  }
0xa8: {  	p0 =	sne.s32 s20, s26  }
.Ltmp1:
0xa9: {  	_ = 	snop;
	(pc) =	sbr.rel @p0 .LBB2_1-.Ltmp1, $3  }
0xaa: {  	_ =	sdelay $0x1  }
0xab: {  	[sflag:s1] =	ssyncset.done $0x0  }
0xac: {  	[sflag:s1] =	ssyncadd.s32 $0xFFFFC180  }
0xad: {  	_ =	sfence.sel $0x180000  }
0xae: {  	[bflag:$0x0] =	sbarrier.arrive $0xFFFF  }
0xaf: {  	_ =	strace $0x90000047  }
0xb0: {  	s0 =	stileid.u32;
	[bflag:$0x2] =	sbarrier.arrive $0xFFFF  }
0xb1: {  	p0 =	sne.s32 s0, $0x0;
	s0 =	rddreg [dreg:$0x2]  }
0xb2: {  	s0 =	sadd.s32 @!p0 $0x100000, s0  }
0xb3: {  	[sflag:s0] =	ssyncadd.tile.s32 @!p0 $0x1;
	_ =	shalt  }
.Lfunc_end2:
_tile_overlayer_lowered:
.L_overlay_start_2:
0xb4: {  	(tag) =	ssettag $0x2  }
0xb5: {  	s0 =	rddreg [dreg:$0x0];
	s2 =	stileid.u32  }
0xb6: {  	s1 =	rddreg [dreg:$0x1];
	p0 =	sne.s32 s2, $0x0  }
0xb7: {  	s3 =	rddreg [dreg:$0x2];
	[bflag:$0x3] =	sbarrier.arrive $0xFFFF;
	s2 =	simm.s32 @!p0 $0x1C07  }
0xb8: {  	[timem:s3], [sflag:s2] =	dma.local @!p0 [hbm:s0], s1  }
0xb9: {  	s0 =	simm.s32 @!p0 $0x7  }
0xba: {  	_ =	swait.ge @!p0 [sflag:s0], s1  }
0xbb: {  	s1 =	ssub.s32 @!p0 $0x0, s1;
	[sflag:s0] =	ssyncset.done @!p0 $0x0  }
0xbc: {  	[sflag:s0] =	ssyncadd.s32 @!p0 s1  }
0xbd: {  	[bflag:$0x3] =	sbarrier.arrive $0xFFFF  }
0xbe: {  	_ =	shalt  }

// kernel: kernel.14.cloned.1.call-start
scs
__scs_entry_jumppad:
0x0: {  	(pc) =	sbr.rel $0x88, $3  }
0x1: {  	(tag) =	ssettag $0x0;
	lr =	simm.s32 $0x1  }
0x2: {  	[smem:$0x3F96] =	sst lr;
	_ =	strace $0xD0000000  }
0x3: {  	_ = 	snop  }
0x4: {  	_ = 	snop  }
0x5: {  	_ = 	snop  }
0x6: {  	_ = 	snop  }
0x7: {  	_ = 	snop  }
__scs_overlays_trampoline_lowered:
0x8: {  	[smem:$0x3FA5] =	sst s0  }
0x9: {  	[smem:$0x3FA6] =	sst s1  }
0xa: {  	[smem:$0x3FA7] =	sst s2  }
0xb: {  	[smem:$0x3FA8] =	sst s3  }
0xc: {  	[smem:$0x3FA9] =	sst s4  }
0xd: {  	[smem:$0x3FAA] =	sst s5  }
0xe: {  	[smem:$0x3FAB] =	sst s6  }
0xf: {  	[smem:$0x3FAC] =	sst s7  }
0x10: {  	[smem:$0x3FAD] =	sst s8  }
0x11: {  	[smem:$0x3FAE] =	sst s9;
	s0 =	simm.s32 @!p0 $0x0  }
0x12: {  	s1 =	sld [smem:$0x3F94];
	s0 =	simm.s32 @p0 $0x1  }
0x13: {  	[smem:$0x3FAF] =	sst s0;
	s0 =	simm.s32 @!p1 $0x0  }
0x14: {  	s2 =	sld [smem:$0x3F93];
	s0 =	simm.s32 @p1 $0x1  }
0x15: {  	[smem:$0x3FB0] =	sst s0;
	s0 =	simm.s32 @!p2 $0x0  }
0x16: {  	s3 =	sld [smem:$0x3FDB];
	s0 =	simm.s32 @p2 $0x1  }
0x17: {  	s4 =	simm.s32 $0x1BF5;
	[smem:$0x3FB2] =	sst s0  }
0x18: {  	s0 =	sld [smem:$0x3F95];
	_ =	swait.ge [sflag:s4], $0x0  }
0x19: {  	s7 =	sld [smem:$0x3F96]  }
0x1a: {  	s8 =	sadd.s32 $0xFFFFE003, lr  }
0x1b: {  	s9 =	sadd.s32 $0xFFFFFEF7, lr;
	s5 =	simm.s32 $0xFFFFFFFF;
	p2 =	slt.u32 s8, $0xFFFFF086  }
0x1c: {  	p1 =	slt.u32 s9, $0xF7A;
	s5 =	simm.s32 @!p2 $0x0  }
0x1d: {  	s5 =	simm.s32 @p1 $0x1;
	p0 =	seq.s32 s7, s2  }
0x1e: {  	s7 =	smul.u32 @!p0 $0xF7A, s2;
	p2 =	seq.s32 @!p0 s5, $0x0  }
0x1f: {  	s9 =	smul.u32 $0xF7A, s1;
	s8 =	simm.s32 @!p0 $0x1BF5;
	p2 =	por !p2, p0  }
0x20: {  	[sflag:s8] =	ssyncset.s32 @!p0 $0xFFFFF086;
	s6 =	sadd.s32 @!p0 s3, s7;
	s7 =	simm.s32 @!p0 $0x108  }
0x21: {  	s3 =	sadd.s32 s3, s9;
	s6 =	sadd.s32 @!p0 $0x88, s6;
	s7 =	simm.s32 @p2 $0x1082  }
0x22: {  	[simem:s7], [sflag:s8] =	dma.local @!p0 [hbm:s6], $0xF7A  }
0x23: {  	s9 =	sor.u32 $0xD0000000, s2;
	s6 =	simm.s32 $0x108;
	_ =	swait.ge @!p0 [sflag:s8], $0x0  }
0x24: {  	s3 =	sadd.s32 $0x88, s3;
	s6 =	simm.s32 @!p1 $0x1082;
	[sflag:s4] =	ssyncset.s32 $0xFFFFF086  }
0x25: {  	[simem:s6], [sflag:s4] =	dma.local [hbm:s3], $0xF7A  }
0x26: {  	[smem:$0x3F96] =	sst s1;
	(tag) =	ssettag s2;
	_ =	strace s9  }
0x27: {  	s1 =	sld [smem:$0x3FA6]  }
0x28: {  	s2 =	sld [smem:$0x3FA7]  }
0x29: {  	s4 =	sld [smem:$0x3FA9]  }
0x2a: {  	p0 =	seq.s32 s5, $0x0;
	s5 =	sld [smem:$0x3FAA]  }
0x2b: {  	s6 =	sld [smem:$0x3FAB]  }
0x2c: {  	s7 =	sld [smem:$0x3FAC]  }
0x2d: {  	s3 =	simm.s32 $0x108;
	s8 =	sld [smem:$0x3FAD]  }
0x2e: {  	s3 =	simm.s32 @!p0 $0x1082;
	s9 =	sld [smem:$0x3FAE]  }
0x2f: {  	lr =	sadd.s32 s0, s3;
	s0 =	sld [smem:$0x3FA5]  }
0x30: {  	s3 =	sld [smem:$0x3FA8]  }
0x31: {  	[smem:$0x3FB1] =	sst s10  }
0x32: {  	s10 =	sld [smem:$0x3FAF];
	_ =	sdelay $0x3  }
0x33: {  	p0 =	seq.s32 s10, $0x1;
	s10 =	sld [smem:$0x3FB1];
	_ =	sdelay $0x3  }
0x34: {  	[smem:$0x3FB1] =	sst s10  }
0x35: {  	s10 =	sld [smem:$0x3FB0];
	_ =	sdelay $0x3  }
0x36: {  	p1 =	seq.s32 s10, $0x1;
	s10 =	sld [smem:$0x3FB1];
	_ =	sdelay $0x3  }
0x37: {  	[smem:$0x3FB1] =	sst s10  }
0x38: {  	s10 =	sld [smem:$0x3FB2]  }
0x39: {  	_ = 	snop;
	(pc) =	sbr.ind lr, $3  }
0x3a: {  	_ = 	snop  }
0x3b: {  	_ = 	snop  }
0x3c: {  	p2 =	seq.s32 s10, $0x1;
	s10 =	sld [smem:$0x3FB1]  }
0x3d: {  	_ =	shalt  }
0x3e: {  	_ =	shalt  }
0x3f: {  	_ =	shalt  }
0x40: {  	_ =	shalt  }
0x41: {  	_ =	shalt  }
0x42: {  	_ =	shalt  }
0x43: {  	_ =	shalt  }
0x44: {  	_ =	shalt  }
0x45: {  	_ =	shalt  }
0x46: {  	_ =	shalt  }
0x47: {  	_ =	shalt  }
0x48: {  	_ =	shalt  }
0x49: {  	_ =	shalt  }
0x4a: {  	_ =	shalt  }
0x4b: {  	_ =	shalt  }
0x4c: {  	_ =	shalt  }
0x4d: {  	_ =	shalt  }
0x4e: {  	_ =	shalt  }
0x4f: {  	_ =	shalt  }
0x50: {  	_ =	shalt  }
0x51: {  	_ =	shalt  }
0x52: {  	_ =	shalt  }
0x53: {  	_ =	shalt  }
0x54: {  	_ =	shalt  }
0x55: {  	_ =	shalt  }
0x56: {  	_ =	shalt  }
0x57: {  	_ =	shalt  }
0x58: {  	_ =	shalt  }
0x59: {  	_ =	shalt  }
0x5a: {  	_ =	shalt  }
0x5b: {  	_ =	shalt  }
0x5c: {  	_ =	shalt  }
0x5d: {  	_ =	shalt  }
0x5e: {  	_ =	shalt  }
0x5f: {  	_ =	shalt  }
0x60: {  	_ =	shalt  }
0x61: {  	_ =	shalt  }
0x62: {  	_ =	shalt  }
0x63: {  	_ =	shalt  }
0x64: {  	_ =	shalt  }
0x65: {  	_ =	shalt  }
0x66: {  	_ =	shalt  }
0x67: {  	_ =	shalt  }
0x68: {  	_ =	shalt  }
0x69: {  	_ =	shalt  }
0x6a: {  	_ =	shalt  }
0x6b: {  	_ =	shalt  }
0x6c: {  	_ =	shalt  }
0x6d: {  	_ =	shalt  }
0x6e: {  	_ =	shalt  }
0x6f: {  	_ =	shalt  }
0x70: {  	_ =	shalt  }
0x71: {  	_ =	shalt  }
0x72: {  	_ =	shalt  }
0x73: {  	_ =	shalt  }
0x74: {  	_ =	shalt  }
0x75: {  	_ =	shalt  }
0x76: {  	_ =	shalt  }
0x77: {  	_ =	shalt  }
0x78: {  	_ =	shalt  }
0x79: {  	_ =	shalt  }
0x7a: {  	_ =	shalt  }
0x7b: {  	_ =	shalt  }
0x7c: {  	_ =	shalt  }
0x7d: {  	_ =	shalt  }
0x7e: {  	_ =	shalt  }
0x7f: {  	_ =	shalt  }
0x80: {  	_ =	shalt  }
0x81: {  	_ =	shalt  }
0x82: {  	_ =	shalt  }
0x83: {  	_ =	shalt  }
0x84: {  	_ =	shalt  }
0x85: {  	_ =	shalt  }
0x86: {  	_ =	shalt  }
0x87: {  	_ =	shalt  }
.Lfunc_end0:
.L_simem_size_0:
called_computation.1_lowered:
.L_overlay_start_0:
0x88: {  	s2 =	sld [smem:$0x3FD9]  }
0x89: {  	s3 =	sld [smem:$0x3FFE];
	_ =	sdelay $0x1  }
0x8a: {  	s1 =	srdreg.scid  }
0x8b: {  	s0 =	sand.u32 $0x1, s1  }
0x8c: {  	s14 =	sshll.u32 s0, $0xA;
	s2 =	sadd.s32 s3, s2  }
0x8d: {  	s2 =	sadd.s32 s2, s14  }
0x8e: {  	[smem:$0x3FBD] =	sst s2  }
0x8f: {  	_ = 	snop  }
0x90: {  	s2 =	sld [smem:$0x3FD0];
	_ =	sdelay $0x2  }
0x91: {  	s15 =	simm.s32 $0xA;
	s4 =	simm.s32 $0x10  }
0x92: {  	[smem:s4], [sflag:s15] =	dma.local [hbm:s2], $0x1  }
0x93: {  	_ =	swait.eq [sflag:s15], $0x1  }
0x94: {  	[sflag:s15] =	ssyncset.done $0x0  }
0x95: {  	[sflag:s15] =	ssyncadd.s32 $0xFFFFFFFF  }
0x96: {  	s16 =	sld [smem:$0x11];
	(tm) =	ssettm $0x1  }
0x97: {  	s17 =	sld [smem:$0x3FFB];
	_ =	sdelay $0x3  }
0x98: {  	_ =	strace s17  }
0x99: {  	s3 =	sld [smem:$0x3FFC];
	_ =	sdelay $0x3  }
0x9a: {  	_ =	strace s3  }
0x9b: {  	s3 =	sld [smem:$0x3FFD];
	_ =	sdelay $0x3  }
0x9c: {  	_ =	strace s3  }
0x9d: {  	_ =	strace $0x8FFFFFFF  }
0x9e: {  	s18 =	sld [smem:$0x3FDB];
	_ =	sdelay $0x1  }
0x9f: {  	s19 =	simm.s32 $_scs_section_size  }
0xa0: {  	s5 =	simm.s32 $_size__tile_overlayer_lowered;
	s6 =	simm.s32 $_tile_overlayer_lowered  }
0xa1: {  	s22 =	simm.s32 $0x1BFF;
	s21 =	sshll.u32 s6, $0x1;
	s3 =	sadd.s32 s19, s18  }
0xa2: {  	s7 =	simm.s32 $0x0;
	s20 =	sshll.u32 s5, $0x1;
	s5 =	sadd.s32 s21, s3  }
0xa3: {  	[timem:s7], [sflag:s22] =	dma.local [hbm:s5], s20  }
0xa4: {  	_ =	swait.ge [sflag:s22], s20  }
0xa5: {  	s4 =	ssub.s32 $0x0, s20;
	[sflag:s22] =	ssyncset.done $0x0  }
0xa6: {  	[sflag:s22] =	ssyncadd.s32 s4;
	_ =	sdelay $0x1  }
0xa7: {  	s23 =	simm.s32 $0x1B8B  }
0xa8: {  	_ =	swait.ge [sflag:s23], $0x1  }
0xa9: {  	[sflag:s23] =	ssyncset.done $0x0  }
0xaa: {  	s25 =	simm.s32 $0x1B8E;
	s24 =	sld [smem:$0x3FFE];
	[sflag:s23] =	ssyncadd.s32 $0xFFFFFFFF  }
0xab: {  	s26 =	simm.s32 $execute0_lowered;
	[smem:$0x3FD2] =	sst s25  }
0xac: {  	s5 =	sshll.u32 s26, $0x1;
	_ =	strace $0x80000049;
	[dreg:$0x1] =	wrdreg $0xFFFFFFFF  }
0xad: {  	s28 =	simm.s32 $_size_execute0_lowered;
	s3 =	sadd.s32 s3, s5;
	[dreg:$0x0] =	wrdreg $0x0  }
0xae: {  	s5 =	sshll.u32 s28, $0x1;
	[dreg:$0x2] =	wrdreg s3  }
0xaf: {  	[dreg:$0x3] =	wrdreg s5  }
0xb0: {  	[dreg:$0x4] =	wrdreg $0xC0  }
0xb1: {  	_ =	task [dreg:s7], $0x5FFFF  }
0xb2: {  	[dreg:$0x1] =	wrdreg $0xFFFFFFFF  }
0xb3: {  	[dreg:$0x0] =	wrdreg $0x60  }
0xb4: {  	[dreg:$0x2] =	wrdreg s24  }
0xb5: {  	[dreg:$0x3] =	wrdreg s16  }
0xb6: {  	[dreg:$0x4] =	wrdreg $0x86D00  }
0xb7: {  	[dreg:$0x5] =	wrdreg $0x1BF500  }
0xb8: {  	[dreg:$0x6] =	wrdreg $0x9  }
0xb9: {  	_ =	task.clear_ibuf [dreg:s7], $0x7FFFF;
	_ =	strace $0x90000049  }
0xba: {  	s29 =	simm.s32 $0x9;
	_ =	strace $0x8000004B  }
0xbb: {  	_ =	swait.ge [sflag:s29], $0x1  }
0xbc: {  	[sflag:s29] =	ssyncadd.s32 $0xFFFFFFFF  }
0xbd: {  	_ =	strace $0x9000004B  }
0xbe: {  	_ =	sfence  }
0xbf: {  	s30 =	sld [smem:$0x0];
	_ =	sdelay $0x2  }
0xc0: {  	s31 =	sshll.u32 s1, $0xD;
	s1 =	sshrl.u32 s1, $0x2  }
0xc1: {  	s3 =	sand.u32 $0x4000, s31;
	s1 =	sadd.s32 s1, s30  }
0xc2: {  	s0 =	sor.u32 s3, s0;
	s1 =	sshll.u32 s1, $0x11  }
0xc3: {  	s0 =	sor.u32 s1, s0  }
0xc4: {  	s0 =	sadd.s32 $0x8F2B, s0  }
0xc5: {  	[sflag:s0] =	ssyncadd.remote.s32 $0x1  }
0xc6: {  	_ =	sfence.sel $0xFFFF  }
0xc7: {  	[dreg:$0x0] =	wrdreg $0xFFFFFFFF;
	(pc) =	sbr.abs _section_cstart, $3  }
0xc8: {  	[dreg:$0x1] =	wrdreg $0xFFFFFFFF  }
0xc9: {  	_ =	task.clear_ibuf [dreg:s7], $0x2FFFF;
	_ =	strace $0x9FFFFFFF  }
0xca: {  	(tm) =	ssettm $0x7FFFFFFF  }
0xcb: {  	_ =	shalt  }
tec
execute0_lowered:
.L_overlay_start_1:
0x0: {  	(tag) =	ssettag $0x1  }
0x1: {  	s0 =	rddreg [dreg:$0x0];
	s22 =	stileid.u32  }
0x2: {  	s3 =	rddreg [dreg:$0x1];
	s8 =	smul.u32 $0x271, s22  }
0x3: {  	s4 =	srdreg.scid;
	s11 =	smul.u32 $0x2710, s22  }
0x4: {  	s1 =	rddreg [dreg:$0x2];
	s5 =	sand.u32 $0x1, s4;
	s21 =	smul.u32 $0x50, s22  }
0x5: {  	s2 =	rddreg [dreg:$0x3];
	s4 =	simm.s32 $0x0;
	s6 =	smul.u32 $0x4E20, s5  }
0x6: {  	s7 =	sshll.u32 s22, $0x1;
	s9 =	sadd.s32 $0x27EC00, s0;
	s25 =	smul.u32 $0x27100, s5  }
0x7: {  	s10 =	sadd.s32 $0x3C00, s0;
	s14 =	sadd.s32 $0x8C00, s0;
	s18 =	smul.u32 $0x1388, s5  }
0x8: {  	s7 =	sor.u32 s5, s7;
	s12 =	ssub.s32 $0x2, s5;
	s5 =	smul.u32 $0x28, s5  }
0x9: {  	[smem:$0x7FF] =	sst s4;
	s13 =	smul.u32 $0x13880, s7;
	s15 =	sshrl.u32 s12, $0x1  }
0xa: {  	s7 =	smul.u32 $0x280, s7;
	s16 =	sadd.s32 $0x7D, s8;
	s17 =	sadd.s32 $0xFA, s8  }
0xb: {  	s19 =	sadd.s32 $0x177, s8;
	s20 =	sadd.s32 $0x1F4, s8;
	s6 =	sadd.s32 s6, s0  }
0xc: {  	s12 =	ssub.s32 s12, s15;
	s8 =	sadd.s32 s3, s25;
	s15 =	sshrl.u32 s11, $0x3  }
0xd: {  	s23 =	sadd.s32 s18, s11;
	s5 =	sadd.s32 s5, s21;
	s24 =	sshll.u32 s16, $0x1  }
0xe: {  	s25 =	sshll.u32 s17, $0x1;
	s18 =	sshll.u32 s19, $0x1;
	s26 =	sadd.s32 s9, s13  }
0xf: {  	s13 =	sadd.s32 s10, s7;
	s7 =	sadd.s32 s14, s7;
	[dreg:$0x5] =	wrdreg s26  }
0x10: {  	s3 =	sadd.s32 $0xE800, s6;
	s5 =	sshll.u32 s5, $0x4;
	[dreg:$0x6] =	wrdreg s13  }
0x11: {  	[dreg:$0x7] =	wrdreg s7;
	s7 =	sshll.u32 s23, $0x4;
	s26 =	sor.u32 $0x20, s5  }
0x12: {  	s21 =	sadd.s32 s5, s10;
	s6 =	sadd.s32 s15, s3;
	s23 =	sadd.s32 s24, s3  }
0x13: {  	s24 =	sadd.s32 s25, s3;
	s25 =	sshll.u32 s20, $0x1;
	[dreg:$0x8] =	wrdreg s6  }
0x14: {  	s7 =	sadd.s32 s9, s7;
	s9 =	sadd.s32 s26, s10;
	[dreg:$0x9] =	wrdreg s23  }
0x15: {  	s10 =	sadd.s32 s26, s14;
	[dreg:$0xa] =	wrdreg s24;
	s26 =	sadd.s32 s18, s3  }
0x16: {  	s30 =	simm.s32 $0x100;
	s3 =	sadd.s32 s25, s3;
	[dreg:$0xb] =	wrdreg s26  }
0x17: {  	s5 =	sadd.s32 s5, s14;
	s14 =	sadd.s32 $0xDC00, s0;
	[dreg:$0xc] =	wrdreg s3  }
0x18: {  	s15 =	sadd.s32 $0xE400, s0;
	_ =	strace $0x8000004A;
	[dreg:$0xd] =	wrdreg s14  }
0x19: {  	s0 =	sadd.s32 $0xE600, s0;
	s23 =	sshll.u32 s17, $0x7;
	[dreg:$0xe] =	wrdreg s15  }
0x1a: {  	s26 =	sadd.s32 s23, s1;
	s23 =	smax.u32 s12, $0x1;
	[dreg:$0xf] =	wrdreg s0  }
0x1b: {  	s28 =	simm.s32 $0x3;
	s11 =	sadd.s32 s11, s2;
	[dreg:$0x18] =	wrdreg s23  }
0x1c: {  	s13 =	sshll.u32 s17, $0x4;
	s6 =	sshll.u32 s16, $0x4;
	[smem:$0x7FC] =	sst s8  }
0x1d: {  	s18 =	sshll.u32 s16, $0x7;
	s25 =	smul.u32 $0x13880, s22;
	[dreg:$0x10] =	wrdreg s6  }
0x1e: {  	s24 =	sadd.s32 s18, s1;
	s18 =	sshll.u32 s20, $0x4;
	[dreg:$0x12] =	wrdreg s13  }
0x1f: {  	s17 =	sshll.u32 s20, $0x7;
	s31 =	sadd.s32 $0x10, s21;
	[dreg:$0x16] =	wrdreg s18  }
0x20: {  	s16 =	simm.s32 $0x7F00;
	s29 =	sadd.s32 s17, s1;
	[dreg:$0x11] =	wrdreg s26  }
0x21: {  	s12 =	sadd.s32 s13, s2;
	s14 =	sshll.u32 s19, $0x7;
	[dreg:$0x15] =	wrdreg s29  }
0x22: {  	s15 =	sshll.u32 s19, $0x4;
	s19 =	sadd.s32 s25, s1;
	[dreg:$0x17] =	wrdreg s24  }
0x23: {  	s20 =	sshrl.u32 s25, $0x3;
	s25 =	sadd.s32 $0x7D0, s7;
	[dreg:$0x1d] =	wrdreg s12  }
0x24: {  	s21 =	simm.s32 $0x180;
	s7 =	sadd.s32 $0xFA0, s7;
	[dreg:$0x19] =	wrdreg s25  }
0x25: {  	s17 =	simm.s32 $0x80;
	s0 =	sadd.s32 $0x10, s5;
	[dreg:$0x1a] =	wrdreg s7  }
0x26: {  	s23 =	simm.s32 $0x1;
	s3 =	sadd.s32 s20, s8;
	[dreg:$0x14] =	wrdreg s15  }
0x27: {  	s22 =	sadd.s32 s14, s1;
	s5 =	smov.u32 s19;
	[dreg:$0x1b] =	wrdreg s3  }
0x28: {  	s7 =	sadd.s32 s6, s2;
	s13 =	sadd.s32 s15, s2;
	[dreg:$0x13] =	wrdreg s22  }
0x29: {  	s8 =	sadd.s32 s18, s2;
	s14 =	simm.s32 $0x200;
	[dreg:$0x1c] =	wrdreg s7  }
0x2a: {  	s15 =	simm.s32 $0x5;
	s18 =	simm.s32 $0x4080;
	[dreg:$0x1e] =	wrdreg s13  }
0x2b: {  	s6 =	simm.s32 $0x7D;
	s25 =	simm.s32 $0x2;
	[dreg:$0x1f] =	wrdreg s5  }
0x2c: {  	s19 =	simm.s32 $0x4;
	s20 =	simm.s32 $0x0;
	[smem:$0x7FD] =	sst s8  }
.LBB2_1:
0x2d: {  	s3 =	rddreg [dreg:$0xd]  }
0x2e: {  	[tilespmem:s14], [sflag:$0x5] =	stream.linear.gather [hbm4b:s3+s4], $0x3E80, $0x38;
	[tilespmem:$0x1E660] =	vst v63  }
0x2f: {  	_ =	swait.ge [sflag:s15], $0x3E80  }
0x30: {  	[sflag:s15] =	ssyncset.done $0x0  }
0x31: {  	s3 =	rddreg [dreg:$0xe];
	[sflag:s15] =	ssyncadd.s32 $0xFFFFC180  }
0x32: {  	[tilespmem:s16], [sflag:$0x5] =	stream.linear.gather [hbm4b:s3+s4], $0x7D0, $0x38;
	[tilespmem:$0x1E660] =	vst v63  }
0x33: {  	_ =	swait.ge [sflag:s15], $0x7D0  }
0x34: {  	[sflag:s15] =	ssyncset.done $0x0  }
0x35: {  	[sflag:s15] =	ssyncadd.s32 $0xFFFFF830  }
0x36: {  	[spmem:s5] =	stream.linear.scatter [tilespmem:s14], [sflag:$0x5], $0x3E80, $0x38;
	[tilespmem:$0x1E660] =	vst v63  }
0x37: {  	_ =	swait.ge [sflag:s15], $0x3E80  }
0x38: {  	[sflag:s15] =	ssyncset.done $0x0  }
0x39: {  	[sflag:s15] =	ssyncadd.s32 $0xFFFFC180  }
0x3a: {  	[spmem:s11] =	stream.linear.scatter [tilespmem:s16], [sflag:$0x5], $0x7D0, $0x38;
	[tilespmem:$0x1E660] =	vst v63  }
0x3b: {  	_ =	swait.ge [sflag:s15], $0x7D0  }
0x3c: {  	[sflag:s15] =	ssyncset.done $0x0  }
0x3d: {  	[sflag:s15] =	ssyncadd.s32 $0xFFFFF830  }
0x3e: {  	[spmem:s24] =	stream.linear.scatter [tilespmem:s14], [sflag:$0x5], $0x3E80, $0x38;
	[tilespmem:$0x1E660] =	vst v63  }
0x3f: {  	_ =	swait.ge [sflag:s15], $0x3E80  }
0x40: {  	[sflag:s15] =	ssyncset.done $0x0  }
0x41: {  	[sflag:s15] =	ssyncadd.s32 $0xFFFFC180  }
0x42: {  	[spmem:s7] =	stream.linear.scatter [tilespmem:s16], [sflag:$0x5], $0x7D0, $0x38;
	[tilespmem:$0x1E660] =	vst v63  }
0x43: {  	_ =	swait.ge [sflag:s15], $0x7D0  }
0x44: {  	[sflag:s15] =	ssyncset.done $0x0  }
0x45: {  	[sflag:s15] =	ssyncadd.s32 $0xFFFFF830  }
0x46: {  	[spmem:s26] =	stream.linear.scatter [tilespmem:s14], [sflag:$0x5], $0x3E80, $0x38;
	[tilespmem:$0x1E660] =	vst v63  }
0x47: {  	_ =	swait.ge [sflag:s15], $0x3E80  }
0x48: {  	[sflag:s15] =	ssyncset.done $0x0  }
0x49: {  	s5 =	smov.u32 s12;
	[sflag:s15] =	ssyncadd.s32 $0xFFFFC180  }
0x4a: {  	[spmem:s5] =	stream.linear.scatter [tilespmem:s16], [sflag:$0x5], $0x7D0, $0x38;
	[tilespmem:$0x1E660] =	vst v63  }
0x4b: {  	_ =	swait.ge [sflag:s15], $0x7D0  }
0x4c: {  	[sflag:s15] =	ssyncset.done $0x0  }
0x4d: {  	[sflag:s15] =	ssyncadd.s32 $0xFFFFF830  }
0x4e: {  	[spmem:s22] =	stream.linear.scatter [tilespmem:s14], [sflag:$0x5], $0x3E80, $0x38;
	[tilespmem:$0x1E660] =	vst v63  }
0x4f: {  	_ =	swait.ge [sflag:s15], $0x3E80  }
0x50: {  	[sflag:s15] =	ssyncset.done $0x0  }
0x51: {  	[sflag:s15] =	ssyncadd.s32 $0xFFFFC180  }
0x52: {  	[spmem:s13] =	stream.linear.scatter [tilespmem:s16], [sflag:$0x5], $0x7D0, $0x38;
	[tilespmem:$0x1E660] =	vst v63  }
0x53: {  	_ =	swait.ge [sflag:s15], $0x7D0  }
0x54: {  	[sflag:s15] =	ssyncset.done $0x0  }
0x55: {  	[sflag:s15] =	ssyncadd.s32 $0xFFFFF830  }
0x56: {  	[spmem:s29] =	stream.linear.scatter [tilespmem:s14], [sflag:$0x5], $0x3E80, $0x38;
	[tilespmem:$0x1E660] =	vst v63  }
0x57: {  	_ =	swait.ge [sflag:s15], $0x3E80  }
0x58: {  	[sflag:s15] =	ssyncset.done $0x0  }
0x59: {  	[sflag:s15] =	ssyncadd.s32 $0xFFFFC180  }
0x5a: {  	[spmem:s8] =	stream.linear.scatter [tilespmem:s16], [sflag:$0x5], $0x7D0, $0x38;
	[tilespmem:$0x1E660] =	vst v63  }
0x5b: {  	_ =	swait.ge [sflag:s15], $0x7D0  }
0x5c: {  	[sflag:s15] =	ssyncset.done $0x0  }
0x5d: {  	[sflag:s15] =	ssyncadd.s32 $0xFFFFF830  }
0x5e: {  	[bflag:$0x0] =	sbarrier.arrive $0xFFFF  }
0x5f: {  	s5 =	rddreg [dreg:$0xf]  }
0x60: {  	[tilespmem:s16], [sflag:$0x5] =	stream.linear.gather [hbm4b:s5+s4], $0x7D0, $0x38;
	[tilespmem:$0x1E660] =	vst v63  }
0x61: {  	_ =	swait.ge [sflag:s15], $0x7D0  }
0x62: {  	[sflag:s15] =	ssyncset.done $0x0  }
0x63: {  	p0 =	por $0x1, $0x1;
	s7 =	rddreg [dreg:$0x5];
	[sflag:s15] =	ssyncadd.s32 $0xFFFFF830  }
0x64: {  	[tilespmem:s14], [sflag:$0x1] =	stream.linear.gather [hbm4b:s7+s4], $0x3E80, $0x38;
	[tilespmem:$0x1E660] =	vst v63  }
0x65: {  	p0 =	por p0, p0;
	s8 =	rddreg [dreg:$0x6]  }
0x66: {  	[tilespmem:s4], [sflag:$0x1] =	stream.linear.gather [hbm4b:s8+s4], $0x80, $0x38;
	[tilespmem:$0x1E660] =	vst v63  }
0x67: {  	s3 =	simm.s32 @!p0 $0x4;
	s12 =	smov.u32 s11;
	s11 =	rddreg [dreg:$0x7]  }
0x68: {  	[tilespmem:s17], [sflag:$0x1] =	stream.linear.gather [hbm4b:s11+s4], $0x80, $0x38;
	[tilespmem:$0x1E660] =	vst v63  }
0x69: {  	_ =	swait.ge @!p0 [sflag:s3], $0x3E80  }
0x6a: {  	[sflag:s3] =	ssyncset.done @!p0 $0x0  }
0x6b: {  	[sflag:s3] =	ssyncadd.s32 @!p0 $0xFFFFC180  }
0x6c: {  	_ =	swait.ge @!p0 [sflag:s3], $0x3E80  }
0x6d: {  	[sflag:s3] =	ssyncset.done @!p0 $0x0  }
0x6e: {  	[sflag:s3] =	ssyncadd.s32 @!p0 $0xFFFFC180  }
0x6f: {  	_ =	swait.ge @!p0 [sflag:s3], $0x7D0  }
0x70: {  	[sflag:s3] =	ssyncset.done @!p0 $0x0  }
0x71: {  	[sflag:s3] =	ssyncadd.s32 @!p0 $0xFFFFF830  }
0x72: {  	_ =	swait.ge @!p0 [sflag:s3], $0x7D0  }
0x73: {  	[sflag:s3] =	ssyncset.done @!p0 $0x0  }
0x74: {  	s13 =	rddreg [dreg:$0x19];
	[sflag:s3] =	ssyncadd.s32 @!p0 $0xFFFFF830  }
0x75: {  	[tilespmem:s18], [sflag:$0x2] =	stream.linear.gather [hbm4b:s13+s4], $0x3E80, $0x38;
	[tilespmem:$0x1E660] =	vst v63  }
0x76: {  	s24 =	sadd.s32 $0x0, s31  }
0x77: {  	[tilespmem:s30], [sflag:$0x2] =	stream.linear.gather [hbm4b:s24+s4], $0x80, $0x38;
	[tilespmem:$0x1E660] =	vst v63  }
0x78: {  	s26 =	sadd.s32 $0x0, s0  }
0x79: {  	[tilespmem:s21], [sflag:$0x2] =	stream.linear.gather [hbm4b:s26+s4], $0x80, $0x38;
	[tilespmem:$0x1E660] =	vst v63  }
0x7a: {  	_ =	swait.ge [sflag:s23], $0x3E80  }
0x7b: {  	[sflag:s23] =	ssyncset.done $0x0  }
0x7c: {  	[sflag:s23] =	ssyncadd.s32 $0xFFFFC180  }
0x7d: {  	_ =	swait.ge [sflag:s23], $0x80  }
0x7e: {  	[sflag:s23] =	ssyncset.done $0x0  }
0x7f: {  	[sflag:s23] =	ssyncadd.s32 $0xFFFFFF80  }
0x80: {  	_ =	swait.ge [sflag:s23], $0x80  }
0x81: {  	[sflag:s23] =	ssyncset.done $0x0  }
0x82: {  	[sflag:s23] =	ssyncadd.s32 $0xFFFFFF80  }
0x83: {  	[spmem:s1] =	stream.indirect.scatter.add.f32 [tilespmem:s14], [sflag:$0x3], $0x80, s4, s6, $0xb8;
	[tilespmem:$0x1E660] =	vst v63  }
0x84: {  	_ = 	snop  }
0x85: {  	[spmem:s1] =	stream.indirect.scatter.add.f32 [tilespmem:s14], [sflag:$0x3], $0x80, s17, s6, $0xb8;
	[tilespmem:$0x1E660] =	vst v63  }
0x86: {  	_ = 	snop  }
0x87: {  	[spmem:s2] =	stream.indirect.scatter.add.f32 [tilespmem:s16], [sflag:$0x3], $0x10, s4, s6, $0xb8;
	[tilespmem:$0x1E660] =	vst v63  }
0x88: {  	_ = 	snop  }
0x89: {  	[spmem:s2] =	stream.indirect.scatter.add.f32 [tilespmem:s16], [sflag:$0x3], $0x10, s17, s6, $0xb8;
	[tilespmem:$0x1E660] =	vst v63  }
0x8a: {  	_ =	swait.ge [sflag:s25], $0x3E80  }
0x8b: {  	[sflag:s25] =	ssyncset.done $0x0  }
0x8c: {  	[sflag:s25] =	ssyncadd.s32 $0xFFFFC180  }
0x8d: {  	_ =	swait.ge [sflag:s25], $0x80  }
0x8e: {  	[sflag:s25] =	ssyncset.done $0x0  }
0x8f: {  	[sflag:s25] =	ssyncadd.s32 $0xFFFFFF80  }
0x90: {  	_ =	swait.ge [sflag:s25], $0x80  }
0x91: {  	[sflag:s25] =	ssyncset.done $0x0  }
0x92: {  	[sflag:s25] =	ssyncadd.s32 $0xFFFFFF80  }
0x93: {  	_ =	swait.ge [sflag:s28], $0x3E80  }
0x94: {  	[sflag:s28] =	ssyncset.done $0x0  }
0x95: {  	[sflag:s28] =	ssyncadd.s32 $0xFFFFC180  }
0x96: {  	_ =	swait.ge [sflag:s28], $0x3E80  }
0x97: {  	[sflag:s28] =	ssyncset.done $0x0  }
0x98: {  	[sflag:s28] =	ssyncadd.s32 $0xFFFFC180  }
0x99: {  	_ =	swait.ge [sflag:s28], $0x7D0  }
0x9a: {  	[sflag:s28] =	ssyncset.done $0x0  }
0x9b: {  	[sflag:s28] =	ssyncadd.s32 $0xFFFFF830  }
0x9c: {  	p0 =	por $0x0, $0x0;
	_ =	swait.ge [sflag:s28], $0x7D0  }
0x9d: {  	s3 =	simm.s32 @!p0 $0x0;
	[sflag:s28] =	ssyncset.done $0x0  }
0x9e: {  	s22 =	simm.s32 @!p0 $0x200;
	s7 =	rddreg [dreg:$0x1a];
	[sflag:s28] =	ssyncadd.s32 $0xFFFFF830  }
0x9f: {  	[tilespmem:s22], [sflag:$0x1] =	stream.linear.gather @!p0 [hbm4b:s7+s3], $0x3E80, $0x38;
	[tilespmem:$0x1E660] =	vst v63  }
0xa0: {  	s22 =	sadd.s32 @!p0 $0x0, s9  }
0xa1: {  	[tilespmem:s3], [sflag:$0x1] =	stream.linear.gather @!p0 [hbm4b:s22+s3], $0x80, $0x38;
	[tilespmem:$0x1E660] =	vst v63  }
0xa2: {  	s24 =	simm.s32 @!p0 $0x80;
	s22 =	sadd.s32 @!p0 $0x0, s10  }
0xa3: {  	[tilespmem:s24], [sflag:$0x1] =	stream.linear.gather @!p0 [hbm4b:s22+s3], $0x80, $0x38;
	[tilespmem:$0x1E660] =	vst v63  }
0xa4: {  	_ = 	snop  }
0xa5: {  	[spmem:s1] =	stream.indirect.scatter.add.f32 [tilespmem:s18], [sflag:$0x4], $0x80, s30, s6, $0xb8;
	[tilespmem:$0x1E660] =	vst v63  }
0xa6: {  	p6 =	por $0x0, $0x0;
	s29 =	simm.s32 $0x40;
	s26 =	sadd.s32 $0xFA0, s13  }
0xa7: {  	[spmem:s1] =	stream.indirect.scatter.add.f32 [tilespmem:s18], [sflag:$0x4], $0x80, s21, s6, $0xb8;
	[tilespmem:$0x1E660] =	vst v63  }
0xa8: {  	s22 =	simm.s32 $0x20;
	p0 =	por p6, p6;
	s24 =	sadd.s32 $0xFA0, s7  }
0xa9: {  	[spmem:s2] =	stream.indirect.scatter.add.f32 [tilespmem:s16], [sflag:$0x4], $0x10, s30, s6, $0xb8;
	[tilespmem:$0x1E660] =	vst v63  }
.LBB2_2:
0xaa: {  	[spmem:s2] =	stream.indirect.scatter.add.f32 [tilespmem:s16], [sflag:$0x4], $0x10, s21, s6, $0xb8;
	[tilespmem:$0x1E660] =	vst v63  }
0xab: {  	s3 =	smov.u32 s29  }
0xac: {  	s29 =	sadd.s32 $0x20, s29;
	s5 =	simm.s32 @!p0 $0x4;
	p2 =	seq.s32 s3, $0x0  }
0xad: {  	p1 =	sne.s32 s29, $0x280;
	_ =	swait.ge @!p0 [sflag:s5], $0x3E80  }
0xae: {  	[sflag:s5] =	ssyncset.done @!p0 $0x0  }
0xaf: {  	[sflag:s5] =	ssyncadd.s32 @!p0 $0xFFFFC180  }
0xb0: {  	_ =	swait.ge @!p0 [sflag:s5], $0x3E80  }
0xb1: {  	[sflag:s5] =	ssyncset.done @!p0 $0x0  }
0xb2: {  	[sflag:s5] =	ssyncadd.s32 @!p0 $0xFFFFC180  }
0xb3: {  	_ =	swait.ge @!p0 [sflag:s5], $0x7D0  }
0xb4: {  	[sflag:s5] =	ssyncset.done @!p0 $0x0  }
0xb5: {  	[sflag:s5] =	ssyncadd.s32 @!p0 $0xFFFFF830  }
0xb6: {  	_ =	swait.ge @!p0 [sflag:s5], $0x7D0  }
0xb7: {  	[sflag:s5] =	ssyncset.done @!p0 $0x0  }
0xb8: {  	[sflag:s5] =	ssyncadd.s32 @!p0 $0xFFFFF830;
	p0 =	por p2, p2  }
0xb9: {  	[tilespmem:s18], [sflag:$0x2] =	stream.linear.gather [hbm4b:s26+s4], $0x3E80, $0x38;
	[tilespmem:$0x1E660] =	vst v63  }
0xba: {  	s5 =	sadd.s32 s22, s31  }
0xbb: {  	[tilespmem:s30], [sflag:$0x2] =	stream.linear.gather [hbm4b:s5+s4], $0x80, $0x38;
	[tilespmem:$0x1E660] =	vst v63  }
0xbc: {  	s5 =	sadd.s32 s22, s0  }
0xbd: {  	[tilespmem:s21], [sflag:$0x2] =	stream.linear.gather [hbm4b:s5+s4], $0x80, $0x38;
	[tilespmem:$0x1E660] =	vst v63  }
0xbe: {  	_ =	swait.ge [sflag:s23], $0x3E80  }
0xbf: {  	[sflag:s23] =	ssyncset.done $0x0  }
0xc0: {  	[sflag:s23] =	ssyncadd.s32 $0xFFFFC180  }
0xc1: {  	_ =	swait.ge [sflag:s23], $0x80  }
0xc2: {  	[sflag:s23] =	ssyncset.done $0x0  }
0xc3: {  	[sflag:s23] =	ssyncadd.s32 $0xFFFFFF80  }
0xc4: {  	_ =	swait.ge [sflag:s23], $0x80  }
0xc5: {  	[sflag:s23] =	ssyncset.done $0x0  }
0xc6: {  	[sflag:s23] =	ssyncadd.s32 $0xFFFFFF80  }
0xc7: {  	[spmem:s1] =	stream.indirect.scatter.add.f32 [tilespmem:s14], [sflag:$0x3], $0x80, s4, s6, $0xb8;
	[tilespmem:$0x1E660] =	vst v63  }
0xc8: {  	_ = 	snop  }
0xc9: {  	[spmem:s1] =	stream.indirect.scatter.add.f32 [tilespmem:s14], [sflag:$0x3], $0x80, s17, s6, $0xb8;
	[tilespmem:$0x1E660] =	vst v63  }
0xca: {  	_ = 	snop  }
0xcb: {  	[spmem:s2] =	stream.indirect.scatter.add.f32 [tilespmem:s16], [sflag:$0x3], $0x10, s4, s6, $0xb8;
	[tilespmem:$0x1E660] =	vst v63  }
0xcc: {  	_ = 	snop  }
0xcd: {  	[spmem:s2] =	stream.indirect.scatter.add.f32 [tilespmem:s16], [sflag:$0x3], $0x10, s17, s6, $0xb8;
	[tilespmem:$0x1E660] =	vst v63  }
0xce: {  	_ =	swait.ge [sflag:s25], $0x3E80  }
0xcf: {  	[sflag:s25] =	ssyncset.done $0x0  }
0xd0: {  	[sflag:s25] =	ssyncadd.s32 $0xFFFFC180  }
0xd1: {  	_ =	swait.ge [sflag:s25], $0x80  }
0xd2: {  	[sflag:s25] =	ssyncset.done $0x0  }
0xd3: {  	[sflag:s25] =	ssyncadd.s32 $0xFFFFFF80  }
0xd4: {  	_ =	swait.ge [sflag:s25], $0x80  }
0xd5: {  	[sflag:s25] =	ssyncset.done $0x0  }
0xd6: {  	[sflag:s25] =	ssyncadd.s32 $0xFFFFFF80  }
0xd7: {  	_ =	swait.ge [sflag:s28], $0x3E80  }
0xd8: {  	[sflag:s28] =	ssyncset.done $0x0  }
0xd9: {  	[sflag:s28] =	ssyncadd.s32 $0xFFFFC180  }
0xda: {  	_ =	swait.ge [sflag:s28], $0x3E80  }
0xdb: {  	[sflag:s28] =	ssyncset.done $0x0  }
0xdc: {  	[sflag:s28] =	ssyncadd.s32 $0xFFFFC180  }
0xdd: {  	_ =	swait.ge [sflag:s28], $0x7D0  }
0xde: {  	[sflag:s28] =	ssyncset.done $0x0  }
0xdf: {  	[sflag:s28] =	ssyncadd.s32 $0xFFFFF830  }
0xe0: {  	_ =	swait.ge [sflag:s28], $0x7D0  }
0xe1: {  	p2 =	seq.s32 s22, $0x260;
	[sflag:s28] =	ssyncset.done $0x0  }
0xe2: {  	s7 =	simm.s32 @!p2 $0x200;
	s5 =	simm.s32 @!p2 $0x0;
	[sflag:s28] =	ssyncadd.s32 $0xFFFFF830  }
0xe3: {  	[tilespmem:s7], [sflag:$0x1] =	stream.linear.gather @!p2 [hbm4b:s24+s5], $0x3E80, $0x38;
	[tilespmem:$0x1E660] =	vst v63  }
0xe4: {  	s7 =	sadd.s32 @!p2 s22, s9  }
0xe5: {  	[tilespmem:s5], [sflag:$0x1] =	stream.linear.gather @!p2 [hbm4b:s7+s5], $0x80, $0x38;
	[tilespmem:$0x1E660] =	vst v63  }
0xe6: {  	s11 =	simm.s32 @!p2 $0x80;
	s7 =	sadd.s32 @!p2 s22, s10;
	s22 =	smov.u32 s3  }
0xe7: {  	[tilespmem:s11], [sflag:$0x1] =	stream.linear.gather @!p2 [hbm4b:s7+s5], $0x80, $0x38;
	[tilespmem:$0x1E660] =	vst v63  }
0xe8: {  	_ = 	snop  }
0xe9: {  	[spmem:s1] =	stream.indirect.scatter.add.f32 [tilespmem:s18], [sflag:$0x4], $0x80, s30, s6, $0xb8;
	[tilespmem:$0x1E660] =	vst v63  }
.Ltmp0:
0xea: {  	(pc) =	sbr.rel @p1 .LBB2_2-.Ltmp0, $4  }
0xeb: {  	[spmem:s1] =	stream.indirect.scatter.add.f32 [tilespmem:s18], [sflag:$0x4], $0x80, s21, s6, $0xb8;
	[tilespmem:$0x1E660] =	vst v63  }
0xec: {  	_ = 	snop  }
0xed: {  	[spmem:s2] =	stream.indirect.scatter.add.f32 [tilespmem:s16], [sflag:$0x4], $0x10, s30, s6, $0xb8;
	[tilespmem:$0x1E660] =	vst v63  }
0xee: {  	s26 =	sadd.s32 $0xFA0, s26;
	s24 =	sadd.s32 $0xFA0, s24  }
0xef: {  	[spmem:s2] =	stream.indirect.scatter.add.f32 [tilespmem:s16], [sflag:$0x4], $0x10, s21, s6, $0xb8;
	[tilespmem:$0x1E660] =	vst v63  }
0xf0: {  	s3 =	simm.s32 @!p0 $0x4  }
0xf1: {  	_ =	swait.ge @!p0 [sflag:s3], $0x3E80  }
0xf2: {  	[sflag:s3] =	ssyncset.done @!p0 $0x0  }
0xf3: {  	[sflag:s3] =	ssyncadd.s32 @!p0 $0xFFFFC180  }
0xf4: {  	_ =	swait.ge @!p0 [sflag:s3], $0x3E80  }
0xf5: {  	[sflag:s3] =	ssyncset.done @!p0 $0x0  }
0xf6: {  	[sflag:s3] =	ssyncadd.s32 @!p0 $0xFFFFC180  }
0xf7: {  	_ =	swait.ge @!p0 [sflag:s3], $0x7D0  }
0xf8: {  	[sflag:s3] =	ssyncset.done @!p0 $0x0  }
0xf9: {  	[sflag:s3] =	ssyncadd.s32 @!p0 $0xFFFFF830  }
0xfa: {  	_ =	swait.ge @!p0 [sflag:s3], $0x7D0  }
0xfb: {  	[sflag:s3] =	ssyncset.done @!p0 $0x0  }
0xfc: {  	[sflag:s3] =	ssyncadd.s32 @!p0 $0xFFFFF830  }
0xfd: {  	[tilespmem:s18], [sflag:$0x2] =	stream.linear.gather [hbm4b:s26+s4], $0x3E80, $0x38;
	[tilespmem:$0x1E660] =	vst v63  }
0xfe: {  	s11 =	sadd.s32 s22, s31  }
0xff: {  	[tilespmem:s30], [sflag:$0x2] =	stream.linear.gather [hbm4b:s11+s4], $0x80, $0x38;
	[tilespmem:$0x1E660] =	vst v63  }
0x100: {  	s13 =	sadd.s32 s22, s0  }
0x101: {  	[tilespmem:s21], [sflag:$0x2] =	stream.linear.gather [hbm4b:s13+s4], $0x80, $0x38;
	[tilespmem:$0x1E660] =	vst v63  }
0x102: {  	_ =	swait.ge [sflag:s23], $0x3E80  }
0x103: {  	[sflag:s23] =	ssyncset.done $0x0  }
0x104: {  	[sflag:s23] =	ssyncadd.s32 $0xFFFFC180  }
0x105: {  	_ =	swait.ge [sflag:s23], $0x80  }
0x106: {  	[sflag:s23] =	ssyncset.done $0x0  }
0x107: {  	[sflag:s23] =	ssyncadd.s32 $0xFFFFFF80  }
0x108: {  	_ =	swait.ge [sflag:s23], $0x80  }
0x109: {  	[sflag:s23] =	ssyncset.done $0x0  }
0x10a: {  	[sflag:s23] =	ssyncadd.s32 $0xFFFFFF80  }
0x10b: {  	[spmem:s1] =	stream.indirect.scatter.add.f32 [tilespmem:s14], [sflag:$0x3], $0x80, s4, s6, $0xb8;
	[tilespmem:$0x1E660] =	vst v63  }
0x10c: {  	_ = 	snop  }
0x10d: {  	[spmem:s1] =	stream.indirect.scatter.add.f32 [tilespmem:s14], [sflag:$0x3], $0x80, s17, s6, $0xb8;
	[tilespmem:$0x1E660] =	vst v63  }
0x10e: {  	_ = 	snop  }
0x10f: {  	[spmem:s2] =	stream.indirect.scatter.add.f32 [tilespmem:s16], [sflag:$0x3], $0x10, s4, s6, $0xb8;
	[tilespmem:$0x1E660] =	vst v63  }
0x110: {  	_ = 	snop  }
0x111: {  	[spmem:s2] =	stream.indirect.scatter.add.f32 [tilespmem:s16], [sflag:$0x3], $0x10, s17, s6, $0xb8;
	[tilespmem:$0x1E660] =	vst v63  }
0x112: {  	_ =	swait.ge [sflag:s25], $0x3E80  }
0x113: {  	[sflag:s25] =	ssyncset.done $0x0  }
0x114: {  	[sflag:s25] =	ssyncadd.s32 $0xFFFFC180  }
0x115: {  	_ =	swait.ge [sflag:s25], $0x80  }
0x116: {  	[sflag:s25] =	ssyncset.done $0x0  }
0x117: {  	[sflag:s25] =	ssyncadd.s32 $0xFFFFFF80  }
0x118: {  	_ =	swait.ge [sflag:s25], $0x80  }
0x119: {  	[sflag:s25] =	ssyncset.done $0x0  }
0x11a: {  	[sflag:s25] =	ssyncadd.s32 $0xFFFFFF80  }
0x11b: {  	_ =	swait.ge [sflag:s28], $0x3E80  }
0x11c: {  	[sflag:s28] =	ssyncset.done $0x0  }
0x11d: {  	[sflag:s28] =	ssyncadd.s32 $0xFFFFC180  }
0x11e: {  	_ =	swait.ge [sflag:s28], $0x3E80  }
0x11f: {  	[sflag:s28] =	ssyncset.done $0x0  }
0x120: {  	[sflag:s28] =	ssyncadd.s32 $0xFFFFC180  }
0x121: {  	_ =	swait.ge [sflag:s28], $0x7D0  }
0x122: {  	[sflag:s28] =	ssyncset.done $0x0  }
0x123: {  	[sflag:s28] =	ssyncadd.s32 $0xFFFFF830  }
0x124: {  	_ =	swait.ge [sflag:s28], $0x7D0  }
0x125: {  	p0 =	seq.s32 s22, $0x260;
	[sflag:s28] =	ssyncset.done $0x0  }
0x126: {  	s3 =	simm.s32 @!p0 $0x0;
	s5 =	simm.s32 @!p0 $0x200;
	[sflag:s28] =	ssyncadd.s32 $0xFFFFF830  }
0x127: {  	[tilespmem:s5], [sflag:$0x1] =	stream.linear.gather @!p0 [hbm4b:s24+s3], $0x3E80, $0x38;
	[tilespmem:$0x1E660] =	vst v63  }
0x128: {  	s5 =	sadd.s32 @!p0 s22, s9  }
0x129: {  	[tilespmem:s3], [sflag:$0x1] =	stream.linear.gather @!p0 [hbm4b:s5+s3], $0x80, $0x38;
	[tilespmem:$0x1E660] =	vst v63  }
0x12a: {  	s7 =	simm.s32 @!p0 $0x80;
	s5 =	sadd.s32 @!p0 s22, s10  }
0x12b: {  	[tilespmem:s7], [sflag:$0x1] =	stream.linear.gather @!p0 [hbm4b:s5+s3], $0x80, $0x38;
	[tilespmem:$0x1E660] =	vst v63  }
0x12c: {  	_ = 	snop  }
0x12d: {  	[spmem:s1] =	stream.indirect.scatter.add.f32 [tilespmem:s18], [sflag:$0x4], $0x80, s30, s6, $0xb8;
	[tilespmem:$0x1E660] =	vst v63  }
0x12e: {  	_ = 	snop  }
0x12f: {  	[spmem:s1] =	stream.indirect.scatter.add.f32 [tilespmem:s18], [sflag:$0x4], $0x80, s21, s6, $0xb8;
	[tilespmem:$0x1E660] =	vst v63  }
0x130: {  	_ = 	snop  }
0x131: {  	[spmem:s2] =	stream.indirect.scatter.add.f32 [tilespmem:s16], [sflag:$0x4], $0x10, s30, s6, $0xb8;
	[tilespmem:$0x1E660] =	vst v63  }
0x132: {  	_ = 	snop  }
0x133: {  	[spmem:s2] =	stream.indirect.scatter.add.f32 [tilespmem:s16], [sflag:$0x4], $0x10, s21, s6, $0xb8;
	[tilespmem:$0x1E660] =	vst v63  }
0x134: {  	_ =	swait.ge [sflag:s19], $0x3E80  }
0x135: {  	[sflag:s19] =	ssyncset.done $0x0  }
0x136: {  	[sflag:s19] =	ssyncadd.s32 $0xFFFFC180  }
0x137: {  	_ =	swait.ge [sflag:s19], $0x3E80  }
0x138: {  	[sflag:s19] =	ssyncset.done $0x0  }
0x139: {  	[sflag:s19] =	ssyncadd.s32 $0xFFFFC180  }
0x13a: {  	_ =	swait.ge [sflag:s19], $0x7D0  }
0x13b: {  	[sflag:s19] =	ssyncset.done $0x0  }
0x13c: {  	[sflag:s19] =	ssyncadd.s32 $0xFFFFF830  }
0x13d: {  	_ =	swait.ge [sflag:s19], $0x7D0  }
0x13e: {  	[sflag:s19] =	ssyncset.done $0x0  }
0x13f: {  	[sflag:s19] =	ssyncadd.s32 $0xFFFFF830  }
0x140: {  	[bflag:$0x0] =	sbarrier.arrive $0xFFFF  }
0x141: {  	s5 =	rddreg [dreg:$0x1f]  }
0x142: {  	[tilespmem:s14], [sflag:$0x5] =	stream.linear.gather [spmem:s5], $0x3E80, $0x38;
	[tilespmem:$0x1E660] =	vst v63  }
0x143: {  	_ =	swait.ge [sflag:s15], $0x3E80  }
0x144: {  	[sflag:s15] =	ssyncset.done $0x0  }
0x145: {  	s24 =	rddreg [dreg:$0x1b];
	[sflag:s15] =	ssyncadd.s32 $0xFFFFC180  }
0x146: {  	[hbm4b:s24+s4] =	stream.linear.scatter [tilespmem:s14], [sflag:$0x5], $0x3E80, $0x38;
	[tilespmem:$0x1E660] =	vst v63  }
0x147: {  	_ =	swait.ge [sflag:s15], $0x3E80  }
0x148: {  	[sflag:s15] =	ssyncset.done $0x0  }
0x149: {  	[sflag:s15] =	ssyncadd.s32 $0xFFFFC180  }
0x14a: {  	[tilespmem:s16], [sflag:$0x5] =	stream.linear.gather [spmem:s12], $0x7D0, $0x38;
	[tilespmem:$0x1E660] =	vst v63  }
0x14b: {  	_ =	swait.ge [sflag:s15], $0x7D0  }
0x14c: {  	[sflag:s15] =	ssyncset.done $0x0  }
0x14d: {  	s26 =	rddreg [dreg:$0x8];
	[sflag:s15] =	ssyncadd.s32 $0xFFFFF830  }
0x14e: {  	[hbm4b:s26+s4] =	stream.linear.scatter [tilespmem:s16], [sflag:$0x5], $0x7D0, $0x38;
	[tilespmem:$0x1E660] =	vst v63  }
0x14f: {  	_ =	swait.ge [sflag:s15], $0x7D0  }
0x150: {  	[sflag:s15] =	ssyncset.done $0x0  }
0x151: {  	s24 =	rddreg [dreg:$0x17];
	[sflag:s15] =	ssyncadd.s32 $0xFFFFF830  }
0x152: {  	[tilespmem:s14], [sflag:$0x5] =	stream.linear.gather [spmem:s24], $0x3E80, $0x38;
	[tilespmem:$0x1E660] =	vst v63  }
0x153: {  	_ =	swait.ge [sflag:s15], $0x3E80  }
0x154: {  	s8 =	sld [smem:$0x7FC];
	_ =	sdelay $0x1  }
0x155: {  	[sflag:s15] =	ssyncset.done $0x0;
	s7 =	rddreg [dreg:$0x10]  }
0x156: {  	[sflag:s15] =	ssyncadd.s32 $0xFFFFC180;
	s3 =	sadd.s32 s7, s8  }
0x157: {  	[hbm4b:s3+s4] =	stream.linear.scatter [tilespmem:s14], [sflag:$0x5], $0x3E80, $0x38;
	[tilespmem:$0x1E660] =	vst v63  }
0x158: {  	_ =	swait.ge [sflag:s15], $0x3E80  }
0x159: {  	[sflag:s15] =	ssyncset.done $0x0  }
0x15a: {  	s7 =	rddreg [dreg:$0x1c];
	[sflag:s15] =	ssyncadd.s32 $0xFFFFC180  }
0x15b: {  	[tilespmem:s16], [sflag:$0x5] =	stream.linear.gather [spmem:s7], $0x7D0, $0x38;
	[tilespmem:$0x1E660] =	vst v63  }
0x15c: {  	_ =	swait.ge [sflag:s15], $0x7D0  }
0x15d: {  	[sflag:s15] =	ssyncset.done $0x0  }
0x15e: {  	s11 =	smov.u32 s12;
	s12 =	rddreg [dreg:$0x9];
	[sflag:s15] =	ssyncadd.s32 $0xFFFFF830  }
0x15f: {  	[hbm4b:s12+s4] =	stream.linear.scatter [tilespmem:s16], [sflag:$0x5], $0x7D0, $0x38;
	[tilespmem:$0x1E660] =	vst v63  }
0x160: {  	_ =	swait.ge [sflag:s15], $0x7D0  }
0x161: {  	[sflag:s15] =	ssyncset.done $0x0  }
0x162: {  	s26 =	rddreg [dreg:$0x11];
	[sflag:s15] =	ssyncadd.s32 $0xFFFFF830  }
0x163: {  	[tilespmem:s14], [sflag:$0x5] =	stream.linear.gather [spmem:s26], $0x3E80, $0x38;
	[tilespmem:$0x1E660] =	vst v63  }
0x164: {  	_ =	swait.ge [sflag:s15], $0x3E80  }
0x165: {  	[sflag:s15] =	ssyncset.done $0x0;
	s13 =	rddreg [dreg:$0x12]  }
0x166: {  	[sflag:s15] =	ssyncadd.s32 $0xFFFFC180;
	s3 =	sadd.s32 s13, s8  }
0x167: {  	[hbm4b:s3+s4] =	stream.linear.scatter [tilespmem:s14], [sflag:$0x5], $0x3E80, $0x38;
	[tilespmem:$0x1E660] =	vst v63  }
0x168: {  	_ =	swait.ge [sflag:s15], $0x3E80  }
0x169: {  	[sflag:s15] =	ssyncset.done $0x0  }
0x16a: {  	s12 =	rddreg [dreg:$0x1d];
	[sflag:s15] =	ssyncadd.s32 $0xFFFFC180  }
0x16b: {  	[tilespmem:s16], [sflag:$0x5] =	stream.linear.gather [spmem:s12], $0x7D0, $0x38;
	[tilespmem:$0x1E660] =	vst v63  }
0x16c: {  	_ =	swait.ge [sflag:s15], $0x7D0  }
0x16d: {  	[sflag:s15] =	ssyncset.done $0x0  }
0x16e: {  	s22 =	rddreg [dreg:$0xa];
	[sflag:s15] =	ssyncadd.s32 $0xFFFFF830  }
0x16f: {  	[hbm4b:s22+s4] =	stream.linear.scatter [tilespmem:s16], [sflag:$0x5], $0x7D0, $0x38;
	[tilespmem:$0x1E660] =	vst v63  }
0x170: {  	_ =	swait.ge [sflag:s15], $0x7D0  }
0x171: {  	[sflag:s15] =	ssyncset.done $0x0  }
0x172: {  	s22 =	rddreg [dreg:$0x13];
	[sflag:s15] =	ssyncadd.s32 $0xFFFFF830  }
0x173: {  	[tilespmem:s14], [sflag:$0x5] =	stream.linear.gather [spmem:s22], $0x3E80, $0x38;
	[tilespmem:$0x1E660] =	vst v63  }
0x174: {  	_ =	swait.ge [sflag:s15], $0x3E80  }
0x175: {  	[sflag:s15] =	ssyncset.done $0x0;
	s13 =	rddreg [dreg:$0x14]  }
0x176: {  	[sflag:s15] =	ssyncadd.s32 $0xFFFFC180;
	s3 =	sadd.s32 s13, s8  }
0x177: {  	[hbm4b:s3+s4] =	stream.linear.scatter [tilespmem:s14], [sflag:$0x5], $0x3E80, $0x38;
	[tilespmem:$0x1E660] =	vst v63  }
0x178: {  	_ =	swait.ge [sflag:s15], $0x3E80  }
0x179: {  	[sflag:s15] =	ssyncset.done $0x0  }
0x17a: {  	s13 =	rddreg [dreg:$0x1e];
	[sflag:s15] =	ssyncadd.s32 $0xFFFFC180  }
0x17b: {  	[tilespmem:s16], [sflag:$0x5] =	stream.linear.gather [spmem:s13], $0x7D0, $0x38;
	[tilespmem:$0x1E660] =	vst v63  }
0x17c: {  	_ =	swait.ge [sflag:s15], $0x7D0  }
0x17d: {  	[sflag:s15] =	ssyncset.done $0x0  }
0x17e: {  	s3 =	rddreg [dreg:$0xb];
	[sflag:s15] =	ssyncadd.s32 $0xFFFFF830  }
0x17f: {  	[hbm4b:s3+s4] =	stream.linear.scatter [tilespmem:s16], [sflag:$0x5], $0x7D0, $0x38;
	[tilespmem:$0x1E660] =	vst v63  }
0x180: {  	_ =	swait.ge [sflag:s15], $0x7D0  }
0x181: {  	[sflag:s15] =	ssyncset.done $0x0  }
0x182: {  	s29 =	rddreg [dreg:$0x15];
	[sflag:s15] =	ssyncadd.s32 $0xFFFFF830  }
0x183: {  	[tilespmem:s14], [sflag:$0x5] =	stream.linear.gather [spmem:s29], $0x3E80, $0x38;
	[tilespmem:$0x1E660] =	vst v63  }
0x184: {  	_ =	swait.ge [sflag:s15], $0x3E80  }
0x185: {  	[sflag:s15] =	ssyncset.done $0x0;
	s3 =	rddreg [dreg:$0x16]  }
0x186: {  	[sflag:s15] =	ssyncadd.s32 $0xFFFFC180;
	s3 =	sadd.s32 s3, s8  }
0x187: {  	[hbm4b:s3+s4] =	stream.linear.scatter [tilespmem:s14], [sflag:$0x5], $0x3E80, $0x38;
	[tilespmem:$0x1E660] =	vst v63  }
0x188: {  	_ =	swait.ge [sflag:s15], $0x3E80  }
0x189: {  	s8 =	sld [smem:$0x7FD]  }
0x18a: {  	[sflag:s15] =	ssyncset.done $0x0  }
0x18b: {  	[sflag:s15] =	ssyncadd.s32 $0xFFFFC180  }
0x18c: {  	[tilespmem:s16], [sflag:$0x5] =	stream.linear.gather [spmem:s8], $0x7D0, $0x38;
	[tilespmem:$0x1E660] =	vst v63  }
0x18d: {  	_ =	swait.ge [sflag:s15], $0x7D0  }
0x18e: {  	[sflag:s15] =	ssyncset.done $0x0  }
0x18f: {  	s3 =	rddreg [dreg:$0xc];
	[sflag:s15] =	ssyncadd.s32 $0xFFFFF830  }
0x190: {  	[hbm4b:s3+s4] =	stream.linear.scatter [tilespmem:s16], [sflag:$0x5], $0x7D0, $0x38;
	[tilespmem:$0x1E660] =	vst v63  }
0x191: {  	_ =	swait.ge [sflag:s15], $0x7D0  }
0x192: {  	s20 =	sadd.s32 $0x1, s20;
	s3 =	rddreg [dreg:$0x18]  }
0x193: {  	p0 =	sne.s32 s20, s3  }
.Ltmp1:
0x194: {  	_ = 	snop;
	(pc) =	sbr.rel @p0 .LBB2_1-.Ltmp1, $3  }
0x195: {  	_ =	sdelay $0x1  }
0x196: {  	[sflag:s15] =	ssyncset.done $0x0  }
0x197: {  	[sflag:s15] =	ssyncadd.s32 $0xFFFFF830  }
0x198: {  	_ =	sfence.sel $0x180000  }
0x199: {  	[bflag:$0x0] =	sbarrier.arrive $0xFFFF  }
0x19a: {  	_ =	strace $0x9000004A  }
0x19b: {  	s0 =	stileid.u32;
	[bflag:$0x2] =	sbarrier.arrive $0xFFFF  }
0x19c: {  	p0 =	sne.s32 s0, $0x0;
	s0 =	rddreg [dreg:$0x4]  }
0x19d: {  	s0 =	sadd.s32 @!p0 $0x100000, s0  }
0x19e: {  	[sflag:s0] =	ssyncadd.tile.s32 @!p0 $0x1;
	_ =	shalt  }
.Lfunc_end2:
_tile_overlayer_lowered:
.L_overlay_start_2:
0x19f: {  	(tag) =	ssettag $0x2  }
0x1a0: {  	s0 =	rddreg [dreg:$0x0];
	s2 =	stileid.u32  }
0x1a1: {  	s1 =	rddreg [dreg:$0x1];
	p0 =	sne.s32 s2, $0x0  }
0x1a2: {  	s3 =	rddreg [dreg:$0x2];
	[bflag:$0x3] =	sbarrier.arrive $0xFFFF;
	s2 =	simm.s32 @!p0 $0x1C05  }
0x1a3: {  	[timem:s3], [sflag:s2] =	dma.local @!p0 [hbm:s0], s1  }
0x1a4: {  	s0 =	simm.s32 @!p0 $0x5  }
0x1a5: {  	_ =	swait.ge @!p0 [sflag:s0], s1  }
0x1a6: {  	s1 =	ssub.s32 @!p0 $0x0, s1;
	[sflag:s0] =	ssyncset.done @!p0 $0x0  }
0x1a7: {  	[sflag:s0] =	ssyncadd.s32 @!p0 s1  }
0x1a8: {  	[bflag:$0x3] =	sbarrier.arrive $0xFFFF  }
0x1a9: {  	_ =	shalt  }

// kernel: kernel.17.cloned.1.call-start
scs
__scs_entry_jumppad:
0x0: {  	(pc) =	sbr.rel $0x88, $3  }
0x1: {  	(tag) =	ssettag $0x0;
	lr =	simm.s32 $0x1  }
0x2: {  	[smem:$0x3F96] =	sst lr;
	_ =	strace $0xD0000000  }
0x3: {  	_ = 	snop  }
0x4: {  	_ = 	snop  }
0x5: {  	_ = 	snop  }
0x6: {  	_ = 	snop  }
0x7: {  	_ = 	snop  }
__scs_overlays_trampoline_lowered:
0x8: {  	[smem:$0x3FA5] =	sst s0  }
0x9: {  	[smem:$0x3FA6] =	sst s1  }
0xa: {  	[smem:$0x3FA7] =	sst s2  }
0xb: {  	[smem:$0x3FA8] =	sst s3  }
0xc: {  	[smem:$0x3FA9] =	sst s4  }
0xd: {  	[smem:$0x3FAA] =	sst s5  }
0xe: {  	[smem:$0x3FAB] =	sst s6  }
0xf: {  	[smem:$0x3FAC] =	sst s7  }
0x10: {  	[smem:$0x3FAD] =	sst s8  }
0x11: {  	[smem:$0x3FAE] =	sst s9;
	s0 =	simm.s32 @!p0 $0x0  }
0x12: {  	s1 =	sld [smem:$0x3F94];
	s0 =	simm.s32 @p0 $0x1  }
0x13: {  	[smem:$0x3FAF] =	sst s0;
	s0 =	simm.s32 @!p1 $0x0  }
0x14: {  	s2 =	sld [smem:$0x3F93];
	s0 =	simm.s32 @p1 $0x1  }
0x15: {  	[smem:$0x3FB0] =	sst s0;
	s0 =	simm.s32 @!p2 $0x0  }
0x16: {  	s3 =	sld [smem:$0x3FDB];
	s0 =	simm.s32 @p2 $0x1  }
0x17: {  	s4 =	simm.s32 $0x1BF5;
	[smem:$0x3FB2] =	sst s0  }
0x18: {  	s0 =	sld [smem:$0x3F95];
	_ =	swait.ge [sflag:s4], $0x0  }
0x19: {  	s7 =	sld [smem:$0x3F96]  }
0x1a: {  	s8 =	sadd.s32 $0xFFFFE003, lr  }
0x1b: {  	s9 =	sadd.s32 $0xFFFFFEF7, lr;
	s5 =	simm.s32 $0xFFFFFFFF;
	p2 =	slt.u32 s8, $0xFFFFF086  }
0x1c: {  	p1 =	slt.u32 s9, $0xF7A;
	s5 =	simm.s32 @!p2 $0x0  }
0x1d: {  	s5 =	simm.s32 @p1 $0x1;
	p0 =	seq.s32 s7, s2  }
0x1e: {  	s7 =	smul.u32 @!p0 $0xF7A, s2;
	p2 =	seq.s32 @!p0 s5, $0x0  }
0x1f: {  	s9 =	smul.u32 $0xF7A, s1;
	s8 =	simm.s32 @!p0 $0x1BF5;
	p2 =	por !p2, p0  }
0x20: {  	[sflag:s8] =	ssyncset.s32 @!p0 $0xFFFFF086;
	s6 =	sadd.s32 @!p0 s3, s7;
	s7 =	simm.s32 @!p0 $0x108  }
0x21: {  	s3 =	sadd.s32 s3, s9;
	s6 =	sadd.s32 @!p0 $0x88, s6;
	s7 =	simm.s32 @p2 $0x1082  }
0x22: {  	[simem:s7], [sflag:s8] =	dma.local @!p0 [hbm:s6], $0xF7A  }
0x23: {  	s9 =	sor.u32 $0xD0000000, s2;
	s6 =	simm.s32 $0x108;
	_ =	swait.ge @!p0 [sflag:s8], $0x0  }
0x24: {  	s3 =	sadd.s32 $0x88, s3;
	s6 =	simm.s32 @!p1 $0x1082;
	[sflag:s4] =	ssyncset.s32 $0xFFFFF086  }
0x25: {  	[simem:s6], [sflag:s4] =	dma.local [hbm:s3], $0xF7A  }
0x26: {  	[smem:$0x3F96] =	sst s1;
	(tag) =	ssettag s2;
	_ =	strace s9  }
0x27: {  	s1 =	sld [smem:$0x3FA6]  }
0x28: {  	s2 =	sld [smem:$0x3FA7]  }
0x29: {  	s4 =	sld [smem:$0x3FA9]  }
0x2a: {  	p0 =	seq.s32 s5, $0x0;
	s5 =	sld [smem:$0x3FAA]  }
0x2b: {  	s6 =	sld [smem:$0x3FAB]  }
0x2c: {  	s7 =	sld [smem:$0x3FAC]  }
0x2d: {  	s3 =	simm.s32 $0x108;
	s8 =	sld [smem:$0x3FAD]  }
0x2e: {  	s3 =	simm.s32 @!p0 $0x1082;
	s9 =	sld [smem:$0x3FAE]  }
0x2f: {  	lr =	sadd.s32 s0, s3;
	s0 =	sld [smem:$0x3FA5]  }
0x30: {  	s3 =	sld [smem:$0x3FA8]  }
0x31: {  	[smem:$0x3FB1] =	sst s10  }
0x32: {  	s10 =	sld [smem:$0x3FAF];
	_ =	sdelay $0x3  }
0x33: {  	p0 =	seq.s32 s10, $0x1;
	s10 =	sld [smem:$0x3FB1];
	_ =	sdelay $0x3  }
0x34: {  	[smem:$0x3FB1] =	sst s10  }
0x35: {  	s10 =	sld [smem:$0x3FB0];
	_ =	sdelay $0x3  }
0x36: {  	p1 =	seq.s32 s10, $0x1;
	s10 =	sld [smem:$0x3FB1];
	_ =	sdelay $0x3  }
0x37: {  	[smem:$0x3FB1] =	sst s10  }
0x38: {  	s10 =	sld [smem:$0x3FB2]  }
0x39: {  	_ = 	snop;
	(pc) =	sbr.ind lr, $3  }
0x3a: {  	_ = 	snop  }
0x3b: {  	_ = 	snop  }
0x3c: {  	p2 =	seq.s32 s10, $0x1;
	s10 =	sld [smem:$0x3FB1]  }
0x3d: {  	_ =	shalt  }
0x3e: {  	_ =	shalt  }
0x3f: {  	_ =	shalt  }
0x40: {  	_ =	shalt  }
0x41: {  	_ =	shalt  }
0x42: {  	_ =	shalt  }
0x43: {  	_ =	shalt  }
0x44: {  	_ =	shalt  }
0x45: {  	_ =	shalt  }
0x46: {  	_ =	shalt  }
0x47: {  	_ =	shalt  }
0x48: {  	_ =	shalt  }
0x49: {  	_ =	shalt  }
0x4a: {  	_ =	shalt  }
0x4b: {  	_ =	shalt  }
0x4c: {  	_ =	shalt  }
0x4d: {  	_ =	shalt  }
0x4e: {  	_ =	shalt  }
0x4f: {  	_ =	shalt  }
0x50: {  	_ =	shalt  }
0x51: {  	_ =	shalt  }
0x52: {  	_ =	shalt  }
0x53: {  	_ =	shalt  }
0x54: {  	_ =	shalt  }
0x55: {  	_ =	shalt  }
0x56: {  	_ =	shalt  }
0x57: {  	_ =	shalt  }
0x58: {  	_ =	shalt  }
0x59: {  	_ =	shalt  }
0x5a: {  	_ =	shalt  }
0x5b: {  	_ =	shalt  }
0x5c: {  	_ =	shalt  }
0x5d: {  	_ =	shalt  }
0x5e: {  	_ =	shalt  }
0x5f: {  	_ =	shalt  }
0x60: {  	_ =	shalt  }
0x61: {  	_ =	shalt  }
0x62: {  	_ =	shalt  }
0x63: {  	_ =	shalt  }
0x64: {  	_ =	shalt  }
0x65: {  	_ =	shalt  }
0x66: {  	_ =	shalt  }
0x67: {  	_ =	shalt  }
0x68: {  	_ =	shalt  }
0x69: {  	_ =	shalt  }
0x6a: {  	_ =	shalt  }
0x6b: {  	_ =	shalt  }
0x6c: {  	_ =	shalt  }
0x6d: {  	_ =	shalt  }
0x6e: {  	_ =	shalt  }
0x6f: {  	_ =	shalt  }
0x70: {  	_ =	shalt  }
0x71: {  	_ =	shalt  }
0x72: {  	_ =	shalt  }
0x73: {  	_ =	shalt  }
0x74: {  	_ =	shalt  }
0x75: {  	_ =	shalt  }
0x76: {  	_ =	shalt  }
0x77: {  	_ =	shalt  }
0x78: {  	_ =	shalt  }
0x79: {  	_ =	shalt  }
0x7a: {  	_ =	shalt  }
0x7b: {  	_ =	shalt  }
0x7c: {  	_ =	shalt  }
0x7d: {  	_ =	shalt  }
0x7e: {  	_ =	shalt  }
0x7f: {  	_ =	shalt  }
0x80: {  	_ =	shalt  }
0x81: {  	_ =	shalt  }
0x82: {  	_ =	shalt  }
0x83: {  	_ =	shalt  }
0x84: {  	_ =	shalt  }
0x85: {  	_ =	shalt  }
0x86: {  	_ =	shalt  }
0x87: {  	_ =	shalt  }
.Lfunc_end0:
.L_simem_size_0:
called_computation.2_lowered:
.L_overlay_start_0:
0x88: {  	s2 =	sld [smem:$0x3FD9]  }
0x89: {  	s3 =	sld [smem:$0x3FFE];
	_ =	sdelay $0x1  }
0x8a: {  	s1 =	srdreg.scid  }
0x8b: {  	s0 =	sand.u32 $0x1, s1  }
0x8c: {  	s14 =	sshll.u32 s0, $0xA;
	s2 =	sadd.s32 s3, s2  }
0x8d: {  	s2 =	sadd.s32 s2, s14  }
0x8e: {  	[smem:$0x3FBD] =	sst s2  }
0x8f: {  	_ = 	snop  }
0x90: {  	s2 =	sld [smem:$0x3FD0];
	_ =	sdelay $0x2  }
0x91: {  	s15 =	simm.s32 $0xA;
	s4 =	simm.s32 $0x10  }
0x92: {  	[smem:s4], [sflag:s15] =	dma.local [hbm:s2], $0x1  }
0x93: {  	_ =	swait.eq [sflag:s15], $0x1  }
0x94: {  	[sflag:s15] =	ssyncset.done $0x0  }
0x95: {  	[sflag:s15] =	ssyncadd.s32 $0xFFFFFFFF  }
0x96: {  	s16 =	sld [smem:$0x11];
	(tm) =	ssettm $0x1  }
0x97: {  	s17 =	sld [smem:$0x3FFB];
	_ =	sdelay $0x3  }
0x98: {  	_ =	strace s17  }
0x99: {  	s3 =	sld [smem:$0x3FFC];
	_ =	sdelay $0x3  }
0x9a: {  	_ =	strace s3  }
0x9b: {  	s3 =	sld [smem:$0x3FFD];
	_ =	sdelay $0x3  }
0x9c: {  	_ =	strace s3  }
0x9d: {  	_ =	strace $0x8FFFFFFF  }
0x9e: {  	s18 =	sld [smem:$0x3FDB];
	_ =	sdelay $0x1  }
0x9f: {  	s19 =	simm.s32 $_scs_section_size  }
0xa0: {  	s5 =	simm.s32 $_size__tile_overlayer_lowered;
	s6 =	simm.s32 $_tile_overlayer_lowered  }
0xa1: {  	s22 =	simm.s32 $0x1BFF;
	s21 =	sshll.u32 s6, $0x1;
	s3 =	sadd.s32 s19, s18  }
0xa2: {  	s7 =	simm.s32 $0x0;
	s20 =	sshll.u32 s5, $0x1;
	s5 =	sadd.s32 s21, s3  }
0xa3: {  	[timem:s7], [sflag:s22] =	dma.local [hbm:s5], s20  }
0xa4: {  	_ =	swait.ge [sflag:s22], s20  }
0xa5: {  	s4 =	ssub.s32 $0x0, s20;
	[sflag:s22] =	ssyncset.done $0x0  }
0xa6: {  	[sflag:s22] =	ssyncadd.s32 s4;
	_ =	sdelay $0x1  }
0xa7: {  	s23 =	simm.s32 $0x1B8B  }
0xa8: {  	_ =	swait.ge [sflag:s23], $0x1  }
0xa9: {  	[sflag:s23] =	ssyncset.done $0x0  }
0xaa: {  	s25 =	simm.s32 $0x1B8E;
	s24 =	sld [smem:$0x3FFE];
	[sflag:s23] =	ssyncadd.s32 $0xFFFFFFFF  }
0xab: {  	s26 =	simm.s32 $execute0_lowered;
	[smem:$0x3FD2] =	sst s25  }
0xac: {  	s5 =	sshll.u32 s26, $0x1;
	_ =	strace $0x8000004C;
	[dreg:$0x1] =	wrdreg $0xFFFFFFFF  }
0xad: {  	s28 =	simm.s32 $_size_execute0_lowered;
	s3 =	sadd.s32 s3, s5;
	[dreg:$0x0] =	wrdreg $0x0  }
0xae: {  	s5 =	sshll.u32 s28, $0x1;
	[dreg:$0x2] =	wrdreg s3  }
0xaf: {  	[dreg:$0x3] =	wrdreg s5  }
0xb0: {  	[dreg:$0x4] =	wrdreg $0xC0  }
0xb1: {  	_ =	task [dreg:s7], $0x5FFFF  }
0xb2: {  	[dreg:$0x1] =	wrdreg $0xFFFFFFFF  }
0xb3: {  	[dreg:$0x0] =	wrdreg $0x60  }
0xb4: {  	[dreg:$0x2] =	wrdreg s16  }
0xb5: {  	[dreg:$0x3] =	wrdreg s24  }
0xb6: {  	[dreg:$0x4] =	wrdreg $0x9  }
0xb7: {  	_ =	task.clear_ibuf [dreg:s7], $0x5FFFF;
	_ =	strace $0x9000004C  }
0xb8: {  	s29 =	simm.s32 $0x9;
	_ =	strace $0x8000004E  }
0xb9: {  	_ =	swait.ge [sflag:s29], $0x1  }
0xba: {  	[sflag:s29] =	ssyncadd.s32 $0xFFFFFFFF  }
0xbb: {  	_ =	strace $0x9000004E  }
0xbc: {  	_ =	sfence  }
0xbd: {  	s30 =	sld [smem:$0x0];
	_ =	sdelay $0x2  }
0xbe: {  	s31 =	sshll.u32 s1, $0xD;
	s1 =	sshrl.u32 s1, $0x2  }
0xbf: {  	s3 =	sand.u32 $0x4000, s31;
	s1 =	sadd.s32 s1, s30  }
0xc0: {  	s0 =	sor.u32 s3, s0;
	s1 =	sshll.u32 s1, $0x11  }
0xc1: {  	s0 =	sor.u32 s1, s0  }
0xc2: {  	s0 =	sadd.s32 $0x8F2B, s0  }
0xc3: {  	[sflag:s0] =	ssyncadd.remote.s32 $0x1  }
0xc4: {  	_ =	sfence.sel $0xFFFF  }
0xc5: {  	[dreg:$0x0] =	wrdreg $0xFFFFFFFF;
	(pc) =	sbr.abs _section_cstart, $3  }
0xc6: {  	[dreg:$0x1] =	wrdreg $0xFFFFFFFF  }
0xc7: {  	_ =	task.clear_ibuf [dreg:s7], $0x2FFFF;
	_ =	strace $0x9FFFFFFF  }
0xc8: {  	(tm) =	ssettm $0x7FFFFFFF  }
0xc9: {  	_ =	shalt  }
tec
execute0_lowered:
.L_overlay_start_1:
0x0: {  	(tag) =	ssettag $0x1  }
0x1: {  	s2 =	rddreg [dreg:$0x0];
	s0 =	srdreg.scid  }
0x2: {  	s8 =	stileid.u32;
	s1 =	rddreg [dreg:$0x1]  }
0x3: {  	s3 =	simm.s32 $0x0;
	s13 =	simm.s32 $0x7;
	s14 =	simm.s32 $0x1400  }
0x4: {  	s15 =	simm.s32 $0x7D;
	s16 =	simm.s32 $0x2800;
	s17 =	simm.s32 $0x6680  }
0x5: {  	s19 =	simm.s32 $0xE380;
	s21 =	simm.s32 $0x12200;
	s22 =	simm.s32 $0x1  }
0x6: {  	s28 =	simm.s32 $0x3;
	s29 =	simm.s32 $0x4;
	s9 =	smul.u32 $0x2710, s8  }
0x7: {  	s30 =	simm.s32 $0x16080;
	s0 =	sand.u32 $0x1, s0;
	s25 =	smul.u32 $0x27100, s8  }
0x8: {  	s31 =	simm.s32 $0x5;
	s4 =	sshll.u32 s8, $0x1;
	s10 =	smul.u32 $0x1388, s0  }
0x9: {  	s4 =	sor.u32 s0, s4;
	s6 =	ssub.s32 $0x2, s0;
	s0 =	smul.u32 $0x13880, s0  }
0xa: {  	s20 =	simm.s32 $0x0;
	[smem:$0x7FF] =	sst s3;
	s5 =	smul.u32 $0x280, s4  }
0xb: {  	_ =	strace $0x8000004D;
	s7 =	sshrl.u32 s6, $0x1;
	s4 =	smul.u32 $0x13880, s4  }
0xc: {  	s6 =	ssub.s32 s6, s7;
	s10 =	sadd.s32 s10, s9;
	s5 =	sadd.s32 s5, s1  }
0xd: {  	s1 =	sadd.s32 $0x66800, s1;
	s24 =	smax.u32 s6, $0x1;
	s11 =	sshll.u32 s10, $0x4  }
0xe: {  	s23 =	sadd.s32 $0x3C00, s5;
	s5 =	sadd.s32 $0x8C00, s5;
	[dreg:$0x5] =	wrdreg s24  }
0xf: {  	s7 =	sadd.s32 s1, s4;
	s4 =	sadd.s32 s25, s1;
	[dreg:$0x3] =	wrdreg s23  }
0x10: {  	s1 =	sadd.s32 s1, s11;
	s24 =	simm.s32 $0xA500;
	[dreg:$0x4] =	wrdreg s5  }
0x11: {  	s26 =	sadd.s32 $0x7D0, s7;
	s9 =	sadd.s32 $0x128E0, s7;
	s10 =	sadd.s32 $0x130B0, s7  }
0x12: {  	s0 =	sadd.s32 s0, s4;
	s18 =	sadd.s32 $0x1770, s1;
	s23 =	simm.s32 $0x2  }
0x13: {  	s1 =	simm.s32 $0x6;
	[dreg:$0x6] =	wrdreg s26;
	s11 =	sadd.s32 $0xFA0, s0  }
.LBB2_1:
0x14: {  	s0 =	rddreg [dreg:$0x3]  }
0x15: {  	[tilespmem:s3], [sflag:$0x7] =	stream.linear.gather [hbm4b:s0+s3], $0x1400, $0x38;
	[tilespmem:$0x19F00] =	vst v63  }
0x16: {  	_ =	swait.ge [sflag:s13], $0x1400  }
0x17: {  	[sflag:s13] =	ssyncset.done $0x0  }
0x18: {  	s12 =	rddreg [dreg:$0x4];
	[sflag:s13] =	ssyncadd.s32 $0xFFFFEC00  }
0x19: {  	[tilespmem:s14], [sflag:$0x7] =	stream.linear.gather [hbm4b:s12+s3], $0x1400, $0x38;
	[tilespmem:$0x19F00] =	vst v63  }
0x1a: {  	_ =	swait.ge [sflag:s13], $0x1400  }
0x1b: {  	[sflag:s13] =	ssyncset.done $0x0  }
0x1c: {  	[sflag:s13] =	ssyncadd.s32 $0xFFFFEC00  }
0x1d: {  	[tilespmem:s16], [sflag:$0x1] =	stream.indirect.gather [hbm4b:s2+s15], $0x80, s3, s15, $0xb8;
	[tilespmem:$0x19F00] =	vst v63  }
0x1e: {  	_ = 	snop  }
0x1f: {  	[tilespmem:s17], [sflag:$0x2] =	stream.indirect.gather [hbm4b:s2+s15], $0x80, s14, s15, $0xb8;
	[tilespmem:$0x19F00] =	vst v63  }
0x20: {  	s25 =	simm.s32 $0x80  }
0x21: {  	[tilespmem:s19], [sflag:$0x3] =	stream.indirect.gather [hbm4b:s2+s15], $0x80, s25, s15, $0xb8;
	[tilespmem:$0x19F00] =	vst v63  }
0x22: {  	s26 =	simm.s32 $0x1480  }
0x23: {  	[tilespmem:s21], [sflag:$0x4] =	stream.indirect.gather [hbm4b:s2+s15], $0x80, s26, s15, $0xb8;
	[tilespmem:$0x19F00] =	vst v63  }
0x24: {  	_ =	swait.ge [sflag:s22], $0x3E80  }
0x25: {  	[sflag:s22] =	ssyncset.done $0x0  }
0x26: {  	[sflag:s22] =	ssyncadd.s32 $0xFFFFC180  }
0x27: {  	_ =	swait.ge [sflag:s23], $0x3E80  }
0x28: {  	[sflag:s23] =	ssyncset.done $0x0  }
0x29: {  	[sflag:s23] =	ssyncadd.s32 $0xFFFFC180  }
0x2a: {  	[hbm4b:s7+s3] =	stream.linear.scatter [tilespmem:s24], [sflag:$0x5], $0x3E80, $0x38;
	[tilespmem:$0x19F00] =	vst v63  }
0x2b: {  	s4 =	simm.s32 $0x100  }
0x2c: {  	[tilespmem:s16], [sflag:$0x1] =	stream.indirect.gather [hbm4b:s2+s15], $0x80, s4, s15, $0xb8;
	[tilespmem:$0x19F00] =	vst v63  }
0x2d: {  	s5 =	simm.s32 $0x1500  }
0x2e: {  	[tilespmem:s17], [sflag:$0x2] =	stream.indirect.gather [hbm4b:s2+s15], $0x80, s5, s15, $0xb8;
	[tilespmem:$0x19F00] =	vst v63  }
0x2f: {  	_ =	swait.ge [sflag:s28], $0x3E80  }
0x30: {  	[sflag:s28] =	ssyncset.done $0x0  }
0x31: {  	[sflag:s28] =	ssyncadd.s32 $0xFFFFC180  }
0x32: {  	_ =	swait.ge [sflag:s29], $0x3E80  }
0x33: {  	[sflag:s29] =	ssyncset.done $0x0  }
0x34: {  	s6 =	rddreg [dreg:$0x6];
	[sflag:s29] =	ssyncadd.s32 $0xFFFFC180  }
0x35: {  	[hbm4b:s6+s3] =	stream.linear.scatter [tilespmem:s30], [sflag:$0x6], $0x3E80, $0x38;
	[tilespmem:$0x19F00] =	vst v63  }
0x36: {  	s8 =	simm.s32 $0x180  }
0x37: {  	[tilespmem:s19], [sflag:$0x3] =	stream.indirect.gather [hbm4b:s2+s15], $0x80, s8, s15, $0xb8;
	[tilespmem:$0x19F00] =	vst v63  }
0x38: {  	s12 =	simm.s32 $0x1580  }
0x39: {  	[tilespmem:s21], [sflag:$0x4] =	stream.indirect.gather [hbm4b:s2+s15], $0x80, s12, s15, $0xb8;
	[tilespmem:$0x19F00] =	vst v63  }
0x3a: {  	_ =	swait.ge [sflag:s22], $0x3E80  }
0x3b: {  	[sflag:s22] =	ssyncset.done $0x0  }
0x3c: {  	[sflag:s22] =	ssyncadd.s32 $0xFFFFC180  }
0x3d: {  	_ =	swait.ge [sflag:s23], $0x3E80  }
0x3e: {  	[sflag:s23] =	ssyncset.done $0x0  }
0x3f: {  	[sflag:s23] =	ssyncadd.s32 $0xFFFFC180  }
0x40: {  	_ =	swait.ge [sflag:s31], $0x3E80  }
0x41: {  	[sflag:s31] =	ssyncset.done $0x0  }
0x42: {  	[sflag:s31] =	ssyncadd.s32 $0xFFFFC180  }
0x43: {  	[hbm4b:s11+s3] =	stream.linear.scatter [tilespmem:s24], [sflag:$0x5], $0x3E80, $0x38;
	[tilespmem:$0x19F00] =	vst v63  }
0x44: {  	s25 =	simm.s32 $0x200  }
0x45: {  	[tilespmem:s16], [sflag:$0x1] =	stream.indirect.gather [hbm4b:s2+s15], $0x80, s25, s15, $0xb8;
	[tilespmem:$0x19F00] =	vst v63  }
0x46: {  	s26 =	simm.s32 $0x1600  }
0x47: {  	[tilespmem:s17], [sflag:$0x2] =	stream.indirect.gather [hbm4b:s2+s15], $0x80, s26, s15, $0xb8;
	[tilespmem:$0x19F00] =	vst v63  }
0x48: {  	_ =	swait.ge [sflag:s28], $0x3E80  }
0x49: {  	[sflag:s28] =	ssyncset.done $0x0  }
0x4a: {  	[sflag:s28] =	ssyncadd.s32 $0xFFFFC180  }
0x4b: {  	_ =	swait.ge [sflag:s29], $0x3E80  }
0x4c: {  	[sflag:s29] =	ssyncset.done $0x0  }
0x4d: {  	[sflag:s29] =	ssyncadd.s32 $0xFFFFC180  }
0x4e: {  	s0 =	sadd.s32 $0xFA0, s11;
	_ =	swait.ge [sflag:s1], $0x3E80  }
0x4f: {  	s4 =	simm.s32 $0x800;
	s12 =	smov.u32 s18;
	[sflag:s1] =	ssyncset.done $0x0  }
0x50: {  	s25 =	sadd.s32 $0xFA0, s18;
	s26 =	simm.s32 $0x100;
	[sflag:s1] =	ssyncadd.s32 $0xFFFFC180  }
.LBB2_2:
0x51: {  	[hbm4b:s12+s3] =	stream.linear.scatter [tilespmem:s30], [sflag:$0x6], $0x3E80, $0x38;
	[tilespmem:$0x19F00] =	vst v63  }
0x52: {  	s5 =	smov.u32 s4;
	s12 =	smov.u32 s25  }
0x53: {  	s6 =	sadd.s32 $0x400, s4;
	s8 =	sadd.s32 $0x180, s26;
	s5 =	sshra.s32 s5, $0x2  }
0x54: {  	[tilespmem:s19], [sflag:$0x3] =	stream.indirect.gather [hbm4b:s2+s15], $0x80, s8, s15, $0xb8;
	[tilespmem:$0x19F00] =	vst v63  }
0x55: {  	p0 =	sne.s32 s4, $0x4400;
	s4 =	sadd.s32 $0x1580, s26  }
0x56: {  	[tilespmem:s21], [sflag:$0x4] =	stream.indirect.gather [hbm4b:s2+s15], $0x80, s4, s15, $0xb8;
	[tilespmem:$0x19F00] =	vst v63  }
0x57: {  	_ =	swait.ge [sflag:s22], $0x3E80  }
0x58: {  	[sflag:s22] =	ssyncset.done $0x0  }
0x59: {  	[sflag:s22] =	ssyncadd.s32 $0xFFFFC180  }
0x5a: {  	_ =	swait.ge [sflag:s23], $0x3E80  }
0x5b: {  	[sflag:s23] =	ssyncset.done $0x0  }
0x5c: {  	[sflag:s23] =	ssyncadd.s32 $0xFFFFC180  }
0x5d: {  	_ =	swait.ge [sflag:s31], $0x3E80  }
0x5e: {  	[sflag:s31] =	ssyncset.done $0x0  }
0x5f: {  	[sflag:s31] =	ssyncadd.s32 $0xFFFFC180  }
0x60: {  	[hbm4b:s0+s3] =	stream.linear.scatter [tilespmem:s24], [sflag:$0x5], $0x3E80, $0x38;
	[tilespmem:$0x19F00] =	vst v63  }
0x61: {  	s4 =	sadd.s32 $0x200, s26  }
0x62: {  	[tilespmem:s16], [sflag:$0x1] =	stream.indirect.gather [hbm4b:s2+s15], $0x80, s4, s15, $0xb8;
	[tilespmem:$0x19F00] =	vst v63  }
0x63: {  	s4 =	sadd.s32 $0x1600, s26;
	s26 =	smov.u32 s5  }
0x64: {  	[tilespmem:s17], [sflag:$0x2] =	stream.indirect.gather [hbm4b:s2+s15], $0x80, s4, s15, $0xb8;
	[tilespmem:$0x19F00] =	vst v63  }
0x65: {  	_ =	swait.ge [sflag:s28], $0x3E80  }
0x66: {  	[sflag:s28] =	ssyncset.done $0x0  }
0x67: {  	[sflag:s28] =	ssyncadd.s32 $0xFFFFC180  }
0x68: {  	_ =	swait.ge [sflag:s29], $0x3E80  }
.Ltmp0:
0x69: {  	[sflag:s29] =	ssyncset.done $0x0;
	(pc) =	sbr.rel @p0 .LBB2_2-.Ltmp0, $4  }
0x6a: {  	[sflag:s29] =	ssyncadd.s32 $0xFFFFC180  }
0x6b: {  	_ =	swait.ge [sflag:s1], $0x3E80  }
0x6c: {  	s25 =	sadd.s32 $0xFA0, s25;
	[sflag:s1] =	ssyncset.done $0x0  }
0x6d: {  	s0 =	sadd.s32 $0xFA0, s0;
	s4 =	smov.u32 s6;
	[sflag:s1] =	ssyncadd.s32 $0xFFFFC180  }
0x6e: {  	[hbm4b:s12+s3] =	stream.linear.scatter [tilespmem:s30], [sflag:$0x6], $0x3E80, $0x38;
	[tilespmem:$0x19F00] =	vst v63  }
0x6f: {  	s4 =	sadd.s32 $0x180, s26  }
0x70: {  	[tilespmem:s19], [sflag:$0x3] =	stream.indirect.gather [hbm4b:s2+s15], $0x80, s4, s15, $0xb8;
	[tilespmem:$0x19F00] =	vst v63  }
0x71: {  	s5 =	sadd.s32 $0x1580, s26  }
0x72: {  	[tilespmem:s21], [sflag:$0x4] =	stream.indirect.gather [hbm4b:s2+s15], $0x80, s5, s15, $0xb8;
	[tilespmem:$0x19F00] =	vst v63  }
0x73: {  	_ =	swait.ge [sflag:s22], $0x3E80  }
0x74: {  	[sflag:s22] =	ssyncset.done $0x0  }
0x75: {  	[sflag:s22] =	ssyncadd.s32 $0xFFFFC180  }
0x76: {  	_ =	swait.ge [sflag:s23], $0x3E80  }
0x77: {  	[sflag:s23] =	ssyncset.done $0x0  }
0x78: {  	[sflag:s23] =	ssyncadd.s32 $0xFFFFC180  }
0x79: {  	_ =	swait.ge [sflag:s31], $0x3E80  }
0x7a: {  	[sflag:s31] =	ssyncset.done $0x0  }
0x7b: {  	[sflag:s31] =	ssyncadd.s32 $0xFFFFC180  }
0x7c: {  	[hbm4b:s0+s3] =	stream.linear.scatter [tilespmem:s24], [sflag:$0x5], $0x3E80, $0x38;
	[tilespmem:$0x19F00] =	vst v63  }
0x7d: {  	s6 =	sadd.s32 $0x200, s26  }
0x7e: {  	[tilespmem:s16], [sflag:$0x1] =	stream.indirect.gather [hbm4b:s2+s15], $0x80, s6, s15, $0xb8;
	[tilespmem:$0x19F00] =	vst v63  }
0x7f: {  	s8 =	sadd.s32 $0x1600, s26  }
0x80: {  	[tilespmem:s17], [sflag:$0x2] =	stream.indirect.gather [hbm4b:s2+s15], $0x80, s8, s15, $0xb8;
	[tilespmem:$0x19F00] =	vst v63  }
0x81: {  	_ =	swait.ge [sflag:s28], $0x3E80  }
0x82: {  	[sflag:s28] =	ssyncset.done $0x0  }
0x83: {  	[sflag:s28] =	ssyncadd.s32 $0xFFFFC180  }
0x84: {  	_ =	swait.ge [sflag:s29], $0x3E80  }
0x85: {  	[sflag:s29] =	ssyncset.done $0x0  }
0x86: {  	[sflag:s29] =	ssyncadd.s32 $0xFFFFC180  }
0x87: {  	_ =	swait.ge [sflag:s1], $0x3E80  }
0x88: {  	[sflag:s1] =	ssyncset.done $0x0  }
0x89: {  	[sflag:s1] =	ssyncadd.s32 $0xFFFFC180  }
0x8a: {  	[hbm4b:s25+s3] =	stream.linear.scatter [tilespmem:s30], [sflag:$0x6], $0x3E80, $0x38;
	[tilespmem:$0x19F00] =	vst v63  }
0x8b: {  	s12 =	simm.s32 $0x1380  }
0x8c: {  	[tilespmem:s19], [sflag:$0x3] =	stream.indirect.gather [hbm4b:s2+s15], $0x80, s12, s15, $0xb8;
	[tilespmem:$0x19F00] =	vst v63  }
0x8d: {  	s25 =	simm.s32 $0x2780  }
0x8e: {  	[tilespmem:s21], [sflag:$0x4] =	stream.indirect.gather [hbm4b:s2+s15], $0x80, s25, s15, $0xb8;
	[tilespmem:$0x19F00] =	vst v63  }
0x8f: {  	_ =	swait.ge [sflag:s22], $0x3E80  }
0x90: {  	[sflag:s22] =	ssyncset.done $0x0  }
0x91: {  	[sflag:s22] =	ssyncadd.s32 $0xFFFFC180  }
0x92: {  	_ =	swait.ge [sflag:s23], $0x3E80  }
0x93: {  	[sflag:s23] =	ssyncset.done $0x0  }
0x94: {  	[sflag:s23] =	ssyncadd.s32 $0xFFFFC180  }
0x95: {  	_ =	swait.ge [sflag:s31], $0x3E80  }
0x96: {  	[sflag:s31] =	ssyncset.done $0x0  }
0x97: {  	[sflag:s31] =	ssyncadd.s32 $0xFFFFC180  }
0x98: {  	[hbm4b:s9+s3] =	stream.linear.scatter [tilespmem:s24], [sflag:$0x5], $0x3E80, $0x38;
	[tilespmem:$0x19F00] =	vst v63  }
0x99: {  	_ =	swait.ge [sflag:s28], $0x3E80  }
0x9a: {  	[sflag:s28] =	ssyncset.done $0x0  }
0x9b: {  	[sflag:s28] =	ssyncadd.s32 $0xFFFFC180  }
0x9c: {  	_ =	swait.ge [sflag:s29], $0x3E80  }
0x9d: {  	[sflag:s29] =	ssyncset.done $0x0  }
0x9e: {  	[sflag:s29] =	ssyncadd.s32 $0xFFFFC180  }
0x9f: {  	_ =	swait.ge [sflag:s1], $0x3E80  }
0xa0: {  	[sflag:s1] =	ssyncset.done $0x0  }
0xa1: {  	[sflag:s1] =	ssyncadd.s32 $0xFFFFC180  }
0xa2: {  	[hbm4b:s10+s3] =	stream.linear.scatter [tilespmem:s30], [sflag:$0x6], $0x3E80, $0x38;
	[tilespmem:$0x19F00] =	vst v63  }
0xa3: {  	_ =	swait.ge [sflag:s31], $0x3E80  }
0xa4: {  	[sflag:s31] =	ssyncset.done $0x0  }
0xa5: {  	[sflag:s31] =	ssyncadd.s32 $0xFFFFC180  }
0xa6: {  	_ =	swait.ge [sflag:s1], $0x3E80  }
0xa7: {  	s20 =	sadd.s32 $0x1, s20;
	s26 =	rddreg [dreg:$0x5]  }
0xa8: {  	p0 =	sne.s32 s20, s26  }
.Ltmp1:
0xa9: {  	_ = 	snop;
	(pc) =	sbr.rel @p0 .LBB2_1-.Ltmp1, $3  }
0xaa: {  	_ =	sdelay $0x1  }
0xab: {  	[sflag:s1] =	ssyncset.done $0x0  }
0xac: {  	[sflag:s1] =	ssyncadd.s32 $0xFFFFC180  }
0xad: {  	_ =	sfence.sel $0x180000  }
0xae: {  	[bflag:$0x0] =	sbarrier.arrive $0xFFFF  }
0xaf: {  	_ =	strace $0x9000004D  }
0xb0: {  	s0 =	stileid.u32;
	[bflag:$0x2] =	sbarrier.arrive $0xFFFF  }
0xb1: {  	p0 =	sne.s32 s0, $0x0;
	s0 =	rddreg [dreg:$0x2]  }
0xb2: {  	s0 =	sadd.s32 @!p0 $0x100000, s0  }
0xb3: {  	[sflag:s0] =	ssyncadd.tile.s32 @!p0 $0x1;
	_ =	shalt  }
.Lfunc_end2:
_tile_overlayer_lowered:
.L_overlay_start_2:
0xb4: {  	(tag) =	ssettag $0x2  }
0xb5: {  	s0 =	rddreg [dreg:$0x0];
	s2 =	stileid.u32  }
0xb6: {  	s1 =	rddreg [dreg:$0x1];
	p0 =	sne.s32 s2, $0x0  }
0xb7: {  	s3 =	rddreg [dreg:$0x2];
	[bflag:$0x3] =	sbarrier.arrive $0xFFFF;
	s2 =	simm.s32 @!p0 $0x1C07  }
0xb8: {  	[timem:s3], [sflag:s2] =	dma.local @!p0 [hbm:s0], s1  }
0xb9: {  	s0 =	simm.s32 @!p0 $0x7  }
0xba: {  	_ =	swait.ge @!p0 [sflag:s0], s1  }
0xbb: {  	s1 =	ssub.s32 @!p0 $0x0, s1;
	[sflag:s0] =	ssyncset.done @!p0 $0x0  }
0xbc: {  	[sflag:s0] =	ssyncadd.s32 @!p0 s1  }
0xbd: {  	[bflag:$0x3] =	sbarrier.arrive $0xFFFF  }
0xbe: {  	_ =	shalt  }

// kernel: kernel.20.cloned.1.call-start
scs
__scs_entry_jumppad:
0x0: {  	(pc) =	sbr.rel $0x88, $3  }
0x1: {  	(tag) =	ssettag $0x0;
	lr =	simm.s32 $0x1  }
0x2: {  	[smem:$0x3F96] =	sst lr;
	_ =	strace $0xD0000000  }
0x3: {  	_ = 	snop  }
0x4: {  	_ = 	snop  }
0x5: {  	_ = 	snop  }
0x6: {  	_ = 	snop  }
0x7: {  	_ = 	snop  }
__scs_overlays_trampoline_lowered:
0x8: {  	[smem:$0x3FA5] =	sst s0  }
0x9: {  	[smem:$0x3FA6] =	sst s1  }
0xa: {  	[smem:$0x3FA7] =	sst s2  }
0xb: {  	[smem:$0x3FA8] =	sst s3  }
0xc: {  	[smem:$0x3FA9] =	sst s4  }
0xd: {  	[smem:$0x3FAA] =	sst s5  }
0xe: {  	[smem:$0x3FAB] =	sst s6  }
0xf: {  	[smem:$0x3FAC] =	sst s7  }
0x10: {  	[smem:$0x3FAD] =	sst s8  }
0x11: {  	[smem:$0x3FAE] =	sst s9;
	s0 =	simm.s32 @!p0 $0x0  }
0x12: {  	s1 =	sld [smem:$0x3F94];
	s0 =	simm.s32 @p0 $0x1  }
0x13: {  	[smem:$0x3FAF] =	sst s0;
	s0 =	simm.s32 @!p1 $0x0  }
0x14: {  	s2 =	sld [smem:$0x3F93];
	s0 =	simm.s32 @p1 $0x1  }
0x15: {  	[smem:$0x3FB0] =	sst s0;
	s0 =	simm.s32 @!p2 $0x0  }
0x16: {  	s3 =	sld [smem:$0x3FDB];
	s0 =	simm.s32 @p2 $0x1  }
0x17: {  	s4 =	simm.s32 $0x1BF5;
	[smem:$0x3FB2] =	sst s0  }
0x18: {  	s0 =	sld [smem:$0x3F95];
	_ =	swait.ge [sflag:s4], $0x0  }
0x19: {  	s7 =	sld [smem:$0x3F96]  }
0x1a: {  	s8 =	sadd.s32 $0xFFFFE003, lr  }
0x1b: {  	s9 =	sadd.s32 $0xFFFFFEF7, lr;
	s5 =	simm.s32 $0xFFFFFFFF;
	p2 =	slt.u32 s8, $0xFFFFF086  }
0x1c: {  	p1 =	slt.u32 s9, $0xF7A;
	s5 =	simm.s32 @!p2 $0x0  }
0x1d: {  	s5 =	simm.s32 @p1 $0x1;
	p0 =	seq.s32 s7, s2  }
0x1e: {  	s7 =	smul.u32 @!p0 $0xF7A, s2;
	p2 =	seq.s32 @!p0 s5, $0x0  }
0x1f: {  	s9 =	smul.u32 $0xF7A, s1;
	s8 =	simm.s32 @!p0 $0x1BF5;
	p2 =	por !p2, p0  }
0x20: {  	[sflag:s8] =	ssyncset.s32 @!p0 $0xFFFFF086;
	s6 =	sadd.s32 @!p0 s3, s7;
	s7 =	simm.s32 @!p0 $0x108  }
0x21: {  	s3 =	sadd.s32 s3, s9;
	s6 =	sadd.s32 @!p0 $0x88, s6;
	s7 =	simm.s32 @p2 $0x1082  }
0x22: {  	[simem:s7], [sflag:s8] =	dma.local @!p0 [hbm:s6], $0xF7A  }
0x23: {  	s9 =	sor.u32 $0xD0000000, s2;
	s6 =	simm.s32 $0x108;
	_ =	swait.ge @!p0 [sflag:s8], $0x0  }
0x24: {  	s3 =	sadd.s32 $0x88, s3;
	s6 =	simm.s32 @!p1 $0x1082;
	[sflag:s4] =	ssyncset.s32 $0xFFFFF086  }
0x25: {  	[simem:s6], [sflag:s4] =	dma.local [hbm:s3], $0xF7A  }
0x26: {  	[smem:$0x3F96] =	sst s1;
	(tag) =	ssettag s2;
	_ =	strace s9  }
0x27: {  	s1 =	sld [smem:$0x3FA6]  }
0x28: {  	s2 =	sld [smem:$0x3FA7]  }
0x29: {  	s4 =	sld [smem:$0x3FA9]  }
0x2a: {  	p0 =	seq.s32 s5, $0x0;
	s5 =	sld [smem:$0x3FAA]  }
0x2b: {  	s6 =	sld [smem:$0x3FAB]  }
0x2c: {  	s7 =	sld [smem:$0x3FAC]  }
0x2d: {  	s3 =	simm.s32 $0x108;
	s8 =	sld [smem:$0x3FAD]  }
0x2e: {  	s3 =	simm.s32 @!p0 $0x1082;
	s9 =	sld [smem:$0x3FAE]  }
0x2f: {  	lr =	sadd.s32 s0, s3;
	s0 =	sld [smem:$0x3FA5]  }
0x30: {  	s3 =	sld [smem:$0x3FA8]  }
0x31: {  	[smem:$0x3FB1] =	sst s10  }
0x32: {  	s10 =	sld [smem:$0x3FAF];
	_ =	sdelay $0x3  }
0x33: {  	p0 =	seq.s32 s10, $0x1;
	s10 =	sld [smem:$0x3FB1];
	_ =	sdelay $0x3  }
0x34: {  	[smem:$0x3FB1] =	sst s10  }
0x35: {  	s10 =	sld [smem:$0x3FB0];
	_ =	sdelay $0x3  }
0x36: {  	p1 =	seq.s32 s10, $0x1;
	s10 =	sld [smem:$0x3FB1];
	_ =	sdelay $0x3  }
0x37: {  	[smem:$0x3FB1] =	sst s10  }
0x38: {  	s10 =	sld [smem:$0x3FB2]  }
0x39: {  	_ = 	snop;
	(pc) =	sbr.ind lr, $3  }
0x3a: {  	_ = 	snop  }
0x3b: {  	_ = 	snop  }
0x3c: {  	p2 =	seq.s32 s10, $0x1;
	s10 =	sld [smem:$0x3FB1]  }
0x3d: {  	_ =	shalt  }
0x3e: {  	_ =	shalt  }
0x3f: {  	_ =	shalt  }
0x40: {  	_ =	shalt  }
0x41: {  	_ =	shalt  }
0x42: {  	_ =	shalt  }
0x43: {  	_ =	shalt  }
0x44: {  	_ =	shalt  }
0x45: {  	_ =	shalt  }
0x46: {  	_ =	shalt  }
0x47: {  	_ =	shalt  }
0x48: {  	_ =	shalt  }
0x49: {  	_ =	shalt  }
0x4a: {  	_ =	shalt  }
0x4b: {  	_ =	shalt  }
0x4c: {  	_ =	shalt  }
0x4d: {  	_ =	shalt  }
0x4e: {  	_ =	shalt  }
0x4f: {  	_ =	shalt  }
0x50: {  	_ =	shalt  }
0x51: {  	_ =	shalt  }
0x52: {  	_ =	shalt  }
0x53: {  	_ =	shalt  }
0x54: {  	_ =	shalt  }
0x55: {  	_ =	shalt  }
0x56: {  	_ =	shalt  }
0x57: {  	_ =	shalt  }
0x58: {  	_ =	shalt  }
0x59: {  	_ =	shalt  }
0x5a: {  	_ =	shalt  }
0x5b: {  	_ =	shalt  }
0x5c: {  	_ =	shalt  }
0x5d: {  	_ =	shalt  }
0x5e: {  	_ =	shalt  }
0x5f: {  	_ =	shalt  }
0x60: {  	_ =	shalt  }
0x61: {  	_ =	shalt  }
0x62: {  	_ =	shalt  }
0x63: {  	_ =	shalt  }
0x64: {  	_ =	shalt  }
0x65: {  	_ =	shalt  }
0x66: {  	_ =	shalt  }
0x67: {  	_ =	shalt  }
0x68: {  	_ =	shalt  }
0x69: {  	_ =	shalt  }
0x6a: {  	_ =	shalt  }
0x6b: {  	_ =	shalt  }
0x6c: {  	_ =	shalt  }
0x6d: {  	_ =	shalt  }
0x6e: {  	_ =	shalt  }
0x6f: {  	_ =	shalt  }
0x70: {  	_ =	shalt  }
0x71: {  	_ =	shalt  }
0x72: {  	_ =	shalt  }
0x73: {  	_ =	shalt  }
0x74: {  	_ =	shalt  }
0x75: {  	_ =	shalt  }
0x76: {  	_ =	shalt  }
0x77: {  	_ =	shalt  }
0x78: {  	_ =	shalt  }
0x79: {  	_ =	shalt  }
0x7a: {  	_ =	shalt  }
0x7b: {  	_ =	shalt  }
0x7c: {  	_ =	shalt  }
0x7d: {  	_ =	shalt  }
0x7e: {  	_ =	shalt  }
0x7f: {  	_ =	shalt  }
0x80: {  	_ =	shalt  }
0x81: {  	_ =	shalt  }
0x82: {  	_ =	shalt  }
0x83: {  	_ =	shalt  }
0x84: {  	_ =	shalt  }
0x85: {  	_ =	shalt  }
0x86: {  	_ =	shalt  }
0x87: {  	_ =	shalt  }
.Lfunc_end0:
.L_simem_size_0:
called_computation.3_lowered:
.L_overlay_start_0:
0x88: {  	s2 =	sld [smem:$0x3FD9]  }
0x89: {  	s3 =	sld [smem:$0x3FFE];
	_ =	sdelay $0x1  }
0x8a: {  	s1 =	srdreg.scid  }
0x8b: {  	s0 =	sand.u32 $0x1, s1  }
0x8c: {  	s16 =	sshll.u32 s0, $0xA;
	s2 =	sadd.s32 s3, s2  }
0x8d: {  	s2 =	sadd.s32 s2, s16  }
0x8e: {  	[smem:$0x3FBD] =	sst s2  }
0x8f: {  	_ = 	snop  }
0x90: {  	(tm) =	ssettm $0x1  }
0x91: {  	s17 =	sld [smem:$0x3FFB];
	_ =	sdelay $0x3  }
0x92: {  	_ =	strace s17  }
0x93: {  	s2 =	sld [smem:$0x3FFC];
	_ =	sdelay $0x3  }
0x94: {  	_ =	strace s2  }
0x95: {  	s2 =	sld [smem:$0x3FFD];
	_ =	sdelay $0x3  }
0x96: {  	_ =	strace s2  }
0x97: {  	_ =	strace $0x8FFFFFFF  }
0x98: {  	s18 =	sld [smem:$0x3FDB];
	_ =	sdelay $0x1  }
0x99: {  	s19 =	simm.s32 $_scs_section_size  }
0x9a: {  	s4 =	simm.s32 $_size__tile_overlayer_lowered;
	s5 =	simm.s32 $_tile_overlayer_lowered  }
0x9b: {  	s22 =	simm.s32 $0x1BFF;
	s21 =	sshll.u32 s5, $0x1;
	s2 =	sadd.s32 s19, s18  }
0x9c: {  	s6 =	simm.s32 $0x0;
	s20 =	sshll.u32 s4, $0x1;
	s4 =	sadd.s32 s21, s2  }
0x9d: {  	[timem:s6], [sflag:s22] =	dma.local [hbm:s4], s20  }
0x9e: {  	_ =	swait.ge [sflag:s22], s20  }
0x9f: {  	s3 =	ssub.s32 $0x0, s20;
	[sflag:s22] =	ssyncset.done $0x0  }
0xa0: {  	[sflag:s22] =	ssyncadd.s32 s3;
	_ =	sdelay $0x1  }
0xa1: {  	s23 =	simm.s32 $0x1B8B  }
0xa2: {  	_ =	swait.ge [sflag:s23], $0x1  }
0xa3: {  	[sflag:s23] =	ssyncset.done $0x0  }
0xa4: {  	s25 =	simm.s32 $0x1B8E;
	s24 =	sld [smem:$0x3FFE];
	[sflag:s23] =	ssyncadd.s32 $0xFFFFFFFF  }
0xa5: {  	s26 =	simm.s32 $execute0_lowered;
	[smem:$0x3FD2] =	sst s25  }
0xa6: {  	s4 =	sshll.u32 s26, $0x1;
	_ =	strace $0x8000004F;
	[dreg:$0x1] =	wrdreg $0xFFFFFFFF  }
0xa7: {  	s28 =	simm.s32 $_size_execute0_lowered;
	s2 =	sadd.s32 s2, s4;
	[dreg:$0x0] =	wrdreg $0x0  }
0xa8: {  	s4 =	sshll.u32 s28, $0x1;
	[dreg:$0x2] =	wrdreg s2  }
0xa9: {  	[dreg:$0x3] =	wrdreg s4  }
0xaa: {  	[dreg:$0x4] =	wrdreg $0xC0  }
0xab: {  	_ =	task [dreg:s6], $0x5FFFF  }
0xac: {  	[dreg:$0x1] =	wrdreg $0xFFFFFFFF  }
0xad: {  	[dreg:$0x0] =	wrdreg $0x60  }
0xae: {  	[dreg:$0x2] =	wrdreg s24  }
0xaf: {  	[dreg:$0x3] =	wrdreg $0x7F000  }
0xb0: {  	[dreg:$0x4] =	wrdreg $0x9  }
0xb1: {  	_ =	task.clear_ibuf [dreg:s6], $0x5FFFF;
	_ =	strace $0x9000004F  }
0xb2: {  	s29 =	simm.s32 $0x9;
	_ =	strace $0x80000051  }
0xb3: {  	_ =	swait.ge [sflag:s29], $0x1  }
0xb4: {  	[sflag:s29] =	ssyncadd.s32 $0xFFFFFFFF  }
0xb5: {  	_ =	strace $0x90000051  }
0xb6: {  	_ =	sfence  }
0xb7: {  	s30 =	sld [smem:$0x0];
	_ =	sdelay $0x2  }
0xb8: {  	s31 =	sshll.u32 s1, $0xD;
	s1 =	sshrl.u32 s1, $0x2  }
0xb9: {  	s3 =	sand.u32 $0x4000, s31;
	s1 =	sadd.s32 s1, s30  }
0xba: {  	s0 =	sor.u32 s3, s0;
	s1 =	sshll.u32 s1, $0x11  }
0xbb: {  	s0 =	sor.u32 s1, s0  }
0xbc: {  	s0 =	sadd.s32 $0x8F2B, s0  }
0xbd: {  	[sflag:s0] =	ssyncadd.remote.s32 $0x1  }
0xbe: {  	_ =	sfence.sel $0xFFFF  }
0xbf: {  	[dreg:$0x0] =	wrdreg $0xFFFFFFFF;
	(pc) =	sbr.abs _section_cstart, $3  }
0xc0: {  	[dreg:$0x1] =	wrdreg $0xFFFFFFFF  }
0xc1: {  	_ =	task.clear_ibuf [dreg:s6], $0x2FFFF;
	_ =	strace $0x9FFFFFFF  }
0xc2: {  	(tm) =	ssettm $0x7FFFFFFF  }
0xc3: {  	_ =	shalt  }
tec
execute0_lowered:
.L_overlay_start_1:
0x0: {  	(tag) =	ssettag $0x1  }
0x1: {  	s0 =	rddreg [dreg:$0x0]  }
0x2: {  	s1 =	rddreg [dreg:$0x1];
	s2 =	simm.s32 $0x0;
	s4 =	srdreg.scid  }
0x3: {  	s22 =	stileid.u32;
	s28 =	simm.s32 $0x80;
	s29 =	simm.s32 $0x4080  }
0x4: {  	s30 =	simm.s32 $0x100;
	s31 =	simm.s32 $0x180;
	[smem:$0x7FF] =	sst s2  }
0x5: {  	s3 =	sadd.s32 $0x9D1C00, s0;
	s10 =	sadd.s32 $0x3C00, s0;
	s12 =	smul.u32 $0x13880, s22  }
0x6: {  	s11 =	sadd.s32 $0x8C00, s0;
	s4 =	sand.u32 $0x1, s4;
	s18 =	smul.u32 $0x2710, s22  }
0x7: {  	s5 =	sadd.s32 $0xDC00, s0;
	s7 =	sshll.u32 s22, $0x1;
	s26 =	smul.u32 $0x50, s22  }
0x8: {  	_ =	strace $0x80000050;
	[dreg:$0x3] =	wrdreg s5;
	s6 =	ssub.s32 $0x2, s4  }
0x9: {  	s21 =	smul.u32 $0x27100, s4;
	s7 =	sor.u32 s4, s7;
	s23 =	sshrl.u32 s6, $0x1  }
0xa: {  	s5 =	sadd.s32 s12, s1;
	s14 =	smul.u32 $0x13880, s7;
	s15 =	sadd.s32 $0x3E80, s12  }
0xb: {  	s16 =	sadd.s32 $0x7D00, s12;
	s17 =	smul.u32 $0x280, s7;
	s19 =	sadd.s32 $0xBB80, s12  }
0xc: {  	s20 =	sadd.s32 $0xFA00, s12;
	s12 =	sshrl.u32 s12, $0x3;
	s0 =	sadd.s32 s21, s0  }
0xd: {  	s13 =	ssub.s32 s6, s23;
	s6 =	sadd.s32 s15, s1;
	s7 =	sadd.s32 s16, s1  }
0xe: {  	s21 =	smul.u32 $0x1388, s4;
	s8 =	sadd.s32 s19, s1;
	s9 =	sadd.s32 s20, s1  }
0xf: {  	s4 =	smul.u32 $0x28, s4;
	s16 =	sshrl.u32 s16, $0x3;
	s19 =	sshrl.u32 s19, $0x3  }
0x10: {  	s20 =	sshrl.u32 s20, $0x3;
	s14 =	sadd.s32 s3, s14;
	s24 =	sadd.s32 s10, s17  }
0x11: {  	s17 =	sadd.s32 s11, s17;
	s0 =	sadd.s32 $0x66800, s0;
	[dreg:$0x4] =	wrdreg s14  }
0x12: {  	s13 =	smax.u32 s13, $0x1;
	[dreg:$0x5] =	wrdreg s24;
	s25 =	sadd.s32 s21, s18  }
0x13: {  	[dreg:$0x6] =	wrdreg s17;
	s21 =	sshrl.u32 s15, $0x3;
	s4 =	sadd.s32 s4, s26  }
0x14: {  	[dreg:$0x7] =	wrdreg s13;
	s26 =	sadd.s32 s12, s0;
	s12 =	simm.s32 $0x0  }
0x15: {  	s22 =	sshll.u32 s25, $0x4;
	s4 =	sshll.u32 s4, $0x4;
	[dreg:$0xa] =	wrdreg s26  }
0x16: {  	s21 =	sadd.s32 s21, s0;
	s26 =	simm.s32 $0x5;
	s3 =	sadd.s32 s3, s22  }
0x17: {  	s23 =	sadd.s32 s4, s10;
	s24 =	sor.u32 $0x20, s4;
	s4 =	sadd.s32 s4, s11  }
0x18: {  	s22 =	sadd.s32 s16, s0;
	s14 =	sadd.s32 s24, s10;
	s15 =	sadd.s32 s24, s11  }
.Ltmp0:
0x19: {  	s25 =	sadd.s32 $0x7D0, s3;
	s17 =	sadd.s32 $0x10, s23;
	(pc) =	sbr.rel .LBB2_1-.Ltmp0, $4  }
0x1a: {  	s18 =	sadd.s32 $0x10, s4;
	s3 =	sadd.s32 $0xFA0, s3;
	s23 =	sadd.s32 s19, s0  }
0x1b: {  	s24 =	sadd.s32 s20, s0;
	s0 =	simm.s32 $0x1;
	s4 =	simm.s32 $0x2  }
0x1c: {  	s10 =	simm.s32 $0x3;
	s11 =	simm.s32 $0x4;
	[dreg:$0x8] =	wrdreg s25  }
0x1d: {  	[dreg:$0x9] =	wrdreg s3;
	s25 =	simm.s32 $0x200;
	s3 =	simm.s32 $0x7D  }
.LBB2_4:
0x1e: {  	[spmem:s1] =	stream.indirect.scatter.add.f32 [tilespmem:s29], [sflag:$0x4], $0x80, s30, s3, $0xb8;
	[tilespmem:$0x1B780] =	vst v63  }
0x1f: {  	_ = 	snop  }
0x20: {  	[spmem:s1] =	stream.indirect.scatter.add.f32 [tilespmem:s29], [sflag:$0x4], $0x80, s31, s3, $0xb8;
	[tilespmem:$0x1B780] =	vst v63  }
0x21: {  	_ =	swait.ge [sflag:s11], $0x3E80  }
0x22: {  	[sflag:s11] =	ssyncset.done $0x0  }
0x23: {  	[sflag:s11] =	ssyncadd.s32 $0xFFFFC180  }
0x24: {  	_ =	swait.ge [sflag:s11], $0x3E80  }
0x25: {  	[sflag:s11] =	ssyncset.done $0x0  }
0x26: {  	[sflag:s11] =	ssyncadd.s32 $0xFFFFC180  }
0x27: {  	[bflag:$0x0] =	sbarrier.arrive $0xFFFF  }
0x28: {  	[tilespmem:s25], [sflag:$0x5] =	stream.linear.gather [spmem:s5], $0x3E80, $0x38;
	[tilespmem:$0x1B780] =	vst v63  }
0x29: {  	_ =	swait.ge [sflag:s26], $0x3E80  }
0x2a: {  	[sflag:s26] =	ssyncset.done $0x0  }
0x2b: {  	s13 =	rddreg [dreg:$0xa];
	[sflag:s26] =	ssyncadd.s32 $0xFFFFC180  }
0x2c: {  	[hbm4b:s13+s2] =	stream.linear.scatter [tilespmem:s25], [sflag:$0x5], $0x3E80, $0x38;
	[tilespmem:$0x1B780] =	vst v63  }
0x2d: {  	_ =	swait.ge [sflag:s26], $0x3E80  }
0x2e: {  	[sflag:s26] =	ssyncset.done $0x0  }
0x2f: {  	[sflag:s26] =	ssyncadd.s32 $0xFFFFC180  }
0x30: {  	[tilespmem:s25], [sflag:$0x5] =	stream.linear.gather [spmem:s6], $0x3E80, $0x38;
	[tilespmem:$0x1B780] =	vst v63  }
0x31: {  	_ =	swait.ge [sflag:s26], $0x3E80  }
0x32: {  	[sflag:s26] =	ssyncset.done $0x0  }
0x33: {  	[sflag:s26] =	ssyncadd.s32 $0xFFFFC180  }
0x34: {  	[hbm4b:s21+s2] =	stream.linear.scatter [tilespmem:s25], [sflag:$0x5], $0x3E80, $0x38;
	[tilespmem:$0x1B780] =	vst v63  }
0x35: {  	_ =	swait.ge [sflag:s26], $0x3E80  }
0x36: {  	[sflag:s26] =	ssyncset.done $0x0  }
0x37: {  	[sflag:s26] =	ssyncadd.s32 $0xFFFFC180  }
0x38: {  	[tilespmem:s25], [sflag:$0x5] =	stream.linear.gather [spmem:s7], $0x3E80, $0x38;
	[tilespmem:$0x1B780] =	vst v63  }
0x39: {  	_ =	swait.ge [sflag:s26], $0x3E80  }
0x3a: {  	[sflag:s26] =	ssyncset.done $0x0  }
0x3b: {  	[sflag:s26] =	ssyncadd.s32 $0xFFFFC180  }
0x3c: {  	[hbm4b:s22+s2] =	stream.linear.scatter [tilespmem:s25], [sflag:$0x5], $0x3E80, $0x38;
	[tilespmem:$0x1B780] =	vst v63  }
0x3d: {  	_ =	swait.ge [sflag:s26], $0x3E80  }
0x3e: {  	[sflag:s26] =	ssyncset.done $0x0  }
0x3f: {  	[sflag:s26] =	ssyncadd.s32 $0xFFFFC180  }
0x40: {  	[tilespmem:s25], [sflag:$0x5] =	stream.linear.gather [spmem:s8], $0x3E80, $0x38;
	[tilespmem:$0x1B780] =	vst v63  }
0x41: {  	_ =	swait.ge [sflag:s26], $0x3E80  }
0x42: {  	[sflag:s26] =	ssyncset.done $0x0  }
0x43: {  	[sflag:s26] =	ssyncadd.s32 $0xFFFFC180  }
0x44: {  	[hbm4b:s23+s2] =	stream.linear.scatter [tilespmem:s25], [sflag:$0x5], $0x3E80, $0x38;
	[tilespmem:$0x1B780] =	vst v63  }
0x45: {  	_ =	swait.ge [sflag:s26], $0x3E80  }
0x46: {  	[sflag:s26] =	ssyncset.done $0x0  }
0x47: {  	[sflag:s26] =	ssyncadd.s32 $0xFFFFC180  }
0x48: {  	[tilespmem:s25], [sflag:$0x5] =	stream.linear.gather [spmem:s9], $0x3E80, $0x38;
	[tilespmem:$0x1B780] =	vst v63  }
0x49: {  	_ =	swait.ge [sflag:s26], $0x3E80  }
0x4a: {  	[sflag:s26] =	ssyncset.done $0x0  }
0x4b: {  	[sflag:s26] =	ssyncadd.s32 $0xFFFFC180  }
0x4c: {  	[hbm4b:s24+s2] =	stream.linear.scatter [tilespmem:s25], [sflag:$0x5], $0x3E80, $0x38;
	[tilespmem:$0x1B780] =	vst v63  }
0x4d: {  	_ =	swait.ge [sflag:s26], $0x3E80  }
0x4e: {  	s12 =	sadd.s32 $0x1, s12;
	s20 =	rddreg [dreg:$0x7]  }
0x4f: {  	p0 =	sne.s32 s12, s20  }
.Ltmp1:
0x50: {  	_ = 	snop;
	(pc) =	sbr.rel @!p0 .LBB2_5-.Ltmp1, $3  }
0x51: {  	_ =	sdelay $0x1  }
0x52: {  	[sflag:s26] =	ssyncset.done $0x0  }
0x53: {  	[sflag:s26] =	ssyncadd.s32 $0xFFFFC180  }
.LBB2_1:
0x54: {  	s13 =	rddreg [dreg:$0x3]  }
0x55: {  	[tilespmem:s25], [sflag:$0x5] =	stream.linear.gather [hbm4b:s13+s2], $0x3E80, $0x38;
	[tilespmem:$0x1B780] =	vst v63  }
0x56: {  	_ =	swait.ge [sflag:s26], $0x3E80  }
0x57: {  	[sflag:s26] =	ssyncset.done $0x0  }
0x58: {  	[sflag:s26] =	ssyncadd.s32 $0xFFFFC180  }
0x59: {  	[spmem:s5] =	stream.linear.scatter [tilespmem:s25], [sflag:$0x5], $0x3E80, $0x38;
	[tilespmem:$0x1B780] =	vst v63  }
0x5a: {  	_ =	swait.ge [sflag:s26], $0x3E80  }
0x5b: {  	[sflag:s26] =	ssyncset.done $0x0  }
0x5c: {  	[sflag:s26] =	ssyncadd.s32 $0xFFFFC180  }
0x5d: {  	[spmem:s6] =	stream.linear.scatter [tilespmem:s25], [sflag:$0x5], $0x3E80, $0x38;
	[tilespmem:$0x1B780] =	vst v63  }
0x5e: {  	_ =	swait.ge [sflag:s26], $0x3E80  }
0x5f: {  	[sflag:s26] =	ssyncset.done $0x0  }
0x60: {  	[sflag:s26] =	ssyncadd.s32 $0xFFFFC180  }
0x61: {  	[spmem:s7] =	stream.linear.scatter [tilespmem:s25], [sflag:$0x5], $0x3E80, $0x38;
	[tilespmem:$0x1B780] =	vst v63  }
0x62: {  	_ =	swait.ge [sflag:s26], $0x3E80  }
0x63: {  	[sflag:s26] =	ssyncset.done $0x0  }
0x64: {  	[sflag:s26] =	ssyncadd.s32 $0xFFFFC180  }
0x65: {  	[spmem:s8] =	stream.linear.scatter [tilespmem:s25], [sflag:$0x5], $0x3E80, $0x38;
	[tilespmem:$0x1B780] =	vst v63  }
0x66: {  	_ =	swait.ge [sflag:s26], $0x3E80  }
0x67: {  	[sflag:s26] =	ssyncset.done $0x0  }
0x68: {  	[sflag:s26] =	ssyncadd.s32 $0xFFFFC180  }
0x69: {  	[spmem:s9] =	stream.linear.scatter [tilespmem:s25], [sflag:$0x5], $0x3E80, $0x38;
	[tilespmem:$0x1B780] =	vst v63  }
0x6a: {  	_ =	swait.ge [sflag:s26], $0x3E80  }
0x6b: {  	[sflag:s26] =	ssyncset.done $0x0  }
0x6c: {  	[sflag:s26] =	ssyncadd.s32 $0xFFFFC180  }
0x6d: {  	[bflag:$0x0] =	sbarrier.arrive $0xFFFF  }
0x6e: {  	s16 =	rddreg [dreg:$0x4]  }
0x6f: {  	s19 =	rddreg [dreg:$0x5]  }
0x70: {  	[tilespmem:s25], [sflag:$0x1] =	stream.linear.gather [hbm4b:s16+s2], $0x3E80, $0x38;
	[tilespmem:$0x1B780] =	vst v63  }
0x71: {  	s20 =	rddreg [dreg:$0x6]  }
0x72: {  	[tilespmem:s2], [sflag:$0x1] =	stream.linear.gather [hbm4b:s19+s2], $0x80, $0x38;
	[tilespmem:$0x1B780] =	vst v63  }
0x73: {  	s19 =	rddreg [dreg:$0x9]  }
0x74: {  	[tilespmem:s28], [sflag:$0x1] =	stream.linear.gather [hbm4b:s20+s2], $0x80, $0x38;
	[tilespmem:$0x1B780] =	vst v63  }
0x75: {  	s16 =	simm.s32 $0x0;
	s20 =	rddreg [dreg:$0x8]  }
.LBB2_2:
0x76: {  	p0 =	seq.s32 s16, $0x0  }
0x77: {  	s13 =	simm.s32 @!p0 $0x4  }
0x78: {  	_ =	swait.ge @!p0 [sflag:s13], $0x3E80  }
0x79: {  	[sflag:s13] =	ssyncset.done @!p0 $0x0  }
0x7a: {  	[sflag:s13] =	ssyncadd.s32 @!p0 $0xFFFFC180  }
0x7b: {  	_ =	swait.ge @!p0 [sflag:s13], $0x3E80  }
0x7c: {  	[sflag:s13] =	ssyncset.done @!p0 $0x0  }
0x7d: {  	[sflag:s13] =	ssyncadd.s32 @!p0 $0xFFFFC180  }
0x7e: {  	[tilespmem:s29], [sflag:$0x2] =	stream.linear.gather [hbm4b:s20+s2], $0x3E80, $0x38;
	[tilespmem:$0x1B780] =	vst v63  }
0x7f: {  	s13 =	sadd.s32 s16, s17  }
0x80: {  	[tilespmem:s30], [sflag:$0x2] =	stream.linear.gather [hbm4b:s13+s2], $0x80, $0x38;
	[tilespmem:$0x1B780] =	vst v63  }
0x81: {  	s13 =	sadd.s32 s16, s18  }
0x82: {  	[tilespmem:s31], [sflag:$0x2] =	stream.linear.gather [hbm4b:s13+s2], $0x80, $0x38;
	[tilespmem:$0x1B780] =	vst v63  }
0x83: {  	_ =	swait.ge [sflag:s0], $0x3E80  }
0x84: {  	[sflag:s0] =	ssyncset.done $0x0  }
0x85: {  	[sflag:s0] =	ssyncadd.s32 $0xFFFFC180  }
0x86: {  	_ =	swait.ge [sflag:s0], $0x80  }
0x87: {  	[sflag:s0] =	ssyncset.done $0x0  }
0x88: {  	[sflag:s0] =	ssyncadd.s32 $0xFFFFFF80  }
0x89: {  	_ =	swait.ge [sflag:s0], $0x80  }
0x8a: {  	[sflag:s0] =	ssyncset.done $0x0  }
0x8b: {  	[sflag:s0] =	ssyncadd.s32 $0xFFFFFF80  }
0x8c: {  	[spmem:s1] =	stream.indirect.scatter.add.f32 [tilespmem:s25], [sflag:$0x3], $0x80, s2, s3, $0xb8;
	[tilespmem:$0x1B780] =	vst v63  }
0x8d: {  	_ = 	snop  }
0x8e: {  	[spmem:s1] =	stream.indirect.scatter.add.f32 [tilespmem:s25], [sflag:$0x3], $0x80, s28, s3, $0xb8;
	[tilespmem:$0x1B780] =	vst v63  }
0x8f: {  	_ =	swait.ge [sflag:s4], $0x3E80  }
0x90: {  	[sflag:s4] =	ssyncset.done $0x0  }
0x91: {  	[sflag:s4] =	ssyncadd.s32 $0xFFFFC180  }
0x92: {  	_ =	swait.ge [sflag:s4], $0x80  }
0x93: {  	[sflag:s4] =	ssyncset.done $0x0  }
0x94: {  	[sflag:s4] =	ssyncadd.s32 $0xFFFFFF80  }
0x95: {  	_ =	swait.ge [sflag:s4], $0x80  }
0x96: {  	[sflag:s4] =	ssyncset.done $0x0  }
0x97: {  	[sflag:s4] =	ssyncadd.s32 $0xFFFFFF80  }
0x98: {  	p0 =	seq.s32 s16, $0x260;
	_ =	swait.ge [sflag:s10], $0x3E80  }
.Ltmp2:
0x99: {  	[sflag:s10] =	ssyncset.done $0x0;
	(pc) =	sbr.rel @p0 .LBB2_4-.Ltmp2, $4  }
0x9a: {  	[sflag:s10] =	ssyncadd.s32 $0xFFFFC180  }
0x9b: {  	_ =	swait.ge [sflag:s10], $0x3E80  }
0x9c: {  	[sflag:s10] =	ssyncset.done $0x0  }
0x9d: {  	[sflag:s10] =	ssyncadd.s32 $0xFFFFC180  }
0x9e: {  	[tilespmem:s25], [sflag:$0x1] =	stream.linear.gather [hbm4b:s19+s2], $0x3E80, $0x38;
	[tilespmem:$0x1B780] =	vst v63  }
0x9f: {  	s13 =	sadd.s32 s16, s14  }
0xa0: {  	[tilespmem:s2], [sflag:$0x1] =	stream.linear.gather [hbm4b:s13+s2], $0x80, $0x38;
	[tilespmem:$0x1B780] =	vst v63  }
0xa1: {  	s13 =	sadd.s32 s16, s15  }
0xa2: {  	[tilespmem:s28], [sflag:$0x1] =	stream.linear.gather [hbm4b:s13+s2], $0x80, $0x38;
	[tilespmem:$0x1B780] =	vst v63  }
.Ltmp3:
0xa3: {  	_ = 	snop;
	(pc) =	sbr.rel .LBB2_2-.Ltmp3, $4  }
0xa4: {  	_ = 	snop  }
0xa5: {  	[spmem:s1] =	stream.indirect.scatter.add.f32 [tilespmem:s29], [sflag:$0x4], $0x80, s30, s3, $0xb8;
	[tilespmem:$0x1B780] =	vst v63  }
0xa6: {  	s20 =	sadd.s32 $0xFA0, s20;
	s19 =	sadd.s32 $0xFA0, s19;
	s16 =	sadd.s32 $0x20, s16  }
0xa7: {  	[spmem:s1] =	stream.indirect.scatter.add.f32 [tilespmem:s29], [sflag:$0x4], $0x80, s31, s3, $0xb8;
	[tilespmem:$0x1B780] =	vst v63  }
.LBB2_5:
0xa8: {  	_ =	sfence.sel $0x180000  }
0xa9: {  	[bflag:$0x0] =	sbarrier.arrive $0xFFFF  }
0xaa: {  	_ =	strace $0x90000050  }
0xab: {  	s0 =	stileid.u32;
	[bflag:$0x2] =	sbarrier.arrive $0xFFFF  }
0xac: {  	p0 =	sne.s32 s0, $0x0;
	s0 =	rddreg [dreg:$0x2]  }
0xad: {  	s0 =	sadd.s32 @!p0 $0x100000, s0  }
0xae: {  	[sflag:s0] =	ssyncadd.tile.s32 @!p0 $0x1;
	_ =	shalt  }
.Lfunc_end2:
_tile_overlayer_lowered:
.L_overlay_start_2:
0xaf: {  	(tag) =	ssettag $0x2  }
0xb0: {  	s0 =	rddreg [dreg:$0x0];
	s2 =	stileid.u32  }
0xb1: {  	s1 =	rddreg [dreg:$0x1];
	p0 =	sne.s32 s2, $0x0  }
0xb2: {  	s3 =	rddreg [dreg:$0x2];
	[bflag:$0x3] =	sbarrier.arrive $0xFFFF;
	s2 =	simm.s32 @!p0 $0x1C05  }
0xb3: {  	[timem:s3], [sflag:s2] =	dma.local @!p0 [hbm:s0], s1  }
0xb4: {  	s0 =	simm.s32 @!p0 $0x5  }
0xb5: {  	_ =	swait.ge @!p0 [sflag:s0], s1  }
0xb6: {  	s1 =	ssub.s32 @!p0 $0x0, s1;
	[sflag:s0] =	ssyncset.done @!p0 $0x0  }
0xb7: {  	[sflag:s0] =	ssyncadd.s32 @!p0 s1  }
0xb8: {  	[bflag:$0x3] =	sbarrier.arrive $0xFFFF  }
0xb9: {  	_ =	shalt  }

</sc_bundles>
